<compile_context>
chip_gen: v7x
topology: tpu7x:2x2x1
jax: 0.10.2.dev20260603
libtpu: 0.0.44.dev20260713+nightly
codegen_flags: <defaults>
</compile_context>

<pallas_src>
import functools

import jax
import jax.numpy as jnp
from jax import lax
from jax.experimental import pallas as pl
from jax.experimental.pallas import tpu as pltpu
from jax.experimental.pallas import tpu_sc as plsc

_NUM_EXPERTS = 16
_TOP_K = 2
_TM = 128

_SC_NC = 2
_SC_NS = 16
_SC_NW = _SC_NC * _SC_NS


def _router_body(h_ref, wr_ref, w_ref, dst_ref, counts_ref):
    t = h_ref.shape[0]
    logits = jax.lax.dot_general(
        h_ref[...], wr_ref[...], (((1,), (1,)), ((), ())),
        preferred_element_type=jnp.float32)
    m = jnp.max(logits, axis=1, keepdims=True)
    p = jnp.exp(logits - m)
    probs = p / jnp.sum(p, axis=1, keepdims=True)
    ids = jax.lax.broadcasted_iota(jnp.int32, probs.shape, 1)
    m1 = jnp.max(probs, axis=1, keepdims=True)
    i1 = jnp.min(jnp.where(probs == m1, ids, _NUM_EXPERTS), axis=1, keepdims=True)
    oh1 = (ids == i1).astype(jnp.int32)
    masked = jnp.where(oh1 == 1, -jnp.inf, probs)
    m2 = jnp.max(masked, axis=1, keepdims=True)
    i2 = jnp.min(jnp.where(masked == m2, ids, _NUM_EXPERTS), axis=1, keepdims=True)
    oh2 = (ids == i2).astype(jnp.int32)
    w_ref[...] = jnp.concatenate([m1, m2], axis=1)

    ohb = oh1 + oh2
    c = ohb
    s = 1
    while s < t:
        c = c + jnp.concatenate(
            [jnp.zeros((s, _NUM_EXPERTS), jnp.int32), c[:-s]], axis=0)
        s *= 2
    counts = c[-1:, :]
    cum_excl = c - ohb
    padded = ((counts + _TM - 1) // _TM) * _TM
    eidx = jax.lax.broadcasted_iota(jnp.int32, (_NUM_EXPERTS, _NUM_EXPERTS), 0)
    ejdx = jax.lax.broadcasted_iota(jnp.int32, (_NUM_EXPERTS, _NUM_EXPERTS), 1)
    pstart = jnp.sum(jnp.where(eidx < ejdx, padded.reshape(-1, 1), 0),
                     axis=0, keepdims=True)
    base = pstart + cum_excl
    dst_e = jnp.sum(base * oh1, axis=1, keepdims=True)
    dst_o = jnp.sum((base + oh1) * oh2, axis=1, keepdims=True)
    dst_ref[...] = jnp.concatenate([dst_e, dst_o], axis=1)
    counts_ref[...] = counts


def _router(h, Wr):
    t, dim = h.shape
    return pl.pallas_call(
        _router_body,
        out_shape=(
            jax.ShapeDtypeStruct((t, _TOP_K), jnp.float32),
            jax.ShapeDtypeStruct((t, _TOP_K), jnp.int32),
            jax.ShapeDtypeStruct((1, _NUM_EXPERTS), jnp.int32),
        ),
    )(h, Wr)


def _sc_dispatch(h, dst_even, dst_odd, m_pad):
    t, d = h.shape
    per_w = t // _SC_NW
    mesh = plsc.VectorSubcoreMesh(core_axis_name="c", subcore_axis_name="s")

    @functools.partial(
        pl.kernel,
        mesh=mesh,
        out_type=jax.ShapeDtypeStruct((m_pad, d), h.dtype),
        scratch_types=[
            pltpu.VMEM((per_w,), jnp.int32),
            pltpu.VMEM((per_w,), jnp.int32),
            pltpu.VMEM((per_w, d), h.dtype),
            pltpu.SemaphoreType.DMA,
        ],
    )
    def dispatch_kernel(h_hbm, ie_hbm, io_hbm, out_hbm, ie_v, io_v, rows_v, sem):
        wid = lax.axis_index("s") * _SC_NC + lax.axis_index("c")
        base = wid * per_w
        pltpu.sync_copy(ie_hbm.at[wid], ie_v)
        pltpu.sync_copy(io_hbm.at[wid], io_v)
        pltpu.sync_copy(h_hbm.at[pl.ds(base, per_w)], rows_v)
        pltpu.async_copy(rows_v, out_hbm.at[ie_v], sem).wait()
        pltpu.async_copy(rows_v, out_hbm.at[io_v], sem).wait()

    return dispatch_kernel(h, dst_even, dst_odd)


def _sc_combine_pairs(table, idx_even, idx_odd, w_even, w_odd, chunk):
    n_rows, d = table.shape
    t = idx_even.shape[0]
    per_w = t // _SC_NW
    assert per_w % chunk == 0 and t % (8 * _SC_NW) == 0
    n_chunks = per_w // chunk
    mesh = plsc.VectorSubcoreMesh(core_axis_name="c", subcore_axis_name="s")

    @functools.partial(
        pl.kernel,
        mesh=mesh,
        out_type=jax.ShapeDtypeStruct((t, d), table.dtype),
        scratch_types=[
            pltpu.VMEM((per_w,), jnp.int32),
            pltpu.VMEM((per_w,), jnp.int32),
            pltpu.VMEM((per_w, 16), jnp.float32),
            pltpu.VMEM((per_w, 16), jnp.float32),
            pltpu.VMEM((chunk, d), table.dtype),
            pltpu.VMEM((chunk, d), table.dtype),
            pltpu.SemaphoreType.DMA,
        ],
    )
    def combine_kernel(table_hbm, ie_hbm, io_hbm, we_hbm, wo_hbm, out_hbm,
                       ie_v, io_v, we_v, wo_v, a_v, b_v, sem):
        wid = lax.axis_index("s") * _SC_NC + lax.axis_index("c")
        base = wid * per_w
        pltpu.sync_copy(ie_hbm.at[pl.ds(base, per_w)], ie_v)
        pltpu.sync_copy(io_hbm.at[pl.ds(base, per_w)], io_v)
        pltpu.sync_copy(we_hbm.at[pl.ds(base, per_w)], we_v)
        pltpu.sync_copy(wo_hbm.at[pl.ds(base, per_w)], wo_v)
        for c in range(n_chunks):
            pltpu.async_copy(
                table_hbm.at[ie_v.at[pl.ds(c * chunk, chunk)]], a_v, sem
            ).wait()
            pltpu.async_copy(
                table_hbm.at[io_v.at[pl.ds(c * chunk, chunk)]], b_v, sem
            ).wait()

            def row_add(r, carry):
                gr = c * chunk + r
                we = we_v[gr, :]
                wo = wo_v[gr, :]
                for kk in range(d // 16):
                    sl = pl.ds(kk * 16, 16)
                    a_v[r, sl] = a_v[r, sl] * we + b_v[r, sl] * wo
                return carry

            lax.fori_loop(0, chunk, row_add, 0)
            pltpu.sync_copy(a_v, out_hbm.at[pl.ds(base + c * chunk, chunk)])

    return combine_kernel(table, idx_even, idx_odd, w_even, w_odd)


def _gmm_body(te_ref, tv_ref, first_ref, nxt_ref, par_ref, inn_ref,
              hs_ref, wg_hbm, wu_hbm, wd_hbm, out_ref,
              wg_buf, wu_buf, wd_buf, sems):
    t = pl.program_id(0)
    p = par_ref[t]
    e = te_ref[t]

    @pl.when(t == 0)
    def _():
        pltpu.make_async_copy(wg_hbm.at[e], wg_buf.at[0], sems.at[0, 0]).start()
        pltpu.make_async_copy(wu_hbm.at[e], wu_buf.at[0], sems.at[1, 0]).start()
        pltpu.make_async_copy(wd_hbm.at[e], wd_buf.at[0], sems.at[2, 0]).start()

    @pl.when(first_ref[t] == 1)
    def _():
        pltpu.make_async_copy(wg_hbm.at[e], wg_buf.at[p], sems.at[0, p]).wait()
        pltpu.make_async_copy(wu_hbm.at[e], wu_buf.at[p], sems.at[1, p]).wait()
        pltpu.make_async_copy(wd_hbm.at[e], wd_buf.at[p], sems.at[2, p]).wait()

        @pl.when(inn_ref[t] == 1)
        def _():
            ne = nxt_ref[t]
            q = 1 - p
            pltpu.make_async_copy(wg_hbm.at[ne], wg_buf.at[q], sems.at[0, q]).start()
            pltpu.make_async_copy(wu_hbm.at[ne], wu_buf.at[q], sems.at[1, q]).start()
            pltpu.make_async_copy(wd_hbm.at[ne], wd_buf.at[q], sems.at[2, q]).start()

    @pl.when(tv_ref[t] == 1)
    def _():
        rows = hs_ref[...].astype(jnp.bfloat16)
        wg = wg_buf[p].astype(jnp.bfloat16)
        wu = wu_buf[p].astype(jnp.bfloat16)
        wd = wd_buf[p].astype(jnp.bfloat16)
        dn = (((1,), (1,)), ((), ()))
        g = jax.lax.dot_general(rows, wg, dn, preferred_element_type=jnp.float32)
        u = jax.lax.dot_general(rows, wu, dn, preferred_element_type=jnp.float32)
        a = (g * jax.nn.sigmoid(g)) * u
        out_ref[...] = jax.lax.dot_general(a.astype(jnp.bfloat16), wd, dn,
                                           preferred_element_type=jnp.float32)


def kernel(x, Wr, Wg, Wu, Wd):
    bsz, seq, dim = x.shape
    moe_dim = Wg.shape[1]
    h = x.reshape(-1, dim)
    T = h.shape[0]
    P = T * _TOP_K

    topk_w, dst2, counts2 = _router(h, Wr)
    counts = counts2[0]

    padded = ((counts + _TM - 1) // _TM) * _TM

    M_pad = P + _NUM_EXPERTS * _TM
    NT = M_pad // _TM

    dst_even = dst2[:, 0].reshape(_SC_NW, T // _SC_NW)
    dst_odd = dst2[:, 1].reshape(_SC_NW, T // _SC_NW)

    hs_pad = _sc_dispatch(h, dst_even, dst_odd, M_pad)

    tiles = (padded // _TM).astype(jnp.int32)
    cum_tiles = jnp.cumsum(tiles)
    t_idx = jnp.arange(NT, dtype=jnp.int32)
    tile_e = jnp.searchsorted(cum_tiles, t_idx, side="right").astype(jnp.int32)
    tile_valid = (tile_e < _NUM_EXPERTS).astype(jnp.int32)
    tile_e = jnp.minimum(tile_e, _NUM_EXPERTS - 1)

    first = jnp.concatenate(
        [jnp.ones((1,), jnp.int32),
         (tile_e[1:] != tile_e[:-1]).astype(jnp.int32)])
    run_idx = jnp.cumsum(first) - 1
    par = (run_idx % 2).astype(jnp.int32)
    nxt_pos = jnp.searchsorted(tile_e, tile_e, side="right").astype(jnp.int32)
    inn = (nxt_pos < NT).astype(jnp.int32)
    nxt = tile_e[jnp.minimum(nxt_pos, NT - 1)]

    grid_spec = pltpu.PrefetchScalarGridSpec(
        num_scalar_prefetch=6,
        grid=(NT,),
        in_specs=[
            pl.BlockSpec((_TM, dim), lambda t, *_: (t, 0)),
            pl.BlockSpec(memory_space=pl.ANY),
            pl.BlockSpec(memory_space=pl.ANY),
            pl.BlockSpec(memory_space=pl.ANY),
        ],
        out_specs=pl.BlockSpec((_TM, dim), lambda t, *_: (t, 0)),
        scratch_shapes=[
            pltpu.VMEM((2, moe_dim, dim), jnp.float32),
            pltpu.VMEM((2, moe_dim, dim), jnp.float32),
            pltpu.VMEM((2, dim, moe_dim), jnp.float32),
            pltpu.SemaphoreType.DMA((3, 2)),
        ],
    )
    out_pad = pl.pallas_call(
        _gmm_body,
        grid_spec=grid_spec,
        out_shape=jax.ShapeDtypeStruct((M_pad, dim), jnp.float32),
        compiler_params=pltpu.CompilerParams(
            dimension_semantics=("arbitrary",)),
    )(tile_e, tile_valid, first, nxt, par, inn, hs_pad, Wg, Wu, Wd)

    we_exp = jnp.broadcast_to(topk_w[:, 0:1], (T, 16))
    wo_exp = jnp.broadcast_to(topk_w[:, 1:2], (T, 16))
    y = _sc_combine_pairs(out_pad, dst2[:, 0], dst2[:, 1], we_exp, wo_exp, 32)
    return y.reshape(bsz, seq, dim)

# --- scband reference (transcript-rebuilt; emitter-appended) ---
"""Pipeline reference for scband-deep-seek-mo-e-87600152969590 (READ-ONLY COPY).

The authoritative reference and input builder live on the scoring server;
editing this copy changes nothing except your own understanding.
"""

import jax, jax.numpy as jnp
import numpy as np

DIM = 1024
MOE_DIM = 1024
NUM_EXPERTS = 16
TOP_K = 2
ALPHA = 0.001
BSZ, SEQ = 1, 2048


def setup_inputs(seed: int = 0):
    key = jax.random.key(seed)
    ks = jax.random.split(key, 5)
    x = jax.random.normal(ks[0], (BSZ, SEQ, DIM), dtype=jnp.float32)
    Wr = jax.random.normal(ks[1], (NUM_EXPERTS, DIM), dtype=jnp.float32) * 0.02
    Wg = jax.random.normal(ks[2], (NUM_EXPERTS, MOE_DIM, DIM), dtype=jnp.float32) * 0.02
    Wu = jax.random.normal(ks[3], (NUM_EXPERTS, MOE_DIM, DIM), dtype=jnp.float32) * 0.02
    Wd = jax.random.normal(ks[4], (NUM_EXPERTS, DIM, MOE_DIM), dtype=jnp.float32) * 0.02
    return {"x": x, "Wr": Wr, "Wg": Wg, "Wu": Wu, "Wd": Wd}


def _expert_mlp(rows, wg, wu, wd):
    # DeepseekMLP: down(silu(gate(x)) * up(x)), all Linear(bias=False): out = x @ W.T
    return (jax.nn.silu(rows @ wg.T) * (rows @ wu.T)) @ wd.T


def reference(x, Wr, Wg, Wu, Wd):
    bsz, seq, dim = x.shape
    h = x.reshape(-1, dim)
    # MoEGate
    logits = h @ Wr.T
    scores = jax.nn.softmax(logits.astype(jnp.float32), axis=-1)
    topk_w, topk_idx = jax.lax.top_k(scores, TOP_K)
    scores_b = scores.reshape(bsz, seq, NUM_EXPERTS)
    idx_aux = topk_idx.reshape(bsz, seq * TOP_K)
    ce = jax.vmap(lambda idx: jnp.zeros((NUM_EXPERTS,), jnp.float32).at[idx].add(1.0))(idx_aux)
    ce = ce / (seq * TOP_K / NUM_EXPERTS)
    aux_loss = (ce * scores_b.mean(axis=1)).sum(axis=1).mean() * ALPHA
    # training-path dispatch: repeat_interleave tokens by top_k, route per expert
    flat_idx = topk_idx.reshape(-1)
    hs = jnp.repeat(h, TOP_K, axis=0)
    y = jnp.zeros_like(hs)
    for i in range(NUM_EXPERTS):
        mask = (flat_idx == i)[:, None]
        y = jnp.where(mask, _expert_mlp(hs, Wg[i], Wu[i], Wd[i]), y)
    y = (y.reshape(-1, TOP_K, dim) * topk_w[:, :, None]).sum(axis=1)
    y = y.reshape(bsz, seq, dim)
    # AddAuxiliaryLoss is identity in forward
    del aux_loss
    return y

if __name__ == "__main__":
    import jax
    _d = setup_inputs()
    print(jax.jit(kernel)(*tuple(_d.values())))

</pallas_src>

<mosaic_0001>
#map = affine_map<(d0, d1) -> (0, 0)>
module attributes {stable_mosaic.version = 14 : i64} {
  func.func @dispatch_kernel(%arg0: i32, %arg1: i32, %arg2: memref<2048x1024xf32, #tpu.memory_space<hbm>>, %arg3: memref<32x64xi32, #tpu.memory_space<hbm>>, %arg4: memref<32x64xi32, #tpu.memory_space<hbm>>, %arg5: memref<6144x1024xf32, #tpu.memory_space<hbm>>, %arg6: memref<64xi32, #tpu.memory_space<vmem>>, %arg7: memref<64xi32, #tpu.memory_space<vmem>>, %arg8: memref<64x1024xf32, #tpu.memory_space<vmem>>, %arg9: memref<!tpu.dma_semaphore, #tpu.memory_space<semaphore_mem>>) attributes {dimension_semantics = [#tpu.dimension_semantics<core_parallel>, #tpu.dimension_semantics<subcore_parallel>], iteration_bounds = array<i64: 2, 16>, scalar_prefetch = 0 : i64, scratch_operands = 4 : i64, tpu.core_type = #tpu.core_type<sc_vector_subcore>, window_params = [{transform_indices = #map}, {transform_indices = #map}, {transform_indices = #map}, {transform_indices = #map}]} {
    %mul3A = arith.constant 2 : i32
    %mul3A_0 = arith.muli %arg1, %mul3A : i32
    %add3A = arith.addi %mul3A_0, %arg0 : i32
    %mul3A_1 = arith.constant 64 : i32
    %mul3A_2 = arith.muli %add3A, %mul3A_1 : i32
    "tpu.region"() ({
      %run_scoped3A = tpu.sem_alloc : memref<!tpu.dma_semaphore, #tpu.memory_space<semaphore_mem>>
      %dma_start3A_13 = arith.constant 0 : i32
      %dma_start3A_14 = tpu.memref_slice %arg3[%add3A, %dma_start3A_13] : memref<32x64xi32, #tpu.memory_space<hbm>> -> memref<1x64xi32, #tpu.memory_space<hbm>>
      %dma_start3A_15 = tpu.memref_squeeze %dma_start3A_14 : memref<1x64xi32, #tpu.memory_space<hbm>> -> memref<64xi32, #tpu.memory_space<hbm>>
      %dma_start3A_16 = arith.constant 0 : i32
      %dma_start3A_17 = tpu.memref_slice %arg3[%add3A, %dma_start3A_16] : memref<32x64xi32, #tpu.memory_space<hbm>> -> memref<1x64xi32, #tpu.memory_space<hbm>>
      %dma_start3A_18 = tpu.memref_squeeze %dma_start3A_17 : memref<1x64xi32, #tpu.memory_space<hbm>> -> memref<64xi32, #tpu.memory_space<hbm>>
      tpu.enqueue_dma source(%dma_start3A_18 : memref<64xi32, #tpu.memory_space<hbm>>) target(%arg6 : memref<64xi32, #tpu.memory_space<vmem>>) target_semaphore(%run_scoped3A : memref<!tpu.dma_semaphore, #tpu.memory_space<semaphore_mem>>)
      %dma_wait3A_19 = arith.constant 0 : i32
      %dma_wait3A_20 = tpu.memref_slice %arg3[%add3A, %dma_wait3A_19] : memref<32x64xi32, #tpu.memory_space<hbm>> -> memref<1x64xi32, #tpu.memory_space<hbm>>
      %dma_wait3A_21 = tpu.memref_squeeze %dma_wait3A_20 : memref<1x64xi32, #tpu.memory_space<hbm>> -> memref<64xi32, #tpu.memory_space<hbm>>
      %dma_wait3A_22 = arith.constant 0 : i32
      %dma_wait3A_23 = tpu.memref_slice %arg3[%add3A, %dma_wait3A_22] : memref<32x64xi32, #tpu.memory_space<hbm>> -> memref<1x64xi32, #tpu.memory_space<hbm>>
      %dma_wait3A_24 = tpu.memref_squeeze %dma_wait3A_23 : memref<1x64xi32, #tpu.memory_space<hbm>> -> memref<64xi32, #tpu.memory_space<hbm>>
      tpu.wait_dma2 semaphore(%run_scoped3A : memref<!tpu.dma_semaphore, #tpu.memory_space<semaphore_mem>>) src(%dma_wait3A_24 : memref<64xi32, #tpu.memory_space<hbm>>) dst(%arg6 : memref<64xi32, #tpu.memory_space<vmem>>)
      tpu.yield
    }) : () -> ()
    "tpu.region"() ({
      %run_scoped3A = tpu.sem_alloc : memref<!tpu.dma_semaphore, #tpu.memory_space<semaphore_mem>>
      %dma_start3A_13 = arith.constant 0 : i32
      %dma_start3A_14 = tpu.memref_slice %arg4[%add3A, %dma_start3A_13] : memref<32x64xi32, #tpu.memory_space<hbm>> -> memref<1x64xi32, #tpu.memory_space<hbm>>
      %dma_start3A_15 = tpu.memref_squeeze %dma_start3A_14 : memref<1x64xi32, #tpu.memory_space<hbm>> -> memref<64xi32, #tpu.memory_space<hbm>>
      %dma_start3A_16 = arith.constant 0 : i32
      %dma_start3A_17 = tpu.memref_slice %arg4[%add3A, %dma_start3A_16] : memref<32x64xi32, #tpu.memory_space<hbm>> -> memref<1x64xi32, #tpu.memory_space<hbm>>
      %dma_start3A_18 = tpu.memref_squeeze %dma_start3A_17 : memref<1x64xi32, #tpu.memory_space<hbm>> -> memref<64xi32, #tpu.memory_space<hbm>>
      tpu.enqueue_dma source(%dma_start3A_18 : memref<64xi32, #tpu.memory_space<hbm>>) target(%arg7 : memref<64xi32, #tpu.memory_space<vmem>>) target_semaphore(%run_scoped3A : memref<!tpu.dma_semaphore, #tpu.memory_space<semaphore_mem>>)
      %dma_wait3A_19 = arith.constant 0 : i32
      %dma_wait3A_20 = tpu.memref_slice %arg4[%add3A, %dma_wait3A_19] : memref<32x64xi32, #tpu.memory_space<hbm>> -> memref<1x64xi32, #tpu.memory_space<hbm>>
      %dma_wait3A_21 = tpu.memref_squeeze %dma_wait3A_20 : memref<1x64xi32, #tpu.memory_space<hbm>> -> memref<64xi32, #tpu.memory_space<hbm>>
      %dma_wait3A_22 = arith.constant 0 : i32
      %dma_wait3A_23 = tpu.memref_slice %arg4[%add3A, %dma_wait3A_22] : memref<32x64xi32, #tpu.memory_space<hbm>> -> memref<1x64xi32, #tpu.memory_space<hbm>>
      %dma_wait3A_24 = tpu.memref_squeeze %dma_wait3A_23 : memref<1x64xi32, #tpu.memory_space<hbm>> -> memref<64xi32, #tpu.memory_space<hbm>>
      tpu.wait_dma2 semaphore(%run_scoped3A : memref<!tpu.dma_semaphore, #tpu.memory_space<semaphore_mem>>) src(%dma_wait3A_24 : memref<64xi32, #tpu.memory_space<hbm>>) dst(%arg7 : memref<64xi32, #tpu.memory_space<vmem>>)
      tpu.yield
    }) : () -> ()
    "tpu.region"() ({
      %run_scoped3A = tpu.sem_alloc : memref<!tpu.dma_semaphore, #tpu.memory_space<semaphore_mem>>
      %dma_start3A_13 = arith.constant 0 : i32
      %dma_start3A_14 = tpu.memref_slice %arg2[%mul3A_2, %dma_start3A_13] : memref<2048x1024xf32, #tpu.memory_space<hbm>> -> memref<64x1024xf32, #tpu.memory_space<hbm>>
      %dma_start3A_15 = arith.constant 0 : i32
      %dma_start3A_16 = tpu.memref_slice %arg2[%mul3A_2, %dma_start3A_15] : memref<2048x1024xf32, #tpu.memory_space<hbm>> -> memref<64x1024xf32, #tpu.memory_space<hbm>>
      tpu.enqueue_dma source(%dma_start3A_16 : memref<64x1024xf32, #tpu.memory_space<hbm>>) target(%arg8 : memref<64x1024xf32, #tpu.memory_space<vmem>>) target_semaphore(%run_scoped3A : memref<!tpu.dma_semaphore, #tpu.memory_space<semaphore_mem>>)
      %dma_wait3A_17 = arith.constant 0 : i32
      %dma_wait3A_18 = tpu.memref_slice %arg2[%mul3A_2, %dma_wait3A_17] : memref<2048x1024xf32, #tpu.memory_space<hbm>> -> memref<64x1024xf32, #tpu.memory_space<hbm>>
      %dma_wait3A_19 = arith.constant 0 : i32
      %dma_wait3A_20 = tpu.memref_slice %arg2[%mul3A_2, %dma_wait3A_19] : memref<2048x1024xf32, #tpu.memory_space<hbm>> -> memref<64x1024xf32, #tpu.memory_space<hbm>>
      tpu.wait_dma2 semaphore(%run_scoped3A : memref<!tpu.dma_semaphore, #tpu.memory_space<semaphore_mem>>) src(%dma_wait3A_20 : memref<64x1024xf32, #tpu.memory_space<hbm>>) dst(%arg8 : memref<64x1024xf32, #tpu.memory_space<vmem>>)
      tpu.yield
    }) : () -> ()
    %dma_start3A = arith.constant 0 : i32
    %dma_start3A_3 = arith.constant 0 : i32
    %dma_start3A_4 = tpu.memref_slice %arg5[%dma_start3A, %dma_start3A_3] : memref<6144x1024xf32, #tpu.memory_space<hbm>> -> memref<6144x1024xf32, #tpu.memory_space<hbm>>
    tpu.enqueue_indirect_dma source(%arg8 : memref<64x1024xf32, #tpu.memory_space<vmem>>) target(%dma_start3A_4 : memref<6144x1024xf32, #tpu.memory_space<hbm>>) offsets(%arg6 : memref<64xi32, #tpu.memory_space<vmem>>) semaphore(%arg9 : memref<!tpu.dma_semaphore, #tpu.memory_space<semaphore_mem>>)
    %dma_wait3A = arith.constant 0 : i32
    %dma_wait3A_5 = arith.constant 0 : i32
    %dma_wait3A_6 = tpu.memref_slice %arg5[%dma_wait3A, %dma_wait3A_5] : memref<6144x1024xf32, #tpu.memory_space<hbm>> -> memref<6144x1024xf32, #tpu.memory_space<hbm>>
    tpu.wait_indirect_dma semaphore(%arg9 : memref<!tpu.dma_semaphore, #tpu.memory_space<semaphore_mem>>) src(%arg8 : memref<64x1024xf32, #tpu.memory_space<vmem>>) dst(%dma_wait3A_6 : memref<6144x1024xf32, #tpu.memory_space<hbm>>)
    %dma_start3A_7 = arith.constant 0 : i32
    %dma_start3A_8 = arith.constant 0 : i32
    %dma_start3A_9 = tpu.memref_slice %arg5[%dma_start3A_7, %dma_start3A_8] : memref<6144x1024xf32, #tpu.memory_space<hbm>> -> memref<6144x1024xf32, #tpu.memory_space<hbm>>
    tpu.enqueue_indirect_dma source(%arg8 : memref<64x1024xf32, #tpu.memory_space<vmem>>) target(%dma_start3A_9 : memref<6144x1024xf32, #tpu.memory_space<hbm>>) offsets(%arg7 : memref<64xi32, #tpu.memory_space<vmem>>) semaphore(%arg9 : memref<!tpu.dma_semaphore, #tpu.memory_space<semaphore_mem>>)
    %dma_wait3A_10 = arith.constant 0 : i32
    %dma_wait3A_11 = arith.constant 0 : i32
    %dma_wait3A_12 = tpu.memref_slice %arg5[%dma_wait3A_10, %dma_wait3A_11] : memref<6144x1024xf32, #tpu.memory_space<hbm>> -> memref<6144x1024xf32, #tpu.memory_space<hbm>>
    tpu.wait_indirect_dma semaphore(%arg9 : memref<!tpu.dma_semaphore, #tpu.memory_space<semaphore_mem>>) src(%arg8 : memref<64x1024xf32, #tpu.memory_space<vmem>>) dst(%dma_wait3A_12 : memref<6144x1024xf32, #tpu.memory_space<hbm>>)
    return
  }
}

#map = affine_map<(d0, d1) -> (0, 0)>
#map1 = affine_map<(d0, d1) -> (0)>
module attributes {stable_mosaic.version = 14 : i64} {
  func.func @combine_kernel(%arg0: i32, %arg1: i32, %arg2: memref<6144x1024xf32, #tpu.memory_space<hbm>>, %arg3: memref<2048xi32, #tpu.memory_space<hbm>>, %arg4: memref<2048xi32, #tpu.memory_space<hbm>>, %arg5: memref<2048x16xf32, #tpu.memory_space<hbm>>, %arg6: memref<2048x16xf32, #tpu.memory_space<hbm>>, %arg7: memref<2048x1024xf32, #tpu.memory_space<hbm>>, %arg8: memref<64xi32, #tpu.memory_space<vmem>>, %arg9: memref<64xi32, #tpu.memory_space<vmem>>, %arg10: memref<64x16xf32, #tpu.memory_space<vmem>>, %arg11: memref<64x16xf32, #tpu.memory_space<vmem>>, %arg12: memref<32x1024xf32, #tpu.memory_space<vmem>>, %arg13: memref<32x1024xf32, #tpu.memory_space<vmem>>, %arg14: memref<!tpu.dma_semaphore, #tpu.memory_space<semaphore_mem>>) attributes {dimension_semantics = [#tpu.dimension_semantics<core_parallel>, #tpu.dimension_semantics<subcore_parallel>], iteration_bounds = array<i64: 2, 16>, scalar_prefetch = 0 : i64, scratch_operands = 7 : i64, tpu.core_type = #tpu.core_type<sc_vector_subcore>, window_params = [{transform_indices = #map}, {transform_indices = #map1}, {transform_indices = #map1}, {transform_indices = #map}, {transform_indices = #map}, {transform_indices = #map}]} {
    %mul3A = arith.constant 2 : i32
    %mul3A_0 = arith.muli %arg1, %mul3A : i32
    %add3A = arith.addi %mul3A_0, %arg0 : i32
    %mul3A_1 = arith.constant 64 : i32
    %mul3A_2 = arith.muli %add3A, %mul3A_1 : i32
    "tpu.region"() ({
      %run_scoped3A = tpu.sem_alloc : memref<!tpu.dma_semaphore, #tpu.memory_space<semaphore_mem>>
      %dma_start3A_56 = tpu.memref_slice %arg3[%mul3A_2] : memref<2048xi32, #tpu.memory_space<hbm>> -> memref<64xi32, #tpu.memory_space<hbm>>
      %dma_start3A_57 = tpu.memref_slice %arg3[%mul3A_2] : memref<2048xi32, #tpu.memory_space<hbm>> -> memref<64xi32, #tpu.memory_space<hbm>>
      tpu.enqueue_dma source(%dma_start3A_57 : memref<64xi32, #tpu.memory_space<hbm>>) target(%arg8 : memref<64xi32, #tpu.memory_space<vmem>>) target_semaphore(%run_scoped3A : memref<!tpu.dma_semaphore, #tpu.memory_space<semaphore_mem>>)
      %dma_wait3A_58 = tpu.memref_slice %arg3[%mul3A_2] : memref<2048xi32, #tpu.memory_space<hbm>> -> memref<64xi32, #tpu.memory_space<hbm>>
      %dma_wait3A_59 = tpu.memref_slice %arg3[%mul3A_2] : memref<2048xi32, #tpu.memory_space<hbm>> -> memref<64xi32, #tpu.memory_space<hbm>>
      tpu.wait_dma2 semaphore(%run_scoped3A : memref<!tpu.dma_semaphore, #tpu.memory_space<semaphore_mem>>) src(%dma_wait3A_59 : memref<64xi32, #tpu.memory_space<hbm>>) dst(%arg8 : memref<64xi32, #tpu.memory_space<vmem>>)
      tpu.yield
    }) : () -> ()
    "tpu.region"() ({
      %run_scoped3A = tpu.sem_alloc : memref<!tpu.dma_semaphore, #tpu.memory_space<semaphore_mem>>
      %dma_start3A_56 = tpu.memref_slice %arg4[%mul3A_2] : memref<2048xi32, #tpu.memory_space<hbm>> -> memref<64xi32, #tpu.memory_space<hbm>>
      %dma_start3A_57 = tpu.memref_slice %arg4[%mul3A_2] : memref<2048xi32, #tpu.memory_space<hbm>> -> memref<64xi32, #tpu.memory_space<hbm>>
      tpu.enqueue_dma source(%dma_start3A_57 : memref<64xi32, #tpu.memory_space<hbm>>) target(%arg9 : memref<64xi32, #tpu.memory_space<vmem>>) target_semaphore(%run_scoped3A : memref<!tpu.dma_semaphore, #tpu.memory_space<semaphore_mem>>)
      %dma_wait3A_58 = tpu.memref_slice %arg4[%mul3A_2] : memref<2048xi32, #tpu.memory_space<hbm>> -> memref<64xi32, #tpu.memory_space<hbm>>
      %dma_wait3A_59 = tpu.memref_slice %arg4[%mul3A_2] : memref<2048xi32, #tpu.memory_space<hbm>> -> memref<64xi32, #tpu.memory_space<hbm>>
      tpu.wait_dma2 semaphore(%run_scoped3A : memref<!tpu.dma_semaphore, #tpu.memory_space<semaphore_mem>>) src(%dma_wait3A_59 : memref<64xi32, #tpu.memory_space<hbm>>) dst(%arg9 : memref<64xi32, #tpu.memory_space<vmem>>)
      tpu.yield
    }) : () -> ()
    "tpu.region"() ({
      %run_scoped3A = tpu.sem_alloc : memref<!tpu.dma_semaphore, #tpu.memory_space<semaphore_mem>>
      %dma_start3A_56 = arith.constant 0 : i32
      %dma_start3A_57 = tpu.memref_slice %arg5[%mul3A_2, %dma_start3A_56] : memref<2048x16xf32, #tpu.memory_space<hbm>> -> memref<64x16xf32, #tpu.memory_space<hbm>>
      %dma_start3A_58 = arith.constant 0 : i32
      %dma_start3A_59 = tpu.memref_slice %arg5[%mul3A_2, %dma_start3A_58] : memref<2048x16xf32, #tpu.memory_space<hbm>> -> memref<64x16xf32, #tpu.memory_space<hbm>>
      tpu.enqueue_dma source(%dma_start3A_59 : memref<64x16xf32, #tpu.memory_space<hbm>>) target(%arg10 : memref<64x16xf32, #tpu.memory_space<vmem>>) target_semaphore(%run_scoped3A : memref<!tpu.dma_semaphore, #tpu.memory_space<semaphore_mem>>)
      %dma_wait3A_60 = arith.constant 0 : i32
      %dma_wait3A_61 = tpu.memref_slice %arg5[%mul3A_2, %dma_wait3A_60] : memref<2048x16xf32, #tpu.memory_space<hbm>> -> memref<64x16xf32, #tpu.memory_space<hbm>>
      %dma_wait3A_62 = arith.constant 0 : i32
      %dma_wait3A_63 = tpu.memref_slice %arg5[%mul3A_2, %dma_wait3A_62] : memref<2048x16xf32, #tpu.memory_space<hbm>> -> memref<64x16xf32, #tpu.memory_space<hbm>>
      tpu.wait_dma2 semaphore(%run_scoped3A : memref<!tpu.dma_semaphore, #tpu.memory_space<semaphore_mem>>) src(%dma_wait3A_63 : memref<64x16xf32, #tpu.memory_space<hbm>>) dst(%arg10 : memref<64x16xf32, #tpu.memory_space<vmem>>)
      tpu.yield
    }) : () -> ()
    "tpu.region"() ({
      %run_scoped3A = tpu.sem_alloc : memref<!tpu.dma_semaphore, #tpu.memory_space<semaphore_mem>>
      %dma_start3A_56 = arith.constant 0 : i32
      %dma_start3A_57 = tpu.memref_slice %arg6[%mul3A_2, %dma_start3A_56] : memref<2048x16xf32, #tpu.memory_space<hbm>> -> memref<64x16xf32, #tpu.memory_space<hbm>>
      %dma_start3A_58 = arith.constant 0 : i32
      %dma_start3A_59 = tpu.memref_slice %arg6[%mul3A_2, %dma_start3A_58] : memref<2048x16xf32, #tpu.memory_space<hbm>> -> memref<64x16xf32, #tpu.memory_space<hbm>>
      tpu.enqueue_dma source(%dma_start3A_59 : memref<64x16xf32, #tpu.memory_space<hbm>>) target(%arg11 : memref<64x16xf32, #tpu.memory_space<vmem>>) target_semaphore(%run_scoped3A : memref<!tpu.dma_semaphore, #tpu.memory_space<semaphore_mem>>)
      %dma_wait3A_60 = arith.constant 0 : i32
      %dma_wait3A_61 = tpu.memref_slice %arg6[%mul3A_2, %dma_wait3A_60] : memref<2048x16xf32, #tpu.memory_space<hbm>> -> memref<64x16xf32, #tpu.memory_space<hbm>>
      %dma_wait3A_62 = arith.constant 0 : i32
      %dma_wait3A_63 = tpu.memref_slice %arg6[%mul3A_2, %dma_wait3A_62] : memref<2048x16xf32, #tpu.memory_space<hbm>> -> memref<64x16xf32, #tpu.memory_space<hbm>>
      tpu.wait_dma2 semaphore(%run_scoped3A : memref<!tpu.dma_semaphore, #tpu.memory_space<semaphore_mem>>) src(%dma_wait3A_63 : memref<64x16xf32, #tpu.memory_space<hbm>>) dst(%arg11 : memref<64x16xf32, #tpu.memory_space<vmem>>)
      tpu.yield
    }) : () -> ()
    %dma_start3A = arith.constant 0 : i32
    %dma_start3A_3 = tpu.memref_slice %arg8[%dma_start3A] : memref<64xi32, #tpu.memory_space<vmem>> -> memref<32xi32, #tpu.memory_space<vmem>>
    %dma_start3A_4 = arith.constant 0 : i32
    %dma_start3A_5 = arith.constant 0 : i32
    %dma_start3A_6 = tpu.memref_slice %arg2[%dma_start3A_4, %dma_start3A_5] : memref<6144x1024xf32, #tpu.memory_space<hbm>> -> memref<6144x1024xf32, #tpu.memory_space<hbm>>
    tpu.enqueue_indirect_dma source(%dma_start3A_6 : memref<6144x1024xf32, #tpu.memory_space<hbm>>) target(%arg12 : memref<32x1024xf32, #tpu.memory_space<vmem>>) offsets(%dma_start3A_3 : memref<32xi32, #tpu.memory_space<vmem>>) semaphore(%arg14 : memref<!tpu.dma_semaphore, #tpu.memory_space<semaphore_mem>>)
    %dma_wait3A = arith.constant 0 : i32
    %dma_wait3A_7 = tpu.memref_slice %arg8[%dma_wait3A] : memref<64xi32, #tpu.memory_space<vmem>> -> memref<32xi32, #tpu.memory_space<vmem>>
    %dma_wait3A_8 = arith.constant 0 : i32
    %dma_wait3A_9 = arith.constant 0 : i32
    %dma_wait3A_10 = tpu.memref_slice %arg2[%dma_wait3A_8, %dma_wait3A_9] : memref<6144x1024xf32, #tpu.memory_space<hbm>> -> memref<6144x1024xf32, #tpu.memory_space<hbm>>
    tpu.wait_indirect_dma semaphore(%arg14 : memref<!tpu.dma_semaphore, #tpu.memory_space<semaphore_mem>>) src(%dma_wait3A_10 : memref<6144x1024xf32, #tpu.memory_space<hbm>>) dst(%arg12 : memref<32x1024xf32, #tpu.memory_space<vmem>>)
    %dma_start3A_11 = arith.constant 0 : i32
    %dma_start3A_12 = tpu.memref_slice %arg9[%dma_start3A_11] : memref<64xi32, #tpu.memory_space<vmem>> -> memref<32xi32, #tpu.memory_space<vmem>>
    %dma_start3A_13 = arith.constant 0 : i32
    %dma_start3A_14 = arith.constant 0 : i32
    %dma_start3A_15 = tpu.memref_slice %arg2[%dma_start3A_13, %dma_start3A_14] : memref<6144x1024xf32, #tpu.memory_space<hbm>> -> memref<6144x1024xf32, #tpu.memory_space<hbm>>
    tpu.enqueue_indirect_dma source(%dma_start3A_15 : memref<6144x1024xf32, #tpu.memory_space<hbm>>) target(%arg13 : memref<32x1024xf32, #tpu.memory_space<vmem>>) offsets(%dma_start3A_12 : memref<32xi32, #tpu.memory_space<vmem>>) semaphore(%arg14 : memref<!tpu.dma_semaphore, #tpu.memory_space<semaphore_mem>>)
    %dma_wait3A_16 = arith.constant 0 : i32
    %dma_wait3A_17 = tpu.memref_slice %arg9[%dma_wait3A_16] : memref<64xi32, #tpu.memory_space<vmem>> -> memref<32xi32, #tpu.memory_space<vmem>>
    %dma_wait3A_18 = arith.constant 0 : i32
    %dma_wait3A_19 = arith.constant 0 : i32
    %dma_wait3A_20 = tpu.memref_slice %arg2[%dma_wait3A_18, %dma_wait3A_19] : memref<6144x1024xf32, #tpu.memory_space<hbm>> -> memref<6144x1024xf32, #tpu.memory_space<hbm>>
    tpu.wait_indirect_dma semaphore(%arg14 : memref<!tpu.dma_semaphore, #tpu.memory_space<semaphore_mem>>) src(%dma_wait3A_20 : memref<6144x1024xf32, #tpu.memory_space<hbm>>) dst(%arg13 : memref<32x1024xf32, #tpu.memory_space<vmem>>)
    %scan3A = arith.constant 0 : i32
    %scan3A_21 = arith.constant 0 : i32
    %scan3A_22 = arith.constant 32 : i32
    %scan3A_23 = arith.addi %scan3A_21, %scan3A_22 : i32
    %scan3A_24 = arith.constant 1 : i32
    scf.for %scan3A_56 = %scan3A_21 to %scan3A_23 step %scan3A_24  : i32 {
      %add3A_57 = arith.constant 0 : i32
      %add3A_58 = arith.addi %add3A_57, %scan3A_56 : i32
      %get3A = arith.index_cast %add3A_58 : i32 to index
      %get3A_59 = arith.constant 0 : index
      %get3A_60 = tpu.vector_load %arg10[%get3A, %get3A_59] {strides = array<i32>} : memref<64x16xf32, #tpu.memory_space<vmem>>, vector<1x16xf32>,
      %get3A_61 = vector.shape_cast %get3A_60 : vector<1x16xf32> to vector<16xf32>
      %get3A_62 = arith.index_cast %add3A_58 : i32 to index
      %get3A_63 = arith.constant 0 : index
      %get3A_64 = tpu.vector_load %arg11[%get3A_62, %get3A_63] {strides = array<i32>} : memref<64x16xf32, #tpu.memory_space<vmem>>, vector<1x16xf32>,
      %get3A_65 = vector.shape_cast %get3A_64 : vector<1x16xf32> to vector<16xf32>
      %get3A_66 = arith.index_cast %scan3A_56 : i32 to index
      %get3A_67 = arith.constant 0 : index
      %get3A_68 = tpu.vector_load %arg12[%get3A_66, %get3A_67] {strides = array<i32>} : memref<32x1024xf32, #tpu.memory_space<vmem>>, vector<1x16xf32>,
      %get3A_69 = vector.shape_cast %get3A_68 : vector<1x16xf32> to vector<16xf32>
      %mul3A_70 = arith.mulf %get3A_69, %get3A_61 : vector<16xf32>
      %get3A_71 = arith.index_cast %scan3A_56 : i32 to index
      %get3A_72 = arith.constant 0 : index
      %get3A_73 = tpu.vector_load %arg13[%get3A_71, %get3A_72] {strides = array<i32>} : memref<32x1024xf32, #tpu.memory_space<vmem>>, vector<1x16xf32>,
      %get3A_74 = vector.shape_cast %get3A_73 : vector<1x16xf32> to vector<16xf32>
      %mul3A_75 = arith.mulf %get3A_74, %get3A_65 : vector<16xf32>
      %add3A_76 = arith.addf %mul3A_70, %mul3A_75 : vector<16xf32>
      %swap3A = arith.index_cast %scan3A_56 : i32 to index
      %swap3A_77 = arith.constant 0 : index
      %swap3A_78 = tpu.vector_load %arg12[%swap3A, %swap3A_77] {strides = array<i32>} : memref<32x1024xf32, #tpu.memory_space<vmem>>, vector<1x16xf32>,
      %swap3A_79 = vector.shape_cast %swap3A_78 : vector<1x16xf32> to vector<16xf32>
      %swap3A_80 = vector.shape_cast %add3A_76 : vector<16xf32> to vector<1x16xf32>
      tpu.vector_store %arg12[%swap3A, %swap3A_77], %swap3A_80 {strides = array<i32>} : memref<32x1024xf32, #tpu.memory_space<vmem>>, vector<1x16xf32>,
      %get3A_81 = arith.index_cast %scan3A_56 : i32 to index
      %get3A_82 = arith.constant 16 : index
      %get3A_83 = tpu.vector_load %arg12[%get3A_81, %get3A_82] {strides = array<i32>} : memref<32x1024xf32, #tpu.memory_space<vmem>>, vector<1x16xf32>,
      %get3A_84 = vector.shape_cast %get3A_83 : vector<1x16xf32> to vector<16xf32>
      %mul3A_85 = arith.mulf %get3A_84, %get3A_61 : vector<16xf32>
      %get3A_86 = arith.index_cast %scan3A_56 : i32 to index
      %get3A_87 = arith.constant 16 : index
      %get3A_88 = tpu.vector_load %arg13[%get3A_86, %get3A_87] {strides = array<i32>} : memref<32x1024xf32, #tpu.memory_space<vmem>>, vector<1x16xf32>,
      %get3A_89 = vector.shape_cast %get3A_88 : vector<1x16xf32> to vector<16xf32>
      %mul3A_90 = arith.mulf %get3A_89, %get3A_65 : vector<16xf32>
      %add3A_91 = arith.addf %mul3A_85, %mul3A_90 : vector<16xf32>
      %swap3A_92 = arith.index_cast %scan3A_56 : i32 to index
      %swap3A_93 = arith.constant 16 : index
      %swap3A_94 = tpu.vector_load %arg12[%swap3A_92, %swap3A_93] {strides = array<i32>} : memref<32x1024xf32, #tpu.memory_space<vmem>>, vector<1x16xf32>,
      %swap3A_95 = vector.shape_cast %swap3A_94 : vector<1x16xf32> to vector<16xf32>
      %swap3A_96 = vector.shape_cast %add3A_91 : vector<16xf32> to vector<1x16xf32>
      tpu.vector_store %arg12[%swap3A_92, %swap3A_93], %swap3A_96 {strides = array<i32>} : memref<32x1024xf32, #tpu.memory_space<vmem>>, vector<1x16xf32>,
      %get3A_97 = arith.index_cast %scan3A_56 : i32 to index
      %get3A_98 = arith.constant 32 : index
      %get3A_99 = tpu.vector_load %arg12[%get3A_97, %get3A_98] {strides = array<i32>} : memref<32x1024xf32, #tpu.memory_space<vmem>>, vector<1x16xf32>,
      %get3A_100 = vector.shape_cast %get3A_99 : vector<1x16xf32> to vector<16xf32>
      %mul3A_101 = arith.mulf %get3A_100, %get3A_61 : vector<16xf32>
      %get3A_102 = arith.index_cast %scan3A_56 : i32 to index
      %get3A_103 = arith.constant 32 : index
      %get3A_104 = tpu.vector_load %arg13[%get3A_102, %get3A_103] {strides = array<i32>} : memref<32x1024xf32, #tpu.memory_space<vmem>>, vector<1x16xf32>,
      %get3A_105 = vector.shape_cast %get3A_104 : vector<1x16xf32> to vector<16xf32>
      %mul3A_106 = arith.mulf %get3A_105, %get3A_65 : vector<16xf32>
      %add3A_107 = arith.addf %mul3A_101, %mul3A_106 : vector<16xf32>
      %swap3A_108 = arith.index_cast %scan3A_56 : i32 to index
      %swap3A_109 = arith.constant 32 : index
      %swap3A_110 = tpu.vector_load %arg12[%swap3A_108, %swap3A_109] {strides = array<i32>} : memref<32x1024xf32, #tpu.memory_space<vmem>>, vector<1x16xf32>,
      %swap3A_111 = vector.shape_cast %swap3A_110 : vector<1x16xf32> to vector<16xf32>
      %swap3A_112 = vector.shape_cast %add3A_107 : vector<16xf32> to vector<1x16xf32>
      tpu.vector_store %arg12[%swap3A_108, %swap3A_109], %swap3A_112 {strides = array<i32>} : memref<32x1024xf32, #tpu.memory_space<vmem>>, vector<1x16xf32>,
      %get3A_113 = arith.index_cast %scan3A_56 : i32 to index
      %get3A_114 = arith.constant 48 : index
      %get3A_115 = tpu.vector_load %arg12[%get3A_113, %get3A_114] {strides = array<i32>} : memref<32x1024xf32, #tpu.memory_space<vmem>>, vector<1x16xf32>,
      %get3A_116 = vector.shape_cast %get3A_115 : vector<1x16xf32> to vector<16xf32>
      %mul3A_117 = arith.mulf %get3A_116, %get3A_61 : vector<16xf32>
      %get3A_118 = arith.index_cast %scan3A_56 : i32 to index
      %get3A_119 = arith.constant 48 : index
      %get3A_120 = tpu.vector_load %arg13[%get3A_118, %get3A_119] {strides = array<i32>} : memref<32x1024xf32, #tpu.memory_space<vmem>>, vector<1x16xf32>,
      %get3A_121 = vector.shape_cast %get3A_120 : vector<1x16xf32> to vector<16xf32>
      %mul3A_122 = arith.mulf %get3A_121, %get3A_65 : vector<16xf32>
      %add3A_123 = arith.addf %mul3A_117, %mul3A_122 : vector<16xf32>
      %swap3A_124 = arith.index_cast %scan3A_56 : i32 to index
      %swap3A_125 = arith.constant 48 : index
      %swap3A_126 = tpu.vector_load %arg12[%swap3A_124, %swap3A_125] {strides = array<i32>} : memref<32x1024xf32, #tpu.memory_space<vmem>>, vector<1x16xf32>,
      %swap3A_127 = vector.shape_cast %swap3A_126 : vector<1x16xf32> to vector<16xf32>
      %swap3A_128 = vector.shape_cast %add3A_123 : vector<16xf32> to vector<1x16xf32>
      tpu.vector_store %arg12[%swap3A_124, %swap3A_125], %swap3A_128 {strides = array<i32>} : memref<32x1024xf32, #tpu.memory_space<vmem>>, vector<1x16xf32>,
      %get3A_129 = arith.index_cast %scan3A_56 : i32 to index
      %get3A_130 = arith.constant 64 : index
      %get3A_131 = tpu.vector_load %arg12[%get3A_129, %get3A_130] {strides = array<i32>} : memref<32x1024xf32, #tpu.memory_space<vmem>>, vector<1x16xf32>,
      %get3A_132 = vector.shape_cast %get3A_131 : vector<1x16xf32> to vector<16xf32>
      %mul3A_133 = arith.mulf %get3A_132, %get3A_61 : vector<16xf32>
      %get3A_134 = arith.index_cast %scan3A_56 : i32 to index
      %get3A_135 = arith.constant 64 : index
      %get3A_136 = tpu.vector_load %arg13[%get3A_134, %get3A_135] {strides = array<i32>} : memref<32x1024xf32, #tpu.memory_space<vmem>>, vector<1x16xf32>,
      %get3A_137 = vector.shape_cast %get3A_136 : vector<1x16xf32> to vector<16xf32>
      %mul3A_138 = arith.mulf %get3A_137, %get3A_65 : vector<16xf32>
      %add3A_139 = arith.addf %mul3A_133, %mul3A_138 : vector<16xf32>
      %swap3A_140 = arith.index_cast %scan3A_56 : i32 to index
      %swap3A_141 = arith.constant 64 : index
      %swap3A_142 = tpu.vector_load %arg12[%swap3A_140, %swap3A_141] {strides = array<i32>} : memref<32x1024xf32, #tpu.memory_space<vmem>>, vector<1x16xf32>,
      %swap3A_143 = vector.shape_cast %swap3A_142 : vector<1x16xf32> to vector<16xf32>
      %swap3A_144 = vector.shape_cast %add3A_139 : vector<16xf32> to vector<1x16xf32>
      tpu.vector_store %arg12[%swap3A_140, %swap3A_141], %swap3A_144 {strides = array<i32>} : memref<32x1024xf32, #tpu.memory_space<vmem>>, vector<1x16xf32>,
      %get3A_145 = arith.index_cast %scan3A_56 : i32 to index
      %get3A_146 = arith.constant 80 : index
      %get3A_147 = tpu.vector_load %arg12[%get3A_145, %get3A_146] {strides = array<i32>} : memref<32x1024xf32, #tpu.memory_space<vmem>>, vector<1x16xf32>,
      %get3A_148 = vector.shape_cast %get3A_147 : vector<1x16xf32> to vector<16xf32>
      %mul3A_149 = arith.mulf %get3A_148, %get3A_61 : vector<16xf32>
      %get3A_150 = arith.index_cast %scan3A_56 : i32 to index
      %get3A_151 = arith.constant 80 : index
      %get3A_152 = tpu.vector_load %arg13[%get3A_150, %get3A_151] {strides = array<i32>} : memref<32x1024xf32, #tpu.memory_space<vmem>>, vector<1x16xf32>,
      %get3A_153 = vector.shape_cast %get3A_152 : vector<1x16xf32> to vector<16xf32>
      %mul3A_154 = arith.mulf %get3A_153, %get3A_65 : vector<16xf32>
      %add3A_155 = arith.addf %mul3A_149, %mul3A_154 : vector<16xf32>
      %swap3A_156 = arith.index_cast %scan3A_56 : i32 to index
      %swap3A_157 = arith.constant 80 : index
      %swap3A_158 = tpu.vector_load %arg12[%swap3A_156, %swap3A_157] {strides = array<i32>} : memref<32x1024xf32, #tpu.memory_space<vmem>>, vector<1x16xf32>,
      %swap3A_159 = vector.shape_cast %swap3A_158 : vector<1x16xf32> to vector<16xf32>
      %swap3A_160 = vector.shape_cast %add3A_155 : vector<16xf32> to vector<1x16xf32>
      tpu.vector_store %arg12[%swap3A_156, %swap3A_157], %swap3A_160 {strides = array<i32>} : memref<32x1024xf32, #tpu.memory_space<vmem>>, vector<1x16xf32>,
      %get3A_161 = arith.index_cast %scan3A_56 : i32 to index
      %get3A_162 = arith.constant 96 : index
      %get3A_163 = tpu.vector_load %arg12[%get3A_161, %get3A_162] {strides = array<i32>} : memref<32x1024xf32, #tpu.memory_space<vmem>>, vector<1x16xf32>,
      %get3A_164 = vector.shape_cast %get3A_163 : vector<1x16xf32> to vector<16xf32>
      %mul3A_165 = arith.mulf %get3A_164, %get3A_61 : vector<16xf32>
      %get3A_166 = arith.index_cast %scan3A_56 : i32 to index
      %get3A_167 = arith.constant 96 : index
      %get3A_168 = tpu.vector_load %arg13[%get3A_166, %get3A_167] {strides = array<i32>} : memref<32x1024xf32, #tpu.memory_space<vmem>>, vector<1x16xf32>,
      %get3A_169 = vector.shape_cast %get3A_168 : vector<1x16xf32> to vector<16xf32>
      %mul3A_170 = arith.mulf %get3A_169, %get3A_65 : vector<16xf32>
      %add3A_171 = arith.addf %mul3A_165, %mul3A_170 : vector<16xf32>
      %swap3A_172 = arith.index_cast %scan3A_56 : i32 to index
      %swap3A_173 = arith.constant 96 : index
      %swap3A_174 = tpu.vector_load %arg12[%swap3A_172, %swap3A_173] {strides = array<i32>} : memref<32x1024xf32, #tpu.memory_space<vmem>>, vector<1x16xf32>,
      %swap3A_175 = vector.shape_cast %swap3A_174 : vector<1x16xf32> to vector<16xf32>
      %swap3A_176 = vector.shape_cast %add3A_171 : vector<16xf32> to vector<1x16xf32>
      tpu.vector_store %arg12[%swap3A_172, %swap3A_173], %swap3A_176 {strides = array<i32>} : memref<32x1024xf32, #tpu.memory_space<vmem>>, vector<1x16xf32>,
      %get3A_177 = arith.index_cast %scan3A_56 : i32 to index
      %get3A_178 = arith.constant 112 : index
      %get3A_179 = tpu.vector_load %arg12[%get3A_177, %get3A_178] {strides = array<i32>} : memref<32x1024xf32, #tpu.memory_space<vmem>>, vector<1x16xf32>,
      %get3A_180 = vector.shape_cast %get3A_179 : vector<1x16xf32> to vector<16xf32>
      %mul3A_181 = arith.mulf %get3A_180, %get3A_61 : vector<16xf32>
      %get3A_182 = arith.index_cast %scan3A_56 : i32 to index
      %get3A_183 = arith.constant 112 : index
      %get3A_184 = tpu.vector_load %arg13[%get3A_182, %get3A_183] {strides = array<i32>} : memref<32x1024xf32, #tpu.memory_space<vmem>>, vector<1x16xf32>,
      %get3A_185 = vector.shape_cast %get3A_184 : vector<1x16xf32> to vector<16xf32>
      %mul3A_186 = arith.mulf %get3A_185, %get3A_65 : vector<16xf32>
      %add3A_187 = arith.addf %mul3A_181, %mul3A_186 : vector<16xf32>
      %swap3A_188 = arith.index_cast %scan3A_56 : i32 to index
      %swap3A_189 = arith.constant 112 : index
      %swap3A_190 = tpu.vector_load %arg12[%swap3A_188, %swap3A_189] {strides = array<i32>} : memref<32x1024xf32, #tpu.memory_space<vmem>>, vector<1x16xf32>,
      %swap3A_191 = vector.shape_cast %swap3A_190 : vector<1x16xf32> to vector<16xf32>
      %swap3A_192 = vector.shape_cast %add3A_187 : vector<16xf32> to vector<1x16xf32>
      tpu.vector_store %arg12[%swap3A_188, %swap3A_189], %swap3A_192 {strides = array<i32>} : memref<32x1024xf32, #tpu.memory_space<vmem>>, vector<1x16xf32>,
      %get3A_193 = arith.index_cast %scan3A_56 : i32 to index
      %get3A_194 = arith.constant 128 : index
      %get3A_195 = tpu.vector_load %arg12[%get3A_193, %get3A_194] {strides = array<i32>} : memref<32x1024xf32, #tpu.memory_space<vmem>>, vector<1x16xf32>,
      %get3A_196 = vector.shape_cast %get3A_195 : vector<1x16xf32> to vector<16xf32>
      %mul3A_197 = arith.mulf %get3A_196, %get3A_61 : vector<16xf32>
      %get3A_198 = arith.index_cast %scan3A_56 : i32 to index
      %get3A_199 = arith.constant 128 : index
      %get3A_200 = tpu.vector_load %arg13[%get3A_198, %get3A_199] {strides = array<i32>} : memref<32x1024xf32, #tpu.memory_space<vmem>>, vector<1x16xf32>,
      %get3A_201 = vector.shape_cast %get3A_200 : vector<1x16xf32> to vector<16xf32>
      %mul3A_202 = arith.mulf %get3A_201, %get3A_65 : vector<16xf32>
      %add3A_203 = arith.addf %mul3A_197, %mul3A_202 : vector<16xf32>
      %swap3A_204 = arith.index_cast %scan3A_56 : i32 to index
      %swap3A_205 = arith.constant 128 : index
      %swap3A_206 = tpu.vector_load %arg12[%swap3A_204, %swap3A_205] {strides = array<i32>} : memref<32x1024xf32, #tpu.memory_space<vmem>>, vector<1x16xf32>,
      %swap3A_207 = vector.shape_cast %swap3A_206 : vector<1x16xf32> to vector<16xf32>
      %swap3A_208 = vector.shape_cast %add3A_203 : vector<16xf32> to vector<1x16xf32>
      tpu.vector_store %arg12[%swap3A_204, %swap3A_205], %swap3A_208 {strides = array<i32>} : memref<32x1024xf32, #tpu.memory_space<vmem>>, vector<1x16xf32>,
      %get3A_209 = arith.index_cast %scan3A_56 : i32 to index
      %get3A_210 = arith.constant 144 : index
      %get3A_211 = tpu.vector_load %arg12[%get3A_209, %get3A_210] {strides = array<i32>} : memref<32x1024xf32, #tpu.memory_space<vmem>>, vector<1x16xf32>,
      %get3A_212 = vector.shape_cast %get3A_211 : vector<1x16xf32> to vector<16xf32>
      %mul3A_213 = arith.mulf %get3A_212, %get3A_61 : vector<16xf32>
      %get3A_214 = arith.index_cast %scan3A_56 : i32 to index
      %get3A_215 = arith.constant 144 : index
      %get3A_216 = tpu.vector_load %arg13[%get3A_214, %get3A_215] {strides = array<i32>} : memref<32x1024xf32, #tpu.memory_space<vmem>>, vector<1x16xf32>,
      %get3A_217 = vector.shape_cast %get3A_216 : vector<1x16xf32> to vector<16xf32>
      %mul3A_218 = arith.mulf %get3A_217, %get3A_65 : vector<16xf32>
      %add3A_219 = arith.addf %mul3A_213, %mul3A_218 : vector<16xf32>
      %swap3A_220 = arith.index_cast %scan3A_56 : i32 to index
      %swap3A_221 = arith.constant 144 : index
      %swap3A_222 = tpu.vector_load %arg12[%swap3A_220, %swap3A_221] {strides = array<i32>} : memref<32x1024xf32, #tpu.memory_space<vmem>>, vector<1x16xf32>,
      %swap3A_223 = vector.shape_cast %swap3A_222 : vector<1x16xf32> to vector<16xf32>
      %swap3A_224 = vector.shape_cast %add3A_219 : vector<16xf32> to vector<1x16xf32>
      tpu.vector_store %arg12[%swap3A_220, %swap3A_221], %swap3A_224 {strides = array<i32>} : memref<32x1024xf32, #tpu.memory_space<vmem>>, vector<1x16xf32>,
      %get3A_225 = arith.index_cast %scan3A_56 : i32 to index
      %get3A_226 = arith.constant 160 : index
      %get3A_227 = tpu.vector_load %arg12[%get3A_225, %get3A_226] {strides = array<i32>} : memref<32x1024xf32, #tpu.memory_space<vmem>>, vector<1x16xf32>,
      %get3A_228 = vector.shape_cast %get3A_227 : vector<1x16xf32> to vector<16xf32>
      %mul3A_229 = arith.mulf %get3A_228, %get3A_61 : vector<16xf32>
      %get3A_230 = arith.index_cast %scan3A_56 : i32 to index
      %get3A_231 = arith.constant 160 : index
      %get3A_232 = tpu.vector_load %arg13[%get3A_230, %get3A_231] {strides = array<i32>} : memref<32x1024xf32, #tpu.memory_space<vmem>>, vector<1x16xf32>,
      %get3A_233 = vector.shape_cast %get3A_232 : vector<1x16xf32> to vector<16xf32>
      %mul3A_234 = arith.mulf %get3A_233, %get3A_65 : vector<16xf32>
      %add3A_235 = arith.addf %mul3A_229, %mul3A_234 : vector<16xf32>
      %swap3A_236 = arith.index_cast %scan3A_56 : i32 to index
      %swap3A_237 = arith.constant 160 : index
      %swap3A_238 = tpu.vector_load %arg12[%swap3A_236, %swap3A_237] {strides = array<i32>} : memref<32x1024xf32, #tpu.memory_space<vmem>>, vector<1x16xf32>,
      %swap3A_239 = vector.shape_cast %swap3A_238 : vector<1x16xf32> to vector<16xf32>
      %swap3A_240 = vector.shape_cast %add3A_235 : vector<16xf32> to vector<1x16xf32>
      tpu.vector_store %arg12[%swap3A_236, %swap3A_237], %swap3A_240 {strides = array<i32>} : memref<32x1024xf32, #tpu.memory_space<vmem>>, vector<1x16xf32>,
      %get3A_241 = arith.index_cast %scan3A_56 : i32 to index
      %get3A_242 = arith.constant 176 : index
      %get3A_243 = tpu.vector_load %arg12[%get3A_241, %get3A_242] {strides = array<i32>} : memref<32x1024xf32, #tpu.memory_space<vmem>>, vector<1x16xf32>,
      %get3A_244 = vector.shape_cast %get3A_243 : vector<1x16xf32> to vector<16xf32>
      %mul3A_245 = arith.mulf %get3A_244, %get3A_61 : vector<16xf32>
      %get3A_246 = arith.index_cast %scan3A_56 : i32 to index
      %get3A_247 = arith.constant 176 : index
      %get3A_248 = tpu.vector_load %arg13[%get3A_246, %get3A_247] {strides = array<i32>} : memref<32x1024xf32, #tpu.memory_space<vmem>>, vector<1x16xf32>,
      %get3A_249 = vector.shape_cast %get3A_248 : vector<1x16xf32> to vector<16xf32>
      %mul3A_250 = arith.mulf %get3A_249, %get3A_65 : vector<16xf32>
      %add3A_251 = arith.addf %mul3A_245, %mul3A_250 : vector<16xf32>
      %swap3A_252 = arith.index_cast %scan3A_56 : i32 to index
      %swap3A_253 = arith.constant 176 : index
      %swap3A_254 = tpu.vector_load %arg12[%swap3A_252, %swap3A_253] {strides = array<i32>} : memref<32x1024xf32, #tpu.memory_space<vmem>>, vector<1x16xf32>,
      %swap3A_255 = vector.shape_cast %swap3A_254 : vector<1x16xf32> to vector<16xf32>
      %swap3A_256 = vector.shape_cast %add3A_251 : vector<16xf32> to vector<1x16xf32>
      tpu.vector_store %arg12[%swap3A_252, %swap3A_253], %swap3A_256 {strides = array<i32>} : memref<32x1024xf32, #tpu.memory_space<vmem>>, vector<1x16xf32>,
      %get3A_257 = arith.index_cast %scan3A_56 : i32 to index
      %get3A_258 = arith.constant 192 : index
      %get3A_259 = tpu.vector_load %arg12[%get3A_257, %get3A_258] {strides = array<i32>} : memref<32x1024xf32, #tpu.memory_space<vmem>>, vector<1x16xf32>,
      %get3A_260 = vector.shape_cast %get3A_259 : vector<1x16xf32> to vector<16xf32>
      %mul3A_261 = arith.mulf %get3A_260, %get3A_61 : vector<16xf32>
      %get3A_262 = arith.index_cast %scan3A_56 : i32 to index
      %get3A_263 = arith.constant 192 : index
      %get3A_264 = tpu.vector_load %arg13[%get3A_262, %get3A_263] {strides = array<i32>} : memref<32x1024xf32, #tpu.memory_space<vmem>>, vector<1x16xf32>,
      %get3A_265 = vector.shape_cast %get3A_264 : vector<1x16xf32> to vector<16xf32>
      %mul3A_266 = arith.mulf %get3A_265, %get3A_65 : vector<16xf32>
      %add3A_267 = arith.addf %mul3A_261, %mul3A_266 : vector<16xf32>
      %swap3A_268 = arith.index_cast %scan3A_56 : i32 to index
      %swap3A_269 = arith.constant 192 : index
      %swap3A_270 = tpu.vector_load %arg12[%swap3A_268, %swap3A_269] {strides = array<i32>} : memref<32x1024xf32, #tpu.memory_space<vmem>>, vector<1x16xf32>,
      %swap3A_271 = vector.shape_cast %swap3A_270 : vector<1x16xf32> to vector<16xf32>
      %swap3A_272 = vector.shape_cast %add3A_267 : vector<16xf32> to vector<1x16xf32>
      tpu.vector_store %arg12[%swap3A_268, %swap3A_269], %swap3A_272 {strides = array<i32>} : memref<32x1024xf32, #tpu.memory_space<vmem>>, vector<1x16xf32>,
      %get3A_273 = arith.index_cast %scan3A_56 : i32 to index
      %get3A_274 = arith.constant 208 : index
      %get3A_275 = tpu.vector_load %arg12[%get3A_273, %get3A_274] {strides = array<i32>} : memref<32x1024xf32, #tpu.memory_space<vmem>>, vector<1x16xf32>,
      %get3A_276 = vector.shape_cast %get3A_275 : vector<1x16xf32> to vector<16xf32>
      %mul3A_277 = arith.mulf %get3A_276, %get3A_61 : vector<16xf32>
      %get3A_278 = arith.index_cast %scan3A_56 : i32 to index
      %get3A_279 = arith.constant 208 : index
      %get3A_280 = tpu.vector_load %arg13[%get3A_278, %get3A_279] {strides = array<i32>} : memref<32x1024xf32, #tpu.memory_space<vmem>>, vector<1x16xf32>,
      %get3A_281 = vector.shape_cast %get3A_280 : vector<1x16xf32> to vector<16xf32>
      %mul3A_282 = arith.mulf %get3A_281, %get3A_65 : vector<16xf32>
      %add3A_283 = arith.addf %mul3A_277, %mul3A_282 : vector<16xf32>
      %swap3A_284 = arith.index_cast %scan3A_56 : i32 to index
      %swap3A_285 = arith.constant 208 : index
      %swap3A_286 = tpu.vector_load %arg12[%swap3A_284, %swap3A_285] {strides = array<i32>} : memref<32x1024xf32, #tpu.memory_space<vmem>>, vector<1x16xf32>,
      %swap3A_287 = vector.shape_cast %swap3A_286 : vector<1x16xf32> to vector<16xf32>
      %swap3A_288 = vector.shape_cast %add3A_283 : vector<16xf32> to vector<1x16xf32>
      tpu.vector_store %arg12[%swap3A_284, %swap3A_285], %swap3A_288 {strides = array<i32>} : memref<32x1024xf32, #tpu.memory_space<vmem>>, vector<1x16xf32>,
      %get3A_289 = arith.index_cast %scan3A_56 : i32 to index
      %get3A_290 = arith.constant 224 : index
      %get3A_291 = tpu.vector_load %arg12[%get3A_289, %get3A_290] {strides = array<i32>} : memref<32x1024xf32, #tpu.memory_space<vmem>>, vector<1x16xf32>,
      %get3A_292 = vector.shape_cast %get3A_291 : vector<1x16xf32> to vector<16xf32>
      %mul3A_293 = arith.mulf %get3A_292, %get3A_61 : vector<16xf32>
      %get3A_294 = arith.index_cast %scan3A_56 : i32 to index
      %get3A_295 = arith.constant 224 : index
      %get3A_296 = tpu.vector_load %arg13[%get3A_294, %get3A_295] {strides = array<i32>} : memref<32x1024xf32, #tpu.memory_space<vmem>>, vector<1x16xf32>,
      %get3A_297 = vector.shape_cast %get3A_296 : vector<1x16xf32> to vector<16xf32>
      %mul3A_298 = arith.mulf %get3A_297, %get3A_65 : vector<16xf32>
      %add3A_299 = arith.addf %mul3A_293, %mul3A_298 : vector<16xf32>
      %swap3A_300 = arith.index_cast %scan3A_56 : i32 to index
      %swap3A_301 = arith.constant 224 : index
      %swap3A_302 = tpu.vector_load %arg12[%swap3A_300, %swap3A_301] {strides = array<i32>} : memref<32x1024xf32, #tpu.memory_space<vmem>>, vector<1x16xf32>,
      %swap3A_303 = vector.shape_cast %swap3A_302 : vector<1x16xf32> to vector<16xf32>
      %swap3A_304 = vector.shape_cast %add3A_299 : vector<16xf32> to vector<1x16xf32>
      tpu.vector_store %arg12[%swap3A_300, %swap3A_301], %swap3A_304 {strides = array<i32>} : memref<32x1024xf32, #tpu.memory_space<vmem>>, vector<1x16xf32>,
      %get3A_305 = arith.index_cast %scan3A_56 : i32 to index
      %get3A_306 = arith.constant 240 : index
      %get3A_307 = tpu.vector_load %arg12[%get3A_305, %get3A_306] {strides = array<i32>} : memref<32x1024xf32, #tpu.memory_space<vmem>>, vector<1x16xf32>,
      %get3A_308 = vector.shape_cast %get3A_307 : vector<1x16xf32> to vector<16xf32>
      %mul3A_309 = arith.mulf %get3A_308, %get3A_61 : vector<16xf32>
      %get3A_310 = arith.index_cast %scan3A_56 : i32 to index
      %get3A_311 = arith.constant 240 : index
      %get3A_312 = tpu.vector_load %arg13[%get3A_310, %get3A_311] {strides = array<i32>} : memref<32x1024xf32, #tpu.memory_space<vmem>>, vector<1x16xf32>,
      %get3A_313 = vector.shape_cast %get3A_312 : vector<1x16xf32> to vector<16xf32>
      %mul3A_314 = arith.mulf %get3A_313, %get3A_65 : vector<16xf32>
      %add3A_315 = arith.addf %mul3A_309, %mul3A_314 : vector<16xf32>
      %swap3A_316 = arith.index_cast %scan3A_56 : i32 to index
      %swap3A_317 = arith.constant 240 : index
      %swap3A_318 = tpu.vector_load %arg12[%swap3A_316, %swap3A_317] {strides = array<i32>} : memref<32x1024xf32, #tpu.memory_space<vmem>>, vector<1x16xf32>,
      %swap3A_319 = vector.shape_cast %swap3A_318 : vector<1x16xf32> to vector<16xf32>
      %swap3A_320 = vector.shape_cast %add3A_315 : vector<16xf32> to vector<1x16xf32>
      tpu.vector_store %arg12[%swap3A_316, %swap3A_317], %swap3A_320 {strides = array<i32>} : memref<32x1024xf32, #tpu.memory_space<vmem>>, vector<1x16xf32>,
      %get3A_321 = arith.index_cast %scan3A_56 : i32 to index
      %get3A_322 = arith.constant 256 : index
      %get3A_323 = tpu.vector_load %arg12[%get3A_321, %get3A_322] {strides = array<i32>} : memref<32x1024xf32, #tpu.memory_space<vmem>>, vector<1x16xf32>,
      %get3A_324 = vector.shape_cast %get3A_323 : vector<1x16xf32> to vector<16xf32>
      %mul3A_325 = arith.mulf %get3A_324, %get3A_61 : vector<16xf32>
      %get3A_326 = arith.index_cast %scan3A_56 : i32 to index
      %get3A_327 = arith.constant 256 : index
      %get3A_328 = tpu.vector_load %arg13[%get3A_326, %get3A_327] {strides = array<i32>} : memref<32x1024xf32, #tpu.memory_space<vmem>>, vector<1x16xf32>,
      %get3A_329 = vector.shape_cast %get3A_328 : vector<1x16xf32> to vector<16xf32>
      %mul3A_330 = arith.mulf %get3A_329, %get3A_65 : vector<16xf32>
      %add3A_331 = arith.addf %mul3A_325, %mul3A_330 : vector<16xf32>
      %swap3A_332 = arith.index_cast %scan3A_56 : i32 to index
      %swap3A_333 = arith.constant 256 : index
      %swap3A_334 = tpu.vector_load %arg12[%swap3A_332, %swap3A_333] {strides = array<i32>} : memref<32x1024xf32, #tpu.memory_space<vmem>>, vector<1x16xf32>,
      %swap3A_335 = vector.shape_cast %swap3A_334 : vector<1x16xf32> to vector<16xf32>
      %swap3A_336 = vector.shape_cast %add3A_331 : vector<16xf32> to vector<1x16xf32>
      tpu.vector_store %arg12[%swap3A_332, %swap3A_333], %swap3A_336 {strides = array<i32>} : memref<32x1024xf32, #tpu.memory_space<vmem>>, vector<1x16xf32>,
      %get3A_337 = arith.index_cast %scan3A_56 : i32 to index
      %get3A_338 = arith.constant 272 : index
      %get3A_339 = tpu.vector_load %arg12[%get3A_337, %get3A_338] {strides = array<i32>} : memref<32x1024xf32, #tpu.memory_space<vmem>>, vector<1x16xf32>,
      %get3A_340 = vector.shape_cast %get3A_339 : vector<1x16xf32> to vector<16xf32>
      %mul3A_341 = arith.mulf %get3A_340, %get3A_61 : vector<16xf32>
      %get3A_342 = arith.index_cast %scan3A_56 : i32 to index
      %get3A_343 = arith.constant 272 : index
      %get3A_344 = tpu.vector_load %arg13[%get3A_342, %get3A_343] {strides = array<i32>} : memref<32x1024xf32, #tpu.memory_space<vmem>>, vector<1x16xf32>,
      %get3A_345 = vector.shape_cast %get3A_344 : vector<1x16xf32> to vector<16xf32>
      %mul3A_346 = arith.mulf %get3A_345, %get3A_65 : vector<16xf32>
      %add3A_347 = arith.addf %mul3A_341, %mul3A_346 : vector<16xf32>
      %swap3A_348 = arith.index_cast %scan3A_56 : i32 to index
      %swap3A_349 = arith.constant 272 : index
      %swap3A_350 = tpu.vector_load %arg12[%swap3A_348, %swap3A_349] {strides = array<i32>} : memref<32x1024xf32, #tpu.memory_space<vmem>>, vector<1x16xf32>,
      %swap3A_351 = vector.shape_cast %swap3A_350 : vector<1x16xf32> to vector<16xf32>
      %swap3A_352 = vector.shape_cast %add3A_347 : vector<16xf32> to vector<1x16xf32>
      tpu.vector_store %arg12[%swap3A_348, %swap3A_349], %swap3A_352 {strides = array<i32>} : memref<32x1024xf32, #tpu.memory_space<vmem>>, vector<1x16xf32>,
      %get3A_353 = arith.index_cast %scan3A_56 : i32 to index
      %get3A_354 = arith.constant 288 : index
      %get3A_355 = tpu.vector_load %arg12[%get3A_353, %get3A_354] {strides = array<i32>} : memref<32x1024xf32, #tpu.memory_space<vmem>>, vector<1x16xf32>,
      %get3A_356 = vector.shape_cast %get3A_355 : vector<1x16xf32> to vector<16xf32>
      %mul3A_357 = arith.mulf %get3A_356, %get3A_61 : vector<16xf32>
      %get3A_358 = arith.index_cast %scan3A_56 : i32 to index
      %get3A_359 = arith.constant 288 : index
      %get3A_360 = tpu.vector_load %arg13[%get3A_358, %get3A_359] {strides = array<i32>} : memref<32x1024xf32, #tpu.memory_space<vmem>>, vector<1x16xf32>,
      %get3A_361 = vector.shape_cast %get3A_360 : vector<1x16xf32> to vector<16xf32>
      %mul3A_362 = arith.mulf %get3A_361, %get3A_65 : vector<16xf32>
      %add3A_363 = arith.addf %mul3A_357, %mul3A_362 : vector<16xf32>
      %swap3A_364 = arith.index_cast %scan3A_56 : i32 to index
      %swap3A_365 = arith.constant 288 : index
      %swap3A_366 = tpu.vector_load %arg12[%swap3A_364, %swap3A_365] {strides = array<i32>} : memref<32x1024xf32, #tpu.memory_space<vmem>>, vector<1x16xf32>,
      %swap3A_367 = vector.shape_cast %swap3A_366 : vector<1x16xf32> to vector<16xf32>
      %swap3A_368 = vector.shape_cast %add3A_363 : vector<16xf32> to vector<1x16xf32>
      tpu.vector_store %arg12[%swap3A_364, %swap3A_365], %swap3A_368 {strides = array<i32>} : memref<32x1024xf32, #tpu.memory_space<vmem>>, vector<1x16xf32>,
      %get3A_369 = arith.index_cast %scan3A_56 : i32 to index
      %get3A_370 = arith.constant 304 : index
      %get3A_371 = tpu.vector_load %arg12[%get3A_369, %get3A_370] {strides = array<i32>} : memref<32x1024xf32, #tpu.memory_space<vmem>>, vector<1x16xf32>,
      %get3A_372 = vector.shape_cast %get3A_371 : vector<1x16xf32> to vector<16xf32>
      %mul3A_373 = arith.mulf %get3A_372, %get3A_61 : vector<16xf32>
      %get3A_374 = arith.index_cast %scan3A_56 : i32 to index
      %get3A_375 = arith.constant 304 : index
      %get3A_376 = tpu.vector_load %arg13[%get3A_374, %get3A_375] {strides = array<i32>} : memref<32x1024xf32, #tpu.memory_space<vmem>>, vector<1x16xf32>,
      %get3A_377 = vector.shape_cast %get3A_376 : vector<1x16xf32> to vector<16xf32>
      %mul3A_378 = arith.mulf %get3A_377, %get3A_65 : vector<16xf32>
      %add3A_379 = arith.addf %mul3A_373, %mul3A_378 : vector<16xf32>
      %swap3A_380 = arith.index_cast %scan3A_56 : i32 to index
      %swap3A_381 = arith.constant 304 : index
      %swap3A_382 = tpu.vector_load %arg12[%swap3A_380, %swap3A_381] {strides = array<i32>} : memref<32x1024xf32, #tpu.memory_space<vmem>>, vector<1x16xf32>,
      %swap3A_383 = vector.shape_cast %swap3A_382 : vector<1x16xf32> to vector<16xf32>
      %swap3A_384 = vector.shape_cast %add3A_379 : vector<16xf32> to vector<1x16xf32>
      tpu.vector_store %arg12[%swap3A_380, %swap3A_381], %swap3A_384 {strides = array<i32>} : memref<32x1024xf32, #tpu.memory_space<vmem>>, vector<1x16xf32>,
      %get3A_385 = arith.index_cast %scan3A_56 : i32 to index
      %get3A_386 = arith.constant 320 : index
      %get3A_387 = tpu.vector_load %arg12[%get3A_385, %get3A_386] {strides = array<i32>} : memref<32x1024xf32, #tpu.memory_space<vmem>>, vector<1x16xf32>,
      %get3A_388 = vector.shape_cast %get3A_387 : vector<1x16xf32> to vector<16xf32>
      %mul3A_389 = arith.mulf %get3A_388, %get3A_61 : vector<16xf32>
      %get3A_390 = arith.index_cast %scan3A_56 : i32 to index
      %get3A_391 = arith.constant 320 : index
      %get3A_392 = tpu.vector_load %arg13[%get3A_390, %get3A_391] {strides = array<i32>} : memref<32x1024xf32, #tpu.memory_space<vmem>>, vector<1x16xf32>,
      %get3A_393 = vector.shape_cast %get3A_392 : vector<1x16xf32> to vector<16xf32>
      %mul3A_394 = arith.mulf %get3A_393, %get3A_65 : vector<16xf32>
      %add3A_395 = arith.addf %mul3A_389, %mul3A_394 : vector<16xf32>
      %swap3A_396 = arith.index_cast %scan3A_56 : i32 to index
      %swap3A_397 = arith.constant 320 : index
      %swap3A_398 = tpu.vector_load %arg12[%swap3A_396, %swap3A_397] {strides = array<i32>} : memref<32x1024xf32, #tpu.memory_space<vmem>>, vector<1x16xf32>,
      %swap3A_399 = vector.shape_cast %swap3A_398 : vector<1x16xf32> to vector<16xf32>
      %swap3A_400 = vector.shape_cast %add3A_395 : vector<16xf32> to vector<1x16xf32>
      tpu.vector_store %arg12[%swap3A_396, %swap3A_397], %swap3A_400 {strides = array<i32>} : memref<32x1024xf32, #tpu.memory_space<vmem>>, vector<1x16xf32>,
      %get3A_401 = arith.index_cast %scan3A_56 : i32 to index
      %get3A_402 = arith.constant 336 : index
      %get3A_403 = tpu.vector_load %arg12[%get3A_401, %get3A_402] {strides = array<i32>} : memref<32x1024xf32, #tpu.memory_space<vmem>>, vector<1x16xf32>,
      %get3A_404 = vector.shape_cast %get3A_403 : vector<1x16xf32> to vector<16xf32>
      %mul3A_405 = arith.mulf %get3A_404, %get3A_61 : vector<16xf32>
      %get3A_406 = arith.index_cast %scan3A_56 : i32 to index
      %get3A_407 = arith.constant 336 : index
      %get3A_408 = tpu.vector_load %arg13[%get3A_406, %get3A_407] {strides = array<i32>} : memref<32x1024xf32, #tpu.memory_space<vmem>>, vector<1x16xf32>,
      %get3A_409 = vector.shape_cast %get3A_408 : vector<1x16xf32> to vector<16xf32>
      %mul3A_410 = arith.mulf %get3A_409, %get3A_65 : vector<16xf32>
      %add3A_411 = arith.addf %mul3A_405, %mul3A_410 : vector<16xf32>
      %swap3A_412 = arith.index_cast %scan3A_56 : i32 to index
      %swap3A_413 = arith.constant 336 : index
      %swap3A_414 = tpu.vector_load %arg12[%swap3A_412, %swap3A_413] {strides = array<i32>} : memref<32x1024xf32, #tpu.memory_space<vmem>>, vector<1x16xf32>,
      %swap3A_415 = vector.shape_cast %swap3A_414 : vector<1x16xf32> to vector<16xf32>
      %swap3A_416 = vector.shape_cast %add3A_411 : vector<16xf32> to vector<1x16xf32>
      tpu.vector_store %arg12[%swap3A_412, %swap3A_413], %swap3A_416 {strides = array<i32>} : memref<32x1024xf32, #tpu.memory_space<vmem>>, vector<1x16xf32>,
      %get3A_417 = arith.index_cast %scan3A_56 : i32 to index
      %get3A_418 = arith.constant 352 : index
      %get3A_419 = tpu.vector_load %arg12[%get3A_417, %get3A_418] {strides = array<i32>} : memref<32x1024xf32, #tpu.memory_space<vmem>>, vector<1x16xf32>,
      %get3A_420 = vector.shape_cast %get3A_419 : vector<1x16xf32> to vector<16xf32>
      %mul3A_421 = arith.mulf %get3A_420, %get3A_61 : vector<16xf32>
      %get3A_422 = arith.index_cast %scan3A_56 : i32 to index
      %get3A_423 = arith.constant 352 : index
      %get3A_424 = tpu.vector_load %arg13[%get3A_422, %get3A_423] {strides = array<i32>} : memref<32x1024xf32, #tpu.memory_space<vmem>>, vector<1x16xf32>,
      %get3A_425 = vector.shape_cast %get3A_424 : vector<1x16xf32> to vector<16xf32>
      %mul3A_426 = arith.mulf %get3A_425, %get3A_65 : vector<16xf32>
      %add3A_427 = arith.addf %mul3A_421, %mul3A_426 : vector<16xf32>
      %swap3A_428 = arith.index_cast %scan3A_56 : i32 to index
      %swap3A_429 = arith.constant 352 : index
      %swap3A_430 = tpu.vector_load %arg12[%swap3A_428, %swap3A_429] {strides = array<i32>} : memref<32x1024xf32, #tpu.memory_space<vmem>>, vector<1x16xf32>,
      %swap3A_431 = vector.shape_cast %swap3A_430 : vector<1x16xf32> to vector<16xf32>
      %swap3A_432 = vector.shape_cast %add3A_427 : vector<16xf32> to vector<1x16xf32>
      tpu.vector_store %arg12[%swap3A_428, %swap3A_429], %swap3A_432 {strides = array<i32>} : memref<32x1024xf32, #tpu.memory_space<vmem>>, vector<1x16xf32>,
      %get3A_433 = arith.index_cast %scan3A_56 : i32 to index
      %get3A_434 = arith.constant 368 : index
      %get3A_435 = tpu.vector_load %arg12[%get3A_433, %get3A_434] {strides = array<i32>} : memref<32x1024xf32, #tpu.memory_space<vmem>>, vector<1x16xf32>,
      %get3A_436 = vector.shape_cast %get3A_435 : vector<1x16xf32> to vector<16xf32>
      %mul3A_437 = arith.mulf %get3A_436, %get3A_61 : vector<16xf32>
      %get3A_438 = arith.index_cast %scan3A_56 : i32 to index
      %get3A_439 = arith.constant 368 : index
      %get3A_440 = tpu.vector_load %arg13[%get3A_438, %get3A_439] {strides = array<i32>} : memref<32x1024xf32, #tpu.memory_space<vmem>>, vector<1x16xf32>,
      %get3A_441 = vector.shape_cast %get3A_440 : vector<1x16xf32> to vector<16xf32>
      %mul3A_442 = arith.mulf %get3A_441, %get3A_65 : vector<16xf32>
      %add3A_443 = arith.addf %mul3A_437, %mul3A_442 : vector<16xf32>
      %swap3A_444 = arith.index_cast %scan3A_56 : i32 to index
      %swap3A_445 = arith.constant 368 : index
      %swap3A_446 = tpu.vector_load %arg12[%swap3A_444, %swap3A_445] {strides = array<i32>} : memref<32x1024xf32, #tpu.memory_space<vmem>>, vector<1x16xf32>,
      %swap3A_447 = vector.shape_cast %swap3A_446 : vector<1x16xf32> to vector<16xf32>
      %swap3A_448 = vector.shape_cast %add3A_443 : vector<16xf32> to vector<1x16xf32>
      tpu.vector_store %arg12[%swap3A_444, %swap3A_445], %swap3A_448 {strides = array<i32>} : memref<32x1024xf32, #tpu.memory_space<vmem>>, vector<1x16xf32>,
      %get3A_449 = arith.index_cast %scan3A_56 : i32 to index
      %get3A_450 = arith.constant 384 : index
      %get3A_451 = tpu.vector_load %arg12[%get3A_449, %get3A_450] {strides = array<i32>} : memref<32x1024xf32, #tpu.memory_space<vmem>>, vector<1x16xf32>,
      %get3A_452 = vector.shape_cast %get3A_451 : vector<1x16xf32> to vector<16xf32>
      %mul3A_453 = arith.mulf %get3A_452, %get3A_61 : vector<16xf32>
      %get3A_454 = arith.index_cast %scan3A_56 : i32 to index
      %get3A_455 = arith.constant 384 : index
      %get3A_456 = tpu.vector_load %arg13[%get3A_454, %get3A_455] {strides = array<i32>} : memref<32x1024xf32, #tpu.memory_space<vmem>>, vector<1x16xf32>,
      %get3A_457 = vector.shape_cast %get3A_456 : vector<1x16xf32> to vector<16xf32>
      %mul3A_458 = arith.mulf %get3A_457, %get3A_65 : vector<16xf32>
      %add3A_459 = arith.addf %mul3A_453, %mul3A_458 : vector<16xf32>
      %swap3A_460 = arith.index_cast %scan3A_56 : i32 to index
      %swap3A_461 = arith.constant 384 : index
      %swap3A_462 = tpu.vector_load %arg12[%swap3A_460, %swap3A_461] {strides = array<i32>} : memref<32x1024xf32, #tpu.memory_space<vmem>>, vector<1x16xf32>,
      %swap3A_463 = vector.shape_cast %swap3A_462 : vector<1x16xf32> to vector<16xf32>
      %swap3A_464 = vector.shape_cast %add3A_459 : vector<16xf32> to vector<1x16xf32>
      tpu.vector_store %arg12[%swap3A_460, %swap3A_461], %swap3A_464 {strides = array<i32>} : memref<32x1024xf32, #tpu.memory_space<vmem>>, vector<1x16xf32>,
      %get3A_465 = arith.index_cast %scan3A_56 : i32 to index
      %get3A_466 = arith.constant 400 : index
      %get3A_467 = tpu.vector_load %arg12[%get3A_465, %get3A_466] {strides = array<i32>} : memref<32x1024xf32, #tpu.memory_space<vmem>>, vector<1x16xf32>,
      %get3A_468 = vector.shape_cast %get3A_467 : vector<1x16xf32> to vector<16xf32>
      %mul3A_469 = arith.mulf %get3A_468, %get3A_61 : vector<16xf32>
      %get3A_470 = arith.index_cast %scan3A_56 : i32 to index
      %get3A_471 = arith.constant 400 : index
      %get3A_472 = tpu.vector_load %arg13[%get3A_470, %get3A_471] {strides = array<i32>} : memref<32x1024xf32, #tpu.memory_space<vmem>>, vector<1x16xf32>,
      %get3A_473 = vector.shape_cast %get3A_472 : vector<1x16xf32> to vector<16xf32>
      %mul3A_474 = arith.mulf %get3A_473, %get3A_65 : vector<16xf32>
      %add3A_475 = arith.addf %mul3A_469, %mul3A_474 : vector<16xf32>
      %swap3A_476 = arith.index_cast %scan3A_56 : i32 to index
      %swap3A_477 = arith.constant 400 : index
      %swap3A_478 = tpu.vector_load %arg12[%swap3A_476, %swap3A_477] {strides = array<i32>} : memref<32x1024xf32, #tpu.memory_space<vmem>>, vector<1x16xf32>,
      %swap3A_479 = vector.shape_cast %swap3A_478 : vector<1x16xf32> to vector<16xf32>
      %swap3A_480 = vector.shape_cast %add3A_475 : vector<16xf32> to vector<1x16xf32>
      tpu.vector_store %arg12[%swap3A_476, %swap3A_477], %swap3A_480 {strides = array<i32>} : memref<32x1024xf32, #tpu.memory_space<vmem>>, vector<1x16xf32>,
      %get3A_481 = arith.index_cast %scan3A_56 : i32 to index
      %get3A_482 = arith.constant 416 : index
      %get3A_483 = tpu.vector_load %arg12[%get3A_481, %get3A_482] {strides = array<i32>} : memref<32x1024xf32, #tpu.memory_space<vmem>>, vector<1x16xf32>,
      %get3A_484 = vector.shape_cast %get3A_483 : vector<1x16xf32> to vector<16xf32>
      %mul3A_485 = arith.mulf %get3A_484, %get3A_61 : vector<16xf32>
      %get3A_486 = arith.index_cast %scan3A_56 : i32 to index
      %get3A_487 = arith.constant 416 : index
      %get3A_488 = tpu.vector_load %arg13[%get3A_486, %get3A_487] {strides = array<i32>} : memref<32x1024xf32, #tpu.memory_space<vmem>>, vector<1x16xf32>,
      %get3A_489 = vector.shape_cast %get3A_488 : vector<1x16xf32> to vector<16xf32>
      %mul3A_490 = arith.mulf %get3A_489, %get3A_65 : vector<16xf32>
      %add3A_491 = arith.addf %mul3A_485, %mul3A_490 : vector<16xf32>
      %swap3A_492 = arith.index_cast %scan3A_56 : i32 to index
      %swap3A_493 = arith.constant 416 : index
      %swap3A_494 = tpu.vector_load %arg12[%swap3A_492, %swap3A_493] {strides = array<i32>} : memref<32x1024xf32, #tpu.memory_space<vmem>>, vector<1x16xf32>,
      %swap3A_495 = vector.shape_cast %swap3A_494 : vector<1x16xf32> to vector<16xf32>
      %swap3A_496 = vector.shape_cast %add3A_491 : vector<16xf32> to vector<1x16xf32>
      tpu.vector_store %arg12[%swap3A_492, %swap3A_493], %swap3A_496 {strides = array<i32>} : memref<32x1024xf32, #tpu.memory_space<vmem>>, vector<1x16xf32>,
      %get3A_497 = arith.index_cast %scan3A_56 : i32 to index
      %get3A_498 = arith.constant 432 : index
      %get3A_499 = tpu.vector_load %arg12[%get3A_497, %get3A_498] {strides = array<i32>} : memref<32x1024xf32, #tpu.memory_space<vmem>>, vector<1x16xf32>,
      %get3A_500 = vector.shape_cast %get3A_499 : vector<1x16xf32> to vector<16xf32>
      %mul3A_501 = arith.mulf %get3A_500, %get3A_61 : vector<16xf32>
      %get3A_502 = arith.index_cast %scan3A_56 : i32 to index
      %get3A_503 = arith.constant 432 : index
      %get3A_504 = tpu.vector_load %arg13[%get3A_502, %get3A_503] {strides = array<i32>} : memref<32x1024xf32, #tpu.memory_space<vmem>>, vector<1x16xf32>,
      %get3A_505 = vector.shape_cast %get3A_504 : vector<1x16xf32> to vector<16xf32>
      %mul3A_506 = arith.mulf %get3A_505, %get3A_65 : vector<16xf32>
      %add3A_507 = arith.addf %mul3A_501, %mul3A_506 : vector<16xf32>
      %swap3A_508 = arith.index_cast %scan3A_56 : i32 to index
      %swap3A_509 = arith.constant 432 : index
      %swap3A_510 = tpu.vector_load %arg12[%swap3A_508, %swap3A_509] {strides = array<i32>} : memref<32x1024xf32, #tpu.memory_space<vmem>>, vector<1x16xf32>,
      %swap3A_511 = vector.shape_cast %swap3A_510 : vector<1x16xf32> to vector<16xf32>
      %swap3A_512 = vector.shape_cast %add3A_507 : vector<16xf32> to vector<1x16xf32>
      tpu.vector_store %arg12[%swap3A_508, %swap3A_509], %swap3A_512 {strides = array<i32>} : memref<32x1024xf32, #tpu.memory_space<vmem>>, vector<1x16xf32>,
      %get3A_513 = arith.index_cast %scan3A_56 : i32 to index
      %get3A_514 = arith.constant 448 : index
      %get3A_515 = tpu.vector_load %arg12[%get3A_513, %get3A_514] {strides = array<i32>} : memref<32x1024xf32, #tpu.memory_space<vmem>>, vector<1x16xf32>,
      %get3A_516 = vector.shape_cast %get3A_515 : vector<1x16xf32> to vector<16xf32>
      %mul3A_517 = arith.mulf %get3A_516, %get3A_61 : vector<16xf32>
      %get3A_518 = arith.index_cast %scan3A_56 : i32 to index
      %get3A_519 = arith.constant 448 : index
      %get3A_520 = tpu.vector_load %arg13[%get3A_518, %get3A_519] {strides = array<i32>} : memref<32x1024xf32, #tpu.memory_space<vmem>>, vector<1x16xf32>,
      %get3A_521 = vector.shape_cast %get3A_520 : vector<1x16xf32> to vector<16xf32>
      %mul3A_522 = arith.mulf %get3A_521, %get3A_65 : vector<16xf32>
      %add3A_523 = arith.addf %mul3A_517, %mul3A_522 : vector<16xf32>
      %swap3A_524 = arith.index_cast %scan3A_56 : i32 to index
      %swap3A_525 = arith.constant 448 : index
      %swap3A_526 = tpu.vector_load %arg12[%swap3A_524, %swap3A_525] {strides = array<i32>} : memref<32x1024xf32, #tpu.memory_space<vmem>>, vector<1x16xf32>,
      %swap3A_527 = vector.shape_cast %swap3A_526 : vector<1x16xf32> to vector<16xf32>
      %swap3A_528 = vector.shape_cast %add3A_523 : vector<16xf32> to vector<1x16xf32>
      tpu.vector_store %arg12[%swap3A_524, %swap3A_525], %swap3A_528 {strides = array<i32>} : memref<32x1024xf32, #tpu.memory_space<vmem>>, vector<1x16xf32>,
      %get3A_529 = arith.index_cast %scan3A_56 : i32 to index
      %get3A_530 = arith.constant 464 : index
      %get3A_531 = tpu.vector_load %arg12[%get3A_529, %get3A_530] {strides = array<i32>} : memref<32x1024xf32, #tpu.memory_space<vmem>>, vector<1x16xf32>,
      %get3A_532 = vector.shape_cast %get3A_531 : vector<1x16xf32> to vector<16xf32>
      %mul3A_533 = arith.mulf %get3A_532, %get3A_61 : vector<16xf32>
      %get3A_534 = arith.index_cast %scan3A_56 : i32 to index
      %get3A_535 = arith.constant 464 : index
      %get3A_536 = tpu.vector_load %arg13[%get3A_534, %get3A_535] {strides = array<i32>} : memref<32x1024xf32, #tpu.memory_space<vmem>>, vector<1x16xf32>,
      %get3A_537 = vector.shape_cast %get3A_536 : vector<1x16xf32> to vector<16xf32>
      %mul3A_538 = arith.mulf %get3A_537, %get3A_65 : vector<16xf32>
      %add3A_539 = arith.addf %mul3A_533, %mul3A_538 : vector<16xf32>
      %swap3A_540 = arith.index_cast %scan3A_56 : i32 to index
      %swap3A_541 = arith.constant 464 : index
      %swap3A_542 = tpu.vector_load %arg12[%swap3A_540, %swap3A_541] {strides = array<i32>} : memref<32x1024xf32, #tpu.memory_space<vmem>>, vector<1x16xf32>,
      %swap3A_543 = vector.shape_cast %swap3A_542 : vector<1x16xf32> to vector<16xf32>
      %swap3A_544 = vector.shape_cast %add3A_539 : vector<16xf32> to vector<1x16xf32>
      tpu.vector_store %arg12[%swap3A_540, %swap3A_541], %swap3A_544 {strides = array<i32>} : memref<32x1024xf32, #tpu.memory_space<vmem>>, vector<1x16xf32>,
      %get3A_545 = arith.index_cast %scan3A_56 : i32 to index
      %get3A_546 = arith.constant 480 : index
      %get3A_547 = tpu.vector_load %arg12[%get3A_545, %get3A_546] {strides = array<i32>} : memref<32x1024xf32, #tpu.memory_space<vmem>>, vector<1x16xf32>,
      %get3A_548 = vector.shape_cast %get3A_547 : vector<1x16xf32> to vector<16xf32>
      %mul3A_549 = arith.mulf %get3A_548, %get3A_61 : vector<16xf32>
      %get3A_550 = arith.index_cast %scan3A_56 : i32 to index
      %get3A_551 = arith.constant 480 : index
      %get3A_552 = tpu.vector_load %arg13[%get3A_550, %get3A_551] {strides = array<i32>} : memref<32x1024xf32, #tpu.memory_space<vmem>>, vector<1x16xf32>,
      %get3A_553 = vector.shape_cast %get3A_552 : vector<1x16xf32> to vector<16xf32>
      %mul3A_554 = arith.mulf %get3A_553, %get3A_65 : vector<16xf32>
      %add3A_555 = arith.addf %mul3A_549, %mul3A_554 : vector<16xf32>
      %swap3A_556 = arith.index_cast %scan3A_56 : i32 to index
      %swap3A_557 = arith.constant 480 : index
      %swap3A_558 = tpu.vector_load %arg12[%swap3A_556, %swap3A_557] {strides = array<i32>} : memref<32x1024xf32, #tpu.memory_space<vmem>>, vector<1x16xf32>,
      %swap3A_559 = vector.shape_cast %swap3A_558 : vector<1x16xf32> to vector<16xf32>
      %swap3A_560 = vector.shape_cast %add3A_555 : vector<16xf32> to vector<1x16xf32>
      tpu.vector_store %arg12[%swap3A_556, %swap3A_557], %swap3A_560 {strides = array<i32>} : memref<32x1024xf32, #tpu.memory_space<vmem>>, vector<1x16xf32>,
      %get3A_561 = arith.index_cast %scan3A_56 : i32 to index
      %get3A_562 = arith.constant 496 : index
      %get3A_563 = tpu.vector_load %arg12[%get3A_561, %get3A_562] {strides = array<i32>} : memref<32x1024xf32, #tpu.memory_space<vmem>>, vector<1x16xf32>,
      %get3A_564 = vector.shape_cast %get3A_563 : vector<1x16xf32> to vector<16xf32>
      %mul3A_565 = arith.mulf %get3A_564, %get3A_61 : vector<16xf32>
      %get3A_566 = arith.index_cast %scan3A_56 : i32 to index
      %get3A_567 = arith.constant 496 : index
      %get3A_568 = tpu.vector_load %arg13[%get3A_566, %get3A_567] {strides = array<i32>} : memref<32x1024xf32, #tpu.memory_space<vmem>>, vector<1x16xf32>,
      %get3A_569 = vector.shape_cast %get3A_568 : vector<1x16xf32> to vector<16xf32>
      %mul3A_570 = arith.mulf %get3A_569, %get3A_65 : vector<16xf32>
      %add3A_571 = arith.addf %mul3A_565, %mul3A_570 : vector<16xf32>
      %swap3A_572 = arith.index_cast %scan3A_56 : i32 to index
      %swap3A_573 = arith.constant 496 : index
      %swap3A_574 = tpu.vector_load %arg12[%swap3A_572, %swap3A_573] {strides = array<i32>} : memref<32x1024xf32, #tpu.memory_space<vmem>>, vector<1x16xf32>,
      %swap3A_575 = vector.shape_cast %swap3A_574 : vector<1x16xf32> to vector<16xf32>
      %swap3A_576 = vector.shape_cast %add3A_571 : vector<16xf32> to vector<1x16xf32>
      tpu.vector_store %arg12[%swap3A_572, %swap3A_573], %swap3A_576 {strides = array<i32>} : memref<32x1024xf32, #tpu.memory_space<vmem>>, vector<1x16xf32>,
      %get3A_577 = arith.index_cast %scan3A_56 : i32 to index
      %get3A_578 = arith.constant 512 : index
      %get3A_579 = tpu.vector_load %arg12[%get3A_577, %get3A_578] {strides = array<i32>} : memref<32x1024xf32, #tpu.memory_space<vmem>>, vector<1x16xf32>,
      %get3A_580 = vector.shape_cast %get3A_579 : vector<1x16xf32> to vector<16xf32>
      %mul3A_581 = arith.mulf %get3A_580, %get3A_61 : vector<16xf32>
      %get3A_582 = arith.index_cast %scan3A_56 : i32 to index
      %get3A_583 = arith.constant 512 : index
      %get3A_584 = tpu.vector_load %arg13[%get3A_582, %get3A_583] {strides = array<i32>} : memref<32x1024xf32, #tpu.memory_space<vmem>>, vector<1x16xf32>,
      %get3A_585 = vector.shape_cast %get3A_584 : vector<1x16xf32> to vector<16xf32>
      %mul3A_586 = arith.mulf %get3A_585, %get3A_65 : vector<16xf32>
      %add3A_587 = arith.addf %mul3A_581, %mul3A_586 : vector<16xf32>
      %swap3A_588 = arith.index_cast %scan3A_56 : i32 to index
      %swap3A_589 = arith.constant 512 : index
      %swap3A_590 = tpu.vector_load %arg12[%swap3A_588, %swap3A_589] {strides = array<i32>} : memref<32x1024xf32, #tpu.memory_space<vmem>>, vector<1x16xf32>,
      %swap3A_591 = vector.shape_cast %swap3A_590 : vector<1x16xf32> to vector<16xf32>
      %swap3A_592 = vector.shape_cast %add3A_587 : vector<16xf32> to vector<1x16xf32>
      tpu.vector_store %arg12[%swap3A_588, %swap3A_589], %swap3A_592 {strides = array<i32>} : memref<32x1024xf32, #tpu.memory_space<vmem>>, vector<1x16xf32>,
      %get3A_593 = arith.index_cast %scan3A_56 : i32 to index
      %get3A_594 = arith.constant 528 : index
      %get3A_595 = tpu.vector_load %arg12[%get3A_593, %get3A_594] {strides = array<i32>} : memref<32x1024xf32, #tpu.memory_space<vmem>>, vector<1x16xf32>,
      %get3A_596 = vector.shape_cast %get3A_595 : vector<1x16xf32> to vector<16xf32>
      %mul3A_597 = arith.mulf %get3A_596, %get3A_61 : vector<16xf32>
      %get3A_598 = arith.index_cast %scan3A_56 : i32 to index
      %get3A_599 = arith.constant 528 : index
      %get3A_600 = tpu.vector_load %arg13[%get3A_598, %get3A_599] {strides = array<i32>} : memref<32x1024xf32, #tpu.memory_space<vmem>>, vector<1x16xf32>,
      %get3A_601 = vector.shape_cast %get3A_600 : vector<1x16xf32> to vector<16xf32>
      %mul3A_602 = arith.mulf %get3A_601, %get3A_65 : vector<16xf32>
      %add3A_603 = arith.addf %mul3A_597, %mul3A_602 : vector<16xf32>
      %swap3A_604 = arith.index_cast %scan3A_56 : i32 to index
      %swap3A_605 = arith.constant 528 : index
      %swap3A_606 = tpu.vector_load %arg12[%swap3A_604, %swap3A_605] {strides = array<i32>} : memref<32x1024xf32, #tpu.memory_space<vmem>>, vector<1x16xf32>,
      %swap3A_607 = vector.shape_cast %swap3A_606 : vector<1x16xf32> to vector<16xf32>
      %swap3A_608 = vector.shape_cast %add3A_603 : vector<16xf32> to vector<1x16xf32>
      tpu.vector_store %arg12[%swap3A_604, %swap3A_605], %swap3A_608 {strides = array<i32>} : memref<32x1024xf32, #tpu.memory_space<vmem>>, vector<1x16xf32>,
      %get3A_609 = arith.index_cast %scan3A_56 : i32 to index
      %get3A_610 = arith.constant 544 : index
      %get3A_611 = tpu.vector_load %arg12[%get3A_609, %get3A_610] {strides = array<i32>} : memref<32x1024xf32, #tpu.memory_space<vmem>>, vector<1x16xf32>,
      %get3A_612 = vector.shape_cast %get3A_611 : vector<1x16xf32> to vector<16xf32>
      %mul3A_613 = arith.mulf %get3A_612, %get3A_61 : vector<16xf32>
      %get3A_614 = arith.index_cast %scan3A_56 : i32 to index
      %get3A_615 = arith.constant 544 : index
      %get3A_616 = tpu.vector_load %arg13[%get3A_614, %get3A_615] {strides = array<i32>} : memref<32x1024xf32, #tpu.memory_space<vmem>>, vector<1x16xf32>,
      %get3A_617 = vector.shape_cast %get3A_616 : vector<1x16xf32> to vector<16xf32>
      %mul3A_618 = arith.mulf %get3A_617, %get3A_65 : vector<16xf32>
      %add3A_619 = arith.addf %mul3A_613, %mul3A_618 : vector<16xf32>
      %swap3A_620 = arith.index_cast %scan3A_56 : i32 to index
      %swap3A_621 = arith.constant 544 : index
      %swap3A_622 = tpu.vector_load %arg12[%swap3A_620, %swap3A_621] {strides = array<i32>} : memref<32x1024xf32, #tpu.memory_space<vmem>>, vector<1x16xf32>,
      %swap3A_623 = vector.shape_cast %swap3A_622 : vector<1x16xf32> to vector<16xf32>
      %swap3A_624 = vector.shape_cast %add3A_619 : vector<16xf32> to vector<1x16xf32>
      tpu.vector_store %arg12[%swap3A_620, %swap3A_621], %swap3A_624 {strides = array<i32>} : memref<32x1024xf32, #tpu.memory_space<vmem>>, vector<1x16xf32>,
      %get3A_625 = arith.index_cast %scan3A_56 : i32 to index
      %get3A_626 = arith.constant 560 : index
      %get3A_627 = tpu.vector_load %arg12[%get3A_625, %get3A_626] {strides = array<i32>} : memref<32x1024xf32, #tpu.memory_space<vmem>>, vector<1x16xf32>,
      %get3A_628 = vector.shape_cast %get3A_627 : vector<1x16xf32> to vector<16xf32>
      %mul3A_629 = arith.mulf %get3A_628, %get3A_61 : vector<16xf32>
      %get3A_630 = arith.index_cast %scan3A_56 : i32 to index
      %get3A_631 = arith.constant 560 : index
      %get3A_632 = tpu.vector_load %arg13[%get3A_630, %get3A_631] {strides = array<i32>} : memref<32x1024xf32, #tpu.memory_space<vmem>>, vector<1x16xf32>,
      %get3A_633 = vector.shape_cast %get3A_632 : vector<1x16xf32> to vector<16xf32>
      %mul3A_634 = arith.mulf %get3A_633, %get3A_65 : vector<16xf32>
      %add3A_635 = arith.addf %mul3A_629, %mul3A_634 : vector<16xf32>
      %swap3A_636 = arith.index_cast %scan3A_56 : i32 to index
      %swap3A_637 = arith.constant 560 : index
      %swap3A_638 = tpu.vector_load %arg12[%swap3A_636, %swap3A_637] {strides = array<i32>} : memref<32x1024xf32, #tpu.memory_space<vmem>>, vector<1x16xf32>,
      %swap3A_639 = vector.shape_cast %swap3A_638 : vector<1x16xf32> to vector<16xf32>
      %swap3A_640 = vector.shape_cast %add3A_635 : vector<16xf32> to vector<1x16xf32>
      tpu.vector_store %arg12[%swap3A_636, %swap3A_637], %swap3A_640 {strides = array<i32>} : memref<32x1024xf32, #tpu.memory_space<vmem>>, vector<1x16xf32>,
      %get3A_641 = arith.index_cast %scan3A_56 : i32 to index
      %get3A_642 = arith.constant 576 : index
      %get3A_643 = tpu.vector_load %arg12[%get3A_641, %get3A_642] {strides = array<i32>} : memref<32x1024xf32, #tpu.memory_space<vmem>>, vector<1x16xf32>,
      %get3A_644 = vector.shape_cast %get3A_643 : vector<1x16xf32> to vector<16xf32>
      %mul3A_645 = arith.mulf %get3A_644, %get3A_61 : vector<16xf32>
      %get3A_646 = arith.index_cast %scan3A_56 : i32 to index
      %get3A_647 = arith.constant 576 : index
      %get3A_648 = tpu.vector_load %arg13[%get3A_646, %get3A_647] {strides = array<i32>} : memref<32x1024xf32, #tpu.memory_space<vmem>>, vector<1x16xf32>,
      %get3A_649 = vector.shape_cast %get3A_648 : vector<1x16xf32> to vector<16xf32>
      %mul3A_650 = arith.mulf %get3A_649, %get3A_65 : vector<16xf32>
      %add3A_651 = arith.addf %mul3A_645, %mul3A_650 : vector<16xf32>
      %swap3A_652 = arith.index_cast %scan3A_56 : i32 to index
      %swap3A_653 = arith.constant 576 : index
      %swap3A_654 = tpu.vector_load %arg12[%swap3A_652, %swap3A_653] {strides = array<i32>} : memref<32x1024xf32, #tpu.memory_space<vmem>>, vector<1x16xf32>,
      %swap3A_655 = vector.shape_cast %swap3A_654 : vector<1x16xf32> to vector<16xf32>
      %swap3A_656 = vector.shape_cast %add3A_651 : vector<16xf32> to vector<1x16xf32>
      tpu.vector_store %arg12[%swap3A_652, %swap3A_653], %swap3A_656 {strides = array<i32>} : memref<32x1024xf32, #tpu.memory_space<vmem>>, vector<1x16xf32>,
      %get3A_657 = arith.index_cast %scan3A_56 : i32 to index
      %get3A_658 = arith.constant 592 : index
      %get3A_659 = tpu.vector_load %arg12[%get3A_657, %get3A_658] {strides = array<i32>} : memref<32x1024xf32, #tpu.memory_space<vmem>>, vector<1x16xf32>,
      %get3A_660 = vector.shape_cast %get3A_659 : vector<1x16xf32> to vector<16xf32>
      %mul3A_661 = arith.mulf %get3A_660, %get3A_61 : vector<16xf32>
      %get3A_662 = arith.index_cast %scan3A_56 : i32 to index
      %get3A_663 = arith.constant 592 : index
      %get3A_664 = tpu.vector_load %arg13[%get3A_662, %get3A_663] {strides = array<i32>} : memref<32x1024xf32, #tpu.memory_space<vmem>>, vector<1x16xf32>,
      %get3A_665 = vector.shape_cast %get3A_664 : vector<1x16xf32> to vector<16xf32>
      %mul3A_666 = arith.mulf %get3A_665, %get3A_65 : vector<16xf32>
      %add3A_667 = arith.addf %mul3A_661, %mul3A_666 : vector<16xf32>
      %swap3A_668 = arith.index_cast %scan3A_56 : i32 to index
      %swap3A_669 = arith.constant 592 : index
      %swap3A_670 = tpu.vector_load %arg12[%swap3A_668, %swap3A_669] {strides = array<i32>} : memref<32x1024xf32, #tpu.memory_space<vmem>>, vector<1x16xf32>,
      %swap3A_671 = vector.shape_cast %swap3A_670 : vector<1x16xf32> to vector<16xf32>
      %swap3A_672 = vector.shape_cast %add3A_667 : vector<16xf32> to vector<1x16xf32>
      tpu.vector_store %arg12[%swap3A_668, %swap3A_669], %swap3A_672 {strides = array<i32>} : memref<32x1024xf32, #tpu.memory_space<vmem>>, vector<1x16xf32>,
      %get3A_673 = arith.index_cast %scan3A_56 : i32 to index
      %get3A_674 = arith.constant 608 : index
      %get3A_675 = tpu.vector_load %arg12[%get3A_673, %get3A_674] {strides = array<i32>} : memref<32x1024xf32, #tpu.memory_space<vmem>>, vector<1x16xf32>,
      %get3A_676 = vector.shape_cast %get3A_675 : vector<1x16xf32> to vector<16xf32>
      %mul3A_677 = arith.mulf %get3A_676, %get3A_61 : vector<16xf32>
      %get3A_678 = arith.index_cast %scan3A_56 : i32 to index
      %get3A_679 = arith.constant 608 : index
      %get3A_680 = tpu.vector_load %arg13[%get3A_678, %get3A_679] {strides = array<i32>} : memref<32x1024xf32, #tpu.memory_space<vmem>>, vector<1x16xf32>,
      %get3A_681 = vector.shape_cast %get3A_680 : vector<1x16xf32> to vector<16xf32>
      %mul3A_682 = arith.mulf %get3A_681, %get3A_65 : vector<16xf32>
      %add3A_683 = arith.addf %mul3A_677, %mul3A_682 : vector<16xf32>
      %swap3A_684 = arith.index_cast %scan3A_56 : i32 to index
      %swap3A_685 = arith.constant 608 : index
      %swap3A_686 = tpu.vector_load %arg12[%swap3A_684, %swap3A_685] {strides = array<i32>} : memref<32x1024xf32, #tpu.memory_space<vmem>>, vector<1x16xf32>,
      %swap3A_687 = vector.shape_cast %swap3A_686 : vector<1x16xf32> to vector<16xf32>
      %swap3A_688 = vector.shape_cast %add3A_683 : vector<16xf32> to vector<1x16xf32>
      tpu.vector_store %arg12[%swap3A_684, %swap3A_685], %swap3A_688 {strides = array<i32>} : memref<32x1024xf32, #tpu.memory_space<vmem>>, vector<1x16xf32>,
      %get3A_689 = arith.index_cast %scan3A_56 : i32 to index
      %get3A_690 = arith.constant 624 : index
      %get3A_691 = tpu.vector_load %arg12[%get3A_689, %get3A_690] {strides = array<i32>} : memref<32x1024xf32, #tpu.memory_space<vmem>>, vector<1x16xf32>,
      %get3A_692 = vector.shape_cast %get3A_691 : vector<1x16xf32> to vector<16xf32>
      %mul3A_693 = arith.mulf %get3A_692, %get3A_61 : vector<16xf32>
      %get3A_694 = arith.index_cast %scan3A_56 : i32 to index
      %get3A_695 = arith.constant 624 : index
      %get3A_696 = tpu.vector_load %arg13[%get3A_694, %get3A_695] {strides = array<i32>} : memref<32x1024xf32, #tpu.memory_space<vmem>>, vector<1x16xf32>,
      %get3A_697 = vector.shape_cast %get3A_696 : vector<1x16xf32> to vector<16xf32>
      %mul3A_698 = arith.mulf %get3A_697, %get3A_65 : vector<16xf32>
      %add3A_699 = arith.addf %mul3A_693, %mul3A_698 : vector<16xf32>
      %swap3A_700 = arith.index_cast %scan3A_56 : i32 to index
      %swap3A_701 = arith.constant 624 : index
      %swap3A_702 = tpu.vector_load %arg12[%swap3A_700, %swap3A_701] {strides = array<i32>} : memref<32x1024xf32, #tpu.memory_space<vmem>>, vector<1x16xf32>,
      %swap3A_703 = vector.shape_cast %swap3A_702 : vector<1x16xf32> to vector<16xf32>
      %swap3A_704 = vector.shape_cast %add3A_699 : vector<16xf32> to vector<1x16xf32>
      tpu.vector_store %arg12[%swap3A_700, %swap3A_701], %swap3A_704 {strides = array<i32>} : memref<32x1024xf32, #tpu.memory_space<vmem>>, vector<1x16xf32>,
      %get3A_705 = arith.index_cast %scan3A_56 : i32 to index
      %get3A_706 = arith.constant 640 : index
      %get3A_707 = tpu.vector_load %arg12[%get3A_705, %get3A_706] {strides = array<i32>} : memref<32x1024xf32, #tpu.memory_space<vmem>>, vector<1x16xf32>,
      %get3A_708 = vector.shape_cast %get3A_707 : vector<1x16xf32> to vector<16xf32>
      %mul3A_709 = arith.mulf %get3A_708, %get3A_61 : vector<16xf32>
      %get3A_710 = arith.index_cast %scan3A_56 : i32 to index
      %get3A_711 = arith.constant 640 : index
      %get3A_712 = tpu.vector_load %arg13[%get3A_710, %get3A_711] {strides = array<i32>} : memref<32x1024xf32, #tpu.memory_space<vmem>>, vector<1x16xf32>,
      %get3A_713 = vector.shape_cast %get3A_712 : vector<1x16xf32> to vector<16xf32>
      %mul3A_714 = arith.mulf %get3A_713, %get3A_65 : vector<16xf32>
      %add3A_715 = arith.addf %mul3A_709, %mul3A_714 : vector<16xf32>
      %swap3A_716 = arith.index_cast %scan3A_56 : i32 to index
      %swap3A_717 = arith.constant 640 : index
      %swap3A_718 = tpu.vector_load %arg12[%swap3A_716, %swap3A_717] {strides = array<i32>} : memref<32x1024xf32, #tpu.memory_space<vmem>>, vector<1x16xf32>,
      %swap3A_719 = vector.shape_cast %swap3A_718 : vector<1x16xf32> to vector<16xf32>
      %swap3A_720 = vector.shape_cast %add3A_715 : vector<16xf32> to vector<1x16xf32>
      tpu.vector_store %arg12[%swap3A_716, %swap3A_717], %swap3A_720 {strides = array<i32>} : memref<32x1024xf32, #tpu.memory_space<vmem>>, vector<1x16xf32>,
      %get3A_721 = arith.index_cast %scan3A_56 : i32 to index
      %get3A_722 = arith.constant 656 : index
      %get3A_723 = tpu.vector_load %arg12[%get3A_721, %get3A_722] {strides = array<i32>} : memref<32x1024xf32, #tpu.memory_space<vmem>>, vector<1x16xf32>,
      %get3A_724 = vector.shape_cast %get3A_723 : vector<1x16xf32> to vector<16xf32>
      %mul3A_725 = arith.mulf %get3A_724, %get3A_61 : vector<16xf32>
      %get3A_726 = arith.index_cast %scan3A_56 : i32 to index
      %get3A_727 = arith.constant 656 : index
      %get3A_728 = tpu.vector_load %arg13[%get3A_726, %get3A_727] {strides = array<i32>} : memref<32x1024xf32, #tpu.memory_space<vmem>>, vector<1x16xf32>,
      %get3A_729 = vector.shape_cast %get3A_728 : vector<1x16xf32> to vector<16xf32>
      %mul3A_730 = arith.mulf %get3A_729, %get3A_65 : vector<16xf32>
      %add3A_731 = arith.addf %mul3A_725, %mul3A_730 : vector<16xf32>
      %swap3A_732 = arith.index_cast %scan3A_56 : i32 to index
      %swap3A_733 = arith.constant 656 : index
      %swap3A_734 = tpu.vector_load %arg12[%swap3A_732, %swap3A_733] {strides = array<i32>} : memref<32x1024xf32, #tpu.memory_space<vmem>>, vector<1x16xf32>,
      %swap3A_735 = vector.shape_cast %swap3A_734 : vector<1x16xf32> to vector<16xf32>
      %swap3A_736 = vector.shape_cast %add3A_731 : vector<16xf32> to vector<1x16xf32>
      tpu.vector_store %arg12[%swap3A_732, %swap3A_733], %swap3A_736 {strides = array<i32>} : memref<32x1024xf32, #tpu.memory_space<vmem>>, vector<1x16xf32>,
      %get3A_737 = arith.index_cast %scan3A_56 : i32 to index
      %get3A_738 = arith.constant 672 : index
      %get3A_739 = tpu.vector_load %arg12[%get3A_737, %get3A_738] {strides = array<i32>} : memref<32x1024xf32, #tpu.memory_space<vmem>>, vector<1x16xf32>,
      %get3A_740 = vector.shape_cast %get3A_739 : vector<1x16xf32> to vector<16xf32>
      %mul3A_741 = arith.mulf %get3A_740, %get3A_61 : vector<16xf32>
      %get3A_742 = arith.index_cast %scan3A_56 : i32 to index
      %get3A_743 = arith.constant 672 : index
      %get3A_744 = tpu.vector_load %arg13[%get3A_742, %get3A_743] {strides = array<i32>} : memref<32x1024xf32, #tpu.memory_space<vmem>>, vector<1x16xf32>,
      %get3A_745 = vector.shape_cast %get3A_744 : vector<1x16xf32> to vector<16xf32>
      %mul3A_746 = arith.mulf %get3A_745, %get3A_65 : vector<16xf32>
      %add3A_747 = arith.addf %mul3A_741, %mul3A_746 : vector<16xf32>
      %swap3A_748 = arith.index_cast %scan3A_56 : i32 to index
      %swap3A_749 = arith.constant 672 : index
      %swap3A_750 = tpu.vector_load %arg12[%swap3A_748, %swap3A_749] {strides = array<i32>} : memref<32x1024xf32, #tpu.memory_space<vmem>>, vector<1x16xf32>,
      %swap3A_751 = vector.shape_cast %swap3A_750 : vector<1x16xf32> to vector<16xf32>
      %swap3A_752 = vector.shape_cast %add3A_747 : vector<16xf32> to vector<1x16xf32>
      tpu.vector_store %arg12[%swap3A_748, %swap3A_749], %swap3A_752 {strides = array<i32>} : memref<32x1024xf32, #tpu.memory_space<vmem>>, vector<1x16xf32>,
      %get3A_753 = arith.index_cast %scan3A_56 : i32 to index
      %get3A_754 = arith.constant 688 : index
      %get3A_755 = tpu.vector_load %arg12[%get3A_753, %get3A_754] {strides = array<i32>} : memref<32x1024xf32, #tpu.memory_space<vmem>>, vector<1x16xf32>,
      %get3A_756 = vector.shape_cast %get3A_755 : vector<1x16xf32> to vector<16xf32>
      %mul3A_757 = arith.mulf %get3A_756, %get3A_61 : vector<16xf32>
      %get3A_758 = arith.index_cast %scan3A_56 : i32 to index
      %get3A_759 = arith.constant 688 : index
      %get3A_760 = tpu.vector_load %arg13[%get3A_758, %get3A_759] {strides = array<i32>} : memref<32x1024xf32, #tpu.memory_space<vmem>>, vector<1x16xf32>,
      %get3A_761 = vector.shape_cast %get3A_760 : vector<1x16xf32> to vector<16xf32>
      %mul3A_762 = arith.mulf %get3A_761, %get3A_65 : vector<16xf32>
      %add3A_763 = arith.addf %mul3A_757, %mul3A_762 : vector<16xf32>
      %swap3A_764 = arith.index_cast %scan3A_56 : i32 to index
      %swap3A_765 = arith.constant 688 : index
      %swap3A_766 = tpu.vector_load %arg12[%swap3A_764, %swap3A_765] {strides = array<i32>} : memref<32x1024xf32, #tpu.memory_space<vmem>>, vector<1x16xf32>,
      %swap3A_767 = vector.shape_cast %swap3A_766 : vector<1x16xf32> to vector<16xf32>
      %swap3A_768 = vector.shape_cast %add3A_763 : vector<16xf32> to vector<1x16xf32>
      tpu.vector_store %arg12[%swap3A_764, %swap3A_765], %swap3A_768 {strides = array<i32>} : memref<32x1024xf32, #tpu.memory_space<vmem>>, vector<1x16xf32>,
      %get3A_769 = arith.index_cast %scan3A_56 : i32 to index
      %get3A_770 = arith.constant 704 : index
      %get3A_771 = tpu.vector_load %arg12[%get3A_769, %get3A_770] {strides = array<i32>} : memref<32x1024xf32, #tpu.memory_space<vmem>>, vector<1x16xf32>,
      %get3A_772 = vector.shape_cast %get3A_771 : vector<1x16xf32> to vector<16xf32>
      %mul3A_773 = arith.mulf %get3A_772, %get3A_61 : vector<16xf32>
      %get3A_774 = arith.index_cast %scan3A_56 : i32 to index
      %get3A_775 = arith.constant 704 : index
      %get3A_776 = tpu.vector_load %arg13[%get3A_774, %get3A_775] {strides = array<i32>} : memref<32x1024xf32, #tpu.memory_space<vmem>>, vector<1x16xf32>,
      %get3A_777 = vector.shape_cast %get3A_776 : vector<1x16xf32> to vector<16xf32>
      %mul3A_778 = arith.mulf %get3A_777, %get3A_65 : vector<16xf32>
      %add3A_779 = arith.addf %mul3A_773, %mul3A_778 : vector<16xf32>
      %swap3A_780 = arith.index_cast %scan3A_56 : i32 to index
      %swap3A_781 = arith.constant 704 : index
      %swap3A_782 = tpu.vector_load %arg12[%swap3A_780, %swap3A_781] {strides = array<i32>} : memref<32x1024xf32, #tpu.memory_space<vmem>>, vector<1x16xf32>,
      %swap3A_783 = vector.shape_cast %swap3A_782 : vector<1x16xf32> to vector<16xf32>
      %swap3A_784 = vector.shape_cast %add3A_779 : vector<16xf32> to vector<1x16xf32>
      tpu.vector_store %arg12[%swap3A_780, %swap3A_781], %swap3A_784 {strides = array<i32>} : memref<32x1024xf32, #tpu.memory_space<vmem>>, vector<1x16xf32>,
      %get3A_785 = arith.index_cast %scan3A_56 : i32 to index
      %get3A_786 = arith.constant 720 : index
      %get3A_787 = tpu.vector_load %arg12[%get3A_785, %get3A_786] {strides = array<i32>} : memref<32x1024xf32, #tpu.memory_space<vmem>>, vector<1x16xf32>,
      %get3A_788 = vector.shape_cast %get3A_787 : vector<1x16xf32> to vector<16xf32>
      %mul3A_789 = arith.mulf %get3A_788, %get3A_61 : vector<16xf32>
      %get3A_790 = arith.index_cast %scan3A_56 : i32 to index
      %get3A_791 = arith.constant 720 : index
      %get3A_792 = tpu.vector_load %arg13[%get3A_790, %get3A_791] {strides = array<i32>} : memref<32x1024xf32, #tpu.memory_space<vmem>>, vector<1x16xf32>,
      %get3A_793 = vector.shape_cast %get3A_792 : vector<1x16xf32> to vector<16xf32>
      %mul3A_794 = arith.mulf %get3A_793, %get3A_65 : vector<16xf32>
      %add3A_795 = arith.addf %mul3A_789, %mul3A_794 : vector<16xf32>
      %swap3A_796 = arith.index_cast %scan3A_56 : i32 to index
      %swap3A_797 = arith.constant 720 : index
      %swap3A_798 = tpu.vector_load %arg12[%swap3A_796, %swap3A_797] {strides = array<i32>} : memref<32x1024xf32, #tpu.memory_space<vmem>>, vector<1x16xf32>,
      %swap3A_799 = vector.shape_cast %swap3A_798 : vector<1x16xf32> to vector<16xf32>
      %swap3A_800 = vector.shape_cast %add3A_795 : vector<16xf32> to vector<1x16xf32>
      tpu.vector_store %arg12[%swap3A_796, %swap3A_797], %swap3A_800 {strides = array<i32>} : memref<32x1024xf32, #tpu.memory_space<vmem>>, vector<1x16xf32>,
      %get3A_801 = arith.index_cast %scan3A_56 : i32 to index
      %get3A_802 = arith.constant 736 : index
      %get3A_803 = tpu.vector_load %arg12[%get3A_801, %get3A_802] {strides = array<i32>} : memref<32x1024xf32, #tpu.memory_space<vmem>>, vector<1x16xf32>,
      %get3A_804 = vector.shape_cast %get3A_803 : vector<1x16xf32> to vector<16xf32>
      %mul3A_805 = arith.mulf %get3A_804, %get3A_61 : vector<16xf32>
      %get3A_806 = arith.index_cast %scan3A_56 : i32 to index
      %get3A_807 = arith.constant 736 : index
      %get3A_808 = tpu.vector_load %arg13[%get3A_806, %get3A_807] {strides = array<i32>} : memref<32x1024xf32, #tpu.memory_space<vmem>>, vector<1x16xf32>,
      %get3A_809 = vector.shape_cast %get3A_808 : vector<1x16xf32> to vector<16xf32>
      %mul3A_810 = arith.mulf %get3A_809, %get3A_65 : vector<16xf32>
      %add3A_811 = arith.addf %mul3A_805, %mul3A_810 : vector<16xf32>
      %swap3A_812 = arith.index_cast %scan3A_56 : i32 to index
      %swap3A_813 = arith.constant 736 : index
      %swap3A_814 = tpu.vector_load %arg12[%swap3A_812, %swap3A_813] {strides = array<i32>} : memref<32x1024xf32, #tpu.memory_space<vmem>>, vector<1x16xf32>,
      %swap3A_815 = vector.shape_cast %swap3A_814 : vector<1x16xf32> to vector<16xf32>
      %swap3A_816 = vector.shape_cast %add3A_811 : vector<16xf32> to vector<1x16xf32>
      tpu.vector_store %arg12[%swap3A_812, %swap3A_813], %swap3A_816 {strides = array<i32>} : memref<32x1024xf32, #tpu.memory_space<vmem>>, vector<1x16xf32>,
      %get3A_817 = arith.index_cast %scan3A_56 : i32 to index
      %get3A_818 = arith.constant 752 : index
      %get3A_819 = tpu.vector_load %arg12[%get3A_817, %get3A_818] {strides = array<i32>} : memref<32x1024xf32, #tpu.memory_space<vmem>>, vector<1x16xf32>,
      %get3A_820 = vector.shape_cast %get3A_819 : vector<1x16xf32> to vector<16xf32>
      %mul3A_821 = arith.mulf %get3A_820, %get3A_61 : vector<16xf32>
      %get3A_822 = arith.index_cast %scan3A_56 : i32 to index
      %get3A_823 = arith.constant 752 : index
      %get3A_824 = tpu.vector_load %arg13[%get3A_822, %get3A_823] {strides = array<i32>} : memref<32x1024xf32, #tpu.memory_space<vmem>>, vector<1x16xf32>,
      %get3A_825 = vector.shape_cast %get3A_824 : vector<1x16xf32> to vector<16xf32>
      %mul3A_826 = arith.mulf %get3A_825, %get3A_65 : vector<16xf32>
      %add3A_827 = arith.addf %mul3A_821, %mul3A_826 : vector<16xf32>
      %swap3A_828 = arith.index_cast %scan3A_56 : i32 to index
      %swap3A_829 = arith.constant 752 : index
      %swap3A_830 = tpu.vector_load %arg12[%swap3A_828, %swap3A_829] {strides = array<i32>} : memref<32x1024xf32, #tpu.memory_space<vmem>>, vector<1x16xf32>,
      %swap3A_831 = vector.shape_cast %swap3A_830 : vector<1x16xf32> to vector<16xf32>
      %swap3A_832 = vector.shape_cast %add3A_827 : vector<16xf32> to vector<1x16xf32>
      tpu.vector_store %arg12[%swap3A_828, %swap3A_829], %swap3A_832 {strides = array<i32>} : memref<32x1024xf32, #tpu.memory_space<vmem>>, vector<1x16xf32>,
      %get3A_833 = arith.index_cast %scan3A_56 : i32 to index
      %get3A_834 = arith.constant 768 : index
      %get3A_835 = tpu.vector_load %arg12[%get3A_833, %get3A_834] {strides = array<i32>} : memref<32x1024xf32, #tpu.memory_space<vmem>>, vector<1x16xf32>,
      %get3A_836 = vector.shape_cast %get3A_835 : vector<1x16xf32> to vector<16xf32>
      %mul3A_837 = arith.mulf %get3A_836, %get3A_61 : vector<16xf32>
      %get3A_838 = arith.index_cast %scan3A_56 : i32 to index
      %get3A_839 = arith.constant 768 : index
      %get3A_840 = tpu.vector_load %arg13[%get3A_838, %get3A_839] {strides = array<i32>} : memref<32x1024xf32, #tpu.memory_space<vmem>>, vector<1x16xf32>,
      %get3A_841 = vector.shape_cast %get3A_840 : vector<1x16xf32> to vector<16xf32>
      %mul3A_842 = arith.mulf %get3A_841, %get3A_65 : vector<16xf32>
      %add3A_843 = arith.addf %mul3A_837, %mul3A_842 : vector<16xf32>
      %swap3A_844 = arith.index_cast %scan3A_56 : i32 to index
      %swap3A_845 = arith.constant 768 : index
      %swap3A_846 = tpu.vector_load %arg12[%swap3A_844, %swap3A_845] {strides = array<i32>} : memref<32x1024xf32, #tpu.memory_space<vmem>>, vector<1x16xf32>,
      %swap3A_847 = vector.shape_cast %swap3A_846 : vector<1x16xf32> to vector<16xf32>
      %swap3A_848 = vector.shape_cast %add3A_843 : vector<16xf32> to vector<1x16xf32>
      tpu.vector_store %arg12[%swap3A_844, %swap3A_845], %swap3A_848 {strides = array<i32>} : memref<32x1024xf32, #tpu.memory_space<vmem>>, vector<1x16xf32>,
      %get3A_849 = arith.index_cast %scan3A_56 : i32 to index
      %get3A_850 = arith.constant 784 : index
      %get3A_851 = tpu.vector_load %arg12[%get3A_849, %get3A_850] {strides = array<i32>} : memref<32x1024xf32, #tpu.memory_space<vmem>>, vector<1x16xf32>,
      %get3A_852 = vector.shape_cast %get3A_851 : vector<1x16xf32> to vector<16xf32>
      %mul3A_853 = arith.mulf %get3A_852, %get3A_61 : vector<16xf32>
      %get3A_854 = arith.index_cast %scan3A_56 : i32 to index
      %get3A_855 = arith.constant 784 : index
      %get3A_856 = tpu.vector_load %arg13[%get3A_854, %get3A_855] {strides = array<i32>} : memref<32x1024xf32, #tpu.memory_space<vmem>>, vector<1x16xf32>,
      %get3A_857 = vector.shape_cast %get3A_856 : vector<1x16xf32> to vector<16xf32>
      %mul3A_858 = arith.mulf %get3A_857, %get3A_65 : vector<16xf32>
      %add3A_859 = arith.addf %mul3A_853, %mul3A_858 : vector<16xf32>
      %swap3A_860 = arith.index_cast %scan3A_56 : i32 to index
      %swap3A_861 = arith.constant 784 : index
      %swap3A_862 = tpu.vector_load %arg12[%swap3A_860, %swap3A_861] {strides = array<i32>} : memref<32x1024xf32, #tpu.memory_space<vmem>>, vector<1x16xf32>,
      %swap3A_863 = vector.shape_cast %swap3A_862 : vector<1x16xf32> to vector<16xf32>
      %swap3A_864 = vector.shape_cast %add3A_859 : vector<16xf32> to vector<1x16xf32>
      tpu.vector_store %arg12[%swap3A_860, %swap3A_861], %swap3A_864 {strides = array<i32>} : memref<32x1024xf32, #tpu.memory_space<vmem>>, vector<1x16xf32>,
      %get3A_865 = arith.index_cast %scan3A_56 : i32 to index
      %get3A_866 = arith.constant 800 : index
      %get3A_867 = tpu.vector_load %arg12[%get3A_865, %get3A_866] {strides = array<i32>} : memref<32x1024xf32, #tpu.memory_space<vmem>>, vector<1x16xf32>,
      %get3A_868 = vector.shape_cast %get3A_867 : vector<1x16xf32> to vector<16xf32>
      %mul3A_869 = arith.mulf %get3A_868, %get3A_61 : vector<16xf32>
      %get3A_870 = arith.index_cast %scan3A_56 : i32 to index
      %get3A_871 = arith.constant 800 : index
      %get3A_872 = tpu.vector_load %arg13[%get3A_870, %get3A_871] {strides = array<i32>} : memref<32x1024xf32, #tpu.memory_space<vmem>>, vector<1x16xf32>,
      %get3A_873 = vector.shape_cast %get3A_872 : vector<1x16xf32> to vector<16xf32>
      %mul3A_874 = arith.mulf %get3A_873, %get3A_65 : vector<16xf32>
      %add3A_875 = arith.addf %mul3A_869, %mul3A_874 : vector<16xf32>
      %swap3A_876 = arith.index_cast %scan3A_56 : i32 to index
      %swap3A_877 = arith.constant 800 : index
      %swap3A_878 = tpu.vector_load %arg12[%swap3A_876, %swap3A_877] {strides = array<i32>} : memref<32x1024xf32, #tpu.memory_space<vmem>>, vector<1x16xf32>,
      %swap3A_879 = vector.shape_cast %swap3A_878 : vector<1x16xf32> to vector<16xf32>
      %swap3A_880 = vector.shape_cast %add3A_875 : vector<16xf32> to vector<1x16xf32>
      tpu.vector_store %arg12[%swap3A_876, %swap3A_877], %swap3A_880 {strides = array<i32>} : memref<32x1024xf32, #tpu.memory_space<vmem>>, vector<1x16xf32>,
      %get3A_881 = arith.index_cast %scan3A_56 : i32 to index
      %get3A_882 = arith.constant 816 : index
      %get3A_883 = tpu.vector_load %arg12[%get3A_881, %get3A_882] {strides = array<i32>} : memref<32x1024xf32, #tpu.memory_space<vmem>>, vector<1x16xf32>,
      %get3A_884 = vector.shape_cast %get3A_883 : vector<1x16xf32> to vector<16xf32>
      %mul3A_885 = arith.mulf %get3A_884, %get3A_61 : vector<16xf32>
      %get3A_886 = arith.index_cast %scan3A_56 : i32 to index
      %get3A_887 = arith.constant 816 : index
      %get3A_888 = tpu.vector_load %arg13[%get3A_886, %get3A_887] {strides = array<i32>} : memref<32x1024xf32, #tpu.memory_space<vmem>>, vector<1x16xf32>,
      %get3A_889 = vector.shape_cast %get3A_888 : vector<1x16xf32> to vector<16xf32>
      %mul3A_890 = arith.mulf %get3A_889, %get3A_65 : vector<16xf32>
      %add3A_891 = arith.addf %mul3A_885, %mul3A_890 : vector<16xf32>
      %swap3A_892 = arith.index_cast %scan3A_56 : i32 to index
      %swap3A_893 = arith.constant 816 : index
      %swap3A_894 = tpu.vector_load %arg12[%swap3A_892, %swap3A_893] {strides = array<i32>} : memref<32x1024xf32, #tpu.memory_space<vmem>>, vector<1x16xf32>,
      %swap3A_895 = vector.shape_cast %swap3A_894 : vector<1x16xf32> to vector<16xf32>
      %swap3A_896 = vector.shape_cast %add3A_891 : vector<16xf32> to vector<1x16xf32>
      tpu.vector_store %arg12[%swap3A_892, %swap3A_893], %swap3A_896 {strides = array<i32>} : memref<32x1024xf32, #tpu.memory_space<vmem>>, vector<1x16xf32>,
      %get3A_897 = arith.index_cast %scan3A_56 : i32 to index
      %get3A_898 = arith.constant 832 : index
      %get3A_899 = tpu.vector_load %arg12[%get3A_897, %get3A_898] {strides = array<i32>} : memref<32x1024xf32, #tpu.memory_space<vmem>>, vector<1x16xf32>,
      %get3A_900 = vector.shape_cast %get3A_899 : vector<1x16xf32> to vector<16xf32>
      %mul3A_901 = arith.mulf %get3A_900, %get3A_61 : vector<16xf32>
      %get3A_902 = arith.index_cast %scan3A_56 : i32 to index
      %get3A_903 = arith.constant 832 : index
      %get3A_904 = tpu.vector_load %arg13[%get3A_902, %get3A_903] {strides = array<i32>} : memref<32x1024xf32, #tpu.memory_space<vmem>>, vector<1x16xf32>,
      %get3A_905 = vector.shape_cast %get3A_904 : vector<1x16xf32> to vector<16xf32>
      %mul3A_906 = arith.mulf %get3A_905, %get3A_65 : vector<16xf32>
      %add3A_907 = arith.addf %mul3A_901, %mul3A_906 : vector<16xf32>
      %swap3A_908 = arith.index_cast %scan3A_56 : i32 to index
      %swap3A_909 = arith.constant 832 : index
      %swap3A_910 = tpu.vector_load %arg12[%swap3A_908, %swap3A_909] {strides = array<i32>} : memref<32x1024xf32, #tpu.memory_space<vmem>>, vector<1x16xf32>,
      %swap3A_911 = vector.shape_cast %swap3A_910 : vector<1x16xf32> to vector<16xf32>
      %swap3A_912 = vector.shape_cast %add3A_907 : vector<16xf32> to vector<1x16xf32>
      tpu.vector_store %arg12[%swap3A_908, %swap3A_909], %swap3A_912 {strides = array<i32>} : memref<32x1024xf32, #tpu.memory_space<vmem>>, vector<1x16xf32>,
      %get3A_913 = arith.index_cast %scan3A_56 : i32 to index
      %get3A_914 = arith.constant 848 : index
      %get3A_915 = tpu.vector_load %arg12[%get3A_913, %get3A_914] {strides = array<i32>} : memref<32x1024xf32, #tpu.memory_space<vmem>>, vector<1x16xf32>,
      %get3A_916 = vector.shape_cast %get3A_915 : vector<1x16xf32> to vector<16xf32>
      %mul3A_917 = arith.mulf %get3A_916, %get3A_61 : vector<16xf32>
      %get3A_918 = arith.index_cast %scan3A_56 : i32 to index
      %get3A_919 = arith.constant 848 : index
      %get3A_920 = tpu.vector_load %arg13[%get3A_918, %get3A_919] {strides = array<i32>} : memref<32x1024xf32, #tpu.memory_space<vmem>>, vector<1x16xf32>,
      %get3A_921 = vector.shape_cast %get3A_920 : vector<1x16xf32> to vector<16xf32>
      %mul3A_922 = arith.mulf %get3A_921, %get3A_65 : vector<16xf32>
      %add3A_923 = arith.addf %mul3A_917, %mul3A_922 : vector<16xf32>
      %swap3A_924 = arith.index_cast %scan3A_56 : i32 to index
      %swap3A_925 = arith.constant 848 : index
      %swap3A_926 = tpu.vector_load %arg12[%swap3A_924, %swap3A_925] {strides = array<i32>} : memref<32x1024xf32, #tpu.memory_space<vmem>>, vector<1x16xf32>,
      %swap3A_927 = vector.shape_cast %swap3A_926 : vector<1x16xf32> to vector<16xf32>
      %swap3A_928 = vector.shape_cast %add3A_923 : vector<16xf32> to vector<1x16xf32>
      tpu.vector_store %arg12[%swap3A_924, %swap3A_925], %swap3A_928 {strides = array<i32>} : memref<32x1024xf32, #tpu.memory_space<vmem>>, vector<1x16xf32>,
      %get3A_929 = arith.index_cast %scan3A_56 : i32 to index
      %get3A_930 = arith.constant 864 : index
      %get3A_931 = tpu.vector_load %arg12[%get3A_929, %get3A_930] {strides = array<i32>} : memref<32x1024xf32, #tpu.memory_space<vmem>>, vector<1x16xf32>,
      %get3A_932 = vector.shape_cast %get3A_931 : vector<1x16xf32> to vector<16xf32>
      %mul3A_933 = arith.mulf %get3A_932, %get3A_61 : vector<16xf32>
      %get3A_934 = arith.index_cast %scan3A_56 : i32 to index
      %get3A_935 = arith.constant 864 : index
      %get3A_936 = tpu.vector_load %arg13[%get3A_934, %get3A_935] {strides = array<i32>} : memref<32x1024xf32, #tpu.memory_space<vmem>>, vector<1x16xf32>,
      %get3A_937 = vector.shape_cast %get3A_936 : vector<1x16xf32> to vector<16xf32>
      %mul3A_938 = arith.mulf %get3A_937, %get3A_65 : vector<16xf32>
      %add3A_939 = arith.addf %mul3A_933, %mul3A_938 : vector<16xf32>
      %swap3A_940 = arith.index_cast %scan3A_56 : i32 to index
      %swap3A_941 = arith.constant 864 : index
      %swap3A_942 = tpu.vector_load %arg12[%swap3A_940, %swap3A_941] {strides = array<i32>} : memref<32x1024xf32, #tpu.memory_space<vmem>>, vector<1x16xf32>,
      %swap3A_943 = vector.shape_cast %swap3A_942 : vector<1x16xf32> to vector<16xf32>
      %swap3A_944 = vector.shape_cast %add3A_939 : vector<16xf32> to vector<1x16xf32>
      tpu.vector_store %arg12[%swap3A_940, %swap3A_941], %swap3A_944 {strides = array<i32>} : memref<32x1024xf32, #tpu.memory_space<vmem>>, vector<1x16xf32>,
      %get3A_945 = arith.index_cast %scan3A_56 : i32 to index
      %get3A_946 = arith.constant 880 : index
      %get3A_947 = tpu.vector_load %arg12[%get3A_945, %get3A_946] {strides = array<i32>} : memref<32x1024xf32, #tpu.memory_space<vmem>>, vector<1x16xf32>,
      %get3A_948 = vector.shape_cast %get3A_947 : vector<1x16xf32> to vector<16xf32>
      %mul3A_949 = arith.mulf %get3A_948, %get3A_61 : vector<16xf32>
      %get3A_950 = arith.index_cast %scan3A_56 : i32 to index
      %get3A_951 = arith.constant 880 : index
      %get3A_952 = tpu.vector_load %arg13[%get3A_950, %get3A_951] {strides = array<i32>} : memref<32x1024xf32, #tpu.memory_space<vmem>>, vector<1x16xf32>,
      %get3A_953 = vector.shape_cast %get3A_952 : vector<1x16xf32> to vector<16xf32>
      %mul3A_954 = arith.mulf %get3A_953, %get3A_65 : vector<16xf32>
      %add3A_955 = arith.addf %mul3A_949, %mul3A_954 : vector<16xf32>
      %swap3A_956 = arith.index_cast %scan3A_56 : i32 to index
      %swap3A_957 = arith.constant 880 : index
      %swap3A_958 = tpu.vector_load %arg12[%swap3A_956, %swap3A_957] {strides = array<i32>} : memref<32x1024xf32, #tpu.memory_space<vmem>>, vector<1x16xf32>,
      %swap3A_959 = vector.shape_cast %swap3A_958 : vector<1x16xf32> to vector<16xf32>
      %swap3A_960 = vector.shape_cast %add3A_955 : vector<16xf32> to vector<1x16xf32>
      tpu.vector_store %arg12[%swap3A_956, %swap3A_957], %swap3A_960 {strides = array<i32>} : memref<32x1024xf32, #tpu.memory_space<vmem>>, vector<1x16xf32>,
      %get3A_961 = arith.index_cast %scan3A_56 : i32 to index
      %get3A_962 = arith.constant 896 : index
      %get3A_963 = tpu.vector_load %arg12[%get3A_961, %get3A_962] {strides = array<i32>} : memref<32x1024xf32, #tpu.memory_space<vmem>>, vector<1x16xf32>,
      %get3A_964 = vector.shape_cast %get3A_963 : vector<1x16xf32> to vector<16xf32>
      %mul3A_965 = arith.mulf %get3A_964, %get3A_61 : vector<16xf32>
      %get3A_966 = arith.index_cast %scan3A_56 : i32 to index
      %get3A_967 = arith.constant 896 : index
      %get3A_968 = tpu.vector_load %arg13[%get3A_966, %get3A_967] {strides = array<i32>} : memref<32x1024xf32, #tpu.memory_space<vmem>>, vector<1x16xf32>,
      %get3A_969 = vector.shape_cast %get3A_968 : vector<1x16xf32> to vector<16xf32>
      %mul3A_970 = arith.mulf %get3A_969, %get3A_65 : vector<16xf32>
      %add3A_971 = arith.addf %mul3A_965, %mul3A_970 : vector<16xf32>
      %swap3A_972 = arith.index_cast %scan3A_56 : i32 to index
      %swap3A_973 = arith.constant 896 : index
      %swap3A_974 = tpu.vector_load %arg12[%swap3A_972, %swap3A_973] {strides = array<i32>} : memref<32x1024xf32, #tpu.memory_space<vmem>>, vector<1x16xf32>,
      %swap3A_975 = vector.shape_cast %swap3A_974 : vector<1x16xf32> to vector<16xf32>
      %swap3A_976 = vector.shape_cast %add3A_971 : vector<16xf32> to vector<1x16xf32>
      tpu.vector_store %arg12[%swap3A_972, %swap3A_973], %swap3A_976 {strides = array<i32>} : memref<32x1024xf32, #tpu.memory_space<vmem>>, vector<1x16xf32>,
      %get3A_977 = arith.index_cast %scan3A_56 : i32 to index
      %get3A_978 = arith.constant 912 : index
      %get3A_979 = tpu.vector_load %arg12[%get3A_977, %get3A_978] {strides = array<i32>} : memref<32x1024xf32, #tpu.memory_space<vmem>>, vector<1x16xf32>,
      %get3A_980 = vector.shape_cast %get3A_979 : vector<1x16xf32> to vector<16xf32>
      %mul3A_981 = arith.mulf %get3A_980, %get3A_61 : vector<16xf32>
      %get3A_982 = arith.index_cast %scan3A_56 : i32 to index
      %get3A_983 = arith.constant 912 : index
      %get3A_984 = tpu.vector_load %arg13[%get3A_982, %get3A_983] {strides = array<i32>} : memref<32x1024xf32, #tpu.memory_space<vmem>>, vector<1x16xf32>,
      %get3A_985 = vector.shape_cast %get3A_984 : vector<1x16xf32> to vector<16xf32>
      %mul3A_986 = arith.mulf %get3A_985, %get3A_65 : vector<16xf32>
      %add3A_987 = arith.addf %mul3A_981, %mul3A_986 : vector<16xf32>
      %swap3A_988 = arith.index_cast %scan3A_56 : i32 to index
      %swap3A_989 = arith.constant 912 : index
      %swap3A_990 = tpu.vector_load %arg12[%swap3A_988, %swap3A_989] {strides = array<i32>} : memref<32x1024xf32, #tpu.memory_space<vmem>>, vector<1x16xf32>,
      %swap3A_991 = vector.shape_cast %swap3A_990 : vector<1x16xf32> to vector<16xf32>
      %swap3A_992 = vector.shape_cast %add3A_987 : vector<16xf32> to vector<1x16xf32>
      tpu.vector_store %arg12[%swap3A_988, %swap3A_989], %swap3A_992 {strides = array<i32>} : memref<32x1024xf32, #tpu.memory_space<vmem>>, vector<1x16xf32>,
      %get3A_993 = arith.index_cast %scan3A_56 : i32 to index
      %get3A_994 = arith.constant 928 : index
      %get3A_995 = tpu.vector_load %arg12[%get3A_993, %get3A_994] {strides = array<i32>} : memref<32x1024xf32, #tpu.memory_space<vmem>>, vector<1x16xf32>,
      %get3A_996 = vector.shape_cast %get3A_995 : vector<1x16xf32> to vector<16xf32>
      %mul3A_997 = arith.mulf %get3A_996, %get3A_61 : vector<16xf32>
      %get3A_998 = arith.index_cast %scan3A_56 : i32 to index
      %get3A_999 = arith.constant 928 : index
      %get3A_1000 = tpu.vector_load %arg13[%get3A_998, %get3A_999] {strides = array<i32>} : memref<32x1024xf32, #tpu.memory_space<vmem>>, vector<1x16xf32>,
      %get3A_1001 = vector.shape_cast %get3A_1000 : vector<1x16xf32> to vector<16xf32>
      %mul3A_1002 = arith.mulf %get3A_1001, %get3A_65 : vector<16xf32>
      %add3A_1003 = arith.addf %mul3A_997, %mul3A_1002 : vector<16xf32>
      %swap3A_1004 = arith.index_cast %scan3A_56 : i32 to index
      %swap3A_1005 = arith.constant 928 : index
      %swap3A_1006 = tpu.vector_load %arg12[%swap3A_1004, %swap3A_1005] {strides = array<i32>} : memref<32x1024xf32, #tpu.memory_space<vmem>>, vector<1x16xf32>,
      %swap3A_1007 = vector.shape_cast %swap3A_1006 : vector<1x16xf32> to vector<16xf32>
      %swap3A_1008 = vector.shape_cast %add3A_1003 : vector<16xf32> to vector<1x16xf32>
      tpu.vector_store %arg12[%swap3A_1004, %swap3A_1005], %swap3A_1008 {strides = array<i32>} : memref<32x1024xf32, #tpu.memory_space<vmem>>, vector<1x16xf32>,
      %get3A_1009 = arith.index_cast %scan3A_56 : i32 to index
      %get3A_1010 = arith.constant 944 : index
      %get3A_1011 = tpu.vector_load %arg12[%get3A_1009, %get3A_1010] {strides = array<i32>} : memref<32x1024xf32, #tpu.memory_space<vmem>>, vector<1x16xf32>,
      %get3A_1012 = vector.shape_cast %get3A_1011 : vector<1x16xf32> to vector<16xf32>
      %mul3A_1013 = arith.mulf %get3A_1012, %get3A_61 : vector<16xf32>
      %get3A_1014 = arith.index_cast %scan3A_56 : i32 to index
      %get3A_1015 = arith.constant 944 : index
      %get3A_1016 = tpu.vector_load %arg13[%get3A_1014, %get3A_1015] {strides = array<i32>} : memref<32x1024xf32, #tpu.memory_space<vmem>>, vector<1x16xf32>,
      %get3A_1017 = vector.shape_cast %get3A_1016 : vector<1x16xf32> to vector<16xf32>
      %mul3A_1018 = arith.mulf %get3A_1017, %get3A_65 : vector<16xf32>
      %add3A_1019 = arith.addf %mul3A_1013, %mul3A_1018 : vector<16xf32>
      %swap3A_1020 = arith.index_cast %scan3A_56 : i32 to index
      %swap3A_1021 = arith.constant 944 : index
      %swap3A_1022 = tpu.vector_load %arg12[%swap3A_1020, %swap3A_1021] {strides = array<i32>} : memref<32x1024xf32, #tpu.memory_space<vmem>>, vector<1x16xf32>,
      %swap3A_1023 = vector.shape_cast %swap3A_1022 : vector<1x16xf32> to vector<16xf32>
      %swap3A_1024 = vector.shape_cast %add3A_1019 : vector<16xf32> to vector<1x16xf32>
      tpu.vector_store %arg12[%swap3A_1020, %swap3A_1021], %swap3A_1024 {strides = array<i32>} : memref<32x1024xf32, #tpu.memory_space<vmem>>, vector<1x16xf32>,
      %get3A_1025 = arith.index_cast %scan3A_56 : i32 to index
      %get3A_1026 = arith.constant 960 : index
      %get3A_1027 = tpu.vector_load %arg12[%get3A_1025, %get3A_1026] {strides = array<i32>} : memref<32x1024xf32, #tpu.memory_space<vmem>>, vector<1x16xf32>,
      %get3A_1028 = vector.shape_cast %get3A_1027 : vector<1x16xf32> to vector<16xf32>
      %mul3A_1029 = arith.mulf %get3A_1028, %get3A_61 : vector<16xf32>
      %get3A_1030 = arith.index_cast %scan3A_56 : i32 to index
      %get3A_1031 = arith.constant 960 : index
      %get3A_1032 = tpu.vector_load %arg13[%get3A_1030, %get3A_1031] {strides = array<i32>} : memref<32x1024xf32, #tpu.memory_space<vmem>>, vector<1x16xf32>,
      %get3A_1033 = vector.shape_cast %get3A_1032 : vector<1x16xf32> to vector<16xf32>
      %mul3A_1034 = arith.mulf %get3A_1033, %get3A_65 : vector<16xf32>
      %add3A_1035 = arith.addf %mul3A_1029, %mul3A_1034 : vector<16xf32>
      %swap3A_1036 = arith.index_cast %scan3A_56 : i32 to index
      %swap3A_1037 = arith.constant 960 : index
      %swap3A_1038 = tpu.vector_load %arg12[%swap3A_1036, %swap3A_1037] {strides = array<i32>} : memref<32x1024xf32, #tpu.memory_space<vmem>>, vector<1x16xf32>,
      %swap3A_1039 = vector.shape_cast %swap3A_1038 : vector<1x16xf32> to vector<16xf32>
      %swap3A_1040 = vector.shape_cast %add3A_1035 : vector<16xf32> to vector<1x16xf32>
      tpu.vector_store %arg12[%swap3A_1036, %swap3A_1037], %swap3A_1040 {strides = array<i32>} : memref<32x1024xf32, #tpu.memory_space<vmem>>, vector<1x16xf32>,
      %get3A_1041 = arith.index_cast %scan3A_56 : i32 to index
      %get3A_1042 = arith.constant 976 : index
      %get3A_1043 = tpu.vector_load %arg12[%get3A_1041, %get3A_1042] {strides = array<i32>} : memref<32x1024xf32, #tpu.memory_space<vmem>>, vector<1x16xf32>,
      %get3A_1044 = vector.shape_cast %get3A_1043 : vector<1x16xf32> to vector<16xf32>
      %mul3A_1045 = arith.mulf %get3A_1044, %get3A_61 : vector<16xf32>
      %get3A_1046 = arith.index_cast %scan3A_56 : i32 to index
      %get3A_1047 = arith.constant 976 : index
      %get3A_1048 = tpu.vector_load %arg13[%get3A_1046, %get3A_1047] {strides = array<i32>} : memref<32x1024xf32, #tpu.memory_space<vmem>>, vector<1x16xf32>,
      %get3A_1049 = vector.shape_cast %get3A_1048 : vector<1x16xf32> to vector<16xf32>
      %mul3A_1050 = arith.mulf %get3A_1049, %get3A_65 : vector<16xf32>
      %add3A_1051 = arith.addf %mul3A_1045, %mul3A_1050 : vector<16xf32>
      %swap3A_1052 = arith.index_cast %scan3A_56 : i32 to index
      %swap3A_1053 = arith.constant 976 : index
      %swap3A_1054 = tpu.vector_load %arg12[%swap3A_1052, %swap3A_1053] {strides = array<i32>} : memref<32x1024xf32, #tpu.memory_space<vmem>>, vector<1x16xf32>,
      %swap3A_1055 = vector.shape_cast %swap3A_1054 : vector<1x16xf32> to vector<16xf32>
      %swap3A_1056 = vector.shape_cast %add3A_1051 : vector<16xf32> to vector<1x16xf32>
      tpu.vector_store %arg12[%swap3A_1052, %swap3A_1053], %swap3A_1056 {strides = array<i32>} : memref<32x1024xf32, #tpu.memory_space<vmem>>, vector<1x16xf32>,
      %get3A_1057 = arith.index_cast %scan3A_56 : i32 to index
      %get3A_1058 = arith.constant 992 : index
      %get3A_1059 = tpu.vector_load %arg12[%get3A_1057, %get3A_1058] {strides = array<i32>} : memref<32x1024xf32, #tpu.memory_space<vmem>>, vector<1x16xf32>,
      %get3A_1060 = vector.shape_cast %get3A_1059 : vector<1x16xf32> to vector<16xf32>
      %mul3A_1061 = arith.mulf %get3A_1060, %get3A_61 : vector<16xf32>
      %get3A_1062 = arith.index_cast %scan3A_56 : i32 to index
      %get3A_1063 = arith.constant 992 : index
      %get3A_1064 = tpu.vector_load %arg13[%get3A_1062, %get3A_1063] {strides = array<i32>} : memref<32x1024xf32, #tpu.memory_space<vmem>>, vector<1x16xf32>,
      %get3A_1065 = vector.shape_cast %get3A_1064 : vector<1x16xf32> to vector<16xf32>
      %mul3A_1066 = arith.mulf %get3A_1065, %get3A_65 : vector<16xf32>
      %add3A_1067 = arith.addf %mul3A_1061, %mul3A_1066 : vector<16xf32>
      %swap3A_1068 = arith.index_cast %scan3A_56 : i32 to index
      %swap3A_1069 = arith.constant 992 : index
      %swap3A_1070 = tpu.vector_load %arg12[%swap3A_1068, %swap3A_1069] {strides = array<i32>} : memref<32x1024xf32, #tpu.memory_space<vmem>>, vector<1x16xf32>,
      %swap3A_1071 = vector.shape_cast %swap3A_1070 : vector<1x16xf32> to vector<16xf32>
      %swap3A_1072 = vector.shape_cast %add3A_1067 : vector<16xf32> to vector<1x16xf32>
      tpu.vector_store %arg12[%swap3A_1068, %swap3A_1069], %swap3A_1072 {strides = array<i32>} : memref<32x1024xf32, #tpu.memory_space<vmem>>, vector<1x16xf32>,
      %get3A_1073 = arith.index_cast %scan3A_56 : i32 to index
      %get3A_1074 = arith.constant 1008 : index
      %get3A_1075 = tpu.vector_load %arg12[%get3A_1073, %get3A_1074] {strides = array<i32>} : memref<32x1024xf32, #tpu.memory_space<vmem>>, vector<1x16xf32>,
      %get3A_1076 = vector.shape_cast %get3A_1075 : vector<1x16xf32> to vector<16xf32>
      %mul3A_1077 = arith.mulf %get3A_1076, %get3A_61 : vector<16xf32>
      %get3A_1078 = arith.index_cast %scan3A_56 : i32 to index
      %get3A_1079 = arith.constant 1008 : index
      %get3A_1080 = tpu.vector_load %arg13[%get3A_1078, %get3A_1079] {strides = array<i32>} : memref<32x1024xf32, #tpu.memory_space<vmem>>, vector<1x16xf32>,
      %get3A_1081 = vector.shape_cast %get3A_1080 : vector<1x16xf32> to vector<16xf32>
      %mul3A_1082 = arith.mulf %get3A_1081, %get3A_65 : vector<16xf32>
      %add3A_1083 = arith.addf %mul3A_1077, %mul3A_1082 : vector<16xf32>
      %swap3A_1084 = arith.index_cast %scan3A_56 : i32 to index
      %swap3A_1085 = arith.constant 1008 : index
      %swap3A_1086 = tpu.vector_load %arg12[%swap3A_1084, %swap3A_1085] {strides = array<i32>} : memref<32x1024xf32, #tpu.memory_space<vmem>>, vector<1x16xf32>,
      %swap3A_1087 = vector.shape_cast %swap3A_1086 : vector<1x16xf32> to vector<16xf32>
      %swap3A_1088 = vector.shape_cast %add3A_1083 : vector<16xf32> to vector<1x16xf32>
      tpu.vector_store %arg12[%swap3A_1084, %swap3A_1085], %swap3A_1088 {strides = array<i32>} : memref<32x1024xf32, #tpu.memory_space<vmem>>, vector<1x16xf32>,
    }
    %scan3A_25 = arith.constant 32 : i32
    %add3A_26 = arith.constant 0 : i32
    %add3A_27 = arith.addi %mul3A_2, %add3A_26 : i32
    "tpu.region"() ({
      %run_scoped3A = tpu.sem_alloc : memref<!tpu.dma_semaphore, #tpu.memory_space<semaphore_mem>>
      %dma_start3A_56 = arith.constant 0 : i32
      %dma_start3A_57 = tpu.memref_slice %arg7[%add3A_27, %dma_start3A_56] : memref<2048x1024xf32, #tpu.memory_space<hbm>> -> memref<32x1024xf32, #tpu.memory_space<hbm>>
      %dma_start3A_58 = arith.constant 0 : i32
      %dma_start3A_59 = tpu.memref_slice %arg7[%add3A_27, %dma_start3A_58] : memref<2048x1024xf32, #tpu.memory_space<hbm>> -> memref<32x1024xf32, #tpu.memory_space<hbm>>
      tpu.enqueue_dma source(%arg12 : memref<32x1024xf32, #tpu.memory_space<vmem>>) target(%dma_start3A_59 : memref<32x1024xf32, #tpu.memory_space<hbm>>) target_semaphore(%run_scoped3A : memref<!tpu.dma_semaphore, #tpu.memory_space<semaphore_mem>>)
      %dma_wait3A_60 = arith.constant 0 : i32
      %dma_wait3A_61 = tpu.memref_slice %arg7[%add3A_27, %dma_wait3A_60] : memref<2048x1024xf32, #tpu.memory_space<hbm>> -> memref<32x1024xf32, #tpu.memory_space<hbm>>
      %dma_wait3A_62 = arith.constant 0 : i32
      %dma_wait3A_63 = tpu.memref_slice %arg7[%add3A_27, %dma_wait3A_62] : memref<2048x1024xf32, #tpu.memory_space<hbm>> -> memref<32x1024xf32, #tpu.memory_space<hbm>>
      tpu.wait_dma2 semaphore(%run_scoped3A : memref<!tpu.dma_semaphore, #tpu.memory_space<semaphore_mem>>) src(%arg12 : memref<32x1024xf32, #tpu.memory_space<vmem>>) dst(%dma_wait3A_63 : memref<32x1024xf32, #tpu.memory_space<hbm>>)
      tpu.yield
    }) : () -> ()
    %dma_start3A_28 = arith.constant 32 : i32
    %dma_start3A_29 = tpu.memref_slice %arg8[%dma_start3A_28] : memref<64xi32, #tpu.memory_space<vmem>> -> memref<32xi32, #tpu.memory_space<vmem>>
    %dma_start3A_30 = arith.constant 0 : i32
    %dma_start3A_31 = arith.constant 0 : i32
    %dma_start3A_32 = tpu.memref_slice %arg2[%dma_start3A_30, %dma_start3A_31] : memref<6144x1024xf32, #tpu.memory_space<hbm>> -> memref<6144x1024xf32, #tpu.memory_space<hbm>>
    tpu.enqueue_indirect_dma source(%dma_start3A_32 : memref<6144x1024xf32, #tpu.memory_space<hbm>>) target(%arg12 : memref<32x1024xf32, #tpu.memory_space<vmem>>) offsets(%dma_start3A_29 : memref<32xi32, #tpu.memory_space<vmem>>) semaphore(%arg14 : memref<!tpu.dma_semaphore, #tpu.memory_space<semaphore_mem>>)
    %dma_wait3A_33 = arith.constant 32 : i32
    %dma_wait3A_34 = tpu.memref_slice %arg8[%dma_wait3A_33] : memref<64xi32, #tpu.memory_space<vmem>> -> memref<32xi32, #tpu.memory_space<vmem>>
    %dma_wait3A_35 = arith.constant 0 : i32
    %dma_wait3A_36 = arith.constant 0 : i32
    %dma_wait3A_37 = tpu.memref_slice %arg2[%dma_wait3A_35, %dma_wait3A_36] : memref<6144x1024xf32, #tpu.memory_space<hbm>> -> memref<6144x1024xf32, #tpu.memory_space<hbm>>
    tpu.wait_indirect_dma semaphore(%arg14 : memref<!tpu.dma_semaphore, #tpu.memory_space<semaphore_mem>>) src(%dma_wait3A_37 : memref<6144x1024xf32, #tpu.memory_space<hbm>>) dst(%arg12 : memref<32x1024xf32, #tpu.memory_space<vmem>>)
    %dma_start3A_38 = arith.constant 32 : i32
    %dma_start3A_39 = tpu.memref_slice %arg9[%dma_start3A_38] : memref<64xi32, #tpu.memory_space<vmem>> -> memref<32xi32, #tpu.memory_space<vmem>>
    %dma_start3A_40 = arith.constant 0 : i32
    %dma_start3A_41 = arith.constant 0 : i32
    %dma_start3A_42 = tpu.memref_slice %arg2[%dma_start3A_40, %dma_start3A_41] : memref<6144x1024xf32, #tpu.memory_space<hbm>> -> memref<6144x1024xf32, #tpu.memory_space<hbm>>
    tpu.enqueue_indirect_dma source(%dma_start3A_42 : memref<6144x1024xf32, #tpu.memory_space<hbm>>) target(%arg13 : memref<32x1024xf32, #tpu.memory_space<vmem>>) offsets(%dma_start3A_39 : memref<32xi32, #tpu.memory_space<vmem>>) semaphore(%arg14 : memref<!tpu.dma_semaphore, #tpu.memory_space<semaphore_mem>>)
    %dma_wait3A_43 = arith.constant 32 : i32
    %dma_wait3A_44 = tpu.memref_slice %arg9[%dma_wait3A_43] : memref<64xi32, #tpu.memory_space<vmem>> -> memref<32xi32, #tpu.memory_space<vmem>>
    %dma_wait3A_45 = arith.constant 0 : i32
    %dma_wait3A_46 = arith.constant 0 : i32
    %dma_wait3A_47 = tpu.memref_slice %arg2[%dma_wait3A_45, %dma_wait3A_46] : memref<6144x1024xf32, #tpu.memory_space<hbm>> -> memref<6144x1024xf32, #tpu.memory_space<hbm>>
    tpu.wait_indirect_dma semaphore(%arg14 : memref<!tpu.dma_semaphore, #tpu.memory_space<semaphore_mem>>) src(%dma_wait3A_47 : memref<6144x1024xf32, #tpu.memory_space<hbm>>) dst(%arg13 : memref<32x1024xf32, #tpu.memory_space<vmem>>)
    %scan3A_48 = arith.constant 0 : i32
    %scan3A_49 = arith.constant 0 : i32
    %scan3A_50 = arith.constant 32 : i32
    %scan3A_51 = arith.addi %scan3A_49, %scan3A_50 : i32
    %scan3A_52 = arith.constant 1 : i32
    scf.for %scan3A_56 = %scan3A_49 to %scan3A_51 step %scan3A_52  : i32 {
      %add3A_57 = arith.constant 32 : i32
      %add3A_58 = arith.addi %add3A_57, %scan3A_56 : i32
      %get3A = arith.index_cast %add3A_58 : i32 to index
      %get3A_59 = arith.constant 0 : index
      %get3A_60 = tpu.vector_load %arg10[%get3A, %get3A_59] {strides = array<i32>} : memref<64x16xf32, #tpu.memory_space<vmem>>, vector<1x16xf32>,
      %get3A_61 = vector.shape_cast %get3A_60 : vector<1x16xf32> to vector<16xf32>
      %get3A_62 = arith.index_cast %add3A_58 : i32 to index
      %get3A_63 = arith.constant 0 : index
      %get3A_64 = tpu.vector_load %arg11[%get3A_62, %get3A_63] {strides = array<i32>} : memref<64x16xf32, #tpu.memory_space<vmem>>, vector<1x16xf32>,
      %get3A_65 = vector.shape_cast %get3A_64 : vector<1x16xf32> to vector<16xf32>
      %get3A_66 = arith.index_cast %scan3A_56 : i32 to index
      %get3A_67 = arith.constant 0 : index
      %get3A_68 = tpu.vector_load %arg12[%get3A_66, %get3A_67] {strides = array<i32>} : memref<32x1024xf32, #tpu.memory_space<vmem>>, vector<1x16xf32>,
      %get3A_69 = vector.shape_cast %get3A_68 : vector<1x16xf32> to vector<16xf32>
      %mul3A_70 = arith.mulf %get3A_69, %get3A_61 : vector<16xf32>
      %get3A_71 = arith.index_cast %scan3A_56 : i32 to index
      %get3A_72 = arith.constant 0 : index
      %get3A_73 = tpu.vector_load %arg13[%get3A_71, %get3A_72] {strides = array<i32>} : memref<32x1024xf32, #tpu.memory_space<vmem>>, vector<1x16xf32>,
      %get3A_74 = vector.shape_cast %get3A_73 : vector<1x16xf32> to vector<16xf32>
      %mul3A_75 = arith.mulf %get3A_74, %get3A_65 : vector<16xf32>
      %add3A_76 = arith.addf %mul3A_70, %mul3A_75 : vector<16xf32>
      %swap3A = arith.index_cast %scan3A_56 : i32 to index
      %swap3A_77 = arith.constant 0 : index
      %swap3A_78 = tpu.vector_load %arg12[%swap3A, %swap3A_77] {strides = array<i32>} : memref<32x1024xf32, #tpu.memory_space<vmem>>, vector<1x16xf32>,
      %swap3A_79 = vector.shape_cast %swap3A_78 : vector<1x16xf32> to vector<16xf32>
      %swap3A_80 = vector.shape_cast %add3A_76 : vector<16xf32> to vector<1x16xf32>
      tpu.vector_store %arg12[%swap3A, %swap3A_77], %swap3A_80 {strides = array<i32>} : memref<32x1024xf32, #tpu.memory_space<vmem>>, vector<1x16xf32>,
      %get3A_81 = arith.index_cast %scan3A_56 : i32 to index
      %get3A_82 = arith.constant 16 : index
      %get3A_83 = tpu.vector_load %arg12[%get3A_81, %get3A_82] {strides = array<i32>} : memref<32x1024xf32, #tpu.memory_space<vmem>>, vector<1x16xf32>,
      %get3A_84 = vector.shape_cast %get3A_83 : vector<1x16xf32> to vector<16xf32>
      %mul3A_85 = arith.mulf %get3A_84, %get3A_61 : vector<16xf32>
      %get3A_86 = arith.index_cast %scan3A_56 : i32 to index
      %get3A_87 = arith.constant 16 : index
      %get3A_88 = tpu.vector_load %arg13[%get3A_86, %get3A_87] {strides = array<i32>} : memref<32x1024xf32, #tpu.memory_space<vmem>>, vector<1x16xf32>,
      %get3A_89 = vector.shape_cast %get3A_88 : vector<1x16xf32> to vector<16xf32>
      %mul3A_90 = arith.mulf %get3A_89, %get3A_65 : vector<16xf32>
      %add3A_91 = arith.addf %mul3A_85, %mul3A_90 : vector<16xf32>
      %swap3A_92 = arith.index_cast %scan3A_56 : i32 to index
      %swap3A_93 = arith.constant 16 : index
      %swap3A_94 = tpu.vector_load %arg12[%swap3A_92, %swap3A_93] {strides = array<i32>} : memref<32x1024xf32, #tpu.memory_space<vmem>>, vector<1x16xf32>,
      %swap3A_95 = vector.shape_cast %swap3A_94 : vector<1x16xf32> to vector<16xf32>
      %swap3A_96 = vector.shape_cast %add3A_91 : vector<16xf32> to vector<1x16xf32>
      tpu.vector_store %arg12[%swap3A_92, %swap3A_93], %swap3A_96 {strides = array<i32>} : memref<32x1024xf32, #tpu.memory_space<vmem>>, vector<1x16xf32>,
      %get3A_97 = arith.index_cast %scan3A_56 : i32 to index
      %get3A_98 = arith.constant 32 : index
      %get3A_99 = tpu.vector_load %arg12[%get3A_97, %get3A_98] {strides = array<i32>} : memref<32x1024xf32, #tpu.memory_space<vmem>>, vector<1x16xf32>,
      %get3A_100 = vector.shape_cast %get3A_99 : vector<1x16xf32> to vector<16xf32>
      %mul3A_101 = arith.mulf %get3A_100, %get3A_61 : vector<16xf32>
      %get3A_102 = arith.index_cast %scan3A_56 : i32 to index
      %get3A_103 = arith.constant 32 : index
      %get3A_104 = tpu.vector_load %arg13[%get3A_102, %get3A_103] {strides = array<i32>} : memref<32x1024xf32, #tpu.memory_space<vmem>>, vector<1x16xf32>,
      %get3A_105 = vector.shape_cast %get3A_104 : vector<1x16xf32> to vector<16xf32>
      %mul3A_106 = arith.mulf %get3A_105, %get3A_65 : vector<16xf32>
      %add3A_107 = arith.addf %mul3A_101, %mul3A_106 : vector<16xf32>
      %swap3A_108 = arith.index_cast %scan3A_56 : i32 to index
      %swap3A_109 = arith.constant 32 : index
      %swap3A_110 = tpu.vector_load %arg12[%swap3A_108, %swap3A_109] {strides = array<i32>} : memref<32x1024xf32, #tpu.memory_space<vmem>>, vector<1x16xf32>,
      %swap3A_111 = vector.shape_cast %swap3A_110 : vector<1x16xf32> to vector<16xf32>
      %swap3A_112 = vector.shape_cast %add3A_107 : vector<16xf32> to vector<1x16xf32>
      tpu.vector_store %arg12[%swap3A_108, %swap3A_109], %swap3A_112 {strides = array<i32>} : memref<32x1024xf32, #tpu.memory_space<vmem>>, vector<1x16xf32>,
      %get3A_113 = arith.index_cast %scan3A_56 : i32 to index
      %get3A_114 = arith.constant 48 : index
      %get3A_115 = tpu.vector_load %arg12[%get3A_113, %get3A_114] {strides = array<i32>} : memref<32x1024xf32, #tpu.memory_space<vmem>>, vector<1x16xf32>,
      %get3A_116 = vector.shape_cast %get3A_115 : vector<1x16xf32> to vector<16xf32>
      %mul3A_117 = arith.mulf %get3A_116, %get3A_61 : vector<16xf32>
      %get3A_118 = arith.index_cast %scan3A_56 : i32 to index
      %get3A_119 = arith.constant 48 : index
      %get3A_120 = tpu.vector_load %arg13[%get3A_118, %get3A_119] {strides = array<i32>} : memref<32x1024xf32, #tpu.memory_space<vmem>>, vector<1x16xf32>,
      %get3A_121 = vector.shape_cast %get3A_120 : vector<1x16xf32> to vector<16xf32>
      %mul3A_122 = arith.mulf %get3A_121, %get3A_65 : vector<16xf32>
      %add3A_123 = arith.addf %mul3A_117, %mul3A_122 : vector<16xf32>
      %swap3A_124 = arith.index_cast %scan3A_56 : i32 to index
      %swap3A_125 = arith.constant 48 : index
      %swap3A_126 = tpu.vector_load %arg12[%swap3A_124, %swap3A_125] {strides = array<i32>} : memref<32x1024xf32, #tpu.memory_space<vmem>>, vector<1x16xf32>,
      %swap3A_127 = vector.shape_cast %swap3A_126 : vector<1x16xf32> to vector<16xf32>
      %swap3A_128 = vector.shape_cast %add3A_123 : vector<16xf32> to vector<1x16xf32>
      tpu.vector_store %arg12[%swap3A_124, %swap3A_125], %swap3A_128 {strides = array<i32>} : memref<32x1024xf32, #tpu.memory_space<vmem>>, vector<1x16xf32>,
      %get3A_129 = arith.index_cast %scan3A_56 : i32 to index
      %get3A_130 = arith.constant 64 : index
      %get3A_131 = tpu.vector_load %arg12[%get3A_129, %get3A_130] {strides = array<i32>} : memref<32x1024xf32, #tpu.memory_space<vmem>>, vector<1x16xf32>,
      %get3A_132 = vector.shape_cast %get3A_131 : vector<1x16xf32> to vector<16xf32>
      %mul3A_133 = arith.mulf %get3A_132, %get3A_61 : vector<16xf32>
      %get3A_134 = arith.index_cast %scan3A_56 : i32 to index
      %get3A_135 = arith.constant 64 : index
      %get3A_136 = tpu.vector_load %arg13[%get3A_134, %get3A_135] {strides = array<i32>} : memref<32x1024xf32, #tpu.memory_space<vmem>>, vector<1x16xf32>,
      %get3A_137 = vector.shape_cast %get3A_136 : vector<1x16xf32> to vector<16xf32>
      %mul3A_138 = arith.mulf %get3A_137, %get3A_65 : vector<16xf32>
      %add3A_139 = arith.addf %mul3A_133, %mul3A_138 : vector<16xf32>
      %swap3A_140 = arith.index_cast %scan3A_56 : i32 to index
      %swap3A_141 = arith.constant 64 : index
      %swap3A_142 = tpu.vector_load %arg12[%swap3A_140, %swap3A_141] {strides = array<i32>} : memref<32x1024xf32, #tpu.memory_space<vmem>>, vector<1x16xf32>,
      %swap3A_143 = vector.shape_cast %swap3A_142 : vector<1x16xf32> to vector<16xf32>
      %swap3A_144 = vector.shape_cast %add3A_139 : vector<16xf32> to vector<1x16xf32>
      tpu.vector_store %arg12[%swap3A_140, %swap3A_141], %swap3A_144 {strides = array<i32>} : memref<32x1024xf32, #tpu.memory_space<vmem>>, vector<1x16xf32>,
      %get3A_145 = arith.index_cast %scan3A_56 : i32 to index
      %get3A_146 = arith.constant 80 : index
      %get3A_147 = tpu.vector_load %arg12[%get3A_145, %get3A_146] {strides = array<i32>} : memref<32x1024xf32, #tpu.memory_space<vmem>>, vector<1x16xf32>,
      %get3A_148 = vector.shape_cast %get3A_147 : vector<1x16xf32> to vector<16xf32>
      %mul3A_149 = arith.mulf %get3A_148, %get3A_61 : vector<16xf32>
      %get3A_150 = arith.index_cast %scan3A_56 : i32 to index
      %get3A_151 = arith.constant 80 : index
      %get3A_152 = tpu.vector_load %arg13[%get3A_150, %get3A_151] {strides = array<i32>} : memref<32x1024xf32, #tpu.memory_space<vmem>>, vector<1x16xf32>,
      %get3A_153 = vector.shape_cast %get3A_152 : vector<1x16xf32> to vector<16xf32>
      %mul3A_154 = arith.mulf %get3A_153, %get3A_65 : vector<16xf32>
      %add3A_155 = arith.addf %mul3A_149, %mul3A_154 : vector<16xf32>
      %swap3A_156 = arith.index_cast %scan3A_56 : i32 to index
      %swap3A_157 = arith.constant 80 : index
      %swap3A_158 = tpu.vector_load %arg12[%swap3A_156, %swap3A_157] {strides = array<i32>} : memref<32x1024xf32, #tpu.memory_space<vmem>>, vector<1x16xf32>,
      %swap3A_159 = vector.shape_cast %swap3A_158 : vector<1x16xf32> to vector<16xf32>
      %swap3A_160 = vector.shape_cast %add3A_155 : vector<16xf32> to vector<1x16xf32>
      tpu.vector_store %arg12[%swap3A_156, %swap3A_157], %swap3A_160 {strides = array<i32>} : memref<32x1024xf32, #tpu.memory_space<vmem>>, vector<1x16xf32>,
      %get3A_161 = arith.index_cast %scan3A_56 : i32 to index
      %get3A_162 = arith.constant 96 : index
      %get3A_163 = tpu.vector_load %arg12[%get3A_161, %get3A_162] {strides = array<i32>} : memref<32x1024xf32, #tpu.memory_space<vmem>>, vector<1x16xf32>,
      %get3A_164 = vector.shape_cast %get3A_163 : vector<1x16xf32> to vector<16xf32>
      %mul3A_165 = arith.mulf %get3A_164, %get3A_61 : vector<16xf32>
      %get3A_166 = arith.index_cast %scan3A_56 : i32 to index
      %get3A_167 = arith.constant 96 : index
      %get3A_168 = tpu.vector_load %arg13[%get3A_166, %get3A_167] {strides = array<i32>} : memref<32x1024xf32, #tpu.memory_space<vmem>>, vector<1x16xf32>,
      %get3A_169 = vector.shape_cast %get3A_168 : vector<1x16xf32> to vector<16xf32>
      %mul3A_170 = arith.mulf %get3A_169, %get3A_65 : vector<16xf32>
      %add3A_171 = arith.addf %mul3A_165, %mul3A_170 : vector<16xf32>
      %swap3A_172 = arith.index_cast %scan3A_56 : i32 to index
      %swap3A_173 = arith.constant 96 : index
      %swap3A_174 = tpu.vector_load %arg12[%swap3A_172, %swap3A_173] {strides = array<i32>} : memref<32x1024xf32, #tpu.memory_space<vmem>>, vector<1x16xf32>,
      %swap3A_175 = vector.shape_cast %swap3A_174 : vector<1x16xf32> to vector<16xf32>
      %swap3A_176 = vector.shape_cast %add3A_171 : vector<16xf32> to vector<1x16xf32>
      tpu.vector_store %arg12[%swap3A_172, %swap3A_173], %swap3A_176 {strides = array<i32>} : memref<32x1024xf32, #tpu.memory_space<vmem>>, vector<1x16xf32>,
      %get3A_177 = arith.index_cast %scan3A_56 : i32 to index
      %get3A_178 = arith.constant 112 : index
      %get3A_179 = tpu.vector_load %arg12[%get3A_177, %get3A_178] {strides = array<i32>} : memref<32x1024xf32, #tpu.memory_space<vmem>>, vector<1x16xf32>,
      %get3A_180 = vector.shape_cast %get3A_179 : vector<1x16xf32> to vector<16xf32>
      %mul3A_181 = arith.mulf %get3A_180, %get3A_61 : vector<16xf32>
      %get3A_182 = arith.index_cast %scan3A_56 : i32 to index
      %get3A_183 = arith.constant 112 : index
      %get3A_184 = tpu.vector_load %arg13[%get3A_182, %get3A_183] {strides = array<i32>} : memref<32x1024xf32, #tpu.memory_space<vmem>>, vector<1x16xf32>,
      %get3A_185 = vector.shape_cast %get3A_184 : vector<1x16xf32> to vector<16xf32>
      %mul3A_186 = arith.mulf %get3A_185, %get3A_65 : vector<16xf32>
      %add3A_187 = arith.addf %mul3A_181, %mul3A_186 : vector<16xf32>
      %swap3A_188 = arith.index_cast %scan3A_56 : i32 to index
      %swap3A_189 = arith.constant 112 : index
      %swap3A_190 = tpu.vector_load %arg12[%swap3A_188, %swap3A_189] {strides = array<i32>} : memref<32x1024xf32, #tpu.memory_space<vmem>>, vector<1x16xf32>,
      %swap3A_191 = vector.shape_cast %swap3A_190 : vector<1x16xf32> to vector<16xf32>
      %swap3A_192 = vector.shape_cast %add3A_187 : vector<16xf32> to vector<1x16xf32>
      tpu.vector_store %arg12[%swap3A_188, %swap3A_189], %swap3A_192 {strides = array<i32>} : memref<32x1024xf32, #tpu.memory_space<vmem>>, vector<1x16xf32>,
      %get3A_193 = arith.index_cast %scan3A_56 : i32 to index
      %get3A_194 = arith.constant 128 : index
      %get3A_195 = tpu.vector_load %arg12[%get3A_193, %get3A_194] {strides = array<i32>} : memref<32x1024xf32, #tpu.memory_space<vmem>>, vector<1x16xf32>,
      %get3A_196 = vector.shape_cast %get3A_195 : vector<1x16xf32> to vector<16xf32>
      %mul3A_197 = arith.mulf %get3A_196, %get3A_61 : vector<16xf32>
      %get3A_198 = arith.index_cast %scan3A_56 : i32 to index
      %get3A_199 = arith.constant 128 : index
      %get3A_200 = tpu.vector_load %arg13[%get3A_198, %get3A_199] {strides = array<i32>} : memref<32x1024xf32, #tpu.memory_space<vmem>>, vector<1x16xf32>,
      %get3A_201 = vector.shape_cast %get3A_200 : vector<1x16xf32> to vector<16xf32>
      %mul3A_202 = arith.mulf %get3A_201, %get3A_65 : vector<16xf32>
      %add3A_203 = arith.addf %mul3A_197, %mul3A_202 : vector<16xf32>
      %swap3A_204 = arith.index_cast %scan3A_56 : i32 to index
      %swap3A_205 = arith.constant 128 : index
      %swap3A_206 = tpu.vector_load %arg12[%swap3A_204, %swap3A_205] {strides = array<i32>} : memref<32x1024xf32, #tpu.memory_space<vmem>>, vector<1x16xf32>,
      %swap3A_207 = vector.shape_cast %swap3A_206 : vector<1x16xf32> to vector<16xf32>
      %swap3A_208 = vector.shape_cast %add3A_203 : vector<16xf32> to vector<1x16xf32>
      tpu.vector_store %arg12[%swap3A_204, %swap3A_205], %swap3A_208 {strides = array<i32>} : memref<32x1024xf32, #tpu.memory_space<vmem>>, vector<1x16xf32>,
      %get3A_209 = arith.index_cast %scan3A_56 : i32 to index
      %get3A_210 = arith.constant 144 : index
      %get3A_211 = tpu.vector_load %arg12[%get3A_209, %get3A_210] {strides = array<i32>} : memref<32x1024xf32, #tpu.memory_space<vmem>>, vector<1x16xf32>,
      %get3A_212 = vector.shape_cast %get3A_211 : vector<1x16xf32> to vector<16xf32>
      %mul3A_213 = arith.mulf %get3A_212, %get3A_61 : vector<16xf32>
      %get3A_214 = arith.index_cast %scan3A_56 : i32 to index
      %get3A_215 = arith.constant 144 : index
      %get3A_216 = tpu.vector_load %arg13[%get3A_214, %get3A_215] {strides = array<i32>} : memref<32x1024xf32, #tpu.memory_space<vmem>>, vector<1x16xf32>,
      %get3A_217 = vector.shape_cast %get3A_216 : vector<1x16xf32> to vector<16xf32>
      %mul3A_218 = arith.mulf %get3A_217, %get3A_65 : vector<16xf32>
      %add3A_219 = arith.addf %mul3A_213, %mul3A_218 : vector<16xf32>
      %swap3A_220 = arith.index_cast %scan3A_56 : i32 to index
      %swap3A_221 = arith.constant 144 : index
      %swap3A_222 = tpu.vector_load %arg12[%swap3A_220, %swap3A_221] {strides = array<i32>} : memref<32x1024xf32, #tpu.memory_space<vmem>>, vector<1x16xf32>,
      %swap3A_223 = vector.shape_cast %swap3A_222 : vector<1x16xf32> to vector<16xf32>
      %swap3A_224 = vector.shape_cast %add3A_219 : vector<16xf32> to vector<1x16xf32>
      tpu.vector_store %arg12[%swap3A_220, %swap3A_221], %swap3A_224 {strides = array<i32>} : memref<32x1024xf32, #tpu.memory_space<vmem>>, vector<1x16xf32>,
      %get3A_225 = arith.index_cast %scan3A_56 : i32 to index
      %get3A_226 = arith.constant 160 : index
      %get3A_227 = tpu.vector_load %arg12[%get3A_225, %get3A_226] {strides = array<i32>} : memref<32x1024xf32, #tpu.memory_space<vmem>>, vector<1x16xf32>,
      %get3A_228 = vector.shape_cast %get3A_227 : vector<1x16xf32> to vector<16xf32>
      %mul3A_229 = arith.mulf %get3A_228, %get3A_61 : vector<16xf32>
      %get3A_230 = arith.index_cast %scan3A_56 : i32 to index
      %get3A_231 = arith.constant 160 : index
      %get3A_232 = tpu.vector_load %arg13[%get3A_230, %get3A_231] {strides = array<i32>} : memref<32x1024xf32, #tpu.memory_space<vmem>>, vector<1x16xf32>,
      %get3A_233 = vector.shape_cast %get3A_232 : vector<1x16xf32> to vector<16xf32>
      %mul3A_234 = arith.mulf %get3A_233, %get3A_65 : vector<16xf32>
      %add3A_235 = arith.addf %mul3A_229, %mul3A_234 : vector<16xf32>
      %swap3A_236 = arith.index_cast %scan3A_56 : i32 to index
      %swap3A_237 = arith.constant 160 : index
      %swap3A_238 = tpu.vector_load %arg12[%swap3A_236, %swap3A_237] {strides = array<i32>} : memref<32x1024xf32, #tpu.memory_space<vmem>>, vector<1x16xf32>,
      %swap3A_239 = vector.shape_cast %swap3A_238 : vector<1x16xf32> to vector<16xf32>
      %swap3A_240 = vector.shape_cast %add3A_235 : vector<16xf32> to vector<1x16xf32>
      tpu.vector_store %arg12[%swap3A_236, %swap3A_237], %swap3A_240 {strides = array<i32>} : memref<32x1024xf32, #tpu.memory_space<vmem>>, vector<1x16xf32>,
      %get3A_241 = arith.index_cast %scan3A_56 : i32 to index
      %get3A_242 = arith.constant 176 : index
      %get3A_243 = tpu.vector_load %arg12[%get3A_241, %get3A_242] {strides = array<i32>} : memref<32x1024xf32, #tpu.memory_space<vmem>>, vector<1x16xf32>,
      %get3A_244 = vector.shape_cast %get3A_243 : vector<1x16xf32> to vector<16xf32>
      %mul3A_245 = arith.mulf %get3A_244, %get3A_61 : vector<16xf32>
      %get3A_246 = arith.index_cast %scan3A_56 : i32 to index
      %get3A_247 = arith.constant 176 : index
      %get3A_248 = tpu.vector_load %arg13[%get3A_246, %get3A_247] {strides = array<i32>} : memref<32x1024xf32, #tpu.memory_space<vmem>>, vector<1x16xf32>,
      %get3A_249 = vector.shape_cast %get3A_248 : vector<1x16xf32> to vector<16xf32>
      %mul3A_250 = arith.mulf %get3A_249, %get3A_65 : vector<16xf32>
      %add3A_251 = arith.addf %mul3A_245, %mul3A_250 : vector<16xf32>
      %swap3A_252 = arith.index_cast %scan3A_56 : i32 to index
      %swap3A_253 = arith.constant 176 : index
      %swap3A_254 = tpu.vector_load %arg12[%swap3A_252, %swap3A_253] {strides = array<i32>} : memref<32x1024xf32, #tpu.memory_space<vmem>>, vector<1x16xf32>,
      %swap3A_255 = vector.shape_cast %swap3A_254 : vector<1x16xf32> to vector<16xf32>
      %swap3A_256 = vector.shape_cast %add3A_251 : vector<16xf32> to vector<1x16xf32>
      tpu.vector_store %arg12[%swap3A_252, %swap3A_253], %swap3A_256 {strides = array<i32>} : memref<32x1024xf32, #tpu.memory_space<vmem>>, vector<1x16xf32>,
      %get3A_257 = arith.index_cast %scan3A_56 : i32 to index
      %get3A_258 = arith.constant 192 : index
      %get3A_259 = tpu.vector_load %arg12[%get3A_257, %get3A_258] {strides = array<i32>} : memref<32x1024xf32, #tpu.memory_space<vmem>>, vector<1x16xf32>,
      %get3A_260 = vector.shape_cast %get3A_259 : vector<1x16xf32> to vector<16xf32>
      %mul3A_261 = arith.mulf %get3A_260, %get3A_61 : vector<16xf32>
      %get3A_262 = arith.index_cast %scan3A_56 : i32 to index
      %get3A_263 = arith.constant 192 : index
      %get3A_264 = tpu.vector_load %arg13[%get3A_262, %get3A_263] {strides = array<i32>} : memref<32x1024xf32, #tpu.memory_space<vmem>>, vector<1x16xf32>,
      %get3A_265 = vector.shape_cast %get3A_264 : vector<1x16xf32> to vector<16xf32>
      %mul3A_266 = arith.mulf %get3A_265, %get3A_65 : vector<16xf32>
      %add3A_267 = arith.addf %mul3A_261, %mul3A_266 : vector<16xf32>
      %swap3A_268 = arith.index_cast %scan3A_56 : i32 to index
      %swap3A_269 = arith.constant 192 : index
      %swap3A_270 = tpu.vector_load %arg12[%swap3A_268, %swap3A_269] {strides = array<i32>} : memref<32x1024xf32, #tpu.memory_space<vmem>>, vector<1x16xf32>,
      %swap3A_271 = vector.shape_cast %swap3A_270 : vector<1x16xf32> to vector<16xf32>
      %swap3A_272 = vector.shape_cast %add3A_267 : vector<16xf32> to vector<1x16xf32>
      tpu.vector_store %arg12[%swap3A_268, %swap3A_269], %swap3A_272 {strides = array<i32>} : memref<32x1024xf32, #tpu.memory_space<vmem>>, vector<1x16xf32>,
      %get3A_273 = arith.index_cast %scan3A_56 : i32 to index
      %get3A_274 = arith.constant 208 : index
      %get3A_275 = tpu.vector_load %arg12[%get3A_273, %get3A_274] {strides = array<i32>} : memref<32x1024xf32, #tpu.memory_space<vmem>>, vector<1x16xf32>,
      %get3A_276 = vector.shape_cast %get3A_275 : vector<1x16xf32> to vector<16xf32>
      %mul3A_277 = arith.mulf %get3A_276, %get3A_61 : vector<16xf32>
      %get3A_278 = arith.index_cast %scan3A_56 : i32 to index
      %get3A_279 = arith.constant 208 : index
      %get3A_280 = tpu.vector_load %arg13[%get3A_278, %get3A_279] {strides = array<i32>} : memref<32x1024xf32, #tpu.memory_space<vmem>>, vector<1x16xf32>,
      %get3A_281 = vector.shape_cast %get3A_280 : vector<1x16xf32> to vector<16xf32>
      %mul3A_282 = arith.mulf %get3A_281, %get3A_65 : vector<16xf32>
      %add3A_283 = arith.addf %mul3A_277, %mul3A_282 : vector<16xf32>
      %swap3A_284 = arith.index_cast %scan3A_56 : i32 to index
      %swap3A_285 = arith.constant 208 : index
      %swap3A_286 = tpu.vector_load %arg12[%swap3A_284, %swap3A_285] {strides = array<i32>} : memref<32x1024xf32, #tpu.memory_space<vmem>>, vector<1x16xf32>,
      %swap3A_287 = vector.shape_cast %swap3A_286 : vector<1x16xf32> to vector<16xf32>
      %swap3A_288 = vector.shape_cast %add3A_283 : vector<16xf32> to vector<1x16xf32>
      tpu.vector_store %arg12[%swap3A_284, %swap3A_285], %swap3A_288 {strides = array<i32>} : memref<32x1024xf32, #tpu.memory_space<vmem>>, vector<1x16xf32>,
      %get3A_289 = arith.index_cast %scan3A_56 : i32 to index
      %get3A_290 = arith.constant 224 : index
      %get3A_291 = tpu.vector_load %arg12[%get3A_289, %get3A_290] {strides = array<i32>} : memref<32x1024xf32, #tpu.memory_space<vmem>>, vector<1x16xf32>,
      %get3A_292 = vector.shape_cast %get3A_291 : vector<1x16xf32> to vector<16xf32>
      %mul3A_293 = arith.mulf %get3A_292, %get3A_61 : vector<16xf32>
      %get3A_294 = arith.index_cast %scan3A_56 : i32 to index
      %get3A_295 = arith.constant 224 : index
      %get3A_296 = tpu.vector_load %arg13[%get3A_294, %get3A_295] {strides = array<i32>} : memref<32x1024xf32, #tpu.memory_space<vmem>>, vector<1x16xf32>,
      %get3A_297 = vector.shape_cast %get3A_296 : vector<1x16xf32> to vector<16xf32>
      %mul3A_298 = arith.mulf %get3A_297, %get3A_65 : vector<16xf32>
      %add3A_299 = arith.addf %mul3A_293, %mul3A_298 : vector<16xf32>
      %swap3A_300 = arith.index_cast %scan3A_56 : i32 to index
      %swap3A_301 = arith.constant 224 : index
      %swap3A_302 = tpu.vector_load %arg12[%swap3A_300, %swap3A_301] {strides = array<i32>} : memref<32x1024xf32, #tpu.memory_space<vmem>>, vector<1x16xf32>,
      %swap3A_303 = vector.shape_cast %swap3A_302 : vector<1x16xf32> to vector<16xf32>
      %swap3A_304 = vector.shape_cast %add3A_299 : vector<16xf32> to vector<1x16xf32>
      tpu.vector_store %arg12[%swap3A_300, %swap3A_301], %swap3A_304 {strides = array<i32>} : memref<32x1024xf32, #tpu.memory_space<vmem>>, vector<1x16xf32>,
      %get3A_305 = arith.index_cast %scan3A_56 : i32 to index
      %get3A_306 = arith.constant 240 : index
      %get3A_307 = tpu.vector_load %arg12[%get3A_305, %get3A_306] {strides = array<i32>} : memref<32x1024xf32, #tpu.memory_space<vmem>>, vector<1x16xf32>,
      %get3A_308 = vector.shape_cast %get3A_307 : vector<1x16xf32> to vector<16xf32>
      %mul3A_309 = arith.mulf %get3A_308, %get3A_61 : vector<16xf32>
      %get3A_310 = arith.index_cast %scan3A_56 : i32 to index
      %get3A_311 = arith.constant 240 : index
      %get3A_312 = tpu.vector_load %arg13[%get3A_310, %get3A_311] {strides = array<i32>} : memref<32x1024xf32, #tpu.memory_space<vmem>>, vector<1x16xf32>,
      %get3A_313 = vector.shape_cast %get3A_312 : vector<1x16xf32> to vector<16xf32>
      %mul3A_314 = arith.mulf %get3A_313, %get3A_65 : vector<16xf32>
      %add3A_315 = arith.addf %mul3A_309, %mul3A_314 : vector<16xf32>
      %swap3A_316 = arith.index_cast %scan3A_56 : i32 to index
      %swap3A_317 = arith.constant 240 : index
      %swap3A_318 = tpu.vector_load %arg12[%swap3A_316, %swap3A_317] {strides = array<i32>} : memref<32x1024xf32, #tpu.memory_space<vmem>>, vector<1x16xf32>,
      %swap3A_319 = vector.shape_cast %swap3A_318 : vector<1x16xf32> to vector<16xf32>
      %swap3A_320 = vector.shape_cast %add3A_315 : vector<16xf32> to vector<1x16xf32>
      tpu.vector_store %arg12[%swap3A_316, %swap3A_317], %swap3A_320 {strides = array<i32>} : memref<32x1024xf32, #tpu.memory_space<vmem>>, vector<1x16xf32>,
      %get3A_321 = arith.index_cast %scan3A_56 : i32 to index
      %get3A_322 = arith.constant 256 : index
      %get3A_323 = tpu.vector_load %arg12[%get3A_321, %get3A_322] {strides = array<i32>} : memref<32x1024xf32, #tpu.memory_space<vmem>>, vector<1x16xf32>,
      %get3A_324 = vector.shape_cast %get3A_323 : vector<1x16xf32> to vector<16xf32>
      %mul3A_325 = arith.mulf %get3A_324, %get3A_61 : vector<16xf32>
      %get3A_326 = arith.index_cast %scan3A_56 : i32 to index
      %get3A_327 = arith.constant 256 : index
      %get3A_328 = tpu.vector_load %arg13[%get3A_326, %get3A_327] {strides = array<i32>} : memref<32x1024xf32, #tpu.memory_space<vmem>>, vector<1x16xf32>,
      %get3A_329 = vector.shape_cast %get3A_328 : vector<1x16xf32> to vector<16xf32>
      %mul3A_330 = arith.mulf %get3A_329, %get3A_65 : vector<16xf32>
      %add3A_331 = arith.addf %mul3A_325, %mul3A_330 : vector<16xf32>
      %swap3A_332 = arith.index_cast %scan3A_56 : i32 to index
      %swap3A_333 = arith.constant 256 : index
      %swap3A_334 = tpu.vector_load %arg12[%swap3A_332, %swap3A_333] {strides = array<i32>} : memref<32x1024xf32, #tpu.memory_space<vmem>>, vector<1x16xf32>,
      %swap3A_335 = vector.shape_cast %swap3A_334 : vector<1x16xf32> to vector<16xf32>
      %swap3A_336 = vector.shape_cast %add3A_331 : vector<16xf32> to vector<1x16xf32>
      tpu.vector_store %arg12[%swap3A_332, %swap3A_333], %swap3A_336 {strides = array<i32>} : memref<32x1024xf32, #tpu.memory_space<vmem>>, vector<1x16xf32>,
      %get3A_337 = arith.index_cast %scan3A_56 : i32 to index
      %get3A_338 = arith.constant 272 : index
      %get3A_339 = tpu.vector_load %arg12[%get3A_337, %get3A_338] {strides = array<i32>} : memref<32x1024xf32, #tpu.memory_space<vmem>>, vector<1x16xf32>,
      %get3A_340 = vector.shape_cast %get3A_339 : vector<1x16xf32> to vector<16xf32>
      %mul3A_341 = arith.mulf %get3A_340, %get3A_61 : vector<16xf32>
      %get3A_342 = arith.index_cast %scan3A_56 : i32 to index
      %get3A_343 = arith.constant 272 : index
      %get3A_344 = tpu.vector_load %arg13[%get3A_342, %get3A_343] {strides = array<i32>} : memref<32x1024xf32, #tpu.memory_space<vmem>>, vector<1x16xf32>,
      %get3A_345 = vector.shape_cast %get3A_344 : vector<1x16xf32> to vector<16xf32>
      %mul3A_346 = arith.mulf %get3A_345, %get3A_65 : vector<16xf32>
      %add3A_347 = arith.addf %mul3A_341, %mul3A_346 : vector<16xf32>
      %swap3A_348 = arith.index_cast %scan3A_56 : i32 to index
      %swap3A_349 = arith.constant 272 : index
      %swap3A_350 = tpu.vector_load %arg12[%swap3A_348, %swap3A_349] {strides = array<i32>} : memref<32x1024xf32, #tpu.memory_space<vmem>>, vector<1x16xf32>,
      %swap3A_351 = vector.shape_cast %swap3A_350 : vector<1x16xf32> to vector<16xf32>
      %swap3A_352 = vector.shape_cast %add3A_347 : vector<16xf32> to vector<1x16xf32>
      tpu.vector_store %arg12[%swap3A_348, %swap3A_349], %swap3A_352 {strides = array<i32>} : memref<32x1024xf32, #tpu.memory_space<vmem>>, vector<1x16xf32>,
      %get3A_353 = arith.index_cast %scan3A_56 : i32 to index
      %get3A_354 = arith.constant 288 : index
      %get3A_355 = tpu.vector_load %arg12[%get3A_353, %get3A_354] {strides = array<i32>} : memref<32x1024xf32, #tpu.memory_space<vmem>>, vector<1x16xf32>,
      %get3A_356 = vector.shape_cast %get3A_355 : vector<1x16xf32> to vector<16xf32>
      %mul3A_357 = arith.mulf %get3A_356, %get3A_61 : vector<16xf32>
      %get3A_358 = arith.index_cast %scan3A_56 : i32 to index
      %get3A_359 = arith.constant 288 : index
      %get3A_360 = tpu.vector_load %arg13[%get3A_358, %get3A_359] {strides = array<i32>} : memref<32x1024xf32, #tpu.memory_space<vmem>>, vector<1x16xf32>,
      %get3A_361 = vector.shape_cast %get3A_360 : vector<1x16xf32> to vector<16xf32>
      %mul3A_362 = arith.mulf %get3A_361, %get3A_65 : vector<16xf32>
      %add3A_363 = arith.addf %mul3A_357, %mul3A_362 : vector<16xf32>
      %swap3A_364 = arith.index_cast %scan3A_56 : i32 to index
      %swap3A_365 = arith.constant 288 : index
      %swap3A_366 = tpu.vector_load %arg12[%swap3A_364, %swap3A_365] {strides = array<i32>} : memref<32x1024xf32, #tpu.memory_space<vmem>>, vector<1x16xf32>,
      %swap3A_367 = vector.shape_cast %swap3A_366 : vector<1x16xf32> to vector<16xf32>
      %swap3A_368 = vector.shape_cast %add3A_363 : vector<16xf32> to vector<1x16xf32>
      tpu.vector_store %arg12[%swap3A_364, %swap3A_365], %swap3A_368 {strides = array<i32>} : memref<32x1024xf32, #tpu.memory_space<vmem>>, vector<1x16xf32>,
      %get3A_369 = arith.index_cast %scan3A_56 : i32 to index
      %get3A_370 = arith.constant 304 : index
      %get3A_371 = tpu.vector_load %arg12[%get3A_369, %get3A_370] {strides = array<i32>} : memref<32x1024xf32, #tpu.memory_space<vmem>>, vector<1x16xf32>,
      %get3A_372 = vector.shape_cast %get3A_371 : vector<1x16xf32> to vector<16xf32>
      %mul3A_373 = arith.mulf %get3A_372, %get3A_61 : vector<16xf32>
      %get3A_374 = arith.index_cast %scan3A_56 : i32 to index
      %get3A_375 = arith.constant 304 : index
      %get3A_376 = tpu.vector_load %arg13[%get3A_374, %get3A_375] {strides = array<i32>} : memref<32x1024xf32, #tpu.memory_space<vmem>>, vector<1x16xf32>,
      %get3A_377 = vector.shape_cast %get3A_376 : vector<1x16xf32> to vector<16xf32>
      %mul3A_378 = arith.mulf %get3A_377, %get3A_65 : vector<16xf32>
      %add3A_379 = arith.addf %mul3A_373, %mul3A_378 : vector<16xf32>
      %swap3A_380 = arith.index_cast %scan3A_56 : i32 to index
      %swap3A_381 = arith.constant 304 : index
      %swap3A_382 = tpu.vector_load %arg12[%swap3A_380, %swap3A_381] {strides = array<i32>} : memref<32x1024xf32, #tpu.memory_space<vmem>>, vector<1x16xf32>,
      %swap3A_383 = vector.shape_cast %swap3A_382 : vector<1x16xf32> to vector<16xf32>
      %swap3A_384 = vector.shape_cast %add3A_379 : vector<16xf32> to vector<1x16xf32>
      tpu.vector_store %arg12[%swap3A_380, %swap3A_381], %swap3A_384 {strides = array<i32>} : memref<32x1024xf32, #tpu.memory_space<vmem>>, vector<1x16xf32>,
      %get3A_385 = arith.index_cast %scan3A_56 : i32 to index
      %get3A_386 = arith.constant 320 : index
      %get3A_387 = tpu.vector_load %arg12[%get3A_385, %get3A_386] {strides = array<i32>} : memref<32x1024xf32, #tpu.memory_space<vmem>>, vector<1x16xf32>,
      %get3A_388 = vector.shape_cast %get3A_387 : vector<1x16xf32> to vector<16xf32>
      %mul3A_389 = arith.mulf %get3A_388, %get3A_61 : vector<16xf32>
      %get3A_390 = arith.index_cast %scan3A_56 : i32 to index
      %get3A_391 = arith.constant 320 : index
      %get3A_392 = tpu.vector_load %arg13[%get3A_390, %get3A_391] {strides = array<i32>} : memref<32x1024xf32, #tpu.memory_space<vmem>>, vector<1x16xf32>,
      %get3A_393 = vector.shape_cast %get3A_392 : vector<1x16xf32> to vector<16xf32>
      %mul3A_394 = arith.mulf %get3A_393, %get3A_65 : vector<16xf32>
      %add3A_395 = arith.addf %mul3A_389, %mul3A_394 : vector<16xf32>
      %swap3A_396 = arith.index_cast %scan3A_56 : i32 to index
      %swap3A_397 = arith.constant 320 : index
      %swap3A_398 = tpu.vector_load %arg12[%swap3A_396, %swap3A_397] {strides = array<i32>} : memref<32x1024xf32, #tpu.memory_space<vmem>>, vector<1x16xf32>,
      %swap3A_399 = vector.shape_cast %swap3A_398 : vector<1x16xf32> to vector<16xf32>
      %swap3A_400 = vector.shape_cast %add3A_395 : vector<16xf32> to vector<1x16xf32>
      tpu.vector_store %arg12[%swap3A_396, %swap3A_397], %swap3A_400 {strides = array<i32>} : memref<32x1024xf32, #tpu.memory_space<vmem>>, vector<1x16xf32>,
      %get3A_401 = arith.index_cast %scan3A_56 : i32 to index
      %get3A_402 = arith.constant 336 : index
      %get3A_403 = tpu.vector_load %arg12[%get3A_401, %get3A_402] {strides = array<i32>} : memref<32x1024xf32, #tpu.memory_space<vmem>>, vector<1x16xf32>,
      %get3A_404 = vector.shape_cast %get3A_403 : vector<1x16xf32> to vector<16xf32>
      %mul3A_405 = arith.mulf %get3A_404, %get3A_61 : vector<16xf32>
      %get3A_406 = arith.index_cast %scan3A_56 : i32 to index
      %get3A_407 = arith.constant 336 : index
      %get3A_408 = tpu.vector_load %arg13[%get3A_406, %get3A_407] {strides = array<i32>} : memref<32x1024xf32, #tpu.memory_space<vmem>>, vector<1x16xf32>,
      %get3A_409 = vector.shape_cast %get3A_408 : vector<1x16xf32> to vector<16xf32>
      %mul3A_410 = arith.mulf %get3A_409, %get3A_65 : vector<16xf32>
      %add3A_411 = arith.addf %mul3A_405, %mul3A_410 : vector<16xf32>
      %swap3A_412 = arith.index_cast %scan3A_56 : i32 to index
      %swap3A_413 = arith.constant 336 : index
      %swap3A_414 = tpu.vector_load %arg12[%swap3A_412, %swap3A_413] {strides = array<i32>} : memref<32x1024xf32, #tpu.memory_space<vmem>>, vector<1x16xf32>,
      %swap3A_415 = vector.shape_cast %swap3A_414 : vector<1x16xf32> to vector<16xf32>
      %swap3A_416 = vector.shape_cast %add3A_411 : vector<16xf32> to vector<1x16xf32>
      tpu.vector_store %arg12[%swap3A_412, %swap3A_413], %swap3A_416 {strides = array<i32>} : memref<32x1024xf32, #tpu.memory_space<vmem>>, vector<1x16xf32>,
      %get3A_417 = arith.index_cast %scan3A_56 : i32 to index
      %get3A_418 = arith.constant 352 : index
      %get3A_419 = tpu.vector_load %arg12[%get3A_417, %get3A_418] {strides = array<i32>} : memref<32x1024xf32, #tpu.memory_space<vmem>>, vector<1x16xf32>,
      %get3A_420 = vector.shape_cast %get3A_419 : vector<1x16xf32> to vector<16xf32>
      %mul3A_421 = arith.mulf %get3A_420, %get3A_61 : vector<16xf32>
      %get3A_422 = arith.index_cast %scan3A_56 : i32 to index
      %get3A_423 = arith.constant 352 : index
      %get3A_424 = tpu.vector_load %arg13[%get3A_422, %get3A_423] {strides = array<i32>} : memref<32x1024xf32, #tpu.memory_space<vmem>>, vector<1x16xf32>,
      %get3A_425 = vector.shape_cast %get3A_424 : vector<1x16xf32> to vector<16xf32>
      %mul3A_426 = arith.mulf %get3A_425, %get3A_65 : vector<16xf32>
      %add3A_427 = arith.addf %mul3A_421, %mul3A_426 : vector<16xf32>
      %swap3A_428 = arith.index_cast %scan3A_56 : i32 to index
      %swap3A_429 = arith.constant 352 : index
      %swap3A_430 = tpu.vector_load %arg12[%swap3A_428, %swap3A_429] {strides = array<i32>} : memref<32x1024xf32, #tpu.memory_space<vmem>>, vector<1x16xf32>,
      %swap3A_431 = vector.shape_cast %swap3A_430 : vector<1x16xf32> to vector<16xf32>
      %swap3A_432 = vector.shape_cast %add3A_427 : vector<16xf32> to vector<1x16xf32>
      tpu.vector_store %arg12[%swap3A_428, %swap3A_429], %swap3A_432 {strides = array<i32>} : memref<32x1024xf32, #tpu.memory_space<vmem>>, vector<1x16xf32>,
      %get3A_433 = arith.index_cast %scan3A_56 : i32 to index
      %get3A_434 = arith.constant 368 : index
      %get3A_435 = tpu.vector_load %arg12[%get3A_433, %get3A_434] {strides = array<i32>} : memref<32x1024xf32, #tpu.memory_space<vmem>>, vector<1x16xf32>,
      %get3A_436 = vector.shape_cast %get3A_435 : vector<1x16xf32> to vector<16xf32>
      %mul3A_437 = arith.mulf %get3A_436, %get3A_61 : vector<16xf32>
      %get3A_438 = arith.index_cast %scan3A_56 : i32 to index
      %get3A_439 = arith.constant 368 : index
      %get3A_440 = tpu.vector_load %arg13[%get3A_438, %get3A_439] {strides = array<i32>} : memref<32x1024xf32, #tpu.memory_space<vmem>>, vector<1x16xf32>,
      %get3A_441 = vector.shape_cast %get3A_440 : vector<1x16xf32> to vector<16xf32>
      %mul3A_442 = arith.mulf %get3A_441, %get3A_65 : vector<16xf32>
      %add3A_443 = arith.addf %mul3A_437, %mul3A_442 : vector<16xf32>
      %swap3A_444 = arith.index_cast %scan3A_56 : i32 to index
      %swap3A_445 = arith.constant 368 : index
      %swap3A_446 = tpu.vector_load %arg12[%swap3A_444, %swap3A_445] {strides = array<i32>} : memref<32x1024xf32, #tpu.memory_space<vmem>>, vector<1x16xf32>,
      %swap3A_447 = vector.shape_cast %swap3A_446 : vector<1x16xf32> to vector<16xf32>
      %swap3A_448 = vector.shape_cast %add3A_443 : vector<16xf32> to vector<1x16xf32>
      tpu.vector_store %arg12[%swap3A_444, %swap3A_445], %swap3A_448 {strides = array<i32>} : memref<32x1024xf32, #tpu.memory_space<vmem>>, vector<1x16xf32>,
      %get3A_449 = arith.index_cast %scan3A_56 : i32 to index
      %get3A_450 = arith.constant 384 : index
      %get3A_451 = tpu.vector_load %arg12[%get3A_449, %get3A_450] {strides = array<i32>} : memref<32x1024xf32, #tpu.memory_space<vmem>>, vector<1x16xf32>,
      %get3A_452 = vector.shape_cast %get3A_451 : vector<1x16xf32> to vector<16xf32>
      %mul3A_453 = arith.mulf %get3A_452, %get3A_61 : vector<16xf32>
      %get3A_454 = arith.index_cast %scan3A_56 : i32 to index
      %get3A_455 = arith.constant 384 : index
      %get3A_456 = tpu.vector_load %arg13[%get3A_454, %get3A_455] {strides = array<i32>} : memref<32x1024xf32, #tpu.memory_space<vmem>>, vector<1x16xf32>,
      %get3A_457 = vector.shape_cast %get3A_456 : vector<1x16xf32> to vector<16xf32>
      %mul3A_458 = arith.mulf %get3A_457, %get3A_65 : vector<16xf32>
      %add3A_459 = arith.addf %mul3A_453, %mul3A_458 : vector<16xf32>
      %swap3A_460 = arith.index_cast %scan3A_56 : i32 to index
      %swap3A_461 = arith.constant 384 : index
      %swap3A_462 = tpu.vector_load %arg12[%swap3A_460, %swap3A_461] {strides = array<i32>} : memref<32x1024xf32, #tpu.memory_space<vmem>>, vector<1x16xf32>,
      %swap3A_463 = vector.shape_cast %swap3A_462 : vector<1x16xf32> to vector<16xf32>
      %swap3A_464 = vector.shape_cast %add3A_459 : vector<16xf32> to vector<1x16xf32>
      tpu.vector_store %arg12[%swap3A_460, %swap3A_461], %swap3A_464 {strides = array<i32>} : memref<32x1024xf32, #tpu.memory_space<vmem>>, vector<1x16xf32>,
      %get3A_465 = arith.index_cast %scan3A_56 : i32 to index
      %get3A_466 = arith.constant 400 : index
      %get3A_467 = tpu.vector_load %arg12[%get3A_465, %get3A_466] {strides = array<i32>} : memref<32x1024xf32, #tpu.memory_space<vmem>>, vector<1x16xf32>,
      %get3A_468 = vector.shape_cast %get3A_467 : vector<1x16xf32> to vector<16xf32>
      %mul3A_469 = arith.mulf %get3A_468, %get3A_61 : vector<16xf32>
      %get3A_470 = arith.index_cast %scan3A_56 : i32 to index
      %get3A_471 = arith.constant 400 : index
      %get3A_472 = tpu.vector_load %arg13[%get3A_470, %get3A_471] {strides = array<i32>} : memref<32x1024xf32, #tpu.memory_space<vmem>>, vector<1x16xf32>,
      %get3A_473 = vector.shape_cast %get3A_472 : vector<1x16xf32> to vector<16xf32>
      %mul3A_474 = arith.mulf %get3A_473, %get3A_65 : vector<16xf32>
      %add3A_475 = arith.addf %mul3A_469, %mul3A_474 : vector<16xf32>
      %swap3A_476 = arith.index_cast %scan3A_56 : i32 to index
      %swap3A_477 = arith.constant 400 : index
      %swap3A_478 = tpu.vector_load %arg12[%swap3A_476, %swap3A_477] {strides = array<i32>} : memref<32x1024xf32, #tpu.memory_space<vmem>>, vector<1x16xf32>,
      %swap3A_479 = vector.shape_cast %swap3A_478 : vector<1x16xf32> to vector<16xf32>
      %swap3A_480 = vector.shape_cast %add3A_475 : vector<16xf32> to vector<1x16xf32>
      tpu.vector_store %arg12[%swap3A_476, %swap3A_477], %swap3A_480 {strides = array<i32>} : memref<32x1024xf32, #tpu.memory_space<vmem>>, vector<1x16xf32>,
      %get3A_481 = arith.index_cast %scan3A_56 : i32 to index
      %get3A_482 = arith.constant 416 : index
      %get3A_483 = tpu.vector_load %arg12[%get3A_481, %get3A_482] {strides = array<i32>} : memref<32x1024xf32, #tpu.memory_space<vmem>>, vector<1x16xf32>,
      %get3A_484 = vector.shape_cast %get3A_483 : vector<1x16xf32> to vector<16xf32>
      %mul3A_485 = arith.mulf %get3A_484, %get3A_61 : vector<16xf32>
      %get3A_486 = arith.index_cast %scan3A_56 : i32 to index
      %get3A_487 = arith.constant 416 : index
      %get3A_488 = tpu.vector_load %arg13[%get3A_486, %get3A_487] {strides = array<i32>} : memref<32x1024xf32, #tpu.memory_space<vmem>>, vector<1x16xf32>,
      %get3A_489 = vector.shape_cast %get3A_488 : vector<1x16xf32> to vector<16xf32>
      %mul3A_490 = arith.mulf %get3A_489, %get3A_65 : vector<16xf32>
      %add3A_491 = arith.addf %mul3A_485, %mul3A_490 : vector<16xf32>
      %swap3A_492 = arith.index_cast %scan3A_56 : i32 to index
      %swap3A_493 = arith.constant 416 : index
      %swap3A_494 = tpu.vector_load %arg12[%swap3A_492, %swap3A_493] {strides = array<i32>} : memref<32x1024xf32, #tpu.memory_space<vmem>>, vector<1x16xf32>,
      %swap3A_495 = vector.shape_cast %swap3A_494 : vector<1x16xf32> to vector<16xf32>
      %swap3A_496 = vector.shape_cast %add3A_491 : vector<16xf32> to vector<1x16xf32>
      tpu.vector_store %arg12[%swap3A_492, %swap3A_493], %swap3A_496 {strides = array<i32>} : memref<32x1024xf32, #tpu.memory_space<vmem>>, vector<1x16xf32>,
      %get3A_497 = arith.index_cast %scan3A_56 : i32 to index
      %get3A_498 = arith.constant 432 : index
      %get3A_499 = tpu.vector_load %arg12[%get3A_497, %get3A_498] {strides = array<i32>} : memref<32x1024xf32, #tpu.memory_space<vmem>>, vector<1x16xf32>,
      %get3A_500 = vector.shape_cast %get3A_499 : vector<1x16xf32> to vector<16xf32>
      %mul3A_501 = arith.mulf %get3A_500, %get3A_61 : vector<16xf32>
      %get3A_502 = arith.index_cast %scan3A_56 : i32 to index
      %get3A_503 = arith.constant 432 : index
      %get3A_504 = tpu.vector_load %arg13[%get3A_502, %get3A_503] {strides = array<i32>} : memref<32x1024xf32, #tpu.memory_space<vmem>>, vector<1x16xf32>,
      %get3A_505 = vector.shape_cast %get3A_504 : vector<1x16xf32> to vector<16xf32>
      %mul3A_506 = arith.mulf %get3A_505, %get3A_65 : vector<16xf32>
      %add3A_507 = arith.addf %mul3A_501, %mul3A_506 : vector<16xf32>
      %swap3A_508 = arith.index_cast %scan3A_56 : i32 to index
      %swap3A_509 = arith.constant 432 : index
      %swap3A_510 = tpu.vector_load %arg12[%swap3A_508, %swap3A_509] {strides = array<i32>} : memref<32x1024xf32, #tpu.memory_space<vmem>>, vector<1x16xf32>,
      %swap3A_511 = vector.shape_cast %swap3A_510 : vector<1x16xf32> to vector<16xf32>
      %swap3A_512 = vector.shape_cast %add3A_507 : vector<16xf32> to vector<1x16xf32>
      tpu.vector_store %arg12[%swap3A_508, %swap3A_509], %swap3A_512 {strides = array<i32>} : memref<32x1024xf32, #tpu.memory_space<vmem>>, vector<1x16xf32>,
      %get3A_513 = arith.index_cast %scan3A_56 : i32 to index
      %get3A_514 = arith.constant 448 : index
      %get3A_515 = tpu.vector_load %arg12[%get3A_513, %get3A_514] {strides = array<i32>} : memref<32x1024xf32, #tpu.memory_space<vmem>>, vector<1x16xf32>,
      %get3A_516 = vector.shape_cast %get3A_515 : vector<1x16xf32> to vector<16xf32>
      %mul3A_517 = arith.mulf %get3A_516, %get3A_61 : vector<16xf32>
      %get3A_518 = arith.index_cast %scan3A_56 : i32 to index
      %get3A_519 = arith.constant 448 : index
      %get3A_520 = tpu.vector_load %arg13[%get3A_518, %get3A_519] {strides = array<i32>} : memref<32x1024xf32, #tpu.memory_space<vmem>>, vector<1x16xf32>,
      %get3A_521 = vector.shape_cast %get3A_520 : vector<1x16xf32> to vector<16xf32>
      %mul3A_522 = arith.mulf %get3A_521, %get3A_65 : vector<16xf32>
      %add3A_523 = arith.addf %mul3A_517, %mul3A_522 : vector<16xf32>
      %swap3A_524 = arith.index_cast %scan3A_56 : i32 to index
      %swap3A_525 = arith.constant 448 : index
      %swap3A_526 = tpu.vector_load %arg12[%swap3A_524, %swap3A_525] {strides = array<i32>} : memref<32x1024xf32, #tpu.memory_space<vmem>>, vector<1x16xf32>,
      %swap3A_527 = vector.shape_cast %swap3A_526 : vector<1x16xf32> to vector<16xf32>
      %swap3A_528 = vector.shape_cast %add3A_523 : vector<16xf32> to vector<1x16xf32>
      tpu.vector_store %arg12[%swap3A_524, %swap3A_525], %swap3A_528 {strides = array<i32>} : memref<32x1024xf32, #tpu.memory_space<vmem>>, vector<1x16xf32>,
      %get3A_529 = arith.index_cast %scan3A_56 : i32 to index
      %get3A_530 = arith.constant 464 : index
      %get3A_531 = tpu.vector_load %arg12[%get3A_529, %get3A_530] {strides = array<i32>} : memref<32x1024xf32, #tpu.memory_space<vmem>>, vector<1x16xf32>,
      %get3A_532 = vector.shape_cast %get3A_531 : vector<1x16xf32> to vector<16xf32>
      %mul3A_533 = arith.mulf %get3A_532, %get3A_61 : vector<16xf32>
      %get3A_534 = arith.index_cast %scan3A_56 : i32 to index
      %get3A_535 = arith.constant 464 : index
      %get3A_536 = tpu.vector_load %arg13[%get3A_534, %get3A_535] {strides = array<i32>} : memref<32x1024xf32, #tpu.memory_space<vmem>>, vector<1x16xf32>,
      %get3A_537 = vector.shape_cast %get3A_536 : vector<1x16xf32> to vector<16xf32>
      %mul3A_538 = arith.mulf %get3A_537, %get3A_65 : vector<16xf32>
      %add3A_539 = arith.addf %mul3A_533, %mul3A_538 : vector<16xf32>
      %swap3A_540 = arith.index_cast %scan3A_56 : i32 to index
      %swap3A_541 = arith.constant 464 : index
      %swap3A_542 = tpu.vector_load %arg12[%swap3A_540, %swap3A_541] {strides = array<i32>} : memref<32x1024xf32, #tpu.memory_space<vmem>>, vector<1x16xf32>,
      %swap3A_543 = vector.shape_cast %swap3A_542 : vector<1x16xf32> to vector<16xf32>
      %swap3A_544 = vector.shape_cast %add3A_539 : vector<16xf32> to vector<1x16xf32>
      tpu.vector_store %arg12[%swap3A_540, %swap3A_541], %swap3A_544 {strides = array<i32>} : memref<32x1024xf32, #tpu.memory_space<vmem>>, vector<1x16xf32>,
      %get3A_545 = arith.index_cast %scan3A_56 : i32 to index
      %get3A_546 = arith.constant 480 : index
      %get3A_547 = tpu.vector_load %arg12[%get3A_545, %get3A_546] {strides = array<i32>} : memref<32x1024xf32, #tpu.memory_space<vmem>>, vector<1x16xf32>,
      %get3A_548 = vector.shape_cast %get3A_547 : vector<1x16xf32> to vector<16xf32>
      %mul3A_549 = arith.mulf %get3A_548, %get3A_61 : vector<16xf32>
      %get3A_550 = arith.index_cast %scan3A_56 : i32 to index
      %get3A_551 = arith.constant 480 : index
      %get3A_552 = tpu.vector_load %arg13[%get3A_550, %get3A_551] {strides = array<i32>} : memref<32x1024xf32, #tpu.memory_space<vmem>>, vector<1x16xf32>,
      %get3A_553 = vector.shape_cast %get3A_552 : vector<1x16xf32> to vector<16xf32>
      %mul3A_554 = arith.mulf %get3A_553, %get3A_65 : vector<16xf32>
      %add3A_555 = arith.addf %mul3A_549, %mul3A_554 : vector<16xf32>
      %swap3A_556 = arith.index_cast %scan3A_56 : i32 to index
      %swap3A_557 = arith.constant 480 : index
      %swap3A_558 = tpu.vector_load %arg12[%swap3A_556, %swap3A_557] {strides = array<i32>} : memref<32x1024xf32, #tpu.memory_space<vmem>>, vector<1x16xf32>,
      %swap3A_559 = vector.shape_cast %swap3A_558 : vector<1x16xf32> to vector<16xf32>
      %swap3A_560 = vector.shape_cast %add3A_555 : vector<16xf32> to vector<1x16xf32>
      tpu.vector_store %arg12[%swap3A_556, %swap3A_557], %swap3A_560 {strides = array<i32>} : memref<32x1024xf32, #tpu.memory_space<vmem>>, vector<1x16xf32>,
      %get3A_561 = arith.index_cast %scan3A_56 : i32 to index
      %get3A_562 = arith.constant 496 : index
      %get3A_563 = tpu.vector_load %arg12[%get3A_561, %get3A_562] {strides = array<i32>} : memref<32x1024xf32, #tpu.memory_space<vmem>>, vector<1x16xf32>,
      %get3A_564 = vector.shape_cast %get3A_563 : vector<1x16xf32> to vector<16xf32>
      %mul3A_565 = arith.mulf %get3A_564, %get3A_61 : vector<16xf32>
      %get3A_566 = arith.index_cast %scan3A_56 : i32 to index
      %get3A_567 = arith.constant 496 : index
      %get3A_568 = tpu.vector_load %arg13[%get3A_566, %get3A_567] {strides = array<i32>} : memref<32x1024xf32, #tpu.memory_space<vmem>>, vector<1x16xf32>,
      %get3A_569 = vector.shape_cast %get3A_568 : vector<1x16xf32> to vector<16xf32>
      %mul3A_570 = arith.mulf %get3A_569, %get3A_65 : vector<16xf32>
      %add3A_571 = arith.addf %mul3A_565, %mul3A_570 : vector<16xf32>
      %swap3A_572 = arith.index_cast %scan3A_56 : i32 to index
      %swap3A_573 = arith.constant 496 : index
      %swap3A_574 = tpu.vector_load %arg12[%swap3A_572, %swap3A_573] {strides = array<i32>} : memref<32x1024xf32, #tpu.memory_space<vmem>>, vector<1x16xf32>,
      %swap3A_575 = vector.shape_cast %swap3A_574 : vector<1x16xf32> to vector<16xf32>
      %swap3A_576 = vector.shape_cast %add3A_571 : vector<16xf32> to vector<1x16xf32>
      tpu.vector_store %arg12[%swap3A_572, %swap3A_573], %swap3A_576 {strides = array<i32>} : memref<32x1024xf32, #tpu.memory_space<vmem>>, vector<1x16xf32>,
      %get3A_577 = arith.index_cast %scan3A_56 : i32 to index
      %get3A_578 = arith.constant 512 : index
      %get3A_579 = tpu.vector_load %arg12[%get3A_577, %get3A_578] {strides = array<i32>} : memref<32x1024xf32, #tpu.memory_space<vmem>>, vector<1x16xf32>,
      %get3A_580 = vector.shape_cast %get3A_579 : vector<1x16xf32> to vector<16xf32>
      %mul3A_581 = arith.mulf %get3A_580, %get3A_61 : vector<16xf32>
      %get3A_582 = arith.index_cast %scan3A_56 : i32 to index
      %get3A_583 = arith.constant 512 : index
      %get3A_584 = tpu.vector_load %arg13[%get3A_582, %get3A_583] {strides = array<i32>} : memref<32x1024xf32, #tpu.memory_space<vmem>>, vector<1x16xf32>,
      %get3A_585 = vector.shape_cast %get3A_584 : vector<1x16xf32> to vector<16xf32>
      %mul3A_586 = arith.mulf %get3A_585, %get3A_65 : vector<16xf32>
      %add3A_587 = arith.addf %mul3A_581, %mul3A_586 : vector<16xf32>
      %swap3A_588 = arith.index_cast %scan3A_56 : i32 to index
      %swap3A_589 = arith.constant 512 : index
      %swap3A_590 = tpu.vector_load %arg12[%swap3A_588, %swap3A_589] {strides = array<i32>} : memref<32x1024xf32, #tpu.memory_space<vmem>>, vector<1x16xf32>,
      %swap3A_591 = vector.shape_cast %swap3A_590 : vector<1x16xf32> to vector<16xf32>
      %swap3A_592 = vector.shape_cast %add3A_587 : vector<16xf32> to vector<1x16xf32>
      tpu.vector_store %arg12[%swap3A_588, %swap3A_589], %swap3A_592 {strides = array<i32>} : memref<32x1024xf32, #tpu.memory_space<vmem>>, vector<1x16xf32>,
      %get3A_593 = arith.index_cast %scan3A_56 : i32 to index
      %get3A_594 = arith.constant 528 : index
      %get3A_595 = tpu.vector_load %arg12[%get3A_593, %get3A_594] {strides = array<i32>} : memref<32x1024xf32, #tpu.memory_space<vmem>>, vector<1x16xf32>,
      %get3A_596 = vector.shape_cast %get3A_595 : vector<1x16xf32> to vector<16xf32>
      %mul3A_597 = arith.mulf %get3A_596, %get3A_61 : vector<16xf32>
      %get3A_598 = arith.index_cast %scan3A_56 : i32 to index
      %get3A_599 = arith.constant 528 : index
      %get3A_600 = tpu.vector_load %arg13[%get3A_598, %get3A_599] {strides = array<i32>} : memref<32x1024xf32, #tpu.memory_space<vmem>>, vector<1x16xf32>,
      %get3A_601 = vector.shape_cast %get3A_600 : vector<1x16xf32> to vector<16xf32>
      %mul3A_602 = arith.mulf %get3A_601, %get3A_65 : vector<16xf32>
      %add3A_603 = arith.addf %mul3A_597, %mul3A_602 : vector<16xf32>
      %swap3A_604 = arith.index_cast %scan3A_56 : i32 to index
      %swap3A_605 = arith.constant 528 : index
      %swap3A_606 = tpu.vector_load %arg12[%swap3A_604, %swap3A_605] {strides = array<i32>} : memref<32x1024xf32, #tpu.memory_space<vmem>>, vector<1x16xf32>,
      %swap3A_607 = vector.shape_cast %swap3A_606 : vector<1x16xf32> to vector<16xf32>
      %swap3A_608 = vector.shape_cast %add3A_603 : vector<16xf32> to vector<1x16xf32>
      tpu.vector_store %arg12[%swap3A_604, %swap3A_605], %swap3A_608 {strides = array<i32>} : memref<32x1024xf32, #tpu.memory_space<vmem>>, vector<1x16xf32>,
      %get3A_609 = arith.index_cast %scan3A_56 : i32 to index
      %get3A_610 = arith.constant 544 : index
      %get3A_611 = tpu.vector_load %arg12[%get3A_609, %get3A_610] {strides = array<i32>} : memref<32x1024xf32, #tpu.memory_space<vmem>>, vector<1x16xf32>,
      %get3A_612 = vector.shape_cast %get3A_611 : vector<1x16xf32> to vector<16xf32>
      %mul3A_613 = arith.mulf %get3A_612, %get3A_61 : vector<16xf32>
      %get3A_614 = arith.index_cast %scan3A_56 : i32 to index
      %get3A_615 = arith.constant 544 : index
      %get3A_616 = tpu.vector_load %arg13[%get3A_614, %get3A_615] {strides = array<i32>} : memref<32x1024xf32, #tpu.memory_space<vmem>>, vector<1x16xf32>,
      %get3A_617 = vector.shape_cast %get3A_616 : vector<1x16xf32> to vector<16xf32>
      %mul3A_618 = arith.mulf %get3A_617, %get3A_65 : vector<16xf32>
      %add3A_619 = arith.addf %mul3A_613, %mul3A_618 : vector<16xf32>
      %swap3A_620 = arith.index_cast %scan3A_56 : i32 to index
      %swap3A_621 = arith.constant 544 : index
      %swap3A_622 = tpu.vector_load %arg12[%swap3A_620, %swap3A_621] {strides = array<i32>} : memref<32x1024xf32, #tpu.memory_space<vmem>>, vector<1x16xf32>,
      %swap3A_623 = vector.shape_cast %swap3A_622 : vector<1x16xf32> to vector<16xf32>
      %swap3A_624 = vector.shape_cast %add3A_619 : vector<16xf32> to vector<1x16xf32>
      tpu.vector_store %arg12[%swap3A_620, %swap3A_621], %swap3A_624 {strides = array<i32>} : memref<32x1024xf32, #tpu.memory_space<vmem>>, vector<1x16xf32>,
      %get3A_625 = arith.index_cast %scan3A_56 : i32 to index
      %get3A_626 = arith.constant 560 : index
      %get3A_627 = tpu.vector_load %arg12[%get3A_625, %get3A_626] {strides = array<i32>} : memref<32x1024xf32, #tpu.memory_space<vmem>>, vector<1x16xf32>,
      %get3A_628 = vector.shape_cast %get3A_627 : vector<1x16xf32> to vector<16xf32>
      %mul3A_629 = arith.mulf %get3A_628, %get3A_61 : vector<16xf32>
      %get3A_630 = arith.index_cast %scan3A_56 : i32 to index
      %get3A_631 = arith.constant 560 : index
      %get3A_632 = tpu.vector_load %arg13[%get3A_630, %get3A_631] {strides = array<i32>} : memref<32x1024xf32, #tpu.memory_space<vmem>>, vector<1x16xf32>,
      %get3A_633 = vector.shape_cast %get3A_632 : vector<1x16xf32> to vector<16xf32>
      %mul3A_634 = arith.mulf %get3A_633, %get3A_65 : vector<16xf32>
      %add3A_635 = arith.addf %mul3A_629, %mul3A_634 : vector<16xf32>
      %swap3A_636 = arith.index_cast %scan3A_56 : i32 to index
      %swap3A_637 = arith.constant 560 : index
      %swap3A_638 = tpu.vector_load %arg12[%swap3A_636, %swap3A_637] {strides = array<i32>} : memref<32x1024xf32, #tpu.memory_space<vmem>>, vector<1x16xf32>,
      %swap3A_639 = vector.shape_cast %swap3A_638 : vector<1x16xf32> to vector<16xf32>
      %swap3A_640 = vector.shape_cast %add3A_635 : vector<16xf32> to vector<1x16xf32>
      tpu.vector_store %arg12[%swap3A_636, %swap3A_637], %swap3A_640 {strides = array<i32>} : memref<32x1024xf32, #tpu.memory_space<vmem>>, vector<1x16xf32>,
      %get3A_641 = arith.index_cast %scan3A_56 : i32 to index
      %get3A_642 = arith.constant 576 : index
      %get3A_643 = tpu.vector_load %arg12[%get3A_641, %get3A_642] {strides = array<i32>} : memref<32x1024xf32, #tpu.memory_space<vmem>>, vector<1x16xf32>,
      %get3A_644 = vector.shape_cast %get3A_643 : vector<1x16xf32> to vector<16xf32>
      %mul3A_645 = arith.mulf %get3A_644, %get3A_61 : vector<16xf32>
      %get3A_646 = arith.index_cast %scan3A_56 : i32 to index
      %get3A_647 = arith.constant 576 : index
      %get3A_648 = tpu.vector_load %arg13[%get3A_646, %get3A_647] {strides = array<i32>} : memref<32x1024xf32, #tpu.memory_space<vmem>>, vector<1x16xf32>,
      %get3A_649 = vector.shape_cast %get3A_648 : vector<1x16xf32> to vector<16xf32>
      %mul3A_650 = arith.mulf %get3A_649, %get3A_65 : vector<16xf32>
      %add3A_651 = arith.addf %mul3A_645, %mul3A_650 : vector<16xf32>
      %swap3A_652 = arith.index_cast %scan3A_56 : i32 to index
      %swap3A_653 = arith.constant 576 : index
      %swap3A_654 = tpu.vector_load %arg12[%swap3A_652, %swap3A_653] {strides = array<i32>} : memref<32x1024xf32, #tpu.memory_space<vmem>>, vector<1x16xf32>,
      %swap3A_655 = vector.shape_cast %swap3A_654 : vector<1x16xf32> to vector<16xf32>
      %swap3A_656 = vector.shape_cast %add3A_651 : vector<16xf32> to vector<1x16xf32>
      tpu.vector_store %arg12[%swap3A_652, %swap3A_653], %swap3A_656 {strides = array<i32>} : memref<32x1024xf32, #tpu.memory_space<vmem>>, vector<1x16xf32>,
      %get3A_657 = arith.index_cast %scan3A_56 : i32 to index
      %get3A_658 = arith.constant 592 : index
      %get3A_659 = tpu.vector_load %arg12[%get3A_657, %get3A_658] {strides = array<i32>} : memref<32x1024xf32, #tpu.memory_space<vmem>>, vector<1x16xf32>,
      %get3A_660 = vector.shape_cast %get3A_659 : vector<1x16xf32> to vector<16xf32>
      %mul3A_661 = arith.mulf %get3A_660, %get3A_61 : vector<16xf32>
      %get3A_662 = arith.index_cast %scan3A_56 : i32 to index
      %get3A_663 = arith.constant 592 : index
      %get3A_664 = tpu.vector_load %arg13[%get3A_662, %get3A_663] {strides = array<i32>} : memref<32x1024xf32, #tpu.memory_space<vmem>>, vector<1x16xf32>,
      %get3A_665 = vector.shape_cast %get3A_664 : vector<1x16xf32> to vector<16xf32>
      %mul3A_666 = arith.mulf %get3A_665, %get3A_65 : vector<16xf32>
      %add3A_667 = arith.addf %mul3A_661, %mul3A_666 : vector<16xf32>
      %swap3A_668 = arith.index_cast %scan3A_56 : i32 to index
      %swap3A_669 = arith.constant 592 : index
      %swap3A_670 = tpu.vector_load %arg12[%swap3A_668, %swap3A_669] {strides = array<i32>} : memref<32x1024xf32, #tpu.memory_space<vmem>>, vector<1x16xf32>,
      %swap3A_671 = vector.shape_cast %swap3A_670 : vector<1x16xf32> to vector<16xf32>
      %swap3A_672 = vector.shape_cast %add3A_667 : vector<16xf32> to vector<1x16xf32>
      tpu.vector_store %arg12[%swap3A_668, %swap3A_669], %swap3A_672 {strides = array<i32>} : memref<32x1024xf32, #tpu.memory_space<vmem>>, vector<1x16xf32>,
      %get3A_673 = arith.index_cast %scan3A_56 : i32 to index
      %get3A_674 = arith.constant 608 : index
      %get3A_675 = tpu.vector_load %arg12[%get3A_673, %get3A_674] {strides = array<i32>} : memref<32x1024xf32, #tpu.memory_space<vmem>>, vector<1x16xf32>,
      %get3A_676 = vector.shape_cast %get3A_675 : vector<1x16xf32> to vector<16xf32>
      %mul3A_677 = arith.mulf %get3A_676, %get3A_61 : vector<16xf32>
      %get3A_678 = arith.index_cast %scan3A_56 : i32 to index
      %get3A_679 = arith.constant 608 : index
      %get3A_680 = tpu.vector_load %arg13[%get3A_678, %get3A_679] {strides = array<i32>} : memref<32x1024xf32, #tpu.memory_space<vmem>>, vector<1x16xf32>,
      %get3A_681 = vector.shape_cast %get3A_680 : vector<1x16xf32> to vector<16xf32>
      %mul3A_682 = arith.mulf %get3A_681, %get3A_65 : vector<16xf32>
      %add3A_683 = arith.addf %mul3A_677, %mul3A_682 : vector<16xf32>
      %swap3A_684 = arith.index_cast %scan3A_56 : i32 to index
      %swap3A_685 = arith.constant 608 : index
      %swap3A_686 = tpu.vector_load %arg12[%swap3A_684, %swap3A_685] {strides = array<i32>} : memref<32x1024xf32, #tpu.memory_space<vmem>>, vector<1x16xf32>,
      %swap3A_687 = vector.shape_cast %swap3A_686 : vector<1x16xf32> to vector<16xf32>
      %swap3A_688 = vector.shape_cast %add3A_683 : vector<16xf32> to vector<1x16xf32>
      tpu.vector_store %arg12[%swap3A_684, %swap3A_685], %swap3A_688 {strides = array<i32>} : memref<32x1024xf32, #tpu.memory_space<vmem>>, vector<1x16xf32>,
      %get3A_689 = arith.index_cast %scan3A_56 : i32 to index
      %get3A_690 = arith.constant 624 : index
      %get3A_691 = tpu.vector_load %arg12[%get3A_689, %get3A_690] {strides = array<i32>} : memref<32x1024xf32, #tpu.memory_space<vmem>>, vector<1x16xf32>,
      %get3A_692 = vector.shape_cast %get3A_691 : vector<1x16xf32> to vector<16xf32>
      %mul3A_693 = arith.mulf %get3A_692, %get3A_61 : vector<16xf32>
      %get3A_694 = arith.index_cast %scan3A_56 : i32 to index
      %get3A_695 = arith.constant 624 : index
      %get3A_696 = tpu.vector_load %arg13[%get3A_694, %get3A_695] {strides = array<i32>} : memref<32x1024xf32, #tpu.memory_space<vmem>>, vector<1x16xf32>,
      %get3A_697 = vector.shape_cast %get3A_696 : vector<1x16xf32> to vector<16xf32>
      %mul3A_698 = arith.mulf %get3A_697, %get3A_65 : vector<16xf32>
      %add3A_699 = arith.addf %mul3A_693, %mul3A_698 : vector<16xf32>
      %swap3A_700 = arith.index_cast %scan3A_56 : i32 to index
      %swap3A_701 = arith.constant 624 : index
      %swap3A_702 = tpu.vector_load %arg12[%swap3A_700, %swap3A_701] {strides = array<i32>} : memref<32x1024xf32, #tpu.memory_space<vmem>>, vector<1x16xf32>,
      %swap3A_703 = vector.shape_cast %swap3A_702 : vector<1x16xf32> to vector<16xf32>
      %swap3A_704 = vector.shape_cast %add3A_699 : vector<16xf32> to vector<1x16xf32>
      tpu.vector_store %arg12[%swap3A_700, %swap3A_701], %swap3A_704 {strides = array<i32>} : memref<32x1024xf32, #tpu.memory_space<vmem>>, vector<1x16xf32>,
      %get3A_705 = arith.index_cast %scan3A_56 : i32 to index
      %get3A_706 = arith.constant 640 : index
      %get3A_707 = tpu.vector_load %arg12[%get3A_705, %get3A_706] {strides = array<i32>} : memref<32x1024xf32, #tpu.memory_space<vmem>>, vector<1x16xf32>,
      %get3A_708 = vector.shape_cast %get3A_707 : vector<1x16xf32> to vector<16xf32>
      %mul3A_709 = arith.mulf %get3A_708, %get3A_61 : vector<16xf32>
      %get3A_710 = arith.index_cast %scan3A_56 : i32 to index
      %get3A_711 = arith.constant 640 : index
      %get3A_712 = tpu.vector_load %arg13[%get3A_710, %get3A_711] {strides = array<i32>} : memref<32x1024xf32, #tpu.memory_space<vmem>>, vector<1x16xf32>,
      %get3A_713 = vector.shape_cast %get3A_712 : vector<1x16xf32> to vector<16xf32>
      %mul3A_714 = arith.mulf %get3A_713, %get3A_65 : vector<16xf32>
      %add3A_715 = arith.addf %mul3A_709, %mul3A_714 : vector<16xf32>
      %swap3A_716 = arith.index_cast %scan3A_56 : i32 to index
      %swap3A_717 = arith.constant 640 : index
      %swap3A_718 = tpu.vector_load %arg12[%swap3A_716, %swap3A_717] {strides = array<i32>} : memref<32x1024xf32, #tpu.memory_space<vmem>>, vector<1x16xf32>,
      %swap3A_719 = vector.shape_cast %swap3A_718 : vector<1x16xf32> to vector<16xf32>
      %swap3A_720 = vector.shape_cast %add3A_715 : vector<16xf32> to vector<1x16xf32>
      tpu.vector_store %arg12[%swap3A_716, %swap3A_717], %swap3A_720 {strides = array<i32>} : memref<32x1024xf32, #tpu.memory_space<vmem>>, vector<1x16xf32>,
      %get3A_721 = arith.index_cast %scan3A_56 : i32 to index
      %get3A_722 = arith.constant 656 : index
      %get3A_723 = tpu.vector_load %arg12[%get3A_721, %get3A_722] {strides = array<i32>} : memref<32x1024xf32, #tpu.memory_space<vmem>>, vector<1x16xf32>,
      %get3A_724 = vector.shape_cast %get3A_723 : vector<1x16xf32> to vector<16xf32>
      %mul3A_725 = arith.mulf %get3A_724, %get3A_61 : vector<16xf32>
      %get3A_726 = arith.index_cast %scan3A_56 : i32 to index
      %get3A_727 = arith.constant 656 : index
      %get3A_728 = tpu.vector_load %arg13[%get3A_726, %get3A_727] {strides = array<i32>} : memref<32x1024xf32, #tpu.memory_space<vmem>>, vector<1x16xf32>,
      %get3A_729 = vector.shape_cast %get3A_728 : vector<1x16xf32> to vector<16xf32>
      %mul3A_730 = arith.mulf %get3A_729, %get3A_65 : vector<16xf32>
      %add3A_731 = arith.addf %mul3A_725, %mul3A_730 : vector<16xf32>
      %swap3A_732 = arith.index_cast %scan3A_56 : i32 to index
      %swap3A_733 = arith.constant 656 : index
      %swap3A_734 = tpu.vector_load %arg12[%swap3A_732, %swap3A_733] {strides = array<i32>} : memref<32x1024xf32, #tpu.memory_space<vmem>>, vector<1x16xf32>,
      %swap3A_735 = vector.shape_cast %swap3A_734 : vector<1x16xf32> to vector<16xf32>
      %swap3A_736 = vector.shape_cast %add3A_731 : vector<16xf32> to vector<1x16xf32>
      tpu.vector_store %arg12[%swap3A_732, %swap3A_733], %swap3A_736 {strides = array<i32>} : memref<32x1024xf32, #tpu.memory_space<vmem>>, vector<1x16xf32>,
      %get3A_737 = arith.index_cast %scan3A_56 : i32 to index
      %get3A_738 = arith.constant 672 : index
      %get3A_739 = tpu.vector_load %arg12[%get3A_737, %get3A_738] {strides = array<i32>} : memref<32x1024xf32, #tpu.memory_space<vmem>>, vector<1x16xf32>,
      %get3A_740 = vector.shape_cast %get3A_739 : vector<1x16xf32> to vector<16xf32>
      %mul3A_741 = arith.mulf %get3A_740, %get3A_61 : vector<16xf32>
      %get3A_742 = arith.index_cast %scan3A_56 : i32 to index
      %get3A_743 = arith.constant 672 : index
      %get3A_744 = tpu.vector_load %arg13[%get3A_742, %get3A_743] {strides = array<i32>} : memref<32x1024xf32, #tpu.memory_space<vmem>>, vector<1x16xf32>,
      %get3A_745 = vector.shape_cast %get3A_744 : vector<1x16xf32> to vector<16xf32>
      %mul3A_746 = arith.mulf %get3A_745, %get3A_65 : vector<16xf32>
      %add3A_747 = arith.addf %mul3A_741, %mul3A_746 : vector<16xf32>
      %swap3A_748 = arith.index_cast %scan3A_56 : i32 to index
      %swap3A_749 = arith.constant 672 : index
      %swap3A_750 = tpu.vector_load %arg12[%swap3A_748, %swap3A_749] {strides = array<i32>} : memref<32x1024xf32, #tpu.memory_space<vmem>>, vector<1x16xf32>,
      %swap3A_751 = vector.shape_cast %swap3A_750 : vector<1x16xf32> to vector<16xf32>
      %swap3A_752 = vector.shape_cast %add3A_747 : vector<16xf32> to vector<1x16xf32>
      tpu.vector_store %arg12[%swap3A_748, %swap3A_749], %swap3A_752 {strides = array<i32>} : memref<32x1024xf32, #tpu.memory_space<vmem>>, vector<1x16xf32>,
      %get3A_753 = arith.index_cast %scan3A_56 : i32 to index
      %get3A_754 = arith.constant 688 : index
      %get3A_755 = tpu.vector_load %arg12[%get3A_753, %get3A_754] {strides = array<i32>} : memref<32x1024xf32, #tpu.memory_space<vmem>>, vector<1x16xf32>,
      %get3A_756 = vector.shape_cast %get3A_755 : vector<1x16xf32> to vector<16xf32>
      %mul3A_757 = arith.mulf %get3A_756, %get3A_61 : vector<16xf32>
      %get3A_758 = arith.index_cast %scan3A_56 : i32 to index
      %get3A_759 = arith.constant 688 : index
      %get3A_760 = tpu.vector_load %arg13[%get3A_758, %get3A_759] {strides = array<i32>} : memref<32x1024xf32, #tpu.memory_space<vmem>>, vector<1x16xf32>,
      %get3A_761 = vector.shape_cast %get3A_760 : vector<1x16xf32> to vector<16xf32>
      %mul3A_762 = arith.mulf %get3A_761, %get3A_65 : vector<16xf32>
      %add3A_763 = arith.addf %mul3A_757, %mul3A_762 : vector<16xf32>
      %swap3A_764 = arith.index_cast %scan3A_56 : i32 to index
      %swap3A_765 = arith.constant 688 : index
      %swap3A_766 = tpu.vector_load %arg12[%swap3A_764, %swap3A_765] {strides = array<i32>} : memref<32x1024xf32, #tpu.memory_space<vmem>>, vector<1x16xf32>,
      %swap3A_767 = vector.shape_cast %swap3A_766 : vector<1x16xf32> to vector<16xf32>
      %swap3A_768 = vector.shape_cast %add3A_763 : vector<16xf32> to vector<1x16xf32>
      tpu.vector_store %arg12[%swap3A_764, %swap3A_765], %swap3A_768 {strides = array<i32>} : memref<32x1024xf32, #tpu.memory_space<vmem>>, vector<1x16xf32>,
      %get3A_769 = arith.index_cast %scan3A_56 : i32 to index
      %get3A_770 = arith.constant 704 : index
      %get3A_771 = tpu.vector_load %arg12[%get3A_769, %get3A_770] {strides = array<i32>} : memref<32x1024xf32, #tpu.memory_space<vmem>>, vector<1x16xf32>,
      %get3A_772 = vector.shape_cast %get3A_771 : vector<1x16xf32> to vector<16xf32>
      %mul3A_773 = arith.mulf %get3A_772, %get3A_61 : vector<16xf32>
      %get3A_774 = arith.index_cast %scan3A_56 : i32 to index
      %get3A_775 = arith.constant 704 : index
      %get3A_776 = tpu.vector_load %arg13[%get3A_774, %get3A_775] {strides = array<i32>} : memref<32x1024xf32, #tpu.memory_space<vmem>>, vector<1x16xf32>,
      %get3A_777 = vector.shape_cast %get3A_776 : vector<1x16xf32> to vector<16xf32>
      %mul3A_778 = arith.mulf %get3A_777, %get3A_65 : vector<16xf32>
      %add3A_779 = arith.addf %mul3A_773, %mul3A_778 : vector<16xf32>
      %swap3A_780 = arith.index_cast %scan3A_56 : i32 to index
      %swap3A_781 = arith.constant 704 : index
      %swap3A_782 = tpu.vector_load %arg12[%swap3A_780, %swap3A_781] {strides = array<i32>} : memref<32x1024xf32, #tpu.memory_space<vmem>>, vector<1x16xf32>,
      %swap3A_783 = vector.shape_cast %swap3A_782 : vector<1x16xf32> to vector<16xf32>
      %swap3A_784 = vector.shape_cast %add3A_779 : vector<16xf32> to vector<1x16xf32>
      tpu.vector_store %arg12[%swap3A_780, %swap3A_781], %swap3A_784 {strides = array<i32>} : memref<32x1024xf32, #tpu.memory_space<vmem>>, vector<1x16xf32>,
      %get3A_785 = arith.index_cast %scan3A_56 : i32 to index
      %get3A_786 = arith.constant 720 : index
      %get3A_787 = tpu.vector_load %arg12[%get3A_785, %get3A_786] {strides = array<i32>} : memref<32x1024xf32, #tpu.memory_space<vmem>>, vector<1x16xf32>,
      %get3A_788 = vector.shape_cast %get3A_787 : vector<1x16xf32> to vector<16xf32>
      %mul3A_789 = arith.mulf %get3A_788, %get3A_61 : vector<16xf32>
      %get3A_790 = arith.index_cast %scan3A_56 : i32 to index
      %get3A_791 = arith.constant 720 : index
      %get3A_792 = tpu.vector_load %arg13[%get3A_790, %get3A_791] {strides = array<i32>} : memref<32x1024xf32, #tpu.memory_space<vmem>>, vector<1x16xf32>,
      %get3A_793 = vector.shape_cast %get3A_792 : vector<1x16xf32> to vector<16xf32>
      %mul3A_794 = arith.mulf %get3A_793, %get3A_65 : vector<16xf32>
      %add3A_795 = arith.addf %mul3A_789, %mul3A_794 : vector<16xf32>
      %swap3A_796 = arith.index_cast %scan3A_56 : i32 to index
      %swap3A_797 = arith.constant 720 : index
      %swap3A_798 = tpu.vector_load %arg12[%swap3A_796, %swap3A_797] {strides = array<i32>} : memref<32x1024xf32, #tpu.memory_space<vmem>>, vector<1x16xf32>,
      %swap3A_799 = vector.shape_cast %swap3A_798 : vector<1x16xf32> to vector<16xf32>
      %swap3A_800 = vector.shape_cast %add3A_795 : vector<16xf32> to vector<1x16xf32>
      tpu.vector_store %arg12[%swap3A_796, %swap3A_797], %swap3A_800 {strides = array<i32>} : memref<32x1024xf32, #tpu.memory_space<vmem>>, vector<1x16xf32>,
      %get3A_801 = arith.index_cast %scan3A_56 : i32 to index
      %get3A_802 = arith.constant 736 : index
      %get3A_803 = tpu.vector_load %arg12[%get3A_801, %get3A_802] {strides = array<i32>} : memref<32x1024xf32, #tpu.memory_space<vmem>>, vector<1x16xf32>,
      %get3A_804 = vector.shape_cast %get3A_803 : vector<1x16xf32> to vector<16xf32>
      %mul3A_805 = arith.mulf %get3A_804, %get3A_61 : vector<16xf32>
      %get3A_806 = arith.index_cast %scan3A_56 : i32 to index
      %get3A_807 = arith.constant 736 : index
      %get3A_808 = tpu.vector_load %arg13[%get3A_806, %get3A_807] {strides = array<i32>} : memref<32x1024xf32, #tpu.memory_space<vmem>>, vector<1x16xf32>,
      %get3A_809 = vector.shape_cast %get3A_808 : vector<1x16xf32> to vector<16xf32>
      %mul3A_810 = arith.mulf %get3A_809, %get3A_65 : vector<16xf32>
      %add3A_811 = arith.addf %mul3A_805, %mul3A_810 : vector<16xf32>
      %swap3A_812 = arith.index_cast %scan3A_56 : i32 to index
      %swap3A_813 = arith.constant 736 : index
      %swap3A_814 = tpu.vector_load %arg12[%swap3A_812, %swap3A_813] {strides = array<i32>} : memref<32x1024xf32, #tpu.memory_space<vmem>>, vector<1x16xf32>,
      %swap3A_815 = vector.shape_cast %swap3A_814 : vector<1x16xf32> to vector<16xf32>
      %swap3A_816 = vector.shape_cast %add3A_811 : vector<16xf32> to vector<1x16xf32>
      tpu.vector_store %arg12[%swap3A_812, %swap3A_813], %swap3A_816 {strides = array<i32>} : memref<32x1024xf32, #tpu.memory_space<vmem>>, vector<1x16xf32>,
      %get3A_817 = arith.index_cast %scan3A_56 : i32 to index
      %get3A_818 = arith.constant 752 : index
      %get3A_819 = tpu.vector_load %arg12[%get3A_817, %get3A_818] {strides = array<i32>} : memref<32x1024xf32, #tpu.memory_space<vmem>>, vector<1x16xf32>,
      %get3A_820 = vector.shape_cast %get3A_819 : vector<1x16xf32> to vector<16xf32>
      %mul3A_821 = arith.mulf %get3A_820, %get3A_61 : vector<16xf32>
      %get3A_822 = arith.index_cast %scan3A_56 : i32 to index
      %get3A_823 = arith.constant 752 : index
      %get3A_824 = tpu.vector_load %arg13[%get3A_822, %get3A_823] {strides = array<i32>} : memref<32x1024xf32, #tpu.memory_space<vmem>>, vector<1x16xf32>,
      %get3A_825 = vector.shape_cast %get3A_824 : vector<1x16xf32> to vector<16xf32>
      %mul3A_826 = arith.mulf %get3A_825, %get3A_65 : vector<16xf32>
      %add3A_827 = arith.addf %mul3A_821, %mul3A_826 : vector<16xf32>
      %swap3A_828 = arith.index_cast %scan3A_56 : i32 to index
      %swap3A_829 = arith.constant 752 : index
      %swap3A_830 = tpu.vector_load %arg12[%swap3A_828, %swap3A_829] {strides = array<i32>} : memref<32x1024xf32, #tpu.memory_space<vmem>>, vector<1x16xf32>,
      %swap3A_831 = vector.shape_cast %swap3A_830 : vector<1x16xf32> to vector<16xf32>
      %swap3A_832 = vector.shape_cast %add3A_827 : vector<16xf32> to vector<1x16xf32>
      tpu.vector_store %arg12[%swap3A_828, %swap3A_829], %swap3A_832 {strides = array<i32>} : memref<32x1024xf32, #tpu.memory_space<vmem>>, vector<1x16xf32>,
      %get3A_833 = arith.index_cast %scan3A_56 : i32 to index
      %get3A_834 = arith.constant 768 : index
      %get3A_835 = tpu.vector_load %arg12[%get3A_833, %get3A_834] {strides = array<i32>} : memref<32x1024xf32, #tpu.memory_space<vmem>>, vector<1x16xf32>,
      %get3A_836 = vector.shape_cast %get3A_835 : vector<1x16xf32> to vector<16xf32>
      %mul3A_837 = arith.mulf %get3A_836, %get3A_61 : vector<16xf32>
      %get3A_838 = arith.index_cast %scan3A_56 : i32 to index
      %get3A_839 = arith.constant 768 : index
      %get3A_840 = tpu.vector_load %arg13[%get3A_838, %get3A_839] {strides = array<i32>} : memref<32x1024xf32, #tpu.memory_space<vmem>>, vector<1x16xf32>,
      %get3A_841 = vector.shape_cast %get3A_840 : vector<1x16xf32> to vector<16xf32>
      %mul3A_842 = arith.mulf %get3A_841, %get3A_65 : vector<16xf32>
      %add3A_843 = arith.addf %mul3A_837, %mul3A_842 : vector<16xf32>
      %swap3A_844 = arith.index_cast %scan3A_56 : i32 to index
      %swap3A_845 = arith.constant 768 : index
      %swap3A_846 = tpu.vector_load %arg12[%swap3A_844, %swap3A_845] {strides = array<i32>} : memref<32x1024xf32, #tpu.memory_space<vmem>>, vector<1x16xf32>,
      %swap3A_847 = vector.shape_cast %swap3A_846 : vector<1x16xf32> to vector<16xf32>
      %swap3A_848 = vector.shape_cast %add3A_843 : vector<16xf32> to vector<1x16xf32>
      tpu.vector_store %arg12[%swap3A_844, %swap3A_845], %swap3A_848 {strides = array<i32>} : memref<32x1024xf32, #tpu.memory_space<vmem>>, vector<1x16xf32>,
      %get3A_849 = arith.index_cast %scan3A_56 : i32 to index
      %get3A_850 = arith.constant 784 : index
      %get3A_851 = tpu.vector_load %arg12[%get3A_849, %get3A_850] {strides = array<i32>} : memref<32x1024xf32, #tpu.memory_space<vmem>>, vector<1x16xf32>,
      %get3A_852 = vector.shape_cast %get3A_851 : vector<1x16xf32> to vector<16xf32>
      %mul3A_853 = arith.mulf %get3A_852, %get3A_61 : vector<16xf32>
      %get3A_854 = arith.index_cast %scan3A_56 : i32 to index
      %get3A_855 = arith.constant 784 : index
      %get3A_856 = tpu.vector_load %arg13[%get3A_854, %get3A_855] {strides = array<i32>} : memref<32x1024xf32, #tpu.memory_space<vmem>>, vector<1x16xf32>,
      %get3A_857 = vector.shape_cast %get3A_856 : vector<1x16xf32> to vector<16xf32>
      %mul3A_858 = arith.mulf %get3A_857, %get3A_65 : vector<16xf32>
      %add3A_859 = arith.addf %mul3A_853, %mul3A_858 : vector<16xf32>
      %swap3A_860 = arith.index_cast %scan3A_56 : i32 to index
      %swap3A_861 = arith.constant 784 : index
      %swap3A_862 = tpu.vector_load %arg12[%swap3A_860, %swap3A_861] {strides = array<i32>} : memref<32x1024xf32, #tpu.memory_space<vmem>>, vector<1x16xf32>,
      %swap3A_863 = vector.shape_cast %swap3A_862 : vector<1x16xf32> to vector<16xf32>
      %swap3A_864 = vector.shape_cast %add3A_859 : vector<16xf32> to vector<1x16xf32>
      tpu.vector_store %arg12[%swap3A_860, %swap3A_861], %swap3A_864 {strides = array<i32>} : memref<32x1024xf32, #tpu.memory_space<vmem>>, vector<1x16xf32>,
      %get3A_865 = arith.index_cast %scan3A_56 : i32 to index
      %get3A_866 = arith.constant 800 : index
      %get3A_867 = tpu.vector_load %arg12[%get3A_865, %get3A_866] {strides = array<i32>} : memref<32x1024xf32, #tpu.memory_space<vmem>>, vector<1x16xf32>,
      %get3A_868 = vector.shape_cast %get3A_867 : vector<1x16xf32> to vector<16xf32>
      %mul3A_869 = arith.mulf %get3A_868, %get3A_61 : vector<16xf32>
      %get3A_870 = arith.index_cast %scan3A_56 : i32 to index
      %get3A_871 = arith.constant 800 : index
      %get3A_872 = tpu.vector_load %arg13[%get3A_870, %get3A_871] {strides = array<i32>} : memref<32x1024xf32, #tpu.memory_space<vmem>>, vector<1x16xf32>,
      %get3A_873 = vector.shape_cast %get3A_872 : vector<1x16xf32> to vector<16xf32>
      %mul3A_874 = arith.mulf %get3A_873, %get3A_65 : vector<16xf32>
      %add3A_875 = arith.addf %mul3A_869, %mul3A_874 : vector<16xf32>
      %swap3A_876 = arith.index_cast %scan3A_56 : i32 to index
      %swap3A_877 = arith.constant 800 : index
      %swap3A_878 = tpu.vector_load %arg12[%swap3A_876, %swap3A_877] {strides = array<i32>} : memref<32x1024xf32, #tpu.memory_space<vmem>>, vector<1x16xf32>,
      %swap3A_879 = vector.shape_cast %swap3A_878 : vector<1x16xf32> to vector<16xf32>
      %swap3A_880 = vector.shape_cast %add3A_875 : vector<16xf32> to vector<1x16xf32>
      tpu.vector_store %arg12[%swap3A_876, %swap3A_877], %swap3A_880 {strides = array<i32>} : memref<32x1024xf32, #tpu.memory_space<vmem>>, vector<1x16xf32>,
      %get3A_881 = arith.index_cast %scan3A_56 : i32 to index
      %get3A_882 = arith.constant 816 : index
      %get3A_883 = tpu.vector_load %arg12[%get3A_881, %get3A_882] {strides = array<i32>} : memref<32x1024xf32, #tpu.memory_space<vmem>>, vector<1x16xf32>,
      %get3A_884 = vector.shape_cast %get3A_883 : vector<1x16xf32> to vector<16xf32>
      %mul3A_885 = arith.mulf %get3A_884, %get3A_61 : vector<16xf32>
      %get3A_886 = arith.index_cast %scan3A_56 : i32 to index
      %get3A_887 = arith.constant 816 : index
      %get3A_888 = tpu.vector_load %arg13[%get3A_886, %get3A_887] {strides = array<i32>} : memref<32x1024xf32, #tpu.memory_space<vmem>>, vector<1x16xf32>,
      %get3A_889 = vector.shape_cast %get3A_888 : vector<1x16xf32> to vector<16xf32>
      %mul3A_890 = arith.mulf %get3A_889, %get3A_65 : vector<16xf32>
      %add3A_891 = arith.addf %mul3A_885, %mul3A_890 : vector<16xf32>
      %swap3A_892 = arith.index_cast %scan3A_56 : i32 to index
      %swap3A_893 = arith.constant 816 : index
      %swap3A_894 = tpu.vector_load %arg12[%swap3A_892, %swap3A_893] {strides = array<i32>} : memref<32x1024xf32, #tpu.memory_space<vmem>>, vector<1x16xf32>,
      %swap3A_895 = vector.shape_cast %swap3A_894 : vector<1x16xf32> to vector<16xf32>
      %swap3A_896 = vector.shape_cast %add3A_891 : vector<16xf32> to vector<1x16xf32>
      tpu.vector_store %arg12[%swap3A_892, %swap3A_893], %swap3A_896 {strides = array<i32>} : memref<32x1024xf32, #tpu.memory_space<vmem>>, vector<1x16xf32>,
      %get3A_897 = arith.index_cast %scan3A_56 : i32 to index
      %get3A_898 = arith.constant 832 : index
      %get3A_899 = tpu.vector_load %arg12[%get3A_897, %get3A_898] {strides = array<i32>} : memref<32x1024xf32, #tpu.memory_space<vmem>>, vector<1x16xf32>,
      %get3A_900 = vector.shape_cast %get3A_899 : vector<1x16xf32> to vector<16xf32>
      %mul3A_901 = arith.mulf %get3A_900, %get3A_61 : vector<16xf32>
      %get3A_902 = arith.index_cast %scan3A_56 : i32 to index
      %get3A_903 = arith.constant 832 : index
      %get3A_904 = tpu.vector_load %arg13[%get3A_902, %get3A_903] {strides = array<i32>} : memref<32x1024xf32, #tpu.memory_space<vmem>>, vector<1x16xf32>,
      %get3A_905 = vector.shape_cast %get3A_904 : vector<1x16xf32> to vector<16xf32>
      %mul3A_906 = arith.mulf %get3A_905, %get3A_65 : vector<16xf32>
      %add3A_907 = arith.addf %mul3A_901, %mul3A_906 : vector<16xf32>
      %swap3A_908 = arith.index_cast %scan3A_56 : i32 to index
      %swap3A_909 = arith.constant 832 : index
      %swap3A_910 = tpu.vector_load %arg12[%swap3A_908, %swap3A_909] {strides = array<i32>} : memref<32x1024xf32, #tpu.memory_space<vmem>>, vector<1x16xf32>,
      %swap3A_911 = vector.shape_cast %swap3A_910 : vector<1x16xf32> to vector<16xf32>
      %swap3A_912 = vector.shape_cast %add3A_907 : vector<16xf32> to vector<1x16xf32>
      tpu.vector_store %arg12[%swap3A_908, %swap3A_909], %swap3A_912 {strides = array<i32>} : memref<32x1024xf32, #tpu.memory_space<vmem>>, vector<1x16xf32>,
      %get3A_913 = arith.index_cast %scan3A_56 : i32 to index
      %get3A_914 = arith.constant 848 : index
      %get3A_915 = tpu.vector_load %arg12[%get3A_913, %get3A_914] {strides = array<i32>} : memref<32x1024xf32, #tpu.memory_space<vmem>>, vector<1x16xf32>,
      %get3A_916 = vector.shape_cast %get3A_915 : vector<1x16xf32> to vector<16xf32>
      %mul3A_917 = arith.mulf %get3A_916, %get3A_61 : vector<16xf32>
      %get3A_918 = arith.index_cast %scan3A_56 : i32 to index
      %get3A_919 = arith.constant 848 : index
      %get3A_920 = tpu.vector_load %arg13[%get3A_918, %get3A_919] {strides = array<i32>} : memref<32x1024xf32, #tpu.memory_space<vmem>>, vector<1x16xf32>,
      %get3A_921 = vector.shape_cast %get3A_920 : vector<1x16xf32> to vector<16xf32>
      %mul3A_922 = arith.mulf %get3A_921, %get3A_65 : vector<16xf32>
      %add3A_923 = arith.addf %mul3A_917, %mul3A_922 : vector<16xf32>
      %swap3A_924 = arith.index_cast %scan3A_56 : i32 to index
      %swap3A_925 = arith.constant 848 : index
      %swap3A_926 = tpu.vector_load %arg12[%swap3A_924, %swap3A_925] {strides = array<i32>} : memref<32x1024xf32, #tpu.memory_space<vmem>>, vector<1x16xf32>,
      %swap3A_927 = vector.shape_cast %swap3A_926 : vector<1x16xf32> to vector<16xf32>
      %swap3A_928 = vector.shape_cast %add3A_923 : vector<16xf32> to vector<1x16xf32>
      tpu.vector_store %arg12[%swap3A_924, %swap3A_925], %swap3A_928 {strides = array<i32>} : memref<32x1024xf32, #tpu.memory_space<vmem>>, vector<1x16xf32>,
      %get3A_929 = arith.index_cast %scan3A_56 : i32 to index
      %get3A_930 = arith.constant 864 : index
      %get3A_931 = tpu.vector_load %arg12[%get3A_929, %get3A_930] {strides = array<i32>} : memref<32x1024xf32, #tpu.memory_space<vmem>>, vector<1x16xf32>,
      %get3A_932 = vector.shape_cast %get3A_931 : vector<1x16xf32> to vector<16xf32>
      %mul3A_933 = arith.mulf %get3A_932, %get3A_61 : vector<16xf32>
      %get3A_934 = arith.index_cast %scan3A_56 : i32 to index
      %get3A_935 = arith.constant 864 : index
      %get3A_936 = tpu.vector_load %arg13[%get3A_934, %get3A_935] {strides = array<i32>} : memref<32x1024xf32, #tpu.memory_space<vmem>>, vector<1x16xf32>,
      %get3A_937 = vector.shape_cast %get3A_936 : vector<1x16xf32> to vector<16xf32>
      %mul3A_938 = arith.mulf %get3A_937, %get3A_65 : vector<16xf32>
      %add3A_939 = arith.addf %mul3A_933, %mul3A_938 : vector<16xf32>
      %swap3A_940 = arith.index_cast %scan3A_56 : i32 to index
      %swap3A_941 = arith.constant 864 : index
      %swap3A_942 = tpu.vector_load %arg12[%swap3A_940, %swap3A_941] {strides = array<i32>} : memref<32x1024xf32, #tpu.memory_space<vmem>>, vector<1x16xf32>,
      %swap3A_943 = vector.shape_cast %swap3A_942 : vector<1x16xf32> to vector<16xf32>
      %swap3A_944 = vector.shape_cast %add3A_939 : vector<16xf32> to vector<1x16xf32>
      tpu.vector_store %arg12[%swap3A_940, %swap3A_941], %swap3A_944 {strides = array<i32>} : memref<32x1024xf32, #tpu.memory_space<vmem>>, vector<1x16xf32>,
      %get3A_945 = arith.index_cast %scan3A_56 : i32 to index
      %get3A_946 = arith.constant 880 : index
      %get3A_947 = tpu.vector_load %arg12[%get3A_945, %get3A_946] {strides = array<i32>} : memref<32x1024xf32, #tpu.memory_space<vmem>>, vector<1x16xf32>,
      %get3A_948 = vector.shape_cast %get3A_947 : vector<1x16xf32> to vector<16xf32>
      %mul3A_949 = arith.mulf %get3A_948, %get3A_61 : vector<16xf32>
      %get3A_950 = arith.index_cast %scan3A_56 : i32 to index
      %get3A_951 = arith.constant 880 : index
      %get3A_952 = tpu.vector_load %arg13[%get3A_950, %get3A_951] {strides = array<i32>} : memref<32x1024xf32, #tpu.memory_space<vmem>>, vector<1x16xf32>,
      %get3A_953 = vector.shape_cast %get3A_952 : vector<1x16xf32> to vector<16xf32>
      %mul3A_954 = arith.mulf %get3A_953, %get3A_65 : vector<16xf32>
      %add3A_955 = arith.addf %mul3A_949, %mul3A_954 : vector<16xf32>
      %swap3A_956 = arith.index_cast %scan3A_56 : i32 to index
      %swap3A_957 = arith.constant 880 : index
      %swap3A_958 = tpu.vector_load %arg12[%swap3A_956, %swap3A_957] {strides = array<i32>} : memref<32x1024xf32, #tpu.memory_space<vmem>>, vector<1x16xf32>,
      %swap3A_959 = vector.shape_cast %swap3A_958 : vector<1x16xf32> to vector<16xf32>
      %swap3A_960 = vector.shape_cast %add3A_955 : vector<16xf32> to vector<1x16xf32>
      tpu.vector_store %arg12[%swap3A_956, %swap3A_957], %swap3A_960 {strides = array<i32>} : memref<32x1024xf32, #tpu.memory_space<vmem>>, vector<1x16xf32>,
      %get3A_961 = arith.index_cast %scan3A_56 : i32 to index
      %get3A_962 = arith.constant 896 : index
      %get3A_963 = tpu.vector_load %arg12[%get3A_961, %get3A_962] {strides = array<i32>} : memref<32x1024xf32, #tpu.memory_space<vmem>>, vector<1x16xf32>,
      %get3A_964 = vector.shape_cast %get3A_963 : vector<1x16xf32> to vector<16xf32>
      %mul3A_965 = arith.mulf %get3A_964, %get3A_61 : vector<16xf32>
      %get3A_966 = arith.index_cast %scan3A_56 : i32 to index
      %get3A_967 = arith.constant 896 : index
      %get3A_968 = tpu.vector_load %arg13[%get3A_966, %get3A_967] {strides = array<i32>} : memref<32x1024xf32, #tpu.memory_space<vmem>>, vector<1x16xf32>,
      %get3A_969 = vector.shape_cast %get3A_968 : vector<1x16xf32> to vector<16xf32>
      %mul3A_970 = arith.mulf %get3A_969, %get3A_65 : vector<16xf32>
      %add3A_971 = arith.addf %mul3A_965, %mul3A_970 : vector<16xf32>
      %swap3A_972 = arith.index_cast %scan3A_56 : i32 to index
      %swap3A_973 = arith.constant 896 : index
      %swap3A_974 = tpu.vector_load %arg12[%swap3A_972, %swap3A_973] {strides = array<i32>} : memref<32x1024xf32, #tpu.memory_space<vmem>>, vector<1x16xf32>,
      %swap3A_975 = vector.shape_cast %swap3A_974 : vector<1x16xf32> to vector<16xf32>
      %swap3A_976 = vector.shape_cast %add3A_971 : vector<16xf32> to vector<1x16xf32>
      tpu.vector_store %arg12[%swap3A_972, %swap3A_973], %swap3A_976 {strides = array<i32>} : memref<32x1024xf32, #tpu.memory_space<vmem>>, vector<1x16xf32>,
      %get3A_977 = arith.index_cast %scan3A_56 : i32 to index
      %get3A_978 = arith.constant 912 : index
      %get3A_979 = tpu.vector_load %arg12[%get3A_977, %get3A_978] {strides = array<i32>} : memref<32x1024xf32, #tpu.memory_space<vmem>>, vector<1x16xf32>,
      %get3A_980 = vector.shape_cast %get3A_979 : vector<1x16xf32> to vector<16xf32>
      %mul3A_981 = arith.mulf %get3A_980, %get3A_61 : vector<16xf32>
      %get3A_982 = arith.index_cast %scan3A_56 : i32 to index
      %get3A_983 = arith.constant 912 : index
      %get3A_984 = tpu.vector_load %arg13[%get3A_982, %get3A_983] {strides = array<i32>} : memref<32x1024xf32, #tpu.memory_space<vmem>>, vector<1x16xf32>,
      %get3A_985 = vector.shape_cast %get3A_984 : vector<1x16xf32> to vector<16xf32>
      %mul3A_986 = arith.mulf %get3A_985, %get3A_65 : vector<16xf32>
      %add3A_987 = arith.addf %mul3A_981, %mul3A_986 : vector<16xf32>
      %swap3A_988 = arith.index_cast %scan3A_56 : i32 to index
      %swap3A_989 = arith.constant 912 : index
      %swap3A_990 = tpu.vector_load %arg12[%swap3A_988, %swap3A_989] {strides = array<i32>} : memref<32x1024xf32, #tpu.memory_space<vmem>>, vector<1x16xf32>,
      %swap3A_991 = vector.shape_cast %swap3A_990 : vector<1x16xf32> to vector<16xf32>
      %swap3A_992 = vector.shape_cast %add3A_987 : vector<16xf32> to vector<1x16xf32>
      tpu.vector_store %arg12[%swap3A_988, %swap3A_989], %swap3A_992 {strides = array<i32>} : memref<32x1024xf32, #tpu.memory_space<vmem>>, vector<1x16xf32>,
      %get3A_993 = arith.index_cast %scan3A_56 : i32 to index
      %get3A_994 = arith.constant 928 : index
      %get3A_995 = tpu.vector_load %arg12[%get3A_993, %get3A_994] {strides = array<i32>} : memref<32x1024xf32, #tpu.memory_space<vmem>>, vector<1x16xf32>,
      %get3A_996 = vector.shape_cast %get3A_995 : vector<1x16xf32> to vector<16xf32>
      %mul3A_997 = arith.mulf %get3A_996, %get3A_61 : vector<16xf32>
      %get3A_998 = arith.index_cast %scan3A_56 : i32 to index
      %get3A_999 = arith.constant 928 : index
      %get3A_1000 = tpu.vector_load %arg13[%get3A_998, %get3A_999] {strides = array<i32>} : memref<32x1024xf32, #tpu.memory_space<vmem>>, vector<1x16xf32>,
      %get3A_1001 = vector.shape_cast %get3A_1000 : vector<1x16xf32> to vector<16xf32>
      %mul3A_1002 = arith.mulf %get3A_1001, %get3A_65 : vector<16xf32>
      %add3A_1003 = arith.addf %mul3A_997, %mul3A_1002 : vector<16xf32>
      %swap3A_1004 = arith.index_cast %scan3A_56 : i32 to index
      %swap3A_1005 = arith.constant 928 : index
      %swap3A_1006 = tpu.vector_load %arg12[%swap3A_1004, %swap3A_1005] {strides = array<i32>} : memref<32x1024xf32, #tpu.memory_space<vmem>>, vector<1x16xf32>,
      %swap3A_1007 = vector.shape_cast %swap3A_1006 : vector<1x16xf32> to vector<16xf32>
      %swap3A_1008 = vector.shape_cast %add3A_1003 : vector<16xf32> to vector<1x16xf32>
      tpu.vector_store %arg12[%swap3A_1004, %swap3A_1005], %swap3A_1008 {strides = array<i32>} : memref<32x1024xf32, #tpu.memory_space<vmem>>, vector<1x16xf32>,
      %get3A_1009 = arith.index_cast %scan3A_56 : i32 to index
      %get3A_1010 = arith.constant 944 : index
      %get3A_1011 = tpu.vector_load %arg12[%get3A_1009, %get3A_1010] {strides = array<i32>} : memref<32x1024xf32, #tpu.memory_space<vmem>>, vector<1x16xf32>,
      %get3A_1012 = vector.shape_cast %get3A_1011 : vector<1x16xf32> to vector<16xf32>
      %mul3A_1013 = arith.mulf %get3A_1012, %get3A_61 : vector<16xf32>
      %get3A_1014 = arith.index_cast %scan3A_56 : i32 to index
      %get3A_1015 = arith.constant 944 : index
      %get3A_1016 = tpu.vector_load %arg13[%get3A_1014, %get3A_1015] {strides = array<i32>} : memref<32x1024xf32, #tpu.memory_space<vmem>>, vector<1x16xf32>,
      %get3A_1017 = vector.shape_cast %get3A_1016 : vector<1x16xf32> to vector<16xf32>
      %mul3A_1018 = arith.mulf %get3A_1017, %get3A_65 : vector<16xf32>
      %add3A_1019 = arith.addf %mul3A_1013, %mul3A_1018 : vector<16xf32>
      %swap3A_1020 = arith.index_cast %scan3A_56 : i32 to index
      %swap3A_1021 = arith.constant 944 : index
      %swap3A_1022 = tpu.vector_load %arg12[%swap3A_1020, %swap3A_1021] {strides = array<i32>} : memref<32x1024xf32, #tpu.memory_space<vmem>>, vector<1x16xf32>,
      %swap3A_1023 = vector.shape_cast %swap3A_1022 : vector<1x16xf32> to vector<16xf32>
      %swap3A_1024 = vector.shape_cast %add3A_1019 : vector<16xf32> to vector<1x16xf32>
      tpu.vector_store %arg12[%swap3A_1020, %swap3A_1021], %swap3A_1024 {strides = array<i32>} : memref<32x1024xf32, #tpu.memory_space<vmem>>, vector<1x16xf32>,
      %get3A_1025 = arith.index_cast %scan3A_56 : i32 to index
      %get3A_1026 = arith.constant 960 : index
      %get3A_1027 = tpu.vector_load %arg12[%get3A_1025, %get3A_1026] {strides = array<i32>} : memref<32x1024xf32, #tpu.memory_space<vmem>>, vector<1x16xf32>,
      %get3A_1028 = vector.shape_cast %get3A_1027 : vector<1x16xf32> to vector<16xf32>
      %mul3A_1029 = arith.mulf %get3A_1028, %get3A_61 : vector<16xf32>
      %get3A_1030 = arith.index_cast %scan3A_56 : i32 to index
      %get3A_1031 = arith.constant 960 : index
      %get3A_1032 = tpu.vector_load %arg13[%get3A_1030, %get3A_1031] {strides = array<i32>} : memref<32x1024xf32, #tpu.memory_space<vmem>>, vector<1x16xf32>,
      %get3A_1033 = vector.shape_cast %get3A_1032 : vector<1x16xf32> to vector<16xf32>
      %mul3A_1034 = arith.mulf %get3A_1033, %get3A_65 : vector<16xf32>
      %add3A_1035 = arith.addf %mul3A_1029, %mul3A_1034 : vector<16xf32>
      %swap3A_1036 = arith.index_cast %scan3A_56 : i32 to index
      %swap3A_1037 = arith.constant 960 : index
      %swap3A_1038 = tpu.vector_load %arg12[%swap3A_1036, %swap3A_1037] {strides = array<i32>} : memref<32x1024xf32, #tpu.memory_space<vmem>>, vector<1x16xf32>,
      %swap3A_1039 = vector.shape_cast %swap3A_1038 : vector<1x16xf32> to vector<16xf32>
      %swap3A_1040 = vector.shape_cast %add3A_1035 : vector<16xf32> to vector<1x16xf32>
      tpu.vector_store %arg12[%swap3A_1036, %swap3A_1037], %swap3A_1040 {strides = array<i32>} : memref<32x1024xf32, #tpu.memory_space<vmem>>, vector<1x16xf32>,
      %get3A_1041 = arith.index_cast %scan3A_56 : i32 to index
      %get3A_1042 = arith.constant 976 : index
      %get3A_1043 = tpu.vector_load %arg12[%get3A_1041, %get3A_1042] {strides = array<i32>} : memref<32x1024xf32, #tpu.memory_space<vmem>>, vector<1x16xf32>,
      %get3A_1044 = vector.shape_cast %get3A_1043 : vector<1x16xf32> to vector<16xf32>
      %mul3A_1045 = arith.mulf %get3A_1044, %get3A_61 : vector<16xf32>
      %get3A_1046 = arith.index_cast %scan3A_56 : i32 to index
      %get3A_1047 = arith.constant 976 : index
      %get3A_1048 = tpu.vector_load %arg13[%get3A_1046, %get3A_1047] {strides = array<i32>} : memref<32x1024xf32, #tpu.memory_space<vmem>>, vector<1x16xf32>,
      %get3A_1049 = vector.shape_cast %get3A_1048 : vector<1x16xf32> to vector<16xf32>
      %mul3A_1050 = arith.mulf %get3A_1049, %get3A_65 : vector<16xf32>
      %add3A_1051 = arith.addf %mul3A_1045, %mul3A_1050 : vector<16xf32>
      %swap3A_1052 = arith.index_cast %scan3A_56 : i32 to index
      %swap3A_1053 = arith.constant 976 : index
      %swap3A_1054 = tpu.vector_load %arg12[%swap3A_1052, %swap3A_1053] {strides = array<i32>} : memref<32x1024xf32, #tpu.memory_space<vmem>>, vector<1x16xf32>,
      %swap3A_1055 = vector.shape_cast %swap3A_1054 : vector<1x16xf32> to vector<16xf32>
      %swap3A_1056 = vector.shape_cast %add3A_1051 : vector<16xf32> to vector<1x16xf32>
      tpu.vector_store %arg12[%swap3A_1052, %swap3A_1053], %swap3A_1056 {strides = array<i32>} : memref<32x1024xf32, #tpu.memory_space<vmem>>, vector<1x16xf32>,
      %get3A_1057 = arith.index_cast %scan3A_56 : i32 to index
      %get3A_1058 = arith.constant 992 : index
      %get3A_1059 = tpu.vector_load %arg12[%get3A_1057, %get3A_1058] {strides = array<i32>} : memref<32x1024xf32, #tpu.memory_space<vmem>>, vector<1x16xf32>,
      %get3A_1060 = vector.shape_cast %get3A_1059 : vector<1x16xf32> to vector<16xf32>
      %mul3A_1061 = arith.mulf %get3A_1060, %get3A_61 : vector<16xf32>
      %get3A_1062 = arith.index_cast %scan3A_56 : i32 to index
      %get3A_1063 = arith.constant 992 : index
      %get3A_1064 = tpu.vector_load %arg13[%get3A_1062, %get3A_1063] {strides = array<i32>} : memref<32x1024xf32, #tpu.memory_space<vmem>>, vector<1x16xf32>,
      %get3A_1065 = vector.shape_cast %get3A_1064 : vector<1x16xf32> to vector<16xf32>
      %mul3A_1066 = arith.mulf %get3A_1065, %get3A_65 : vector<16xf32>
      %add3A_1067 = arith.addf %mul3A_1061, %mul3A_1066 : vector<16xf32>
      %swap3A_1068 = arith.index_cast %scan3A_56 : i32 to index
      %swap3A_1069 = arith.constant 992 : index
      %swap3A_1070 = tpu.vector_load %arg12[%swap3A_1068, %swap3A_1069] {strides = array<i32>} : memref<32x1024xf32, #tpu.memory_space<vmem>>, vector<1x16xf32>,
      %swap3A_1071 = vector.shape_cast %swap3A_1070 : vector<1x16xf32> to vector<16xf32>
      %swap3A_1072 = vector.shape_cast %add3A_1067 : vector<16xf32> to vector<1x16xf32>
      tpu.vector_store %arg12[%swap3A_1068, %swap3A_1069], %swap3A_1072 {strides = array<i32>} : memref<32x1024xf32, #tpu.memory_space<vmem>>, vector<1x16xf32>,
      %get3A_1073 = arith.index_cast %scan3A_56 : i32 to index
      %get3A_1074 = arith.constant 1008 : index
      %get3A_1075 = tpu.vector_load %arg12[%get3A_1073, %get3A_1074] {strides = array<i32>} : memref<32x1024xf32, #tpu.memory_space<vmem>>, vector<1x16xf32>,
      %get3A_1076 = vector.shape_cast %get3A_1075 : vector<1x16xf32> to vector<16xf32>
      %mul3A_1077 = arith.mulf %get3A_1076, %get3A_61 : vector<16xf32>
      %get3A_1078 = arith.index_cast %scan3A_56 : i32 to index
      %get3A_1079 = arith.constant 1008 : index
      %get3A_1080 = tpu.vector_load %arg13[%get3A_1078, %get3A_1079] {strides = array<i32>} : memref<32x1024xf32, #tpu.memory_space<vmem>>, vector<1x16xf32>,
      %get3A_1081 = vector.shape_cast %get3A_1080 : vector<1x16xf32> to vector<16xf32>
      %mul3A_1082 = arith.mulf %get3A_1081, %get3A_65 : vector<16xf32>
      %add3A_1083 = arith.addf %mul3A_1077, %mul3A_1082 : vector<16xf32>
      %swap3A_1084 = arith.index_cast %scan3A_56 : i32 to index
      %swap3A_1085 = arith.constant 1008 : index
      %swap3A_1086 = tpu.vector_load %arg12[%swap3A_1084, %swap3A_1085] {strides = array<i32>} : memref<32x1024xf32, #tpu.memory_space<vmem>>, vector<1x16xf32>,
      %swap3A_1087 = vector.shape_cast %swap3A_1086 : vector<1x16xf32> to vector<16xf32>
      %swap3A_1088 = vector.shape_cast %add3A_1083 : vector<16xf32> to vector<1x16xf32>
      tpu.vector_store %arg12[%swap3A_1084, %swap3A_1085], %swap3A_1088 {strides = array<i32>} : memref<32x1024xf32, #tpu.memory_space<vmem>>, vector<1x16xf32>,
    }
    %scan3A_53 = arith.constant 32 : i32
    %add3A_54 = arith.constant 32 : i32
    %add3A_55 = arith.addi %mul3A_2, %add3A_54 : i32
    "tpu.region"() ({
      %run_scoped3A = tpu.sem_alloc : memref<!tpu.dma_semaphore, #tpu.memory_space<semaphore_mem>>
      %dma_start3A_56 = arith.constant 0 : i32
      %dma_start3A_57 = tpu.memref_slice %arg7[%add3A_55, %dma_start3A_56] : memref<2048x1024xf32, #tpu.memory_space<hbm>> -> memref<32x1024xf32, #tpu.memory_space<hbm>>
      %dma_start3A_58 = arith.constant 0 : i32
      %dma_start3A_59 = tpu.memref_slice %arg7[%add3A_55, %dma_start3A_58] : memref<2048x1024xf32, #tpu.memory_space<hbm>> -> memref<32x1024xf32, #tpu.memory_space<hbm>>
      tpu.enqueue_dma source(%arg12 : memref<32x1024xf32, #tpu.memory_space<vmem>>) target(%dma_start3A_59 : memref<32x1024xf32, #tpu.memory_space<hbm>>) target_semaphore(%run_scoped3A : memref<!tpu.dma_semaphore, #tpu.memory_space<semaphore_mem>>)
      %dma_wait3A_60 = arith.constant 0 : i32
      %dma_wait3A_61 = tpu.memref_slice %arg7[%add3A_55, %dma_wait3A_60] : memref<2048x1024xf32, #tpu.memory_space<hbm>> -> memref<32x1024xf32, #tpu.memory_space<hbm>>
      %dma_wait3A_62 = arith.constant 0 : i32
      %dma_wait3A_63 = tpu.memref_slice %arg7[%add3A_55, %dma_wait3A_62] : memref<2048x1024xf32, #tpu.memory_space<hbm>> -> memref<32x1024xf32, #tpu.memory_space<hbm>>
      tpu.wait_dma2 semaphore(%run_scoped3A : memref<!tpu.dma_semaphore, #tpu.memory_space<semaphore_mem>>) src(%arg12 : memref<32x1024xf32, #tpu.memory_space<vmem>>) dst(%dma_wait3A_63 : memref<32x1024xf32, #tpu.memory_space<hbm>>)
      tpu.yield
    }) : () -> ()
    return
  }
}

module attributes {stable_mosaic.version = 14 : i64} {
  func.func @_router_body(%arg0: memref<2048x1024xf32, #tpu.memory_space<vmem>>, %arg1: memref<16x1024xf32, #tpu.memory_space<vmem>>, %arg2: memref<2048x2xf32, #tpu.memory_space<vmem>>, %arg3: memref<2048x2xi32, #tpu.memory_space<vmem>>, %arg4: memref<1x16xi32, #tpu.memory_space<vmem>>) attributes {dimension_semantics = [], scalar_prefetch = 0 : i64, scratch_operands = 0 : i64, tpu.core_type = #tpu.core_type<tc>} {
    %get3A = arith.constant 0 : index
    %get3A_0 = arith.constant 0 : index
    %get3A_1 = vector.load %arg0[%get3A, %get3A_0] : memref<2048x1024xf32, #tpu.memory_space<vmem>>, vector<2048x1024xf32>
    %get3A_2 = arith.constant 0 : index
    %get3A_3 = arith.constant 0 : index
    %get3A_4 = vector.load %arg1[%get3A_2, %get3A_3] : memref<16x1024xf32, #tpu.memory_space<vmem>>, vector<16x1024xf32>
    %dot_general3A = arith.constant dense<0.000000e+00> : vector<2048x16xf32>
    %dot_general3A_5 = tpu.matmul %get3A_1, %get3A_4, %dot_general3A {dimension_numbers = #tpu.dot_dimension_numbers<[1], [1], [0], [0], [0, 0, 1, 0], [], []>, transpose_lhs_hint = false} : vector<2048x1024xf32>, vector<16x1024xf32>, vector<2048x16xf32> -> vector<2048x16xf32>
    %reduce_max3A = arith.constant dense<0xFF800000> : vector<2048xf32>
    %reduce_max3A_6 = vector.multi_reduction <maximumf>, %dot_general3A_5, %reduce_max3A [1] : vector<2048x16xf32> to vector<2048xf32>
    %broadcast_in_dim3A = vector.shape_cast %reduce_max3A_6 : vector<2048xf32> to vector<2048x1xf32>
    %sub3A = vector.broadcast %broadcast_in_dim3A : vector<2048x1xf32> to vector<2048x16xf32>
    %sub3A_7 = arith.subf %dot_general3A_5, %sub3A : vector<2048x16xf32>
    %exp3A = math.exp %sub3A_7 : vector<2048x16xf32>
    %reduce_sum3A = arith.constant dense<0.000000e+00> : vector<2048xf32>
    %reduce_sum3A_8 = vector.multi_reduction <add>, %exp3A, %reduce_sum3A [1] : vector<2048x16xf32> to vector<2048xf32>
    %broadcast_in_dim3A_9 = vector.shape_cast %reduce_sum3A_8 : vector<2048xf32> to vector<2048x1xf32>
    %div3A = vector.broadcast %broadcast_in_dim3A_9 : vector<2048x1xf32> to vector<2048x16xf32>
    %div3A_10 = arith.divf %exp3A, %div3A : vector<2048x16xf32>
    %iota3A = tpu.iota {dimensions = array<i32: 1>} : vector<2048x16xi32>
    %reduce_max3A_11 = arith.constant dense<0xFF800000> : vector<2048xf32>
    %reduce_max3A_12 = vector.multi_reduction <maximumf>, %div3A_10, %reduce_max3A_11 [1] : vector<2048x16xf32> to vector<2048xf32>
    %broadcast_in_dim3A_13 = vector.shape_cast %reduce_max3A_12 : vector<2048xf32> to vector<2048x1xf32>
    %eq3A = vector.broadcast %broadcast_in_dim3A_13 : vector<2048x1xf32> to vector<2048x16xf32>
    %eq3A_14 = arith.cmpf oeq, %div3A_10, %eq3A : vector<2048x16xf32>
    %jit3A = arith.constant 16 : i32
    %broadcast_in_dim3A_15 = vector.broadcast %jit3A : i32 to vector<2048x16xi32>
    %select_n3A = arith.select %eq3A_14, %iota3A, %broadcast_in_dim3A_15 : vector<2048x16xi1>, vector<2048x16xi32>
    %reduce_min3A = arith.constant dense<2147483647> : vector<2048xi32>
    %reduce_min3A_16 = vector.multi_reduction <minsi>, %select_n3A, %reduce_min3A [1] : vector<2048x16xi32> to vector<2048xi32>
    %broadcast_in_dim3A_17 = vector.shape_cast %reduce_min3A_16 : vector<2048xi32> to vector<2048x1xi32>
    %eq3A_18 = vector.broadcast %broadcast_in_dim3A_17 : vector<2048x1xi32> to vector<2048x16xi32>
    %eq3A_19 = arith.cmpi eq, %iota3A, %eq3A_18 : vector<2048x16xi32>
    %convert_element_type3A = arith.extui %eq3A_19 : vector<2048x16xi1> to vector<2048x16xi32>
    %eq3A_20 = arith.constant 1 : i32
    %eq3A_21 = vector.broadcast %eq3A_20 : i32 to vector<2048x16xi32>
    %eq3A_22 = arith.cmpi eq, %convert_element_type3A, %eq3A_21 : vector<2048x16xi32>
    %jit3A_23 = arith.constant 0xFF800000 : f32
    %broadcast_in_dim3A_24 = vector.broadcast %jit3A_23 : f32 to vector<2048x16xf32>
    %select_n3A_25 = arith.select %eq3A_22, %broadcast_in_dim3A_24, %div3A_10 : vector<2048x16xi1>, vector<2048x16xf32>
    %reduce_max3A_26 = arith.constant dense<0xFF800000> : vector<2048xf32>
    %reduce_max3A_27 = vector.multi_reduction <maximumf>, %select_n3A_25, %reduce_max3A_26 [1] : vector<2048x16xf32> to vector<2048xf32>
    %broadcast_in_dim3A_28 = vector.shape_cast %reduce_max3A_27 : vector<2048xf32> to vector<2048x1xf32>
    %eq3A_29 = vector.broadcast %broadcast_in_dim3A_28 : vector<2048x1xf32> to vector<2048x16xf32>
    %eq3A_30 = arith.cmpf oeq, %select_n3A_25, %eq3A_29 : vector<2048x16xf32>
    %jit3A_31 = arith.constant 16 : i32
    %broadcast_in_dim3A_32 = vector.broadcast %jit3A_31 : i32 to vector<2048x16xi32>
    %select_n3A_33 = arith.select %eq3A_30, %iota3A, %broadcast_in_dim3A_32 : vector<2048x16xi1>, vector<2048x16xi32>
    %reduce_min3A_34 = arith.constant dense<2147483647> : vector<2048xi32>
    %reduce_min3A_35 = vector.multi_reduction <minsi>, %select_n3A_33, %reduce_min3A_34 [1] : vector<2048x16xi32> to vector<2048xi32>
    %broadcast_in_dim3A_36 = vector.shape_cast %reduce_min3A_35 : vector<2048xi32> to vector<2048x1xi32>
    %eq3A_37 = vector.broadcast %broadcast_in_dim3A_36 : vector<2048x1xi32> to vector<2048x16xi32>
    %eq3A_38 = arith.cmpi eq, %iota3A, %eq3A_37 : vector<2048x16xi32>
    %convert_element_type3A_39 = arith.extui %eq3A_38 : vector<2048x16xi1> to vector<2048x16xi32>
    %concatenate3A = tpu.concatenate %broadcast_in_dim3A_13, %broadcast_in_dim3A_28 in 1 : vector<2048x1xf32>, vector<2048x1xf32> -> vector<2048x2xf32>
    %swap3A = arith.constant 0 : index
    %swap3A_40 = arith.constant 0 : index
    %swap3A_41 = vector.load %arg2[%swap3A, %swap3A_40] : memref<2048x2xf32, #tpu.memory_space<vmem>>, vector<2048x2xf32>
    tpu.vector_store %arg2[%swap3A, %swap3A_40], %concatenate3A {strides = array<i32>} : memref<2048x2xf32, #tpu.memory_space<vmem>>, vector<2048x2xf32>,
    %add3A = arith.addi %convert_element_type3A, %convert_element_type3A_39 : vector<2048x16xi32>
    %broadcast_in_dim3A_42 = arith.constant 0 : i32
    %broadcast_in_dim3A_43 = vector.broadcast %broadcast_in_dim3A_42 : i32 to vector<1x16xi32>
    %slice3A = vector.extract_strided_slice %add3A {offsets = [0, 0], sizes = [2047, 16], strides = [1, 1]} : vector<2048x16xi32> to vector<2047x16xi32>
    %concatenate3A_44 = tpu.concatenate %broadcast_in_dim3A_43, %slice3A in 0 : vector<1x16xi32>, vector<2047x16xi32> -> vector<2048x16xi32>
    %add3A_45 = arith.addi %add3A, %concatenate3A_44 : vector<2048x16xi32>
    %broadcast_in_dim3A_46 = arith.constant 0 : i32
    %broadcast_in_dim3A_47 = vector.broadcast %broadcast_in_dim3A_46 : i32 to vector<2x16xi32>
    %slice3A_48 = vector.extract_strided_slice %add3A_45 {offsets = [0, 0], sizes = [2046, 16], strides = [1, 1]} : vector<2048x16xi32> to vector<2046x16xi32>
    %concatenate3A_49 = tpu.concatenate %broadcast_in_dim3A_47, %slice3A_48 in 0 : vector<2x16xi32>, vector<2046x16xi32> -> vector<2048x16xi32>
    %add3A_50 = arith.addi %add3A_45, %concatenate3A_49 : vector<2048x16xi32>
    %broadcast_in_dim3A_51 = arith.constant 0 : i32
    %broadcast_in_dim3A_52 = vector.broadcast %broadcast_in_dim3A_51 : i32 to vector<4x16xi32>
    %slice3A_53 = vector.extract_strided_slice %add3A_50 {offsets = [0, 0], sizes = [2044, 16], strides = [1, 1]} : vector<2048x16xi32> to vector<2044x16xi32>
    %concatenate3A_54 = tpu.concatenate %broadcast_in_dim3A_52, %slice3A_53 in 0 : vector<4x16xi32>, vector<2044x16xi32> -> vector<2048x16xi32>
    %add3A_55 = arith.addi %add3A_50, %concatenate3A_54 : vector<2048x16xi32>
    %broadcast_in_dim3A_56 = arith.constant 0 : i32
    %broadcast_in_dim3A_57 = vector.broadcast %broadcast_in_dim3A_56 : i32 to vector<8x16xi32>
    %slice3A_58 = vector.extract_strided_slice %add3A_55 {offsets = [0, 0], sizes = [2040, 16], strides = [1, 1]} : vector<2048x16xi32> to vector<2040x16xi32>
    %concatenate3A_59 = tpu.concatenate %broadcast_in_dim3A_57, %slice3A_58 in 0 : vector<8x16xi32>, vector<2040x16xi32> -> vector<2048x16xi32>
    %add3A_60 = arith.addi %add3A_55, %concatenate3A_59 : vector<2048x16xi32>
    %broadcast_in_dim3A_61 = arith.constant 0 : i32
    %broadcast_in_dim3A_62 = vector.broadcast %broadcast_in_dim3A_61 : i32 to vector<16x16xi32>
    %slice3A_63 = vector.extract_strided_slice %add3A_60 {offsets = [0, 0], sizes = [2032, 16], strides = [1, 1]} : vector<2048x16xi32> to vector<2032x16xi32>
    %concatenate3A_64 = tpu.concatenate %broadcast_in_dim3A_62, %slice3A_63 in 0 : vector<16x16xi32>, vector<2032x16xi32> -> vector<2048x16xi32>
    %add3A_65 = arith.addi %add3A_60, %concatenate3A_64 : vector<2048x16xi32>
    %broadcast_in_dim3A_66 = arith.constant 0 : i32
    %broadcast_in_dim3A_67 = vector.broadcast %broadcast_in_dim3A_66 : i32 to vector<32x16xi32>
    %slice3A_68 = vector.extract_strided_slice %add3A_65 {offsets = [0, 0], sizes = [2016, 16], strides = [1, 1]} : vector<2048x16xi32> to vector<2016x16xi32>
    %concatenate3A_69 = tpu.concatenate %broadcast_in_dim3A_67, %slice3A_68 in 0 : vector<32x16xi32>, vector<2016x16xi32> -> vector<2048x16xi32>
    %add3A_70 = arith.addi %add3A_65, %concatenate3A_69 : vector<2048x16xi32>
    %broadcast_in_dim3A_71 = arith.constant 0 : i32
    %broadcast_in_dim3A_72 = vector.broadcast %broadcast_in_dim3A_71 : i32 to vector<64x16xi32>
    %slice3A_73 = vector.extract_strided_slice %add3A_70 {offsets = [0, 0], sizes = [1984, 16], strides = [1, 1]} : vector<2048x16xi32> to vector<1984x16xi32>
    %concatenate3A_74 = tpu.concatenate %broadcast_in_dim3A_72, %slice3A_73 in 0 : vector<64x16xi32>, vector<1984x16xi32> -> vector<2048x16xi32>
    %add3A_75 = arith.addi %add3A_70, %concatenate3A_74 : vector<2048x16xi32>
    %broadcast_in_dim3A_76 = arith.constant 0 : i32
    %broadcast_in_dim3A_77 = vector.broadcast %broadcast_in_dim3A_76 : i32 to vector<128x16xi32>
    %slice3A_78 = vector.extract_strided_slice %add3A_75 {offsets = [0, 0], sizes = [1920, 16], strides = [1, 1]} : vector<2048x16xi32> to vector<1920x16xi32>
    %concatenate3A_79 = tpu.concatenate %broadcast_in_dim3A_77, %slice3A_78 in 0 : vector<128x16xi32>, vector<1920x16xi32> -> vector<2048x16xi32>
    %add3A_80 = arith.addi %add3A_75, %concatenate3A_79 : vector<2048x16xi32>
    %broadcast_in_dim3A_81 = arith.constant 0 : i32
    %broadcast_in_dim3A_82 = vector.broadcast %broadcast_in_dim3A_81 : i32 to vector<256x16xi32>
    %slice3A_83 = vector.extract_strided_slice %add3A_80 {offsets = [0, 0], sizes = [1792, 16], strides = [1, 1]} : vector<2048x16xi32> to vector<1792x16xi32>
    %concatenate3A_84 = tpu.concatenate %broadcast_in_dim3A_82, %slice3A_83 in 0 : vector<256x16xi32>, vector<1792x16xi32> -> vector<2048x16xi32>
    %add3A_85 = arith.addi %add3A_80, %concatenate3A_84 : vector<2048x16xi32>
    %broadcast_in_dim3A_86 = arith.constant 0 : i32
    %broadcast_in_dim3A_87 = vector.broadcast %broadcast_in_dim3A_86 : i32 to vector<512x16xi32>
    %slice3A_88 = vector.extract_strided_slice %add3A_85 {offsets = [0, 0], sizes = [1536, 16], strides = [1, 1]} : vector<2048x16xi32> to vector<1536x16xi32>
    %concatenate3A_89 = tpu.concatenate %broadcast_in_dim3A_87, %slice3A_88 in 0 : vector<512x16xi32>, vector<1536x16xi32> -> vector<2048x16xi32>
    %add3A_90 = arith.addi %add3A_85, %concatenate3A_89 : vector<2048x16xi32>
    %broadcast_in_dim3A_91 = arith.constant 0 : i32
    %broadcast_in_dim3A_92 = vector.broadcast %broadcast_in_dim3A_91 : i32 to vector<1024x16xi32>
    %slice3A_93 = vector.extract_strided_slice %add3A_90 {offsets = [0, 0], sizes = [1024, 16], strides = [1, 1]} : vector<2048x16xi32> to vector<1024x16xi32>
    %concatenate3A_94 = tpu.concatenate %broadcast_in_dim3A_92, %slice3A_93 in 0 : vector<1024x16xi32>, vector<1024x16xi32> -> vector<2048x16xi32>
    %add3A_95 = arith.addi %add3A_90, %concatenate3A_94 : vector<2048x16xi32>
    %slice3A_96 = vector.extract_strided_slice %add3A_95 {offsets = [2047, 0], sizes = [1, 16], strides = [1, 1]} : vector<2048x16xi32> to vector<1x16xi32>
    %sub3A_97 = arith.subi %add3A_95, %add3A : vector<2048x16xi32>
    %add3A_98 = arith.constant 128 : i32
    %add3A_99 = vector.broadcast %add3A_98 : i32 to vector<1x16xi32>
    %add3A_100 = arith.addi %slice3A_96, %add3A_99 : vector<1x16xi32>
    %sub3A_101 = arith.constant 1 : i32
    %sub3A_102 = vector.broadcast %sub3A_101 : i32 to vector<1x16xi32>
    %sub3A_103 = arith.subi %add3A_100, %sub3A_102 : vector<1x16xi32>
    %jit3A_104 = arith.constant 128 : i32
    %div3A_105 = vector.broadcast %jit3A_104 : i32 to vector<1x16xi32>
    %div3A_106 = arith.divsi %sub3A_103, %div3A_105 : vector<1x16xi32>
    %sign3A = arith.constant 0 : i32
    %sign3A_107 = vector.broadcast %sign3A : i32 to vector<1x16xi32>
    %sign3A_108 = arith.cmpi sgt, %sub3A_103, %sign3A_107 : vector<1x16xi32>
    %sign3A_109 = arith.extui %sign3A_108 : vector<1x16xi1> to vector<1x16xi32>
    %sign3A_110 = arith.constant 0 : i32
    %sign3A_111 = vector.broadcast %sign3A_110 : i32 to vector<1x16xi32>
    %sign3A_112 = arith.cmpi slt, %sub3A_103, %sign3A_111 : vector<1x16xi32>
    %sign3A_113 = arith.extui %sign3A_112 : vector<1x16xi1> to vector<1x16xi32>
    %sign3A_114 = arith.subi %sign3A_109, %sign3A_113 : vector<1x16xi32>
    %sign3A_115 = arith.constant 0 : i32
    %sign3A_116 = arith.cmpi sgt, %jit3A_104, %sign3A_115 : i32
    %sign3A_117 = arith.extui %sign3A_116 : i1 to i32
    %sign3A_118 = arith.constant 0 : i32
    %sign3A_119 = arith.cmpi slt, %jit3A_104, %sign3A_118 : i32
    %sign3A_120 = arith.extui %sign3A_119 : i1 to i32
    %sign3A_121 = arith.subi %sign3A_117, %sign3A_120 : i32
    %ne3A = vector.broadcast %sign3A_121 : i32 to vector<1x16xi32>
    %ne3A_122 = arith.cmpi ne, %sign3A_114, %ne3A : vector<1x16xi32>
    %rem3A = vector.broadcast %jit3A_104 : i32 to vector<1x16xi32>
    %rem3A_123 = arith.remsi %sub3A_103, %rem3A : vector<1x16xi32>
    %ne3A_124 = arith.constant 0 : i32
    %ne3A_125 = vector.broadcast %ne3A_124 : i32 to vector<1x16xi32>
    %ne3A_126 = arith.cmpi ne, %rem3A_123, %ne3A_125 : vector<1x16xi32>
    %and3A = arith.andi %ne3A_122, %ne3A_126 : vector<1x16xi1>
    %sub3A_127 = arith.constant 1 : i32
    %sub3A_128 = vector.broadcast %sub3A_127 : i32 to vector<1x16xi32>
    %sub3A_129 = arith.subi %div3A_106, %sub3A_128 : vector<1x16xi32>
    %select_n3A_130 = arith.select %and3A, %sub3A_129, %div3A_106 : vector<1x16xi1>, vector<1x16xi32>
    %mul3A = arith.constant 128 : i32
    %mul3A_131 = vector.broadcast %mul3A : i32 to vector<1x16xi32>
    %mul3A_132 = arith.muli %select_n3A_130, %mul3A_131 : vector<1x16xi32>
    %iota3A_133 = tpu.iota {dimensions = array<i32: 0>} : vector<16x16xi32>
    %iota3A_134 = tpu.iota {dimensions = array<i32: 1>} : vector<16x16xi32>
    %lt3A = arith.cmpi slt, %iota3A_133, %iota3A_134 : vector<16x16xi32>
    %reshape3A = vector.shape_cast %mul3A_132 : vector<1x16xi32> to vector<16x1xi32>
    %jit3A_135 = arith.constant 0 : i32
    %broadcast_in_dim3A_136 = vector.shape_cast %reshape3A : vector<16x1xi32> to vector<16x1xi32>
    %broadcast_in_dim3A_137 = vector.broadcast %broadcast_in_dim3A_136 : vector<16x1xi32> to vector<16x16xi32>
    %broadcast_in_dim3A_138 = vector.broadcast %jit3A_135 : i32 to vector<16x16xi32>
    %select_n3A_139 = arith.select %lt3A, %broadcast_in_dim3A_137, %broadcast_in_dim3A_138 : vector<16x16xi1>, vector<16x16xi32>
    %reduce_sum3A_140 = arith.constant dense<0> : vector<16xi32>
    %reduce_sum3A_141 = vector.multi_reduction <add>, %select_n3A_139, %reduce_sum3A_140 [0] : vector<16x16xi32> to vector<16xi32>
    %broadcast_in_dim3A_142 = vector.shape_cast %reduce_sum3A_141 : vector<16xi32> to vector<1x16xi32>
    %add3A_143 = vector.broadcast %broadcast_in_dim3A_142 : vector<1x16xi32> to vector<2048x16xi32>
    %add3A_144 = arith.addi %add3A_143, %sub3A_97 : vector<2048x16xi32>
    %mul3A_145 = arith.muli %add3A_144, %convert_element_type3A : vector<2048x16xi32>
    %reduce_sum3A_146 = arith.constant dense<0> : vector<2048xi32>
    %reduce_sum3A_147 = vector.multi_reduction <add>, %mul3A_145, %reduce_sum3A_146 [1] : vector<2048x16xi32> to vector<2048xi32>
    %broadcast_in_dim3A_148 = vector.shape_cast %reduce_sum3A_147 : vector<2048xi32> to vector<2048x1xi32>
    %add3A_149 = arith.addi %add3A_144, %convert_element_type3A : vector<2048x16xi32>
    %mul3A_150 = arith.muli %add3A_149, %convert_element_type3A_39 : vector<2048x16xi32>
    %reduce_sum3A_151 = arith.constant dense<0> : vector<2048xi32>
    %reduce_sum3A_152 = vector.multi_reduction <add>, %mul3A_150, %reduce_sum3A_151 [1] : vector<2048x16xi32> to vector<2048xi32>
    %broadcast_in_dim3A_153 = vector.shape_cast %reduce_sum3A_152 : vector<2048xi32> to vector<2048x1xi32>
    %concatenate3A_154 = tpu.concatenate %broadcast_in_dim3A_148, %broadcast_in_dim3A_153 in 1 : vector<2048x1xi32>, vector<2048x1xi32> -> vector<2048x2xi32>
    %swap3A_155 = arith.constant 0 : index
    %swap3A_156 = arith.constant 0 : index
    %swap3A_157 = vector.load %arg3[%swap3A_155, %swap3A_156] : memref<2048x2xi32, #tpu.memory_space<vmem>>, vector<2048x2xi32>
    tpu.vector_store %arg3[%swap3A_155, %swap3A_156], %concatenate3A_154 {strides = array<i32>} : memref<2048x2xi32, #tpu.memory_space<vmem>>, vector<2048x2xi32>,
    %swap3A_158 = arith.constant 0 : index
    %swap3A_159 = arith.constant 0 : index
    %swap3A_160 = vector.load %arg4[%swap3A_158, %swap3A_159] : memref<1x16xi32, #tpu.memory_space<vmem>>, vector<1x16xi32>
    tpu.vector_store %arg4[%swap3A_158, %swap3A_159], %slice3A_96 {strides = array<i32>} : memref<1x16xi32, #tpu.memory_space<vmem>>, vector<1x16xi32>,
    return
  }
}

module attributes {stable_mosaic.version = 14 : i64} {
  func.func @_gmm_body(%arg0: i32, %arg1: memref<48xi32, #tpu.memory_space<smem>>, %arg2: memref<48xi32, #tpu.memory_space<smem>>, %arg3: memref<48xi32, #tpu.memory_space<smem>>, %arg4: memref<48xi32, #tpu.memory_space<smem>>, %arg5: memref<48xi32, #tpu.memory_space<smem>>, %arg6: memref<48xi32, #tpu.memory_space<smem>>, %arg7: memref<128x1024xf32, #tpu.memory_space<vmem>>, %arg8: memref<16x1024x1024xf32, #tpu.memory_space<any>>, %arg9: memref<16x1024x1024xf32, #tpu.memory_space<any>>, %arg10: memref<16x1024x1024xf32, #tpu.memory_space<any>>, %arg11: memref<128x1024xf32, #tpu.memory_space<vmem>>, %arg12: memref<2x1024x1024xf32, #tpu.memory_space<vmem>>, %arg13: memref<2x1024x1024xf32, #tpu.memory_space<vmem>>, %arg14: memref<2x1024x1024xf32, #tpu.memory_space<vmem>>, %arg15: memref<3x2x!tpu.dma_semaphore, #tpu.memory_space<semaphore_mem>>) attributes {dimension_semantics = [#tpu.dimension_semantics<arbitrary>], iteration_bounds = array<i64: 48>, scalar_prefetch = 6 : i64, scratch_operands = 4 : i64, tpu.core_type = #tpu.core_type<tc>, window_params = [{transform_indices = @transform_0, window_bounds = array<i64: 128, 1024>}, {}, {}, {}, {transform_indices = @transform_4, window_bounds = array<i64: 128, 1024>}]} {
    %get3A = arith.index_cast %arg0 : i32 to index
    %get3A_0 = memref.load %arg5[%get3A] : memref<48xi32, #tpu.memory_space<smem>>
    %get3A_1 = arith.index_cast %arg0 : i32 to index
    %get3A_2 = memref.load %arg1[%get3A_1] : memref<48xi32, #tpu.memory_space<smem>>
    %eq3A = arith.constant 0 : i32
    %eq3A_3 = arith.cmpi eq, %arg0, %eq3A : i32
    %convert_element_type3A = arith.extui %eq3A_3 : i1 to i32
    %cond3A = arith.constant 0 : i32
    %cond3A_4 = arith.cmpi ne, %convert_element_type3A, %cond3A : i32
    scf.if %cond3A_4 {
      %dma_start3A = arith.constant 0 : i32
      %dma_start3A_19 = arith.constant 0 : i32
      %dma_start3A_20 = arith.constant 0 : i32
      %dma_start3A_21 = tpu.memref_slice %arg15[%dma_start3A_19, %dma_start3A_20] : memref<3x2x!tpu.dma_semaphore, #tpu.memory_space<semaphore_mem>> -> memref<1x1x!tpu.dma_semaphore, #tpu.memory_space<semaphore_mem>>
      %dma_start3A_22 = tpu.memref_squeeze %dma_start3A_21 : memref<1x1x!tpu.dma_semaphore, #tpu.memory_space<semaphore_mem>> -> memref<!tpu.dma_semaphore, #tpu.memory_space<semaphore_mem>>
      %dma_start3A_23 = arith.constant 0 : i32
      %dma_start3A_24 = arith.constant 0 : i32
      %dma_start3A_25 = tpu.memref_slice %arg12[%dma_start3A, %dma_start3A_23, %dma_start3A_24] : memref<2x1024x1024xf32, #tpu.memory_space<vmem>> -> memref<1x1024x1024xf32, #tpu.memory_space<vmem>>
      %dma_start3A_26 = tpu.memref_squeeze %dma_start3A_25 : memref<1x1024x1024xf32, #tpu.memory_space<vmem>> -> memref<1024x1024xf32, #tpu.memory_space<vmem>>
      %dma_start3A_27 = arith.constant 0 : i32
      %dma_start3A_28 = arith.constant 0 : i32
      %dma_start3A_29 = tpu.memref_slice %arg8[%get3A_2, %dma_start3A_27, %dma_start3A_28] : memref<16x1024x1024xf32, #tpu.memory_space<any>> -> memref<1x1024x1024xf32, #tpu.memory_space<any>>
      %dma_start3A_30 = tpu.memref_squeeze %dma_start3A_29 : memref<1x1024x1024xf32, #tpu.memory_space<any>> -> memref<1024x1024xf32, #tpu.memory_space<any>>
      tpu.enqueue_dma source(%dma_start3A_30 : memref<1024x1024xf32, #tpu.memory_space<any>>) target(%dma_start3A_26 : memref<1024x1024xf32, #tpu.memory_space<vmem>>) target_semaphore(%dma_start3A_22 : memref<!tpu.dma_semaphore, #tpu.memory_space<semaphore_mem>>)
      %dma_start3A_31 = arith.constant 0 : i32
      %dma_start3A_32 = arith.constant 1 : i32
      %dma_start3A_33 = arith.constant 0 : i32
      %dma_start3A_34 = tpu.memref_slice %arg15[%dma_start3A_32, %dma_start3A_33] : memref<3x2x!tpu.dma_semaphore, #tpu.memory_space<semaphore_mem>> -> memref<1x1x!tpu.dma_semaphore, #tpu.memory_space<semaphore_mem>>
      %dma_start3A_35 = tpu.memref_squeeze %dma_start3A_34 : memref<1x1x!tpu.dma_semaphore, #tpu.memory_space<semaphore_mem>> -> memref<!tpu.dma_semaphore, #tpu.memory_space<semaphore_mem>>
      %dma_start3A_36 = arith.constant 0 : i32
      %dma_start3A_37 = arith.constant 0 : i32
      %dma_start3A_38 = tpu.memref_slice %arg13[%dma_start3A_31, %dma_start3A_36, %dma_start3A_37] : memref<2x1024x1024xf32, #tpu.memory_space<vmem>> -> memref<1x1024x1024xf32, #tpu.memory_space<vmem>>
      %dma_start3A_39 = tpu.memref_squeeze %dma_start3A_38 : memref<1x1024x1024xf32, #tpu.memory_space<vmem>> -> memref<1024x1024xf32, #tpu.memory_space<vmem>>
      %dma_start3A_40 = arith.constant 0 : i32
      %dma_start3A_41 = arith.constant 0 : i32
      %dma_start3A_42 = tpu.memref_slice %arg9[%get3A_2, %dma_start3A_40, %dma_start3A_41] : memref<16x1024x1024xf32, #tpu.memory_space<any>> -> memref<1x1024x1024xf32, #tpu.memory_space<any>>
      %dma_start3A_43 = tpu.memref_squeeze %dma_start3A_42 : memref<1x1024x1024xf32, #tpu.memory_space<any>> -> memref<1024x1024xf32, #tpu.memory_space<any>>
      tpu.enqueue_dma source(%dma_start3A_43 : memref<1024x1024xf32, #tpu.memory_space<any>>) target(%dma_start3A_39 : memref<1024x1024xf32, #tpu.memory_space<vmem>>) target_semaphore(%dma_start3A_35 : memref<!tpu.dma_semaphore, #tpu.memory_space<semaphore_mem>>)
      %dma_start3A_44 = arith.constant 0 : i32
      %dma_start3A_45 = arith.constant 2 : i32
      %dma_start3A_46 = arith.constant 0 : i32
      %dma_start3A_47 = tpu.memref_slice %arg15[%dma_start3A_45, %dma_start3A_46] : memref<3x2x!tpu.dma_semaphore, #tpu.memory_space<semaphore_mem>> -> memref<1x1x!tpu.dma_semaphore, #tpu.memory_space<semaphore_mem>>
      %dma_start3A_48 = tpu.memref_squeeze %dma_start3A_47 : memref<1x1x!tpu.dma_semaphore, #tpu.memory_space<semaphore_mem>> -> memref<!tpu.dma_semaphore, #tpu.memory_space<semaphore_mem>>
      %dma_start3A_49 = arith.constant 0 : i32
      %dma_start3A_50 = arith.constant 0 : i32
      %dma_start3A_51 = tpu.memref_slice %arg14[%dma_start3A_44, %dma_start3A_49, %dma_start3A_50] : memref<2x1024x1024xf32, #tpu.memory_space<vmem>> -> memref<1x1024x1024xf32, #tpu.memory_space<vmem>>
      %dma_start3A_52 = tpu.memref_squeeze %dma_start3A_51 : memref<1x1024x1024xf32, #tpu.memory_space<vmem>> -> memref<1024x1024xf32, #tpu.memory_space<vmem>>
      %dma_start3A_53 = arith.constant 0 : i32
      %dma_start3A_54 = arith.constant 0 : i32
      %dma_start3A_55 = tpu.memref_slice %arg10[%get3A_2, %dma_start3A_53, %dma_start3A_54] : memref<16x1024x1024xf32, #tpu.memory_space<any>> -> memref<1x1024x1024xf32, #tpu.memory_space<any>>
      %dma_start3A_56 = tpu.memref_squeeze %dma_start3A_55 : memref<1x1024x1024xf32, #tpu.memory_space<any>> -> memref<1024x1024xf32, #tpu.memory_space<any>>
      tpu.enqueue_dma source(%dma_start3A_56 : memref<1024x1024xf32, #tpu.memory_space<any>>) target(%dma_start3A_52 : memref<1024x1024xf32, #tpu.memory_space<vmem>>) target_semaphore(%dma_start3A_48 : memref<!tpu.dma_semaphore, #tpu.memory_space<semaphore_mem>>)
    } else {
    }
    %get3A_5 = arith.index_cast %arg0 : i32 to index
    %get3A_6 = memref.load %arg3[%get3A_5] : memref<48xi32, #tpu.memory_space<smem>>
    %eq3A_7 = arith.constant 1 : i32
    %eq3A_8 = arith.cmpi eq, %get3A_6, %eq3A_7 : i32
    %convert_element_type3A_9 = arith.extui %eq3A_8 : i1 to i32
    %cond3A_10 = arith.constant 0 : i32
    %cond3A_11 = arith.cmpi ne, %convert_element_type3A_9, %cond3A_10 : i32
    scf.if %cond3A_11 {
      %dma_wait3A = arith.constant 0 : i32
      %dma_wait3A_19 = tpu.memref_slice %arg15[%dma_wait3A, %get3A_0] : memref<3x2x!tpu.dma_semaphore, #tpu.memory_space<semaphore_mem>> -> memref<1x1x!tpu.dma_semaphore, #tpu.memory_space<semaphore_mem>>
      %dma_wait3A_20 = tpu.memref_squeeze %dma_wait3A_19 : memref<1x1x!tpu.dma_semaphore, #tpu.memory_space<semaphore_mem>> -> memref<!tpu.dma_semaphore, #tpu.memory_space<semaphore_mem>>
      %dma_wait3A_21 = arith.constant 0 : i32
      %dma_wait3A_22 = arith.constant 0 : i32
      %dma_wait3A_23 = tpu.memref_slice %arg12[%get3A_0, %dma_wait3A_21, %dma_wait3A_22] : memref<2x1024x1024xf32, #tpu.memory_space<vmem>> -> memref<1x1024x1024xf32, #tpu.memory_space<vmem>>
      %dma_wait3A_24 = tpu.memref_squeeze %dma_wait3A_23 : memref<1x1024x1024xf32, #tpu.memory_space<vmem>> -> memref<1024x1024xf32, #tpu.memory_space<vmem>>
      %dma_wait3A_25 = arith.constant 0 : i32
      %dma_wait3A_26 = arith.constant 0 : i32
      %dma_wait3A_27 = tpu.memref_slice %arg8[%get3A_2, %dma_wait3A_25, %dma_wait3A_26] : memref<16x1024x1024xf32, #tpu.memory_space<any>> -> memref<1x1024x1024xf32, #tpu.memory_space<any>>
      %dma_wait3A_28 = tpu.memref_squeeze %dma_wait3A_27 : memref<1x1024x1024xf32, #tpu.memory_space<any>> -> memref<1024x1024xf32, #tpu.memory_space<any>>
      tpu.wait_dma2 semaphore(%dma_wait3A_20 : memref<!tpu.dma_semaphore, #tpu.memory_space<semaphore_mem>>) src(%dma_wait3A_28 : memref<1024x1024xf32, #tpu.memory_space<any>>) dst(%dma_wait3A_24 : memref<1024x1024xf32, #tpu.memory_space<vmem>>)
      %dma_wait3A_29 = arith.constant 1 : i32
      %dma_wait3A_30 = tpu.memref_slice %arg15[%dma_wait3A_29, %get3A_0] : memref<3x2x!tpu.dma_semaphore, #tpu.memory_space<semaphore_mem>> -> memref<1x1x!tpu.dma_semaphore, #tpu.memory_space<semaphore_mem>>
      %dma_wait3A_31 = tpu.memref_squeeze %dma_wait3A_30 : memref<1x1x!tpu.dma_semaphore, #tpu.memory_space<semaphore_mem>> -> memref<!tpu.dma_semaphore, #tpu.memory_space<semaphore_mem>>
      %dma_wait3A_32 = arith.constant 0 : i32
      %dma_wait3A_33 = arith.constant 0 : i32
      %dma_wait3A_34 = tpu.memref_slice %arg13[%get3A_0, %dma_wait3A_32, %dma_wait3A_33] : memref<2x1024x1024xf32, #tpu.memory_space<vmem>> -> memref<1x1024x1024xf32, #tpu.memory_space<vmem>>
      %dma_wait3A_35 = tpu.memref_squeeze %dma_wait3A_34 : memref<1x1024x1024xf32, #tpu.memory_space<vmem>> -> memref<1024x1024xf32, #tpu.memory_space<vmem>>
      %dma_wait3A_36 = arith.constant 0 : i32
      %dma_wait3A_37 = arith.constant 0 : i32
      %dma_wait3A_38 = tpu.memref_slice %arg9[%get3A_2, %dma_wait3A_36, %dma_wait3A_37] : memref<16x1024x1024xf32, #tpu.memory_space<any>> -> memref<1x1024x1024xf32, #tpu.memory_space<any>>
      %dma_wait3A_39 = tpu.memref_squeeze %dma_wait3A_38 : memref<1x1024x1024xf32, #tpu.memory_space<any>> -> memref<1024x1024xf32, #tpu.memory_space<any>>
      tpu.wait_dma2 semaphore(%dma_wait3A_31 : memref<!tpu.dma_semaphore, #tpu.memory_space<semaphore_mem>>) src(%dma_wait3A_39 : memref<1024x1024xf32, #tpu.memory_space<any>>) dst(%dma_wait3A_35 : memref<1024x1024xf32, #tpu.memory_space<vmem>>)
      %dma_wait3A_40 = arith.constant 2 : i32
      %dma_wait3A_41 = tpu.memref_slice %arg15[%dma_wait3A_40, %get3A_0] : memref<3x2x!tpu.dma_semaphore, #tpu.memory_space<semaphore_mem>> -> memref<1x1x!tpu.dma_semaphore, #tpu.memory_space<semaphore_mem>>
      %dma_wait3A_42 = tpu.memref_squeeze %dma_wait3A_41 : memref<1x1x!tpu.dma_semaphore, #tpu.memory_space<semaphore_mem>> -> memref<!tpu.dma_semaphore, #tpu.memory_space<semaphore_mem>>
      %dma_wait3A_43 = arith.constant 0 : i32
      %dma_wait3A_44 = arith.constant 0 : i32
      %dma_wait3A_45 = tpu.memref_slice %arg14[%get3A_0, %dma_wait3A_43, %dma_wait3A_44] : memref<2x1024x1024xf32, #tpu.memory_space<vmem>> -> memref<1x1024x1024xf32, #tpu.memory_space<vmem>>
      %dma_wait3A_46 = tpu.memref_squeeze %dma_wait3A_45 : memref<1x1024x1024xf32, #tpu.memory_space<vmem>> -> memref<1024x1024xf32, #tpu.memory_space<vmem>>
      %dma_wait3A_47 = arith.constant 0 : i32
      %dma_wait3A_48 = arith.constant 0 : i32
      %dma_wait3A_49 = tpu.memref_slice %arg10[%get3A_2, %dma_wait3A_47, %dma_wait3A_48] : memref<16x1024x1024xf32, #tpu.memory_space<any>> -> memref<1x1024x1024xf32, #tpu.memory_space<any>>
      %dma_wait3A_50 = tpu.memref_squeeze %dma_wait3A_49 : memref<1x1024x1024xf32, #tpu.memory_space<any>> -> memref<1024x1024xf32, #tpu.memory_space<any>>
      tpu.wait_dma2 semaphore(%dma_wait3A_42 : memref<!tpu.dma_semaphore, #tpu.memory_space<semaphore_mem>>) src(%dma_wait3A_50 : memref<1024x1024xf32, #tpu.memory_space<any>>) dst(%dma_wait3A_46 : memref<1024x1024xf32, #tpu.memory_space<vmem>>)
      %get3A_51 = arith.index_cast %arg0 : i32 to index
      %get3A_52 = memref.load %arg6[%get3A_51] : memref<48xi32, #tpu.memory_space<smem>>
      %eq3A_53 = arith.constant 1 : i32
      %eq3A_54 = arith.cmpi eq, %get3A_52, %eq3A_53 : i32
      %convert_element_type3A_55 = arith.extui %eq3A_54 : i1 to i32
      %cond3A_56 = arith.constant 0 : i32
      %cond3A_57 = arith.cmpi ne, %convert_element_type3A_55, %cond3A_56 : i32
      scf.if %cond3A_57 {
        %get3A_58 = arith.index_cast %arg0 : i32 to index
        %get3A_59 = memref.load %arg4[%get3A_58] : memref<48xi32, #tpu.memory_space<smem>>
        %sub3A = arith.constant 1 : i32
        %sub3A_60 = arith.subi %sub3A, %get3A_0 : i32
        %dma_start3A = arith.constant 0 : i32
        %dma_start3A_61 = tpu.memref_slice %arg15[%dma_start3A, %sub3A_60] : memref<3x2x!tpu.dma_semaphore, #tpu.memory_space<semaphore_mem>> -> memref<1x1x!tpu.dma_semaphore, #tpu.memory_space<semaphore_mem>>
        %dma_start3A_62 = tpu.memref_squeeze %dma_start3A_61 : memref<1x1x!tpu.dma_semaphore, #tpu.memory_space<semaphore_mem>> -> memref<!tpu.dma_semaphore, #tpu.memory_space<semaphore_mem>>
        %dma_start3A_63 = arith.constant 0 : i32
        %dma_start3A_64 = arith.constant 0 : i32
        %dma_start3A_65 = tpu.memref_slice %arg12[%sub3A_60, %dma_start3A_63, %dma_start3A_64] : memref<2x1024x1024xf32, #tpu.memory_space<vmem>> -> memref<1x1024x1024xf32, #tpu.memory_space<vmem>>
        %dma_start3A_66 = tpu.memref_squeeze %dma_start3A_65 : memref<1x1024x1024xf32, #tpu.memory_space<vmem>> -> memref<1024x1024xf32, #tpu.memory_space<vmem>>
        %dma_start3A_67 = arith.constant 0 : i32
        %dma_start3A_68 = arith.constant 0 : i32
        %dma_start3A_69 = tpu.memref_slice %arg8[%get3A_59, %dma_start3A_67, %dma_start3A_68] : memref<16x1024x1024xf32, #tpu.memory_space<any>> -> memref<1x1024x1024xf32, #tpu.memory_space<any>>
        %dma_start3A_70 = tpu.memref_squeeze %dma_start3A_69 : memref<1x1024x1024xf32, #tpu.memory_space<any>> -> memref<1024x1024xf32, #tpu.memory_space<any>>
        tpu.enqueue_dma source(%dma_start3A_70 : memref<1024x1024xf32, #tpu.memory_space<any>>) target(%dma_start3A_66 : memref<1024x1024xf32, #tpu.memory_space<vmem>>) target_semaphore(%dma_start3A_62 : memref<!tpu.dma_semaphore, #tpu.memory_space<semaphore_mem>>)
        %dma_start3A_71 = arith.constant 1 : i32
        %dma_start3A_72 = tpu.memref_slice %arg15[%dma_start3A_71, %sub3A_60] : memref<3x2x!tpu.dma_semaphore, #tpu.memory_space<semaphore_mem>> -> memref<1x1x!tpu.dma_semaphore, #tpu.memory_space<semaphore_mem>>
        %dma_start3A_73 = tpu.memref_squeeze %dma_start3A_72 : memref<1x1x!tpu.dma_semaphore, #tpu.memory_space<semaphore_mem>> -> memref<!tpu.dma_semaphore, #tpu.memory_space<semaphore_mem>>
        %dma_start3A_74 = arith.constant 0 : i32
        %dma_start3A_75 = arith.constant 0 : i32
        %dma_start3A_76 = tpu.memref_slice %arg13[%sub3A_60, %dma_start3A_74, %dma_start3A_75] : memref<2x1024x1024xf32, #tpu.memory_space<vmem>> -> memref<1x1024x1024xf32, #tpu.memory_space<vmem>>
        %dma_start3A_77 = tpu.memref_squeeze %dma_start3A_76 : memref<1x1024x1024xf32, #tpu.memory_space<vmem>> -> memref<1024x1024xf32, #tpu.memory_space<vmem>>
        %dma_start3A_78 = arith.constant 0 : i32
        %dma_start3A_79 = arith.constant 0 : i32
        %dma_start3A_80 = tpu.memref_slice %arg9[%get3A_59, %dma_start3A_78, %dma_start3A_79] : memref<16x1024x1024xf32, #tpu.memory_space<any>> -> memref<1x1024x1024xf32, #tpu.memory_space<any>>
        %dma_start3A_81 = tpu.memref_squeeze %dma_start3A_80 : memref<1x1024x1024xf32, #tpu.memory_space<any>> -> memref<1024x1024xf32, #tpu.memory_space<any>>
        tpu.enqueue_dma source(%dma_start3A_81 : memref<1024x1024xf32, #tpu.memory_space<any>>) target(%dma_start3A_77 : memref<1024x1024xf32, #tpu.memory_space<vmem>>) target_semaphore(%dma_start3A_73 : memref<!tpu.dma_semaphore, #tpu.memory_space<semaphore_mem>>)
        %dma_start3A_82 = arith.constant 2 : i32
        %dma_start3A_83 = tpu.memref_slice %arg15[%dma_start3A_82, %sub3A_60] : memref<3x2x!tpu.dma_semaphore, #tpu.memory_space<semaphore_mem>> -> memref<1x1x!tpu.dma_semaphore, #tpu.memory_space<semaphore_mem>>
        %dma_start3A_84 = tpu.memref_squeeze %dma_start3A_83 : memref<1x1x!tpu.dma_semaphore, #tpu.memory_space<semaphore_mem>> -> memref<!tpu.dma_semaphore, #tpu.memory_space<semaphore_mem>>
        %dma_start3A_85 = arith.constant 0 : i32
        %dma_start3A_86 = arith.constant 0 : i32
        %dma_start3A_87 = tpu.memref_slice %arg14[%sub3A_60, %dma_start3A_85, %dma_start3A_86] : memref<2x1024x1024xf32, #tpu.memory_space<vmem>> -> memref<1x1024x1024xf32, #tpu.memory_space<vmem>>
        %dma_start3A_88 = tpu.memref_squeeze %dma_start3A_87 : memref<1x1024x1024xf32, #tpu.memory_space<vmem>> -> memref<1024x1024xf32, #tpu.memory_space<vmem>>
        %dma_start3A_89 = arith.constant 0 : i32
        %dma_start3A_90 = arith.constant 0 : i32
        %dma_start3A_91 = tpu.memref_slice %arg10[%get3A_59, %dma_start3A_89, %dma_start3A_90] : memref<16x1024x1024xf32, #tpu.memory_space<any>> -> memref<1x1024x1024xf32, #tpu.memory_space<any>>
        %dma_start3A_92 = tpu.memref_squeeze %dma_start3A_91 : memref<1x1024x1024xf32, #tpu.memory_space<any>> -> memref<1024x1024xf32, #tpu.memory_space<any>>
        tpu.enqueue_dma source(%dma_start3A_92 : memref<1024x1024xf32, #tpu.memory_space<any>>) target(%dma_start3A_88 : memref<1024x1024xf32, #tpu.memory_space<vmem>>) target_semaphore(%dma_start3A_84 : memref<!tpu.dma_semaphore, #tpu.memory_space<semaphore_mem>>)
      } else {
      }
    } else {
    }
    %get3A_12 = arith.index_cast %arg0 : i32 to index
    %get3A_13 = memref.load %arg2[%get3A_12] : memref<48xi32, #tpu.memory_space<smem>>
    %eq3A_14 = arith.constant 1 : i32
    %eq3A_15 = arith.cmpi eq, %get3A_13, %eq3A_14 : i32
    %convert_element_type3A_16 = arith.extui %eq3A_15 : i1 to i32
    %cond3A_17 = arith.constant 0 : i32
    %cond3A_18 = arith.cmpi ne, %convert_element_type3A_16, %cond3A_17 : i32
    scf.if %cond3A_18 {
      %get3A_19 = arith.constant 0 : index
      %get3A_20 = arith.constant 0 : index
      %get3A_21 = vector.load %arg7[%get3A_19, %get3A_20] : memref<128x1024xf32, #tpu.memory_space<vmem>>, vector<128x1024xf32>
      %convert_element_type3A_22 = arith.truncf %get3A_21 : vector<128x1024xf32> to vector<128x1024xbf16>
      %get3A_23 = arith.index_cast %get3A_0 : i32 to index
      %get3A_24 = arith.constant 0 : index
      %get3A_25 = arith.constant 0 : index
      %get3A_26 = vector.load %arg12[%get3A_23, %get3A_24, %get3A_25] : memref<2x1024x1024xf32, #tpu.memory_space<vmem>>, vector<1x1024x1024xf32>
      %get3A_27 = vector.shape_cast %get3A_26 : vector<1x1024x1024xf32> to vector<1024x1024xf32>
      %convert_element_type3A_28 = arith.truncf %get3A_27 : vector<1024x1024xf32> to vector<1024x1024xbf16>
      %get3A_29 = arith.index_cast %get3A_0 : i32 to index
      %get3A_30 = arith.constant 0 : index
      %get3A_31 = arith.constant 0 : index
      %get3A_32 = vector.load %arg13[%get3A_29, %get3A_30, %get3A_31] : memref<2x1024x1024xf32, #tpu.memory_space<vmem>>, vector<1x1024x1024xf32>
      %get3A_33 = vector.shape_cast %get3A_32 : vector<1x1024x1024xf32> to vector<1024x1024xf32>
      %convert_element_type3A_34 = arith.truncf %get3A_33 : vector<1024x1024xf32> to vector<1024x1024xbf16>
      %get3A_35 = arith.index_cast %get3A_0 : i32 to index
      %get3A_36 = arith.constant 0 : index
      %get3A_37 = arith.constant 0 : index
      %get3A_38 = vector.load %arg14[%get3A_35, %get3A_36, %get3A_37] : memref<2x1024x1024xf32, #tpu.memory_space<vmem>>, vector<1x1024x1024xf32>
      %get3A_39 = vector.shape_cast %get3A_38 : vector<1x1024x1024xf32> to vector<1024x1024xf32>
      %convert_element_type3A_40 = arith.truncf %get3A_39 : vector<1024x1024xf32> to vector<1024x1024xbf16>
      %dot_general3A = arith.constant dense<0.000000e+00> : vector<128x1024xf32>
      %dot_general3A_41 = tpu.matmul %convert_element_type3A_22, %convert_element_type3A_28, %dot_general3A {dimension_numbers = #tpu.dot_dimension_numbers<[1], [1], [0], [0], [0, 0, 1, 0], [], []>, transpose_lhs_hint = false} : vector<128x1024xbf16>, vector<1024x1024xbf16>, vector<128x1024xf32> -> vector<128x1024xf32>
      %dot_general3A_42 = arith.constant dense<0.000000e+00> : vector<128x1024xf32>
      %dot_general3A_43 = tpu.matmul %convert_element_type3A_22, %convert_element_type3A_34, %dot_general3A_42 {dimension_numbers = #tpu.dot_dimension_numbers<[1], [1], [0], [0], [0, 0, 1, 0], [], []>, transpose_lhs_hint = false} : vector<128x1024xbf16>, vector<1024x1024xbf16>, vector<128x1024xf32> -> vector<128x1024xf32>
      %logistic3A = arith.negf %dot_general3A_41 : vector<128x1024xf32>
      %logistic3A_44 = math.exp %logistic3A : vector<128x1024xf32>
      %logistic3A_45 = arith.constant 1.000000e+00 : f32
      %logistic3A_46 = vector.broadcast %logistic3A_45 : f32 to vector<128x1024xf32>
      %logistic3A_47 = arith.addf %logistic3A_46, %logistic3A_44 : vector<128x1024xf32>
      %logistic3A_48 = arith.divf %logistic3A_46, %logistic3A_47 : vector<128x1024xf32>
      %mul3A = arith.mulf %dot_general3A_41, %logistic3A_48 : vector<128x1024xf32>
      %mul3A_49 = arith.mulf %mul3A, %dot_general3A_43 : vector<128x1024xf32>
      %convert_element_type3A_50 = arith.truncf %mul3A_49 : vector<128x1024xf32> to vector<128x1024xbf16>
      %dot_general3A_51 = arith.constant dense<0.000000e+00> : vector<128x1024xf32>
      %dot_general3A_52 = tpu.matmul %convert_element_type3A_50, %convert_element_type3A_40, %dot_general3A_51 {dimension_numbers = #tpu.dot_dimension_numbers<[1], [1], [0], [0], [0, 0, 1, 0], [], []>, transpose_lhs_hint = false} : vector<128x1024xbf16>, vector<1024x1024xbf16>, vector<128x1024xf32> -> vector<128x1024xf32>
      %swap3A = arith.constant 0 : index
      %swap3A_53 = arith.constant 0 : index
      %swap3A_54 = vector.load %arg11[%swap3A, %swap3A_53] : memref<128x1024xf32, #tpu.memory_space<vmem>>, vector<128x1024xf32>
      tpu.vector_store %arg11[%swap3A, %swap3A_53], %dot_general3A_52 {strides = array<i32>} : memref<128x1024xf32, #tpu.memory_space<vmem>>, vector<128x1024xf32>,
    } else {
    }
    return
  }
  func.func @transform_0(%arg0: i32, %arg1: memref<48xi32, #tpu.memory_space<smem>>, %arg2: memref<48xi32, #tpu.memory_space<smem>>, %arg3: memref<48xi32, #tpu.memory_space<smem>>, %arg4: memref<48xi32, #tpu.memory_space<smem>>, %arg5: memref<48xi32, #tpu.memory_space<smem>>, %arg6: memref<48xi32, #tpu.memory_space<smem>>) -> (i32, i32) {
    %c0_i32 = arith.constant 0 : i32
    %c0_i32_0 = arith.constant 0 : i32
    return %arg0, %c0_i32 : i32, i32
  }
  func.func @transform_4(%arg0: i32, %arg1: memref<48xi32, #tpu.memory_space<smem>>, %arg2: memref<48xi32, #tpu.memory_space<smem>>, %arg3: memref<48xi32, #tpu.memory_space<smem>>, %arg4: memref<48xi32, #tpu.memory_space<smem>>, %arg5: memref<48xi32, #tpu.memory_space<smem>>, %arg6: memref<48xi32, #tpu.memory_space<smem>>) -> (i32, i32) {
    %c0_i32 = arith.constant 0 : i32
    %c0_i32_0 = arith.constant 0 : i32
    return %arg0, %c0_i32 : i32, i32
  }
}

</mosaic_0001>

<sc_bundles>
// kernel: kernel.6.cloned.1.call-start
scs
__scs_entry_jumppad:
0x0: {  	(pc) =	sbr.rel $0x88, $3  }
0x1: {  	(tag) =	ssettag $0x0;
	lr =	simm.s32 $0x1  }
0x2: {  	[smem:$0x3F9C] =	sst lr;
	_ =	strace $0xD0000000  }
0x3: {  	_ = 	snop  }
0x4: {  	_ = 	snop  }
0x5: {  	_ = 	snop  }
0x6: {  	_ = 	snop  }
0x7: {  	_ = 	snop  }
__scs_overlays_trampoline_lowered:
0x8: {  	[smem:$0x3FAB] =	sst s0  }
0x9: {  	[smem:$0x3FAC] =	sst s1  }
0xa: {  	[smem:$0x3FAD] =	sst s2  }
0xb: {  	[smem:$0x3FAE] =	sst s3  }
0xc: {  	[smem:$0x3FAF] =	sst s4  }
0xd: {  	[smem:$0x3FB0] =	sst s5  }
0xe: {  	[smem:$0x3FB1] =	sst s6  }
0xf: {  	[smem:$0x3FB2] =	sst s7  }
0x10: {  	[smem:$0x3FB3] =	sst s8  }
0x11: {  	[smem:$0x3FB4] =	sst s9;
	s0 =	simm.s32 @!p0 $0x0  }
0x12: {  	s1 =	sld [smem:$0x3F9A];
	s0 =	simm.s32 @p0 $0x1  }
0x13: {  	[smem:$0x3FB5] =	sst s0;
	s0 =	simm.s32 @!p1 $0x0  }
0x14: {  	s2 =	sld [smem:$0x3F99];
	s0 =	simm.s32 @p1 $0x1  }
0x15: {  	[smem:$0x3FB6] =	sst s0;
	s0 =	simm.s32 @!p2 $0x0  }
0x16: {  	s3 =	sld [smem:$0x3FDB];
	s0 =	simm.s32 @p2 $0x1  }
0x17: {  	s4 =	simm.s32 $0x1BF5;
	[smem:$0x3FB8] =	sst s0  }
0x18: {  	s0 =	sld [smem:$0x3F9B];
	_ =	swait.ge [sflag:s4], $0x0  }
0x19: {  	s7 =	sld [smem:$0x3F9C]  }
0x1a: {  	s8 =	sadd.s32 $0xFFFFE003, lr  }
0x1b: {  	s9 =	sadd.s32 $0xFFFFFEF7, lr;
	s5 =	simm.s32 $0xFFFFFFFF;
	p2 =	slt.u32 s8, $0xFFFFF086  }
0x1c: {  	p1 =	slt.u32 s9, $0xF7A;
	s5 =	simm.s32 @!p2 $0x0  }
0x1d: {  	s5 =	simm.s32 @p1 $0x1;
	p0 =	seq.s32 s7, s2  }
0x1e: {  	s7 =	smul.u32 @!p0 $0xF7A, s2;
	p2 =	seq.s32 @!p0 s5, $0x0  }
0x1f: {  	s9 =	smul.u32 $0xF7A, s1;
	s8 =	simm.s32 @!p0 $0x1BF5;
	p2 =	por !p2, p0  }
0x20: {  	[sflag:s8] =	ssyncset.s32 @!p0 $0xFFFFF086;
	s6 =	sadd.s32 @!p0 s3, s7;
	s7 =	simm.s32 @!p0 $0x108  }
0x21: {  	s3 =	sadd.s32 s3, s9;
	s6 =	sadd.s32 @!p0 $0x88, s6;
	s7 =	simm.s32 @p2 $0x1082  }
0x22: {  	[simem:s7], [sflag:s8] =	dma.local @!p0 [hbm:s6], $0xF7A  }
0x23: {  	s9 =	sor.u32 $0xD0000000, s2;
	s6 =	simm.s32 $0x108;
	_ =	swait.ge @!p0 [sflag:s8], $0x0  }
0x24: {  	s3 =	sadd.s32 $0x88, s3;
	s6 =	simm.s32 @!p1 $0x1082;
	[sflag:s4] =	ssyncset.s32 $0xFFFFF086  }
0x25: {  	[simem:s6], [sflag:s4] =	dma.local [hbm:s3], $0xF7A  }
0x26: {  	[smem:$0x3F9C] =	sst s1;
	(tag) =	ssettag s2;
	_ =	strace s9  }
0x27: {  	s1 =	sld [smem:$0x3FAC]  }
0x28: {  	s2 =	sld [smem:$0x3FAD]  }
0x29: {  	s4 =	sld [smem:$0x3FAF]  }
0x2a: {  	p0 =	seq.s32 s5, $0x0;
	s5 =	sld [smem:$0x3FB0]  }
0x2b: {  	s6 =	sld [smem:$0x3FB1]  }
0x2c: {  	s7 =	sld [smem:$0x3FB2]  }
0x2d: {  	s3 =	simm.s32 $0x108;
	s8 =	sld [smem:$0x3FB3]  }
0x2e: {  	s3 =	simm.s32 @!p0 $0x1082;
	s9 =	sld [smem:$0x3FB4]  }
0x2f: {  	lr =	sadd.s32 s0, s3;
	s0 =	sld [smem:$0x3FAB]  }
0x30: {  	s3 =	sld [smem:$0x3FAE]  }
0x31: {  	[smem:$0x3FB7] =	sst s10  }
0x32: {  	s10 =	sld [smem:$0x3FB5];
	_ =	sdelay $0x3  }
0x33: {  	p0 =	seq.s32 s10, $0x1;
	s10 =	sld [smem:$0x3FB7];
	_ =	sdelay $0x3  }
0x34: {  	[smem:$0x3FB7] =	sst s10  }
0x35: {  	s10 =	sld [smem:$0x3FB6];
	_ =	sdelay $0x3  }
0x36: {  	p1 =	seq.s32 s10, $0x1;
	s10 =	sld [smem:$0x3FB7];
	_ =	sdelay $0x3  }
0x37: {  	[smem:$0x3FB7] =	sst s10  }
0x38: {  	s10 =	sld [smem:$0x3FB8]  }
0x39: {  	_ = 	snop;
	(pc) =	sbr.ind lr, $3  }
0x3a: {  	_ = 	snop  }
0x3b: {  	_ = 	snop  }
0x3c: {  	p2 =	seq.s32 s10, $0x1;
	s10 =	sld [smem:$0x3FB7]  }
0x3d: {  	_ =	shalt  }
0x3e: {  	_ =	shalt  }
0x3f: {  	_ =	shalt  }
0x40: {  	_ =	shalt  }
0x41: {  	_ =	shalt  }
0x42: {  	_ =	shalt  }
0x43: {  	_ =	shalt  }
0x44: {  	_ =	shalt  }
0x45: {  	_ =	shalt  }
0x46: {  	_ =	shalt  }
0x47: {  	_ =	shalt  }
0x48: {  	_ =	shalt  }
0x49: {  	_ =	shalt  }
0x4a: {  	_ =	shalt  }
0x4b: {  	_ =	shalt  }
0x4c: {  	_ =	shalt  }
0x4d: {  	_ =	shalt  }
0x4e: {  	_ =	shalt  }
0x4f: {  	_ =	shalt  }
0x50: {  	_ =	shalt  }
0x51: {  	_ =	shalt  }
0x52: {  	_ =	shalt  }
0x53: {  	_ =	shalt  }
0x54: {  	_ =	shalt  }
0x55: {  	_ =	shalt  }
0x56: {  	_ =	shalt  }
0x57: {  	_ =	shalt  }
0x58: {  	_ =	shalt  }
0x59: {  	_ =	shalt  }
0x5a: {  	_ =	shalt  }
0x5b: {  	_ =	shalt  }
0x5c: {  	_ =	shalt  }
0x5d: {  	_ =	shalt  }
0x5e: {  	_ =	shalt  }
0x5f: {  	_ =	shalt  }
0x60: {  	_ =	shalt  }
0x61: {  	_ =	shalt  }
0x62: {  	_ =	shalt  }
0x63: {  	_ =	shalt  }
0x64: {  	_ =	shalt  }
0x65: {  	_ =	shalt  }
0x66: {  	_ =	shalt  }
0x67: {  	_ =	shalt  }
0x68: {  	_ =	shalt  }
0x69: {  	_ =	shalt  }
0x6a: {  	_ =	shalt  }
0x6b: {  	_ =	shalt  }
0x6c: {  	_ =	shalt  }
0x6d: {  	_ =	shalt  }
0x6e: {  	_ =	shalt  }
0x6f: {  	_ =	shalt  }
0x70: {  	_ =	shalt  }
0x71: {  	_ =	shalt  }
0x72: {  	_ =	shalt  }
0x73: {  	_ =	shalt  }
0x74: {  	_ =	shalt  }
0x75: {  	_ =	shalt  }
0x76: {  	_ =	shalt  }
0x77: {  	_ =	shalt  }
0x78: {  	_ =	shalt  }
0x79: {  	_ =	shalt  }
0x7a: {  	_ =	shalt  }
0x7b: {  	_ =	shalt  }
0x7c: {  	_ =	shalt  }
0x7d: {  	_ =	shalt  }
0x7e: {  	_ =	shalt  }
0x7f: {  	_ =	shalt  }
0x80: {  	_ =	shalt  }
0x81: {  	_ =	shalt  }
0x82: {  	_ =	shalt  }
0x83: {  	_ =	shalt  }
0x84: {  	_ =	shalt  }
0x85: {  	_ =	shalt  }
0x86: {  	_ =	shalt  }
0x87: {  	_ =	shalt  }
.Lfunc_end0:
.L_simem_size_0:
called_computation_lowered:
.L_overlay_start_0:
0x88: {  	s2 =	sld [smem:$0x3FD9]  }
0x89: {  	s3 =	sld [smem:$0x3FFE];
	_ =	sdelay $0x1  }
0x8a: {  	s1 =	srdreg.scid  }
0x8b: {  	s0 =	sand.u32 $0x1, s1  }
0x8c: {  	s17 =	sshll.u32 s0, $0xA;
	s2 =	sadd.s32 s3, s2  }
0x8d: {  	s2 =	sadd.s32 s2, s17  }
0x8e: {  	[smem:$0x3FC3] =	sst s2  }
0x8f: {  	_ = 	snop  }
0x90: {  	s2 =	sld [smem:$0x3FC9]  }
0x91: {  	s18 =	sld [smem:$0x3FD0];
	(tm) =	ssettm $0x1  }
0x92: {  	s4 =	sld [smem:$0x3FFB];
	_ =	sdelay $0x3  }
0x93: {  	_ =	strace s4  }
0x94: {  	s4 =	sld [smem:$0x3FFC];
	_ =	sdelay $0x3  }
0x95: {  	_ =	strace s4  }
0x96: {  	s4 =	sld [smem:$0x3FFD];
	_ =	sdelay $0x3  }
0x97: {  	_ =	strace s4  }
0x98: {  	_ =	strace $0x8FFFFFFF  }
0x99: {  	s19 =	sld [smem:$0x3FDB];
	_ =	sdelay $0x1  }
0x9a: {  	s5 =	simm.s32 $_scs_section_size  }
0x9b: {  	s6 =	simm.s32 $_size__tile_overlayer_lowered;
	s7 =	simm.s32 $_tile_overlayer_lowered  }
0x9c: {  	s22 =	simm.s32 $0x1BFF;
	s21 =	sshll.u32 s7, $0x1;
	s4 =	sadd.s32 s5, s19  }
0x9d: {  	s8 =	simm.s32 $0x0;
	s20 =	sshll.u32 s6, $0x1;
	s6 =	sadd.s32 s21, s4  }
0x9e: {  	[timem:s8], [sflag:s22] =	dma.local [hbm:s6], s20  }
0x9f: {  	_ =	swait.ge [sflag:s22], s20  }
0xa0: {  	s5 =	ssub.s32 $0x0, s20;
	[sflag:s22] =	ssyncset.done $0x0  }
0xa1: {  	[sflag:s22] =	ssyncadd.s32 s5;
	_ =	sdelay $0x1  }
0xa2: {  	s23 =	simm.s32 $0x1B8B  }
0xa3: {  	_ =	swait.ge [sflag:s23], $0x1  }
0xa4: {  	[sflag:s23] =	ssyncset.done $0x0  }
0xa5: {  	s25 =	simm.s32 $0x1B8E;
	s24 =	sld [smem:$0x3FFE];
	[sflag:s23] =	ssyncadd.s32 $0xFFFFFFFF  }
0xa6: {  	s26 =	simm.s32 $execute0_lowered;
	[smem:$0x3FD2] =	sst s25  }
0xa7: {  	s6 =	sshll.u32 s26, $0x1;
	_ =	strace $0x80000046;
	[dreg:$0x1] =	wrdreg $0xFFFFFFFF  }
0xa8: {  	s28 =	simm.s32 $_size_execute0_lowered;
	s4 =	sadd.s32 s4, s6;
	[dreg:$0x0] =	wrdreg $0x0  }
0xa9: {  	s6 =	sshll.u32 s28, $0x1;
	[dreg:$0x2] =	wrdreg s4  }
0xaa: {  	[dreg:$0x3] =	wrdreg s6  }
0xab: {  	[dreg:$0x4] =	wrdreg $0xC0  }
0xac: {  	_ =	task [dreg:s8], $0x5FFFF  }
0xad: {  	[dreg:$0x1] =	wrdreg $0xFFFFFFFF  }
0xae: {  	[dreg:$0x0] =	wrdreg $0x60  }
0xaf: {  	[dreg:$0x2] =	wrdreg s2  }
0xb0: {  	[dreg:$0x3] =	wrdreg s18  }
0xb1: {  	[dreg:$0x4] =	wrdreg s24  }
0xb2: {  	[dreg:$0x5] =	wrdreg $0x9  }
0xb3: {  	_ =	task.clear_ibuf [dreg:s8], $0x6FFFF;
	_ =	strace $0x90000046  }
0xb4: {  	s29 =	simm.s32 $0x9;
	_ =	strace $0x80000048  }
0xb5: {  	_ =	swait.ge [sflag:s29], $0x1  }
0xb6: {  	[sflag:s29] =	ssyncadd.s32 $0xFFFFFFFF  }
0xb7: {  	_ =	strace $0x90000048  }
0xb8: {  	_ =	sfence  }
0xb9: {  	s30 =	sld [smem:$0x0];
	_ =	sdelay $0x2  }
0xba: {  	s31 =	sshll.u32 s1, $0xD;
	s1 =	sshrl.u32 s1, $0x2  }
0xbb: {  	s3 =	sand.u32 $0x4000, s31;
	s1 =	sadd.s32 s1, s30  }
0xbc: {  	s0 =	sor.u32 s3, s0;
	s1 =	sshll.u32 s1, $0x11  }
0xbd: {  	s0 =	sor.u32 s1, s0  }
0xbe: {  	s0 =	sadd.s32 $0x8F2B, s0  }
0xbf: {  	[sflag:s0] =	ssyncadd.remote.s32 $0x1  }
0xc0: {  	_ =	sfence.sel $0xFFFF  }
0xc1: {  	[dreg:$0x0] =	wrdreg $0xFFFFFFFF;
	(pc) =	sbr.abs _section_cstart, $3  }
0xc2: {  	[dreg:$0x1] =	wrdreg $0xFFFFFFFF  }
0xc3: {  	_ =	task.clear_ibuf [dreg:s8], $0x2FFFF;
	_ =	strace $0x9FFFFFFF  }
0xc4: {  	(tm) =	ssettm $0x7FFFFFFF  }
0xc5: {  	_ =	shalt  }
tec
execute0_lowered:
.L_overlay_start_1:
0x0: {  	(tag) =	ssettag $0x1  }
0x1: {  	s0 =	rddreg [dreg:$0x0]  }
0x2: {  	s1 =	rddreg [dreg:$0x1];
	s2 =	srdreg.scid  }
0x3: {  	s3 =	stileid.u32;
	s6 =	rddreg [dreg:$0x2]  }
0x4: {  	s26 =	simm.s32 $0x80;
	s18 =	simm.s32 $0x1;
	s21 =	simm.s32 $0x1900  }
0x5: {  	s22 =	simm.s32 $0x2100;
	s28 =	simm.s32 $0x4900;
	s29 =	simm.s32 $0x5100  }
0x6: {  	s30 =	simm.s32 $0x5900;
	s31 =	simm.s32 $0x6100;
	s10 =	simm.s32 $0x7900  }
0x7: {  	s11 =	simm.s32 $0x8100;
	s12 =	simm.s32 $0x8900;
	s13 =	simm.s32 $0x9100  }
0x8: {  	s14 =	simm.s32 $0x9900;
	s15 =	simm.s32 $0xA100;
	s16 =	simm.s32 $0xA900  }
0x9: {  	s4 =	sand.u32 $0x1, s2;
	s3 =	sshll.u32 s3, $0x1;
	s2 =	simm.s32 $0x0  }
0xa: {  	s17 =	simm.s32 $0xB100;
	s5 =	sor.u32 s4, s3;
	[smem:$0x7FF] =	sst s2  }
0xb: {  	s3 =	sadd.s32 $0x600, s6;
	s4 =	ssub.s32 $0x2, s4;
	s7 =	sshll.u32 s5, $0x4  }
0xc: {  	_ =	strace $0x80000047;
	s5 =	sshll.u32 s5, $0xD;
	s24 =	sshrl.u32 s4, $0x1  }
0xd: {  	[dreg:$0x7] =	wrdreg s26;
	s26 =	simm.s32 $0x4100;
	s8 =	sadd.s32 s7, s6  }
0xe: {  	s1 =	sadd.s32 s1, s7;
	s0 =	sadd.s32 s0, s5;
	s25 =	ssub.s32 s4, s24  }
0xf: {  	s4 =	sadd.s32 $0x700, s6;
	s5 =	sadd.s32 $0x800, s6;
	s6 =	sadd.s32 $0x900, s6  }
0x10: {  	v2 =	vlaneseq.u32;
	s24 =	simm.s32 $0x3100;
	[dreg:$0x4] =	wrdreg s1;
	s23 =	sadd.s32 $0x400, s8  }
0x11: {  	vm0 =	vmmov $0xffff;
	v1 =	vshrl.u32 v2, $0x3;
	[dreg:$0x6] =	wrdreg s0;
	s7 =	smax.u32 s25, $0x1;
	s8 =	simm.s32 $0x2  }
0x12: {  	v0 =	vand.u32 $0x7, v2;
	v2 =	vor.u32 $0x8, v2;
	v1 =	vmul.u32 $0x8, v1;
	s25 =	simm.s32 $0x3900;
	[dreg:$0x5] =	wrdreg s23;
	s23 =	simm.s32 $0x2900  }
.LBB2_1:
0x13: {  	s19 =	rddreg [dreg:$0x4]  }
0x14: {  	[tilespmem:s2], [sflag:$0x2] =	stream.linear.gather [hbm4b:s19+s2], $0x80, $0x38;
	[tilespmem:$0x10100] =	vst v63  }
0x15: {  	_ =	swait.ge [sflag:s8], $0x80  }
0x16: {  	s1 =	rddreg [dreg:$0x5];
	[sflag:s8] =	ssyncset.done $0x0  }
0x17: {  	s20 =	rddreg [dreg:$0x7];
	[sflag:s8] =	ssyncadd.s32 $0xFFFFFF80  }
0x18: {  	[tilespmem:s20], [sflag:$0x2] =	stream.linear.gather [hbm4b:s1+s2], $0x80, $0x38;
	[tilespmem:$0x10100] =	vst v63  }
0x19: {  	_ =	swait.ge [sflag:s8], $0x80  }
0x1a: {  	[sflag:s8] =	ssyncset.done $0x0  }
0x1b: {  	s0 =	simm.s32 $0x100;
	s9 =	rddreg [dreg:$0x6];
	[sflag:s8] =	ssyncadd.s32 $0xFFFFFF80  }
0x1c: {  	[tilespmem:s0], [sflag:$0x2] =	stream.linear.gather [hbm4b:s9+s2], $0x10000, $0x38;
	[tilespmem:$0x10100] =	vst v63  }
0x1d: {  	_ =	swait.ge [sflag:s8], $0x10000  }
0x1e: {  	[sflag:s8] =	ssyncset.done $0x0  }
0x1f: {  	[sflag:s8] =	ssyncadd.s32 $0xFFFF0000  }
0x20: {  	v3 =	vld [tilespmem:$0x0];
	_ =	sdelay $0x4  }
0x21: {  	v4 =	vshll.u32 v3, $0x3  }
0x22: {  	v3 =	vand.u32 $0x7, v3;
	v4 =	vand.u32 $0xFFFFFFC0, v4  }
0x23: {  	v3 =	vor.u32 v3, v4  }
0x24: {  	v4 =	vperm.xlane v3, v0;
	_ =	sdelay $0x1  }
0x25: {  	v4 =	vadd.s32 v1, v4;
	_ =	sdelay $0x4  }
0x26: {  	[hbm4b:s3+s2] =	stream.indirect_vreg.scatter [tilespmem:s0], [sflag:$0x1], $0x80, v4, vm0, $0xb8;
	[tilespmem:$0x10100] =	vst v63  }
0x27: {  	s19 =	simm.s32 $0x900;
	v3 =	vperm.xlane v3, v2  }
0x28: {  	[hbm4b:s4+s2] =	stream.indirect_vreg.scatter [tilespmem:s19], [sflag:$0x1], $0x80, v4, vm0, $0xb8;
	[tilespmem:$0x10100] =	vst v63  }
0x29: {  	s20 =	simm.s32 $0x1100;
	v3 =	vadd.s32 v1, v3  }
0x2a: {  	[hbm4b:s5+s2] =	stream.indirect_vreg.scatter [tilespmem:s20], [sflag:$0x1], $0x80, v4, vm0, $0xb8;
	[tilespmem:$0x10100] =	vst v63  }
0x2b: {  	_ = 	snop  }
0x2c: {  	[hbm4b:s6+s2] =	stream.indirect_vreg.scatter [tilespmem:s21], [sflag:$0x1], $0x80, v4, vm0, $0xb8;
	[tilespmem:$0x10100] =	vst v63  }
0x2d: {  	_ = 	snop  }
0x2e: {  	[hbm4b:s3+s2] =	stream.indirect_vreg.scatter [tilespmem:s22], [sflag:$0x1], $0x80, v3, vm0, $0xb8;
	[tilespmem:$0x10100] =	vst v63  }
0x2f: {  	_ = 	snop  }
0x30: {  	[hbm4b:s4+s2] =	stream.indirect_vreg.scatter [tilespmem:s23], [sflag:$0x1], $0x80, v3, vm0, $0xb8;
	[tilespmem:$0x10100] =	vst v63  }
0x31: {  	_ = 	snop  }
0x32: {  	[hbm4b:s5+s2] =	stream.indirect_vreg.scatter [tilespmem:s24], [sflag:$0x1], $0x80, v3, vm0, $0xb8;
	[tilespmem:$0x10100] =	vst v63  }
0x33: {  	_ = 	snop  }
0x34: {  	[hbm4b:s6+s2] =	stream.indirect_vreg.scatter [tilespmem:s25], [sflag:$0x1], $0x80, v3, vm0, $0xb8;
	[tilespmem:$0x10100] =	vst v63  }
0x35: {  	v3 =	vld [tilespmem:$0x10];
	_ =	sdelay $0x4  }
0x36: {  	v57 =	vshll.u32 v3, $0x3  }
0x37: {  	v3 =	vand.u32 $0x7, v3;
	v4 =	vand.u32 $0xFFFFFFC0, v57  }
0x38: {  	v3 =	vor.u32 v3, v4  }
0x39: {  	v4 =	vperm.xlane v3, v0;
	_ =	sdelay $0x1  }
0x3a: {  	v4 =	vadd.s32 v1, v4;
	_ =	sdelay $0x4  }
0x3b: {  	[hbm4b:s3+s2] =	stream.indirect_vreg.scatter [tilespmem:s26], [sflag:$0x1], $0x80, v4, vm0, $0xb8;
	[tilespmem:$0x10100] =	vst v63  }
0x3c: {  	v3 =	vperm.xlane v3, v2  }
0x3d: {  	[hbm4b:s4+s2] =	stream.indirect_vreg.scatter [tilespmem:s28], [sflag:$0x1], $0x80, v4, vm0, $0xb8;
	[tilespmem:$0x10100] =	vst v63  }
0x3e: {  	v3 =	vadd.s32 v1, v3  }
0x3f: {  	[hbm4b:s5+s2] =	stream.indirect_vreg.scatter [tilespmem:s29], [sflag:$0x1], $0x80, v4, vm0, $0xb8;
	[tilespmem:$0x10100] =	vst v63  }
0x40: {  	_ = 	snop  }
0x41: {  	[hbm4b:s6+s2] =	stream.indirect_vreg.scatter [tilespmem:s30], [sflag:$0x1], $0x80, v4, vm0, $0xb8;
	[tilespmem:$0x10100] =	vst v63  }
0x42: {  	_ = 	snop  }
0x43: {  	[hbm4b:s3+s2] =	stream.indirect_vreg.scatter [tilespmem:s31], [sflag:$0x1], $0x80, v3, vm0, $0xb8;
	[tilespmem:$0x10100] =	vst v63  }
0x44: {  	s1 =	simm.s32 $0x6900  }
0x45: {  	[hbm4b:s4+s2] =	stream.indirect_vreg.scatter [tilespmem:s1], [sflag:$0x1], $0x80, v3, vm0, $0xb8;
	[tilespmem:$0x10100] =	vst v63  }
0x46: {  	s9 =	simm.s32 $0x7100  }
0x47: {  	[hbm4b:s5+s2] =	stream.indirect_vreg.scatter [tilespmem:s9], [sflag:$0x1], $0x80, v3, vm0, $0xb8;
	[tilespmem:$0x10100] =	vst v63  }
0x48: {  	_ = 	snop  }
0x49: {  	[hbm4b:s6+s2] =	stream.indirect_vreg.scatter [tilespmem:s10], [sflag:$0x1], $0x80, v3, vm0, $0xb8;
	[tilespmem:$0x10100] =	vst v63  }
0x4a: {  	v3 =	vld [tilespmem:$0x20];
	_ =	sdelay $0x4  }
0x4b: {  	v58 =	vshll.u32 v3, $0x3  }
0x4c: {  	v3 =	vand.u32 $0x7, v3;
	v4 =	vand.u32 $0xFFFFFFC0, v58  }
0x4d: {  	v3 =	vor.u32 v3, v4  }
0x4e: {  	v4 =	vperm.xlane v3, v0;
	_ =	sdelay $0x1  }
0x4f: {  	v4 =	vadd.s32 v1, v4;
	_ =	sdelay $0x4  }
0x50: {  	[hbm4b:s3+s2] =	stream.indirect_vreg.scatter [tilespmem:s11], [sflag:$0x1], $0x80, v4, vm0, $0xb8;
	[tilespmem:$0x10100] =	vst v63  }
0x51: {  	v3 =	vperm.xlane v3, v2  }
0x52: {  	[hbm4b:s4+s2] =	stream.indirect_vreg.scatter [tilespmem:s12], [sflag:$0x1], $0x80, v4, vm0, $0xb8;
	[tilespmem:$0x10100] =	vst v63  }
0x53: {  	v3 =	vadd.s32 v1, v3  }
0x54: {  	[hbm4b:s5+s2] =	stream.indirect_vreg.scatter [tilespmem:s13], [sflag:$0x1], $0x80, v4, vm0, $0xb8;
	[tilespmem:$0x10100] =	vst v63  }
0x55: {  	_ = 	snop  }
0x56: {  	[hbm4b:s6+s2] =	stream.indirect_vreg.scatter [tilespmem:s14], [sflag:$0x1], $0x80, v4, vm0, $0xb8;
	[tilespmem:$0x10100] =	vst v63  }
0x57: {  	_ = 	snop  }
0x58: {  	[hbm4b:s3+s2] =	stream.indirect_vreg.scatter [tilespmem:s15], [sflag:$0x1], $0x80, v3, vm0, $0xb8;
	[tilespmem:$0x10100] =	vst v63  }
0x59: {  	_ = 	snop  }
0x5a: {  	[hbm4b:s4+s2] =	stream.indirect_vreg.scatter [tilespmem:s16], [sflag:$0x1], $0x80, v3, vm0, $0xb8;
	[tilespmem:$0x10100] =	vst v63  }
0x5b: {  	_ = 	snop  }
0x5c: {  	[hbm4b:s5+s2] =	stream.indirect_vreg.scatter [tilespmem:s17], [sflag:$0x1], $0x80, v3, vm0, $0xb8;
	[tilespmem:$0x10100] =	vst v63  }
0x5d: {  	s9 =	simm.s32 $0xB900  }
0x5e: {  	[hbm4b:s6+s2] =	stream.indirect_vreg.scatter [tilespmem:s9], [sflag:$0x1], $0x80, v3, vm0, $0xb8;
	[tilespmem:$0x10100] =	vst v63  }
0x5f: {  	v3 =	vld [tilespmem:$0x30];
	_ =	sdelay $0x4  }
0x60: {  	v59 =	vshll.u32 v3, $0x3  }
0x61: {  	v3 =	vand.u32 $0x7, v3;
	v4 =	vand.u32 $0xFFFFFFC0, v59  }
0x62: {  	v3 =	vor.u32 v3, v4  }
0x63: {  	v4 =	vperm.xlane v3, v0;
	_ =	sdelay $0x1  }
0x64: {  	v4 =	vadd.s32 v1, v4;
	_ =	sdelay $0x3  }
0x65: {  	s1 =	simm.s32 $0xC100  }
0x66: {  	[hbm4b:s3+s2] =	stream.indirect_vreg.scatter [tilespmem:s1], [sflag:$0x1], $0x80, v4, vm0, $0xb8;
	[tilespmem:$0x10100] =	vst v63  }
0x67: {  	v3 =	vperm.xlane v3, v2;
	s1 =	simm.s32 $0xC900  }
0x68: {  	[hbm4b:s4+s2] =	stream.indirect_vreg.scatter [tilespmem:s1], [sflag:$0x1], $0x80, v4, vm0, $0xb8;
	[tilespmem:$0x10100] =	vst v63  }
0x69: {  	v3 =	vadd.s32 v1, v3;
	s1 =	simm.s32 $0xD100  }
0x6a: {  	[hbm4b:s5+s2] =	stream.indirect_vreg.scatter [tilespmem:s1], [sflag:$0x1], $0x80, v4, vm0, $0xb8;
	[tilespmem:$0x10100] =	vst v63  }
0x6b: {  	s1 =	simm.s32 $0xD900  }
0x6c: {  	[hbm4b:s6+s2] =	stream.indirect_vreg.scatter [tilespmem:s1], [sflag:$0x1], $0x80, v4, vm0, $0xb8;
	[tilespmem:$0x10100] =	vst v63  }
0x6d: {  	s1 =	simm.s32 $0xE100  }
0x6e: {  	[hbm4b:s3+s2] =	stream.indirect_vreg.scatter [tilespmem:s1], [sflag:$0x1], $0x80, v3, vm0, $0xb8;
	[tilespmem:$0x10100] =	vst v63  }
0x6f: {  	s1 =	simm.s32 $0xE900  }
0x70: {  	[hbm4b:s4+s2] =	stream.indirect_vreg.scatter [tilespmem:s1], [sflag:$0x1], $0x80, v3, vm0, $0xb8;
	[tilespmem:$0x10100] =	vst v63  }
0x71: {  	s1 =	simm.s32 $0xF100  }
0x72: {  	[hbm4b:s5+s2] =	stream.indirect_vreg.scatter [tilespmem:s1], [sflag:$0x1], $0x80, v3, vm0, $0xb8;
	[tilespmem:$0x10100] =	vst v63  }
0x73: {  	s1 =	simm.s32 $0xF900  }
0x74: {  	[hbm4b:s6+s2] =	stream.indirect_vreg.scatter [tilespmem:s1], [sflag:$0x1], $0x80, v3, vm0, $0xb8;
	[tilespmem:$0x10100] =	vst v63  }
0x75: {  	_ =	swait.ge [sflag:s18], $0x10000  }
0x76: {  	[sflag:s18] =	ssyncset.done $0x0  }
0x77: {  	[sflag:s18] =	ssyncadd.s32 $0xFFFF0000  }
0x78: {  	v3 =	vld [tilespmem:$0x80];
	_ =	sdelay $0x4  }
0x79: {  	v60 =	vshll.u32 v3, $0x3  }
0x7a: {  	v3 =	vand.u32 $0x7, v3;
	v4 =	vand.u32 $0xFFFFFFC0, v60  }
0x7b: {  	v3 =	vor.u32 v3, v4  }
0x7c: {  	v4 =	vperm.xlane v3, v0;
	_ =	sdelay $0x1  }
0x7d: {  	v4 =	vadd.s32 v1, v4;
	_ =	sdelay $0x4  }
0x7e: {  	[hbm4b:s3+s2] =	stream.indirect_vreg.scatter [tilespmem:s0], [sflag:$0x1], $0x80, v4, vm0, $0xb8;
	[tilespmem:$0x10100] =	vst v63  }
0x7f: {  	v3 =	vperm.xlane v3, v2  }
0x80: {  	[hbm4b:s4+s2] =	stream.indirect_vreg.scatter [tilespmem:s19], [sflag:$0x1], $0x80, v4, vm0, $0xb8;
	[tilespmem:$0x10100] =	vst v63  }
0x81: {  	v3 =	vadd.s32 v1, v3  }
0x82: {  	[hbm4b:s5+s2] =	stream.indirect_vreg.scatter [tilespmem:s20], [sflag:$0x1], $0x80, v4, vm0, $0xb8;
	[tilespmem:$0x10100] =	vst v63  }
0x83: {  	_ = 	snop  }
0x84: {  	[hbm4b:s6+s2] =	stream.indirect_vreg.scatter [tilespmem:s21], [sflag:$0x1], $0x80, v4, vm0, $0xb8;
	[tilespmem:$0x10100] =	vst v63  }
0x85: {  	_ = 	snop  }
0x86: {  	[hbm4b:s3+s2] =	stream.indirect_vreg.scatter [tilespmem:s22], [sflag:$0x1], $0x80, v3, vm0, $0xb8;
	[tilespmem:$0x10100] =	vst v63  }
0x87: {  	_ = 	snop  }
0x88: {  	[hbm4b:s4+s2] =	stream.indirect_vreg.scatter [tilespmem:s23], [sflag:$0x1], $0x80, v3, vm0, $0xb8;
	[tilespmem:$0x10100] =	vst v63  }
0x89: {  	_ = 	snop  }
0x8a: {  	[hbm4b:s5+s2] =	stream.indirect_vreg.scatter [tilespmem:s24], [sflag:$0x1], $0x80, v3, vm0, $0xb8;
	[tilespmem:$0x10100] =	vst v63  }
0x8b: {  	_ = 	snop  }
0x8c: {  	[hbm4b:s6+s2] =	stream.indirect_vreg.scatter [tilespmem:s25], [sflag:$0x1], $0x80, v3, vm0, $0xb8;
	[tilespmem:$0x10100] =	vst v63  }
0x8d: {  	v3 =	vld [tilespmem:$0x90];
	_ =	sdelay $0x4  }
0x8e: {  	v61 =	vshll.u32 v3, $0x3  }
0x8f: {  	v3 =	vand.u32 $0x7, v3;
	v4 =	vand.u32 $0xFFFFFFC0, v61  }
0x90: {  	v3 =	vor.u32 v3, v4  }
0x91: {  	v4 =	vperm.xlane v3, v0;
	_ =	sdelay $0x1  }
0x92: {  	v4 =	vadd.s32 v1, v4;
	_ =	sdelay $0x4  }
0x93: {  	[hbm4b:s3+s2] =	stream.indirect_vreg.scatter [tilespmem:s26], [sflag:$0x1], $0x80, v4, vm0, $0xb8;
	[tilespmem:$0x10100] =	vst v63  }
0x94: {  	v3 =	vperm.xlane v3, v2  }
0x95: {  	[hbm4b:s4+s2] =	stream.indirect_vreg.scatter [tilespmem:s28], [sflag:$0x1], $0x80, v4, vm0, $0xb8;
	[tilespmem:$0x10100] =	vst v63  }
0x96: {  	v3 =	vadd.s32 v1, v3  }
0x97: {  	[hbm4b:s5+s2] =	stream.indirect_vreg.scatter [tilespmem:s29], [sflag:$0x1], $0x80, v4, vm0, $0xb8;
	[tilespmem:$0x10100] =	vst v63  }
0x98: {  	_ = 	snop  }
0x99: {  	[hbm4b:s6+s2] =	stream.indirect_vreg.scatter [tilespmem:s30], [sflag:$0x1], $0x80, v4, vm0, $0xb8;
	[tilespmem:$0x10100] =	vst v63  }
0x9a: {  	_ = 	snop  }
0x9b: {  	[hbm4b:s3+s2] =	stream.indirect_vreg.scatter [tilespmem:s31], [sflag:$0x1], $0x80, v3, vm0, $0xb8;
	[tilespmem:$0x10100] =	vst v63  }
0x9c: {  	s20 =	simm.s32 $0x6900  }
0x9d: {  	[hbm4b:s4+s2] =	stream.indirect_vreg.scatter [tilespmem:s20], [sflag:$0x1], $0x80, v3, vm0, $0xb8;
	[tilespmem:$0x10100] =	vst v63  }
0x9e: {  	s19 =	simm.s32 $0x7100  }
0x9f: {  	[hbm4b:s5+s2] =	stream.indirect_vreg.scatter [tilespmem:s19], [sflag:$0x1], $0x80, v3, vm0, $0xb8;
	[tilespmem:$0x10100] =	vst v63  }
0xa0: {  	_ = 	snop  }
0xa1: {  	[hbm4b:s6+s2] =	stream.indirect_vreg.scatter [tilespmem:s10], [sflag:$0x1], $0x80, v3, vm0, $0xb8;
	[tilespmem:$0x10100] =	vst v63  }
0xa2: {  	v3 =	vld [tilespmem:$0xA0];
	_ =	sdelay $0x4  }
0xa3: {  	v62 =	vshll.u32 v3, $0x3  }
0xa4: {  	v3 =	vand.u32 $0x7, v3;
	v4 =	vand.u32 $0xFFFFFFC0, v62  }
0xa5: {  	v3 =	vor.u32 v3, v4  }
0xa6: {  	v4 =	vperm.xlane v3, v0;
	_ =	sdelay $0x1  }
0xa7: {  	v4 =	vadd.s32 v1, v4;
	_ =	sdelay $0x4  }
0xa8: {  	[hbm4b:s3+s2] =	stream.indirect_vreg.scatter [tilespmem:s11], [sflag:$0x1], $0x80, v4, vm0, $0xb8;
	[tilespmem:$0x10100] =	vst v63  }
0xa9: {  	v3 =	vperm.xlane v3, v2  }
0xaa: {  	[hbm4b:s4+s2] =	stream.indirect_vreg.scatter [tilespmem:s12], [sflag:$0x1], $0x80, v4, vm0, $0xb8;
	[tilespmem:$0x10100] =	vst v63  }
0xab: {  	v3 =	vadd.s32 v1, v3  }
0xac: {  	[hbm4b:s5+s2] =	stream.indirect_vreg.scatter [tilespmem:s13], [sflag:$0x1], $0x80, v4, vm0, $0xb8;
	[tilespmem:$0x10100] =	vst v63  }
0xad: {  	_ = 	snop  }
0xae: {  	[hbm4b:s6+s2] =	stream.indirect_vreg.scatter [tilespmem:s14], [sflag:$0x1], $0x80, v4, vm0, $0xb8;
	[tilespmem:$0x10100] =	vst v63  }
0xaf: {  	_ = 	snop  }
0xb0: {  	[hbm4b:s3+s2] =	stream.indirect_vreg.scatter [tilespmem:s15], [sflag:$0x1], $0x80, v3, vm0, $0xb8;
	[tilespmem:$0x10100] =	vst v63  }
0xb1: {  	_ = 	snop  }
0xb2: {  	[hbm4b:s4+s2] =	stream.indirect_vreg.scatter [tilespmem:s16], [sflag:$0x1], $0x80, v3, vm0, $0xb8;
	[tilespmem:$0x10100] =	vst v63  }
0xb3: {  	_ = 	snop  }
0xb4: {  	[hbm4b:s5+s2] =	stream.indirect_vreg.scatter [tilespmem:s17], [sflag:$0x1], $0x80, v3, vm0, $0xb8;
	[tilespmem:$0x10100] =	vst v63  }
0xb5: {  	_ = 	snop  }
0xb6: {  	[hbm4b:s6+s2] =	stream.indirect_vreg.scatter [tilespmem:s9], [sflag:$0x1], $0x80, v3, vm0, $0xb8;
	[tilespmem:$0x10100] =	vst v63  }
0xb7: {  	v3 =	vld [tilespmem:$0xB0];
	_ =	sdelay $0x4  }
0xb8: {  	v63 =	vshll.u32 v3, $0x3  }
0xb9: {  	v3 =	vand.u32 $0x7, v3;
	v4 =	vand.u32 $0xFFFFFFC0, v63  }
0xba: {  	v3 =	vor.u32 v3, v4  }
0xbb: {  	v4 =	vperm.xlane v3, v0;
	_ =	sdelay $0x1  }
0xbc: {  	v4 =	vadd.s32 v1, v4;
	_ =	sdelay $0x3  }
0xbd: {  	s20 =	simm.s32 $0xC100  }
0xbe: {  	[hbm4b:s3+s2] =	stream.indirect_vreg.scatter [tilespmem:s20], [sflag:$0x1], $0x80, v4, vm0, $0xb8;
	[tilespmem:$0x10100] =	vst v63  }
0xbf: {  	s9 =	simm.s32 $0xC900;
	v3 =	vperm.xlane v3, v2  }
0xc0: {  	[hbm4b:s4+s2] =	stream.indirect_vreg.scatter [tilespmem:s9], [sflag:$0x1], $0x80, v4, vm0, $0xb8;
	[tilespmem:$0x10100] =	vst v63  }
0xc1: {  	s19 =	simm.s32 $0xD100;
	v3 =	vadd.s32 v1, v3  }
0xc2: {  	[hbm4b:s5+s2] =	stream.indirect_vreg.scatter [tilespmem:s19], [sflag:$0x1], $0x80, v4, vm0, $0xb8;
	[tilespmem:$0x10100] =	vst v63  }
0xc3: {  	s20 =	simm.s32 $0xD900  }
0xc4: {  	[hbm4b:s6+s2] =	stream.indirect_vreg.scatter [tilespmem:s20], [sflag:$0x1], $0x80, v4, vm0, $0xb8;
	[tilespmem:$0x10100] =	vst v63  }
0xc5: {  	s9 =	simm.s32 $0xE100  }
0xc6: {  	[hbm4b:s3+s2] =	stream.indirect_vreg.scatter [tilespmem:s9], [sflag:$0x1], $0x80, v3, vm0, $0xb8;
	[tilespmem:$0x10100] =	vst v63  }
0xc7: {  	s19 =	simm.s32 $0xE900  }
0xc8: {  	[hbm4b:s4+s2] =	stream.indirect_vreg.scatter [tilespmem:s19], [sflag:$0x1], $0x80, v3, vm0, $0xb8;
	[tilespmem:$0x10100] =	vst v63  }
0xc9: {  	p0 =	sne.s32 s7, $0x1;
	s20 =	simm.s32 $0xF100  }
0xca: {  	[hbm4b:s5+s2] =	stream.indirect_vreg.scatter [tilespmem:s20], [sflag:$0x1], $0x80, v3, vm0, $0xb8;
	[tilespmem:$0x10100] =	vst v63  }
.Ltmp0:
0xcb: {  	_ = 	snop;
	(pc) =	sbr.rel @p0 .LBB2_1-.Ltmp0, $4  }
0xcc: {  	[hbm4b:s6+s2] =	stream.indirect_vreg.scatter [tilespmem:s1], [sflag:$0x1], $0x80, v3, vm0, $0xb8;
	[tilespmem:$0x10100] =	vst v63  }
0xcd: {  	_ =	swait.ge [sflag:s18], $0x10000  }
0xce: {  	[sflag:s18] =	ssyncset.done $0x0  }
0xcf: {  	s7 =	sadd.s32 $0xFFFFFFFF, s7;
	[sflag:s18] =	ssyncadd.s32 $0xFFFF0000  }
0xd0: {  	_ =	sfence.sel $0x180000  }
0xd1: {  	[bflag:$0x0] =	sbarrier.arrive $0xFFFF  }
0xd2: {  	_ =	strace $0x90000047  }
0xd3: {  	s0 =	stileid.u32;
	[bflag:$0x2] =	sbarrier.arrive $0xFFFF  }
0xd4: {  	p0 =	sne.s32 s0, $0x0;
	s0 =	rddreg [dreg:$0x3]  }
0xd5: {  	s0 =	sadd.s32 @!p0 $0x100000, s0  }
0xd6: {  	[sflag:s0] =	ssyncadd.tile.s32 @!p0 $0x1;
	_ =	shalt  }
.Lfunc_end2:
_tile_overlayer_lowered:
.L_overlay_start_2:
0xd7: {  	(tag) =	ssettag $0x2  }
0xd8: {  	s0 =	rddreg [dreg:$0x0];
	s2 =	stileid.u32  }
0xd9: {  	s1 =	rddreg [dreg:$0x1];
	p0 =	sne.s32 s2, $0x0  }
0xda: {  	s3 =	rddreg [dreg:$0x2];
	[bflag:$0x3] =	sbarrier.arrive $0xFFFF;
	s2 =	simm.s32 @!p0 $0x1C02  }
0xdb: {  	[timem:s3], [sflag:s2] =	dma.local @!p0 [hbm:s0], s1  }
0xdc: {  	s0 =	simm.s32 @!p0 $0x2  }
0xdd: {  	_ =	swait.ge @!p0 [sflag:s0], s1  }
0xde: {  	s1 =	ssub.s32 @!p0 $0x0, s1;
	[sflag:s0] =	ssyncset.done @!p0 $0x0  }
0xdf: {  	[sflag:s0] =	ssyncadd.s32 @!p0 s1  }
0xe0: {  	[bflag:$0x3] =	sbarrier.arrive $0xFFFF  }
0xe1: {  	_ =	shalt  }

// kernel: kernel.9.cloned.1.call-start
scs
__scs_entry_jumppad:
0x0: {  	(pc) =	sbr.rel $0x88, $3  }
0x1: {  	(tag) =	ssettag $0x0;
	lr =	simm.s32 $0x1  }
0x2: {  	[smem:$0x3F9C] =	sst lr;
	_ =	strace $0xD0000000  }
0x3: {  	_ = 	snop  }
0x4: {  	_ = 	snop  }
0x5: {  	_ = 	snop  }
0x6: {  	_ = 	snop  }
0x7: {  	_ = 	snop  }
__scs_overlays_trampoline_lowered:
0x8: {  	[smem:$0x3FAB] =	sst s0  }
0x9: {  	[smem:$0x3FAC] =	sst s1  }
0xa: {  	[smem:$0x3FAD] =	sst s2  }
0xb: {  	[smem:$0x3FAE] =	sst s3  }
0xc: {  	[smem:$0x3FAF] =	sst s4  }
0xd: {  	[smem:$0x3FB0] =	sst s5  }
0xe: {  	[smem:$0x3FB1] =	sst s6  }
0xf: {  	[smem:$0x3FB2] =	sst s7  }
0x10: {  	[smem:$0x3FB3] =	sst s8  }
0x11: {  	[smem:$0x3FB4] =	sst s9;
	s0 =	simm.s32 @!p0 $0x0  }
0x12: {  	s1 =	sld [smem:$0x3F9A];
	s0 =	simm.s32 @p0 $0x1  }
0x13: {  	[smem:$0x3FB5] =	sst s0;
	s0 =	simm.s32 @!p1 $0x0  }
0x14: {  	s2 =	sld [smem:$0x3F99];
	s0 =	simm.s32 @p1 $0x1  }
0x15: {  	[smem:$0x3FB6] =	sst s0;
	s0 =	simm.s32 @!p2 $0x0  }
0x16: {  	s3 =	sld [smem:$0x3FDB];
	s0 =	simm.s32 @p2 $0x1  }
0x17: {  	s4 =	simm.s32 $0x1BF5;
	[smem:$0x3FB8] =	sst s0  }
0x18: {  	s0 =	sld [smem:$0x3F9B];
	_ =	swait.ge [sflag:s4], $0x0  }
0x19: {  	s7 =	sld [smem:$0x3F9C]  }
0x1a: {  	s8 =	sadd.s32 $0xFFFFE003, lr  }
0x1b: {  	s9 =	sadd.s32 $0xFFFFFEF7, lr;
	s5 =	simm.s32 $0xFFFFFFFF;
	p2 =	slt.u32 s8, $0xFFFFF086  }
0x1c: {  	p1 =	slt.u32 s9, $0xF7A;
	s5 =	simm.s32 @!p2 $0x0  }
0x1d: {  	s5 =	simm.s32 @p1 $0x1;
	p0 =	seq.s32 s7, s2  }
0x1e: {  	s7 =	smul.u32 @!p0 $0xF7A, s2;
	p2 =	seq.s32 @!p0 s5, $0x0  }
0x1f: {  	s9 =	smul.u32 $0xF7A, s1;
	s8 =	simm.s32 @!p0 $0x1BF5;
	p2 =	por !p2, p0  }
0x20: {  	[sflag:s8] =	ssyncset.s32 @!p0 $0xFFFFF086;
	s6 =	sadd.s32 @!p0 s3, s7;
	s7 =	simm.s32 @!p0 $0x108  }
0x21: {  	s3 =	sadd.s32 s3, s9;
	s6 =	sadd.s32 @!p0 $0x88, s6;
	s7 =	simm.s32 @p2 $0x1082  }
0x22: {  	[simem:s7], [sflag:s8] =	dma.local @!p0 [hbm:s6], $0xF7A  }
0x23: {  	s9 =	sor.u32 $0xD0000000, s2;
	s6 =	simm.s32 $0x108;
	_ =	swait.ge @!p0 [sflag:s8], $0x0  }
0x24: {  	s3 =	sadd.s32 $0x88, s3;
	s6 =	simm.s32 @!p1 $0x1082;
	[sflag:s4] =	ssyncset.s32 $0xFFFFF086  }
0x25: {  	[simem:s6], [sflag:s4] =	dma.local [hbm:s3], $0xF7A  }
0x26: {  	[smem:$0x3F9C] =	sst s1;
	(tag) =	ssettag s2;
	_ =	strace s9  }
0x27: {  	s1 =	sld [smem:$0x3FAC]  }
0x28: {  	s2 =	sld [smem:$0x3FAD]  }
0x29: {  	s4 =	sld [smem:$0x3FAF]  }
0x2a: {  	p0 =	seq.s32 s5, $0x0;
	s5 =	sld [smem:$0x3FB0]  }
0x2b: {  	s6 =	sld [smem:$0x3FB1]  }
0x2c: {  	s7 =	sld [smem:$0x3FB2]  }
0x2d: {  	s3 =	simm.s32 $0x108;
	s8 =	sld [smem:$0x3FB3]  }
0x2e: {  	s3 =	simm.s32 @!p0 $0x1082;
	s9 =	sld [smem:$0x3FB4]  }
0x2f: {  	lr =	sadd.s32 s0, s3;
	s0 =	sld [smem:$0x3FAB]  }
0x30: {  	s3 =	sld [smem:$0x3FAE]  }
0x31: {  	[smem:$0x3FB7] =	sst s10  }
0x32: {  	s10 =	sld [smem:$0x3FB5];
	_ =	sdelay $0x3  }
0x33: {  	p0 =	seq.s32 s10, $0x1;
	s10 =	sld [smem:$0x3FB7];
	_ =	sdelay $0x3  }
0x34: {  	[smem:$0x3FB7] =	sst s10  }
0x35: {  	s10 =	sld [smem:$0x3FB6];
	_ =	sdelay $0x3  }
0x36: {  	p1 =	seq.s32 s10, $0x1;
	s10 =	sld [smem:$0x3FB7];
	_ =	sdelay $0x3  }
0x37: {  	[smem:$0x3FB7] =	sst s10  }
0x38: {  	s10 =	sld [smem:$0x3FB8]  }
0x39: {  	_ = 	snop;
	(pc) =	sbr.ind lr, $3  }
0x3a: {  	_ = 	snop  }
0x3b: {  	_ = 	snop  }
0x3c: {  	p2 =	seq.s32 s10, $0x1;
	s10 =	sld [smem:$0x3FB7]  }
0x3d: {  	_ =	shalt  }
0x3e: {  	_ =	shalt  }
0x3f: {  	_ =	shalt  }
0x40: {  	_ =	shalt  }
0x41: {  	_ =	shalt  }
0x42: {  	_ =	shalt  }
0x43: {  	_ =	shalt  }
0x44: {  	_ =	shalt  }
0x45: {  	_ =	shalt  }
0x46: {  	_ =	shalt  }
0x47: {  	_ =	shalt  }
0x48: {  	_ =	shalt  }
0x49: {  	_ =	shalt  }
0x4a: {  	_ =	shalt  }
0x4b: {  	_ =	shalt  }
0x4c: {  	_ =	shalt  }
0x4d: {  	_ =	shalt  }
0x4e: {  	_ =	shalt  }
0x4f: {  	_ =	shalt  }
0x50: {  	_ =	shalt  }
0x51: {  	_ =	shalt  }
0x52: {  	_ =	shalt  }
0x53: {  	_ =	shalt  }
0x54: {  	_ =	shalt  }
0x55: {  	_ =	shalt  }
0x56: {  	_ =	shalt  }
0x57: {  	_ =	shalt  }
0x58: {  	_ =	shalt  }
0x59: {  	_ =	shalt  }
0x5a: {  	_ =	shalt  }
0x5b: {  	_ =	shalt  }
0x5c: {  	_ =	shalt  }
0x5d: {  	_ =	shalt  }
0x5e: {  	_ =	shalt  }
0x5f: {  	_ =	shalt  }
0x60: {  	_ =	shalt  }
0x61: {  	_ =	shalt  }
0x62: {  	_ =	shalt  }
0x63: {  	_ =	shalt  }
0x64: {  	_ =	shalt  }
0x65: {  	_ =	shalt  }
0x66: {  	_ =	shalt  }
0x67: {  	_ =	shalt  }
0x68: {  	_ =	shalt  }
0x69: {  	_ =	shalt  }
0x6a: {  	_ =	shalt  }
0x6b: {  	_ =	shalt  }
0x6c: {  	_ =	shalt  }
0x6d: {  	_ =	shalt  }
0x6e: {  	_ =	shalt  }
0x6f: {  	_ =	shalt  }
0x70: {  	_ =	shalt  }
0x71: {  	_ =	shalt  }
0x72: {  	_ =	shalt  }
0x73: {  	_ =	shalt  }
0x74: {  	_ =	shalt  }
0x75: {  	_ =	shalt  }
0x76: {  	_ =	shalt  }
0x77: {  	_ =	shalt  }
0x78: {  	_ =	shalt  }
0x79: {  	_ =	shalt  }
0x7a: {  	_ =	shalt  }
0x7b: {  	_ =	shalt  }
0x7c: {  	_ =	shalt  }
0x7d: {  	_ =	shalt  }
0x7e: {  	_ =	shalt  }
0x7f: {  	_ =	shalt  }
0x80: {  	_ =	shalt  }
0x81: {  	_ =	shalt  }
0x82: {  	_ =	shalt  }
0x83: {  	_ =	shalt  }
0x84: {  	_ =	shalt  }
0x85: {  	_ =	shalt  }
0x86: {  	_ =	shalt  }
0x87: {  	_ =	shalt  }
.Lfunc_end0:
.L_simem_size_0:
called_computation.1_lowered:
.L_overlay_start_0:
0x88: {  	s2 =	sld [smem:$0x3FD9]  }
0x89: {  	s3 =	sld [smem:$0x3FFE];
	_ =	sdelay $0x1  }
0x8a: {  	s1 =	srdreg.scid  }
0x8b: {  	s0 =	sand.u32 $0x1, s1  }
0x8c: {  	s17 =	sshll.u32 s0, $0xA;
	s2 =	sadd.s32 s3, s2  }
0x8d: {  	s2 =	sadd.s32 s2, s17  }
0x8e: {  	[smem:$0x3FC3] =	sst s2  }
0x8f: {  	_ = 	snop  }
0x90: {  	s2 =	sld [smem:$0x3FD0];
	(tm) =	ssettm $0x1  }
0x91: {  	s18 =	sld [smem:$0x3FFB];
	_ =	sdelay $0x3  }
0x92: {  	_ =	strace s18  }
0x93: {  	s3 =	sld [smem:$0x3FFC];
	_ =	sdelay $0x3  }
0x94: {  	_ =	strace s3  }
0x95: {  	s3 =	sld [smem:$0x3FFD];
	_ =	sdelay $0x3  }
0x96: {  	_ =	strace s3  }
0x97: {  	_ =	strace $0x8FFFFFFF  }
0x98: {  	s19 =	sld [smem:$0x3FDB];
	_ =	sdelay $0x1  }
0x99: {  	s4 =	simm.s32 $_scs_section_size  }
0x9a: {  	s5 =	simm.s32 $_size__tile_overlayer_lowered;
	s6 =	simm.s32 $_tile_overlayer_lowered  }
0x9b: {  	s22 =	simm.s32 $0x1BFF;
	s21 =	sshll.u32 s6, $0x1;
	s3 =	sadd.s32 s4, s19  }
0x9c: {  	s7 =	simm.s32 $0x0;
	s20 =	sshll.u32 s5, $0x1;
	s5 =	sadd.s32 s21, s3  }
0x9d: {  	[timem:s7], [sflag:s22] =	dma.local [hbm:s5], s20  }
0x9e: {  	_ =	swait.ge [sflag:s22], s20  }
0x9f: {  	s4 =	ssub.s32 $0x0, s20;
	[sflag:s22] =	ssyncset.done $0x0  }
0xa0: {  	[sflag:s22] =	ssyncadd.s32 s4;
	_ =	sdelay $0x1  }
0xa1: {  	s23 =	simm.s32 $0x1B8B  }
0xa2: {  	_ =	swait.ge [sflag:s23], $0x1  }
0xa3: {  	[sflag:s23] =	ssyncset.done $0x0  }
0xa4: {  	s25 =	simm.s32 $0x1B8E;
	s24 =	sld [smem:$0x3FFE];
	[sflag:s23] =	ssyncadd.s32 $0xFFFFFFFF  }
0xa5: {  	s26 =	simm.s32 $execute0_lowered;
	[smem:$0x3FD2] =	sst s25  }
0xa6: {  	s5 =	sshll.u32 s26, $0x1;
	_ =	strace $0x80000049;
	[dreg:$0x1] =	wrdreg $0xFFFFFFFF  }
0xa7: {  	s28 =	simm.s32 $_size_execute0_lowered;
	s3 =	sadd.s32 s3, s5;
	[dreg:$0x0] =	wrdreg $0x0  }
0xa8: {  	s5 =	sshll.u32 s28, $0x1;
	[dreg:$0x2] =	wrdreg s3  }
0xa9: {  	[dreg:$0x3] =	wrdreg s5  }
0xaa: {  	[dreg:$0x4] =	wrdreg $0xC0  }
0xab: {  	_ =	task [dreg:s7], $0x5FFFF  }
0xac: {  	[dreg:$0x1] =	wrdreg $0xFFFFFFFF  }
0xad: {  	[dreg:$0x0] =	wrdreg $0x60  }
0xae: {  	[dreg:$0x2] =	wrdreg s24  }
0xaf: {  	[dreg:$0x3] =	wrdreg s2  }
0xb0: {  	[dreg:$0x4] =	wrdreg $0x9  }
0xb1: {  	_ =	task.clear_ibuf [dreg:s7], $0x5FFFF;
	_ =	strace $0x90000049  }
0xb2: {  	s29 =	simm.s32 $0x9;
	_ =	strace $0x8000004B  }
0xb3: {  	_ =	swait.ge [sflag:s29], $0x1  }
0xb4: {  	[sflag:s29] =	ssyncadd.s32 $0xFFFFFFFF  }
0xb5: {  	_ =	strace $0x9000004B  }
0xb6: {  	_ =	sfence  }
0xb7: {  	s30 =	sld [smem:$0x0];
	_ =	sdelay $0x2  }
0xb8: {  	s31 =	sshll.u32 s1, $0xD;
	s1 =	sshrl.u32 s1, $0x2  }
0xb9: {  	s3 =	sand.u32 $0x4000, s31;
	s1 =	sadd.s32 s1, s30  }
0xba: {  	s0 =	sor.u32 s3, s0;
	s1 =	sshll.u32 s1, $0x11  }
0xbb: {  	s0 =	sor.u32 s1, s0  }
0xbc: {  	s0 =	sadd.s32 $0x8F2B, s0  }
0xbd: {  	[sflag:s0] =	ssyncadd.remote.s32 $0x1  }
0xbe: {  	_ =	sfence.sel $0xFFFF  }
0xbf: {  	[dreg:$0x0] =	wrdreg $0xFFFFFFFF;
	(pc) =	sbr.abs _section_cstart, $3  }
0xc0: {  	[dreg:$0x1] =	wrdreg $0xFFFFFFFF  }
0xc1: {  	_ =	task.clear_ibuf [dreg:s7], $0x2FFFF;
	_ =	strace $0x9FFFFFFF  }
0xc2: {  	(tm) =	ssettm $0x7FFFFFFF  }
0xc3: {  	_ =	shalt  }
tec
execute0_lowered:
.L_overlay_start_1:
0x0: {  	(tag) =	ssettag $0x1  }
0x1: {  	s0 =	rddreg [dreg:$0x0]  }
0x2: {  	s1 =	rddreg [dreg:$0x1]  }
0x3: {  	s3 =	srdreg.scid;
	s2 =	simm.s32 $0x0;
	s5 =	stileid.u32  }
0x4: {  	s14 =	simm.s32 $0x2;
	s16 =	simm.s32 $0x4100;
	s20 =	simm.s32 $0xE100  }
0x5: {  	s21 =	simm.s32 $0xF100;
	s28 =	simm.s32 $0x13100;
	s29 =	simm.s32 $0x13900  }
0x6: {  	s12 =	simm.s32 $0x0;
	s4 =	sand.u32 $0x1, s3;
	[smem:$0x7FF] =	sst s2  }
0x7: {  	s22 =	sshll.u32 s5, $0x7;
	s3 =	sadd.s32 $0xC0600, s0;
	s9 =	sadd.s32 $0xC0800, s0  }
0x8: {  	s11 =	sadd.s32 $0xC0900, s0;
	s23 =	sshll.u32 s4, $0x6;
	s6 =	ssub.s32 $0x2, s4  }
0x9: {  	_ =	strace $0x8000004A;
	s5 =	sor.u32 s23, s22;
	s8 =	sshrl.u32 s6, $0x1  }
0xa: {  	s22 =	simm.s32 $0x10100;
	s23 =	simm.s32 $0x11100;
	s24 =	sshrl.u32 s5, $0x3  }
0xb: {  	s7 =	sshll.u32 s5, $0x4;
	s6 =	ssub.s32 s6, s8;
	s5 =	sshll.u32 s5, $0x7  }
0xc: {  	s8 =	sadd.s32 $0xC0700, s0;
	s4 =	sadd.s32 s0, s24;
	s31 =	smax.u32 s6, $0x1  }
0xd: {  	s7 =	sadd.s32 s7, s0;
	s25 =	sadd.s32 $0x200, s4;
	[dreg:$0x7] =	wrdreg s31  }
0xe: {  	v2 =	vlaneseq.u32;
	s10 =	sadd.s32 s1, s5;
	s26 =	sadd.s32 $0x400, s7;
	[dreg:$0x3] =	wrdreg s25  }
0xf: {  	v0 =	vand.u32 $0x7, v2;
	v1 =	vshrl.u32 v2, $0x3;
	s1 =	simm.s32 $0x1;
	s7 =	sadd.s32 $0x8400, s7;
	[dreg:$0x4] =	wrdreg s26  }
0x10: {  	v63 =	vor.u32 $0x8, v2;
	[tilespmem:$0x1FFD0] =	vst v0;
	v62 =	vmul.u32 $0x8, v1;
	s5 =	simm.s32 $0xE900;
	s30 =	sadd.s32 $0x1000, s10;
	[dreg:$0x5] =	wrdreg s7  }
0x11: {  	[tilespmem:$0x1FFF0] =	vst v63;
	s6 =	simm.s32 $0xF900;
	s24 =	simm.s32 $0x11900;
	[dreg:$0x6] =	wrdreg s30  }
0x12: {  	vm0 =	vmmov $0xffff;
	[tilespmem:$0x1FFE0] =	vst v62;
	s7 =	simm.s32 $0x10900;
	s25 =	simm.s32 $0x12100;
	s26 =	simm.s32 $0x12900  }
.LBB2_1:
0x13: {  	s0 =	rddreg [dreg:$0x3]  }
0x14: {  	[tilespmem:s2], [sflag:$0x2] =	stream.linear.gather [hbm4b:s0+s2], $0x40, $0x38;
	[tilespmem:$0x14100] =	vst v63  }
0x15: {  	_ =	swait.ge [sflag:s14], $0x40  }
0x16: {  	[sflag:s14] =	ssyncset.done $0x0  }
0x17: {  	s19 =	simm.s32 $0x80;
	[sflag:s14] =	ssyncadd.s32 $0xFFFFFFC0  }
0x18: {  	[tilespmem:s19], [sflag:$0x2] =	stream.linear.gather [hbm4b:s4+s2], $0x40, $0x38;
	[tilespmem:$0x14100] =	vst v63  }
0x19: {  	_ =	swait.ge [sflag:s14], $0x40  }
0x1a: {  	[sflag:s14] =	ssyncset.done $0x0  }
0x1b: {  	s30 =	simm.s32 $0x100;
	s13 =	rddreg [dreg:$0x4];
	[sflag:s14] =	ssyncadd.s32 $0xFFFFFFC0  }
0x1c: {  	[tilespmem:s30], [sflag:$0x2] =	stream.linear.gather [hbm4b:s13+s2], $0x2000, $0x38;
	[tilespmem:$0x14100] =	vst v63  }
0x1d: {  	_ =	swait.ge [sflag:s14], $0x2000  }
0x1e: {  	[sflag:s14] =	ssyncset.done $0x0  }
0x1f: {  	s13 =	simm.s32 $0x2100;
	s15 =	rddreg [dreg:$0x5];
	[sflag:s14] =	ssyncadd.s32 $0xFFFFE000  }
0x20: {  	[tilespmem:s13], [sflag:$0x2] =	stream.linear.gather [hbm4b:s15+s2], $0x2000, $0x38;
	[tilespmem:$0x14100] =	vst v63  }
0x21: {  	_ =	swait.ge [sflag:s14], $0x2000  }
0x22: {  	[sflag:s14] =	ssyncset.done $0x0  }
0x23: {  	[sflag:s14] =	ssyncadd.s32 $0xFFFFE000  }
0x24: {  	v3 =	vld [tilespmem:$0x0];
	_ =	sdelay $0x2  }
0x25: {  	v0 =	vld [tilespmem:$0x1FFD0];
	_ =	sdelay $0x1  }
0x26: {  	v1 =	vld [tilespmem:$0x1FFE0];
	v4 =	vshll.u32 v3, $0x3  }
0x27: {  	v3 =	vand.u32 $0x7, v3;
	v4 =	vand.u32 $0xFFFFFFC0, v4  }
0x28: {  	v3 =	vor.u32 v3, v4  }
0x29: {  	v4 =	vperm.xlane v3, v0;
	_ =	sdelay $0x1  }
0x2a: {  	v4 =	vadd.s32 v1, v4  }
0x2b: {  	v2 =	vld [tilespmem:$0x1FFF0];
	_ =	sdelay $0x3  }
0x2c: {  	[tilespmem:s16], [sflag:$0x1] =	stream.indirect_vreg.gather [hbm4b:s3+s2], $0x80, v4, vm0, $0xb8;
	[tilespmem:$0x14100] =	vst v63  }
0x2d: {  	s17 =	simm.s32 $0x4900;
	v3 =	vperm.xlane v3, v2  }
0x2e: {  	[tilespmem:s17], [sflag:$0x1] =	stream.indirect_vreg.gather [hbm4b:s8+s2], $0x80, v4, vm0, $0xb8;
	[tilespmem:$0x14100] =	vst v63  }
0x2f: {  	s18 =	simm.s32 $0x5100;
	v3 =	vadd.s32 v1, v3  }
0x30: {  	[tilespmem:s18], [sflag:$0x1] =	stream.indirect_vreg.gather [hbm4b:s9+s2], $0x80, v4, vm0, $0xb8;
	[tilespmem:$0x14100] =	vst v63  }
0x31: {  	s19 =	simm.s32 $0x5900  }
0x32: {  	[tilespmem:s19], [sflag:$0x1] =	stream.indirect_vreg.gather [hbm4b:s11+s2], $0x80, v4, vm0, $0xb8;
	[tilespmem:$0x14100] =	vst v63  }
0x33: {  	s15 =	simm.s32 $0x6100  }
0x34: {  	[tilespmem:s15], [sflag:$0x1] =	stream.indirect_vreg.gather [hbm4b:s3+s2], $0x80, v3, vm0, $0xb8;
	[tilespmem:$0x14100] =	vst v63  }
0x35: {  	s17 =	simm.s32 $0x6900  }
0x36: {  	[tilespmem:s17], [sflag:$0x1] =	stream.indirect_vreg.gather [hbm4b:s8+s2], $0x80, v3, vm0, $0xb8;
	[tilespmem:$0x14100] =	vst v63  }
0x37: {  	s18 =	simm.s32 $0x7100  }
0x38: {  	[tilespmem:s18], [sflag:$0x1] =	stream.indirect_vreg.gather [hbm4b:s9+s2], $0x80, v3, vm0, $0xb8;
	[tilespmem:$0x14100] =	vst v63  }
0x39: {  	s19 =	simm.s32 $0x7900  }
0x3a: {  	[tilespmem:s19], [sflag:$0x1] =	stream.indirect_vreg.gather [hbm4b:s11+s2], $0x80, v3, vm0, $0xb8;
	[tilespmem:$0x14100] =	vst v63  }
0x3b: {  	v3 =	vld [tilespmem:$0x10];
	_ =	sdelay $0x4  }
0x3c: {  	v60 =	vshll.u32 v3, $0x3  }
0x3d: {  	v3 =	vand.u32 $0x7, v3;
	v4 =	vand.u32 $0xFFFFFFC0, v60  }
0x3e: {  	v3 =	vor.u32 v3, v4  }
0x3f: {  	v4 =	vperm.xlane v3, v0;
	_ =	sdelay $0x1  }
0x40: {  	v4 =	vadd.s32 v1, v4;
	_ =	sdelay $0x3  }
0x41: {  	s15 =	simm.s32 $0x8100  }
0x42: {  	[tilespmem:s15], [sflag:$0x1] =	stream.indirect_vreg.gather [hbm4b:s3+s2], $0x80, v4, vm0, $0xb8;
	[tilespmem:$0x14100] =	vst v63  }
0x43: {  	s17 =	simm.s32 $0x8900;
	v3 =	vperm.xlane v3, v2  }
0x44: {  	[tilespmem:s17], [sflag:$0x1] =	stream.indirect_vreg.gather [hbm4b:s8+s2], $0x80, v4, vm0, $0xb8;
	[tilespmem:$0x14100] =	vst v63  }
0x45: {  	s18 =	simm.s32 $0x9100;
	v3 =	vadd.s32 v1, v3  }
0x46: {  	[tilespmem:s18], [sflag:$0x1] =	stream.indirect_vreg.gather [hbm4b:s9+s2], $0x80, v4, vm0, $0xb8;
	[tilespmem:$0x14100] =	vst v63  }
0x47: {  	s19 =	simm.s32 $0x9900  }
0x48: {  	[tilespmem:s19], [sflag:$0x1] =	stream.indirect_vreg.gather [hbm4b:s11+s2], $0x80, v4, vm0, $0xb8;
	[tilespmem:$0x14100] =	vst v63  }
0x49: {  	s15 =	simm.s32 $0xA100  }
0x4a: {  	[tilespmem:s15], [sflag:$0x1] =	stream.indirect_vreg.gather [hbm4b:s3+s2], $0x80, v3, vm0, $0xb8;
	[tilespmem:$0x14100] =	vst v63  }
0x4b: {  	s17 =	simm.s32 $0xA900  }
0x4c: {  	[tilespmem:s17], [sflag:$0x1] =	stream.indirect_vreg.gather [hbm4b:s8+s2], $0x80, v3, vm0, $0xb8;
	[tilespmem:$0x14100] =	vst v63  }
0x4d: {  	s18 =	simm.s32 $0xB100  }
0x4e: {  	[tilespmem:s18], [sflag:$0x1] =	stream.indirect_vreg.gather [hbm4b:s9+s2], $0x80, v3, vm0, $0xb8;
	[tilespmem:$0x14100] =	vst v63  }
0x4f: {  	s19 =	simm.s32 $0xB900  }
0x50: {  	[tilespmem:s19], [sflag:$0x1] =	stream.indirect_vreg.gather [hbm4b:s11+s2], $0x80, v3, vm0, $0xb8;
	[tilespmem:$0x14100] =	vst v63  }
0x51: {  	_ =	swait.ge [sflag:s1], $0x8000  }
0x52: {  	[sflag:s1] =	ssyncset.done $0x0  }
0x53: {  	[sflag:s1] =	ssyncadd.s32 $0xFFFF8000  }
0x54: {  	v61 =	vld [tilespmem:$0x80];
	_ =	sdelay $0x4  }
0x55: {  	v62 =	vshll.u32 v61, $0x3  }
0x56: {  	v3 =	vand.u32 $0x7, v61;
	v4 =	vand.u32 $0xFFFFFFC0, v62  }
0x57: {  	v3 =	vor.u32 v3, v4  }
0x58: {  	v4 =	vperm.xlane v3, v0;
	_ =	sdelay $0x1  }
0x59: {  	v4 =	vadd.s32 v1, v4;
	_ =	sdelay $0x3  }
0x5a: {  	s15 =	simm.s32 $0xC100  }
0x5b: {  	[tilespmem:s15], [sflag:$0x1] =	stream.indirect_vreg.gather [hbm4b:s3+s2], $0x80, v4, vm0, $0xb8;
	[tilespmem:$0x14100] =	vst v63  }
0x5c: {  	s17 =	simm.s32 $0xC900;
	v3 =	vperm.xlane v3, v2  }
0x5d: {  	[tilespmem:s17], [sflag:$0x1] =	stream.indirect_vreg.gather [hbm4b:s8+s2], $0x80, v4, vm0, $0xb8;
	[tilespmem:$0x14100] =	vst v63  }
0x5e: {  	s18 =	simm.s32 $0xD100;
	v3 =	vadd.s32 v1, v3  }
0x5f: {  	[tilespmem:s18], [sflag:$0x1] =	stream.indirect_vreg.gather [hbm4b:s9+s2], $0x80, v4, vm0, $0xb8;
	[tilespmem:$0x14100] =	vst v63  }
0x60: {  	s19 =	simm.s32 $0xD900  }
0x61: {  	[tilespmem:s19], [sflag:$0x1] =	stream.indirect_vreg.gather [hbm4b:s11+s2], $0x80, v4, vm0, $0xb8;
	[tilespmem:$0x14100] =	vst v63  }
0x62: {  	_ = 	snop  }
0x63: {  	[tilespmem:s20], [sflag:$0x1] =	stream.indirect_vreg.gather [hbm4b:s3+s2], $0x80, v3, vm0, $0xb8;
	[tilespmem:$0x14100] =	vst v63  }
0x64: {  	_ = 	snop  }
0x65: {  	[tilespmem:s5], [sflag:$0x1] =	stream.indirect_vreg.gather [hbm4b:s8+s2], $0x80, v3, vm0, $0xb8;
	[tilespmem:$0x14100] =	vst v63  }
0x66: {  	_ = 	snop  }
0x67: {  	[tilespmem:s21], [sflag:$0x1] =	stream.indirect_vreg.gather [hbm4b:s9+s2], $0x80, v3, vm0, $0xb8;
	[tilespmem:$0x14100] =	vst v63  }
0x68: {  	_ = 	snop  }
0x69: {  	[tilespmem:s6], [sflag:$0x1] =	stream.indirect_vreg.gather [hbm4b:s11+s2], $0x80, v3, vm0, $0xb8;
	[tilespmem:$0x14100] =	vst v63  }
0x6a: {  	v3 =	vld [tilespmem:$0x90];
	_ =	sdelay $0x4  }
0x6b: {  	v63 =	vshll.u32 v3, $0x3  }
0x6c: {  	v3 =	vand.u32 $0x7, v3;
	v4 =	vand.u32 $0xFFFFFFC0, v63  }
0x6d: {  	v3 =	vor.u32 v3, v4  }
0x6e: {  	v4 =	vperm.xlane v3, v0;
	_ =	sdelay $0x1  }
0x6f: {  	v4 =	vadd.s32 v1, v4;
	_ =	sdelay $0x4  }
0x70: {  	[tilespmem:s22], [sflag:$0x1] =	stream.indirect_vreg.gather [hbm4b:s3+s2], $0x80, v4, vm0, $0xb8;
	[tilespmem:$0x14100] =	vst v63  }
0x71: {  	v3 =	vperm.xlane v3, v2  }
0x72: {  	[tilespmem:s7], [sflag:$0x1] =	stream.indirect_vreg.gather [hbm4b:s8+s2], $0x80, v4, vm0, $0xb8;
	[tilespmem:$0x14100] =	vst v63  }
0x73: {  	v3 =	vadd.s32 v1, v3  }
0x74: {  	[tilespmem:s23], [sflag:$0x1] =	stream.indirect_vreg.gather [hbm4b:s9+s2], $0x80, v4, vm0, $0xb8;
	[tilespmem:$0x14100] =	vst v63  }
0x75: {  	_ = 	snop  }
0x76: {  	[tilespmem:s24], [sflag:$0x1] =	stream.indirect_vreg.gather [hbm4b:s11+s2], $0x80, v4, vm0, $0xb8;
	[tilespmem:$0x14100] =	vst v63  }
0x77: {  	_ = 	snop  }
0x78: {  	[tilespmem:s25], [sflag:$0x1] =	stream.indirect_vreg.gather [hbm4b:s3+s2], $0x80, v3, vm0, $0xb8;
	[tilespmem:$0x14100] =	vst v63  }
0x79: {  	_ = 	snop  }
0x7a: {  	[tilespmem:s26], [sflag:$0x1] =	stream.indirect_vreg.gather [hbm4b:s8+s2], $0x80, v3, vm0, $0xb8;
	[tilespmem:$0x14100] =	vst v63  }
0x7b: {  	_ = 	snop  }
0x7c: {  	[tilespmem:s28], [sflag:$0x1] =	stream.indirect_vreg.gather [hbm4b:s9+s2], $0x80, v3, vm0, $0xb8;
	[tilespmem:$0x14100] =	vst v63  }
0x7d: {  	_ = 	snop  }
0x7e: {  	[tilespmem:s29], [sflag:$0x1] =	stream.indirect_vreg.gather [hbm4b:s11+s2], $0x80, v3, vm0, $0xb8;
	[tilespmem:$0x14100] =	vst v63  }
0x7f: {  	_ =	swait.ge [sflag:s1], $0x8000  }
0x80: {  	s31 =	simm.s32 $0x0;
	[sflag:s1] =	ssyncset.done $0x0  }
0x81: {  	s0 =	simm.s32 $0x0;
	s15 =	simm.s32 $0x0;
	[sflag:s1] =	ssyncadd.s32 $0xFFFF8000  }
.LBB2_2:
0x82: {  	v3 =	vld [tilespmem:s30+$0x0];
	s17 =	sand.u32 $0x6000, s0;
	s18 =	sand.u32 $0x380, s15  }
0x83: {  	v4 =	vld [tilespmem:s13+$0x0];
	s17 =	sor.u32 s18, s17  }
0x84: {  	v6 =	vld [tilespmem:s17+$0x4100]  }
0x85: {  	v7 =	vld [tilespmem:s17+$0xC100]  }
0x86: {  	v10 =	vld [tilespmem:s17+$0x4110]  }
0x87: {  	v11 =	vld [tilespmem:s17+$0xC110]  }
0x88: {  	v14 =	vld [tilespmem:s17+$0x4120]  }
0x89: {  	v17 =	vld [tilespmem:s17+$0xC120]  }
0x8a: {  	v20 =	vld [tilespmem:s17+$0x4130]  }
0x8b: {  	v21 =	vld [tilespmem:s17+$0xC130]  }
0x8c: {  	v26 =	vld [tilespmem:s17+$0x4140]  }
0x8d: {  	v27 =	vld [tilespmem:s17+$0xC140]  }
0x8e: {  	v28 =	vld [tilespmem:s17+$0x4150]  }
0x8f: {  	v29 =	vld [tilespmem:s17+$0xC150]  }
0x90: {  	v30 =	vld [tilespmem:s17+$0x4160]  }
0x91: {  	v31 =	vld [tilespmem:s17+$0xC160]  }
0x92: {  	v32 =	vld [tilespmem:s17+$0x4170]  }
0x93: {  	v33 =	vld [tilespmem:s17+$0xC170]  }
0x94: {  	v34 =	vld [tilespmem:s17+$0x4500]  }
0x95: {  	v35 =	vld [tilespmem:s17+$0xC500]  }
0x96: {  	v36 =	vld [tilespmem:s17+$0x4510]  }
0x97: {  	v37 =	vld [tilespmem:s17+$0xC510]  }
0x98: {  	v38 =	vld [tilespmem:s17+$0x4520]  }
0x99: {  	v39 =	vld [tilespmem:s17+$0xC520]  }
0x9a: {  	v40 =	vld [tilespmem:s17+$0x4530]  }
0x9b: {  	v41 =	vld [tilespmem:s17+$0xC530]  }
0x9c: {  	v42 =	vld [tilespmem:s17+$0x4540]  }
0x9d: {  	v43 =	vld [tilespmem:s17+$0xC540]  }
0x9e: {  	v44 =	vld [tilespmem:s17+$0x4550]  }
0x9f: {  	v45 =	vld [tilespmem:s17+$0xC550]  }
0xa0: {  	v46 =	vld [tilespmem:s17+$0x4560]  }
0xa1: {  	v47 =	vld [tilespmem:s17+$0xC560]  }
0xa2: {  	v48 =	vld [tilespmem:s17+$0x4570]  }
0xa3: {  	v49 =	vld [tilespmem:s17+$0xC570]  }
0xa4: {  	v50 =	vld [tilespmem:s17+$0x4900]  }
0xa5: {  	v51 =	vld [tilespmem:s17+$0xC900]  }
0xa6: {  	v52 =	vld [tilespmem:s17+$0x4910]  }
0xa7: {  	v53 =	vld [tilespmem:s17+$0xC910]  }
0xa8: {  	v54 =	vld [tilespmem:s17+$0x4920]  }
0xa9: {  	v55 =	vld [tilespmem:s17+$0xC920]  }
0xaa: {  	v56 =	vld [tilespmem:s17+$0x4930]  }
0xab: {  	v57 =	vld [tilespmem:s17+$0xC930]  }
0xac: {  	v58 =	vld [tilespmem:s17+$0x4940]  }
0xad: {  	v59 =	vld [tilespmem:s17+$0xC940]  }
0xae: {  	v60 =	vld [tilespmem:s17+$0x4950]  }
0xaf: {  	v61 =	vld [tilespmem:s17+$0xC950]  }
0xb0: {  	v62 =	vld [tilespmem:s17+$0x4960]  }
0xb1: {  	v63 =	vld [tilespmem:s17+$0xC960]  }
0xb2: {  	v5 =	vld [tilespmem:s17+$0x4970]  }
0xb3: {  	v2 =	vld [tilespmem:s17+$0xC970]  }
0xb4: {  	v24 =	vld [tilespmem:s17+$0x4D00]  }
0xb5: {  	v25 =	vld [tilespmem:s17+$0xCD00]  }
0xb6: {  	v22 =	vld [tilespmem:s17+$0x4D10]  }
0xb7: {  	v23 =	vld [tilespmem:s17+$0xCD10]  }
0xb8: {  	v18 =	vld [tilespmem:s17+$0x4D20]  }
0xb9: {  	v0 =	vld [tilespmem:s17+$0x4D60]  }
0xba: {  	v19 =	vld [tilespmem:s17+$0xCD20]  }
0xbb: {  	v15 =	vld [tilespmem:s17+$0x4D30]  }
0xbc: {  	v16 =	vld [tilespmem:s17+$0xCD30]  }
0xbd: {  	v12 =	vld [tilespmem:s17+$0x4D40];
	v1 =	vmul.f32 v6, v3  }
0xbe: {  	v13 =	vld [tilespmem:s17+$0xCD40];
	[tilespmem:$0x1FFC0] =	vst v0;
	v0 =	vmul.f32 v7, v4;
	v10 =	vmul.f32 v10, v3  }
0xbf: {  	v8 =	vld [tilespmem:s17+$0x4D50];
	v11 =	vmul.f32 v11, v4;
	v14 =	vmul.f32 v14, v3  }
0xc0: {  	v9 =	vld [tilespmem:s17+$0xCD50];
	v17 =	vmul.f32 v17, v4;
	v20 =	vmul.f32 v20, v3  }
0xc1: {  	v7 =	vld [tilespmem:s17+$0xCD60];
	v21 =	vmul.f32 v21, v4;
	v26 =	vmul.f32 v26, v3  }
0xc2: {  	v6 =	vld [tilespmem:s17+$0x4D70];
	v27 =	vmul.f32 v27, v4;
	v34 =	vmul.f32 v34, v3  }
0xc3: {  	v35 =	vmul.f32 v35, v4;
	v38 =	vmul.f32 v38, v3;
	v1 =	vadd.f32 v0, v1;
	v0 =	vld [tilespmem:s17+$0xCD70]  }
0xc4: {  	v39 =	vmul.f32 v39, v4;
	v40 =	vmul.f32 v40, v3;
	v10 =	vadd.f32 v11, v10;
	v11 =	vld [tilespmem:s17+$0x5100]  }
0xc5: {  	v5 =	vmul.f32 v5, v3;
	v2 =	vmul.f32 v2, v4;
	[tilespmem:s17+$0x4100] =	vst v1;
	v1 =	vadd.f32 v17, v14;
	v14 =	vld [tilespmem:s17+$0xD100]  }
0xc6: {  	[tilespmem:s17+$0x4110] =	vst v10;
	v10 =	vadd.f32 v21, v20;
	v21 =	vmul.f32 v28, v3;
	v28 =	vmul.f32 v29, v4;
	v17 =	vld [tilespmem:s17+$0x5110]  }
0xc7: {  	v52 =	vmul.f32 v52, v3;
	v2 =	vadd.f32 v2, v5;
	v20 =	vld [tilespmem:s17+$0xD110];
	v29 =	vmul.f32 v33, v4;
	[tilespmem:s17+$0x4120] =	vst v1  }
0xc8: {  	v1 =	vadd.f32 v27, v26;
	v26 =	vmul.f32 v30, v3;
	[tilespmem:s17+$0x4130] =	vst v10;
	v10 =	vadd.f32 v28, v21;
	v21 =	vld [tilespmem:s17+$0x5120]  }
0xc9: {  	v27 =	vmul.f32 v31, v4;
	v28 =	vmul.f32 v32, v3;
	v31 =	vld [tilespmem:s17+$0x5130]  }
0xca: {  	v24 =	vmul.f32 v24, v3;
	v25 =	vmul.f32 v25, v4;
	[tilespmem:s17+$0x4970] =	vst v2;
	v32 =	vld [tilespmem:s17+$0xD130]  }
0xcb: {  	v18 =	vmul.f32 v18, v3;
	v33 =	vadd.f32 v27, v26;
	v26 =	vld [tilespmem:s17+$0xD120];
	[tilespmem:s17+$0x4150] =	vst v10;
	v10 =	vadd.f32 v29, v28  }
0xcc: {  	[tilespmem:s17+$0x4140] =	vst v1;
	v28 =	vmul.f32 v36, v3;
	v36 =	vmul.f32 v37, v4;
	v37 =	vadd.f32 v35, v34;
	v34 =	vld [tilespmem:s17+$0xD140]  }
0xcd: {  	v19 =	vmul.f32 v19, v4;
	v12 =	vmul.f32 v12, v3;
	v35 =	vld [tilespmem:s17+$0x5150];
	[tilespmem:s17+$0x4160] =	vst v33  }
0xce: {  	v13 =	vmul.f32 v13, v4;
	v27 =	vld [tilespmem:s17+$0xD520];
	v29 =	vadd.f32 v25, v24;
	[tilespmem:s17+$0x4170] =	vst v10;
	v10 =	vadd.f32 v36, v28  }
0xcf: {  	v36 =	vmul.f32 v41, v4;
	v33 =	vld [tilespmem:s17+$0x5140];
	[tilespmem:s17+$0x4500] =	vst v37;
	v37 =	vadd.f32 v39, v38;
	v38 =	vmul.f32 v42, v3  }
0xd0: {  	v39 =	vmul.f32 v43, v4;
	v41 =	vmul.f32 v45, v4;
	v28 =	vld [tilespmem:s17+$0x5520];
	[tilespmem:s17+$0x4D00] =	vst v29  }
0xd1: {  	v43 =	vmul.f32 v46, v3;
	[tilespmem:s17+$0x4510] =	vst v10;
	v10 =	vadd.f32 v36, v40;
	v40 =	vmul.f32 v44, v3;
	v36 =	vld [tilespmem:s17+$0xD150]  }
0xd2: {  	v46 =	vmul.f32 v48, v3;
	[tilespmem:s17+$0x4520] =	vst v37;
	v42 =	vadd.f32 v39, v38;
	v44 =	vmul.f32 v47, v4;
	v37 =	vld [tilespmem:s17+$0x5160]  }
0xd3: {  	v47 =	vmul.f32 v49, v4;
	v49 =	vmul.f32 v50, v3;
	v38 =	vld [tilespmem:s17+$0xD160];
	[tilespmem:s17+$0x4530] =	vst v10;
	v45 =	vadd.f32 v41, v40  }
0xd4: {  	v50 =	vmul.f32 v51, v4;
	v39 =	vld [tilespmem:s17+$0x5170];
	[tilespmem:s17+$0x4540] =	vst v42;
	v48 =	vadd.f32 v44, v43;
	v44 =	vmul.f32 v53, v4  }
0xd5: {  	v51 =	vadd.f32 v47, v46;
	v46 =	vmul.f32 v54, v3;
	v47 =	vmul.f32 v55, v4;
	v40 =	vld [tilespmem:s17+$0xD170];
	[tilespmem:s17+$0x4550] =	vst v45  }
0xd6: {  	v41 =	vld [tilespmem:s17+$0x5500];
	v53 =	vmul.f32 v59, v4;
	v55 =	vmul.f32 v60, v3;
	[tilespmem:s17+$0x4560] =	vst v48;
	v45 =	vadd.f32 v50, v49  }
0xd7: {  	v42 =	vld [tilespmem:s17+$0xD500];
	v59 =	vmul.f32 v63, v4;
	v63 =	vmul.f32 v23, v4;
	[tilespmem:s17+$0x4570] =	vst v51;
	v48 =	vadd.f32 v44, v52  }
0xd8: {  	v43 =	vld [tilespmem:s17+$0x5510];
	v49 =	vmul.f32 v56, v3;
	v50 =	vmul.f32 v57, v4;
	v51 =	vadd.f32 v47, v46;
	[tilespmem:s17+$0x4900] =	vst v45  }
0xd9: {  	v23 =	vld [tilespmem:s17+$0xD530];
	v25 =	vmul.f32 v33, v3;
	v52 =	vmul.f32 v58, v3;
	v47 =	vadd.f32 v19, v18;
	[tilespmem:s17+$0x4910] =	vst v48  }
0xda: {  	v56 =	vmul.f32 v61, v4;
	v58 =	vmul.f32 v62, v3;
	v44 =	vld [tilespmem:s17+$0xD510];
	v54 =	vadd.f32 v50, v49;
	[tilespmem:s17+$0x4920] =	vst v51  }
0xdb: {  	v62 =	vmul.f32 v22, v3;
	v22 =	vld [tilespmem:s17+$0x5530];
	v46 =	vmul.f32 v16, v4;
	v57 =	vadd.f32 v53, v52;
	[tilespmem:s17+$0x4D20] =	vst v47  }
0xdc: {  	v16 =	vld [tilespmem:s17+$0xD540];
	v33 =	vmul.f32 v37, v3;
	v60 =	vadd.f32 v56, v55;
	v45 =	vmul.f32 v15, v3;
	[tilespmem:s17+$0x4930] =	vst v54  }
0xdd: {  	v18 =	vld [tilespmem:s17+$0x5910];
	v61 =	vadd.f32 v59, v58;
	v49 =	vmul.f32 v8, v3;
	v50 =	vmul.f32 v9, v4;
	[tilespmem:s17+$0x4940] =	vst v57  }
0xde: {  	v19 =	vld [tilespmem:s17+$0xD910];
	v30 =	vadd.f32 v63, v62;
	v56 =	vmul.f32 v11, v3;
	v58 =	vmul.f32 v17, v3;
	[tilespmem:s17+$0x4950] =	vst v60  }
0xdf: {  	v15 =	vld [tilespmem:s17+$0x5540];
	v51 =	vadd.f32 v13, v12;
	v59 =	vmul.f32 v20, v4;
	v62 =	vmul.f32 v26, v4;
	[tilespmem:s17+$0x4960] =	vst v61  }
0xe0: {  	v9 =	vld [tilespmem:s17+$0x5550];
	v20 =	vmul.f32 v31, v3;
	v26 =	vmul.f32 v34, v4;
	[tilespmem:s17+$0x4D10] =	vst v30;
	v48 =	vadd.f32 v46, v45  }
0xe1: {  	v52 =	vld [tilespmem:$0x1FFC0];
	v31 =	vmul.f32 v36, v4;
	v34 =	vmul.f32 v38, v4;
	v53 =	vadd.f32 v50, v49;
	[tilespmem:s17+$0x4D40] =	vst v51  }
0xe2: {  	v12 =	vld [tilespmem:s17+$0xD550];
	v36 =	vmul.f32 v39, v3;
	v37 =	vmul.f32 v40, v4;
	v63 =	vadd.f32 v59, v58;
	[tilespmem:s17+$0x4D30] =	vst v48  }
0xe3: {  	v11 =	vld [tilespmem:s17+$0x5570];
	v61 =	vmul.f32 v21, v3;
	v21 =	vmul.f32 v32, v4;
	v32 =	vadd.f32 v26, v25;
	[tilespmem:s17+$0x4D50] =	vst v53  }
0xe4: {  	v13 =	vld [tilespmem:s17+$0xD570];
	v39 =	vmul.f32 v41, v3;
	v40 =	vmul.f32 v42, v4;
	v38 =	vadd.f32 v34, v33;
	[tilespmem:s17+$0x5110] =	vst v63  }
0xe5: {  	v0 =	vmul.f32 v0, v4;
	v17 =	vld [tilespmem:s17+$0xD900];
	v54 =	vmul.f32 v6, v3;
	v42 =	vadd.f32 v37, v36;
	[tilespmem:s17+$0x5140] =	vst v32  }
0xe6: {  	v41 =	vld [tilespmem:s17+$0xD920];
	v57 =	vmul.f32 v14, v4;
	v47 =	vadd.f32 v40, v39;
	[tilespmem:s17+$0x5160] =	vst v38  }
0xe7: {  	v6 =	vld [tilespmem:s17+$0x5560];
	v0 =	vadd.f32 v0, v54;
	[tilespmem:s17+$0x5170] =	vst v42  }
0xe8: {  	v14 =	vld [tilespmem:s17+$0x5900];
	v60 =	vadd.f32 v57, v56;
	[tilespmem:s17+$0x5500] =	vst v47  }
0xe9: {  	v7 =	vmul.f32 v7, v4;
	v30 =	vmul.f32 v35, v3;
	v46 =	vld [tilespmem:s17+$0x5930];
	v24 =	vadd.f32 v62, v61;
	[tilespmem:s17+$0x4D70] =	vst v0  }
0xea: {  	v43 =	vmul.f32 v43, v3;
	v50 =	vld [tilespmem:s17+$0xD930];
	v45 =	vmul.f32 v44, v4;
	v29 =	vadd.f32 v21, v20;
	[tilespmem:s17+$0x5100] =	vst v60  }
0xeb: {  	v49 =	vmul.f32 v27, v4;
	v58 =	vld [tilespmem:s17+$0x5950];
	v35 =	vadd.f32 v31, v30;
	v10 =	vmul.f32 v52, v3;
	[tilespmem:s17+$0x5120] =	vst v24  }
0xec: {  	v36 =	vld [tilespmem:s17+$0xD970];
	v53 =	vmul.f32 v23, v4;
	v51 =	vadd.f32 v45, v43;
	v52 =	vmul.f32 v22, v3;
	[tilespmem:s17+$0x5130] =	vst v29  }
0xed: {  	v40 =	vld [tilespmem:s17+$0xD940];
	v57 =	vmul.f32 v16, v4;
	v56 =	vmul.f32 v15, v3;
	[tilespmem:s17+$0x5150] =	vst v35;
	v55 =	vadd.f32 v7, v10  }
0xee: {  	v20 =	vld [tilespmem:s17+$0x5920];
	v26 =	vmul.f32 v11, v3;
	v27 =	vmul.f32 v13, v4;
	[tilespmem:s17+$0x5510] =	vst v51;
	v59 =	vadd.f32 v53, v52  }
0xef: {  	v62 =	vld [tilespmem:s17+$0xD950];
	v61 =	vmul.f32 v12, v4;
	v60 =	vmul.f32 v9, v3;
	v63 =	vadd.f32 v57, v56;
	[tilespmem:s17+$0x4D60] =	vst v55  }
0xf0: {  	v34 =	vmul.f32 v18, v3;
	v16 =	vld [tilespmem:s17+$0x5960];
	v35 =	vmul.f32 v19, v4;
	v33 =	vadd.f32 v27, v26;
	[tilespmem:s17+$0x5530] =	vst v59  }
0xf1: {  	v48 =	vmul.f32 v28, v3;
	v28 =	vld [tilespmem:s17+$0xD960];
	v31 =	vmul.f32 v17, v4;
	v23 =	vadd.f32 v61, v60;
	[tilespmem:s17+$0x5540] =	vst v63  }
0xf2: {  	v32 =	vld [tilespmem:s17+$0x5970];
	v39 =	vmul.f32 v41, v4;
	v30 =	vmul.f32 v14, v3;
	v41 =	vadd.f32 v35, v34;
	[tilespmem:s17+$0x5570] =	vst v33  }
0xf3: {  	v10 =	vld [tilespmem:s17+$0xD560];
	v42 =	vmul.f32 v46, v3;
	v43 =	vmul.f32 v50, v4;
	v55 =	vadd.f32 v49, v48;
	[tilespmem:s17+$0x5550] =	vst v23  }
0xf4: {  	v54 =	vld [tilespmem:s17+$0x5940];
	v37 =	vadd.f32 v31, v30;
	v38 =	vmul.f32 v20, v3;
	[tilespmem:s17+$0x5910] =	vst v41  }
0xf5: {  	v45 =	vmul.f32 v58, v3;
	v46 =	vmul.f32 v62, v4;
	v47 =	vadd.f32 v43, v42;
	[tilespmem:s17+$0x5520] =	vst v55  }
0xf6: {  	v48 =	vmul.f32 v16, v3;
	v49 =	vmul.f32 v28, v4;
	[tilespmem:s17+$0x5900] =	vst v37;
	v44 =	vadd.f32 v39, v38  }
0xf7: {  	v52 =	vmul.f32 v36, v4;
	v51 =	vmul.f32 v32, v3;
	v50 =	vadd.f32 v46, v45;
	[tilespmem:s17+$0x5930] =	vst v47  }
0xf8: {  	v6 =	vmul.f32 v6, v3;
	v53 =	vadd.f32 v49, v48;
	v12 =	vmul.f32 v10, v4;
	[tilespmem:s17+$0x5920] =	vst v44  }
0xf9: {  	s19 =	sand.u32 $0x7, s31;
	v54 =	vmul.f32 v54, v3;
	v55 =	vmul.f32 v40, v4;
	v56 =	vadd.f32 v52, v51;
	[tilespmem:s17+$0x5950] =	vst v50  }
0xfa: {  	s18 =	sshll.u32 s19, $0x7;
	[tilespmem:s17+$0x5960] =	vst v53;
	v29 =	vadd.f32 v12, v6  }
0xfb: {  	s18 =	sadd.s32 s18, s0;
	v2 =	vadd.f32 v55, v54;
	[tilespmem:s17+$0x5970] =	vst v56  }
0xfc: {  	s19 =	sor.u32 $0x1C00, s18;
	[tilespmem:s17+$0x5560] =	vst v29  }
0xfd: {  	[tilespmem:s17+$0x5940] =	vst v2;
	v0 =	vld [tilespmem:s19+$0x4100]  }
0xfe: {  	v1 =	vld [tilespmem:s19+$0xC100];
	_ =	sdelay $0x4  }
0xff: {  	v0 =	vmul.f32 v0, v3;
	v1 =	vmul.f32 v1, v4;
	_ =	sdelay $0x1  }
0x100: {  	v0 =	vadd.f32 v1, v0;
	_ =	sdelay $0x1  }
0x101: {  	[tilespmem:s19+$0x4100] =	vst v0;
	s19 =	sor.u32 $0x1C10, s18  }
0x102: {  	v0 =	vld [tilespmem:s19+$0x4100]  }
0x103: {  	v57 =	vld [tilespmem:s19+$0xC100];
	_ =	sdelay $0x4  }
0x104: {  	v0 =	vmul.f32 v0, v3;
	v1 =	vmul.f32 v57, v4;
	_ =	sdelay $0x1  }
0x105: {  	v0 =	vadd.f32 v1, v0;
	_ =	sdelay $0x1  }
0x106: {  	[tilespmem:s19+$0x4100] =	vst v0;
	s19 =	sor.u32 $0x1C20, s18  }
0x107: {  	v0 =	vld [tilespmem:s19+$0x4100]  }
0x108: {  	v58 =	vld [tilespmem:s19+$0xC100];
	_ =	sdelay $0x4  }
0x109: {  	v0 =	vmul.f32 v0, v3;
	v1 =	vmul.f32 v58, v4;
	_ =	sdelay $0x1  }
0x10a: {  	v0 =	vadd.f32 v1, v0;
	_ =	sdelay $0x1  }
0x10b: {  	[tilespmem:s19+$0x4100] =	vst v0;
	s19 =	sor.u32 $0x1C30, s18  }
0x10c: {  	v0 =	vld [tilespmem:s19+$0x4100]  }
0x10d: {  	v59 =	vld [tilespmem:s19+$0xC100];
	_ =	sdelay $0x4  }
0x10e: {  	v0 =	vmul.f32 v0, v3;
	v1 =	vmul.f32 v59, v4;
	_ =	sdelay $0x1  }
0x10f: {  	v0 =	vadd.f32 v1, v0;
	_ =	sdelay $0x1  }
0x110: {  	[tilespmem:s19+$0x4100] =	vst v0;
	s19 =	sor.u32 $0x1C40, s18  }
0x111: {  	v0 =	vld [tilespmem:s19+$0x4100]  }
0x112: {  	v60 =	vld [tilespmem:s19+$0xC100];
	_ =	sdelay $0x4  }
0x113: {  	v0 =	vmul.f32 v0, v3;
	v1 =	vmul.f32 v60, v4;
	_ =	sdelay $0x1  }
0x114: {  	v0 =	vadd.f32 v1, v0;
	_ =	sdelay $0x1  }
0x115: {  	[tilespmem:s19+$0x4100] =	vst v0;
	s19 =	sor.u32 $0x1C50, s18  }
0x116: {  	v0 =	vld [tilespmem:s19+$0x4100]  }
0x117: {  	v61 =	vld [tilespmem:s19+$0xC100];
	_ =	sdelay $0x4  }
0x118: {  	v0 =	vmul.f32 v0, v3;
	v1 =	vmul.f32 v61, v4;
	_ =	sdelay $0x1  }
0x119: {  	v0 =	vadd.f32 v1, v0;
	_ =	sdelay $0x1  }
0x11a: {  	[tilespmem:s19+$0x4100] =	vst v0;
	s19 =	sor.u32 $0x1C60, s18  }
0x11b: {  	v0 =	vld [tilespmem:s19+$0x4100]  }
0x11c: {  	v62 =	vld [tilespmem:s19+$0xC100];
	_ =	sdelay $0x4  }
0x11d: {  	v0 =	vmul.f32 v0, v3;
	v1 =	vmul.f32 v62, v4;
	_ =	sdelay $0x1  }
0x11e: {  	v0 =	vadd.f32 v1, v0;
	_ =	sdelay $0x1  }
0x11f: {  	[tilespmem:s19+$0x4100] =	vst v0;
	s19 =	sor.u32 $0x1C70, s18  }
0x120: {  	v0 =	vld [tilespmem:s19+$0x4100]  }
0x121: {  	v63 =	vld [tilespmem:s19+$0xC100];
	_ =	sdelay $0x3  }
0x122: {  	p0 =	sne.s32 s15, $0xF80  }
.Ltmp0:
0x123: {  	v0 =	vmul.f32 v0, v3;
	v1 =	vmul.f32 v63, v4;
	(pc) =	sbr.rel @p0 .LBB2_2-.Ltmp0, $4  }
0x124: {  	_ = 	snop  }
0x125: {  	v0 =	vadd.f32 v1, v0  }
0x126: {  	s31 =	sadd.s32 $0x1, s31;
	s30 =	sadd.s32 $0x80, s30  }
0x127: {  	s13 =	sadd.s32 $0x80, s13;
	s15 =	sadd.s32 $0x80, s15;
	s0 =	sadd.s32 $0x400, s0;
	[tilespmem:s19+$0x4100] =	vst v0  }
0x128: {  	s30 =	simm.s32 $0x0  }
0x129: {  	[hbm4b:s10+s30] =	stream.linear.scatter [tilespmem:s16], [sflag:$0x2], $0x8000, $0x38;
	[tilespmem:$0x14100] =	vst v63  }
0x12a: {  	_ =	swait.ge [sflag:s14], $0x8000  }
0x12b: {  	[sflag:s14] =	ssyncset.done $0x0  }
0x12c: {  	[sflag:s14] =	ssyncadd.s32 $0xFFFF8000  }
0x12d: {  	v0 =	vld [tilespmem:$0x20];
	_ =	sdelay $0x2  }
0x12e: {  	v2 =	vld [tilespmem:$0x1FFD0];
	_ =	sdelay $0x1  }
0x12f: {  	v3 =	vld [tilespmem:$0x1FFE0];
	v1 =	vshll.u32 v0, $0x3  }
0x130: {  	v0 =	vand.u32 $0x7, v0;
	v1 =	vand.u32 $0xFFFFFFC0, v1  }
0x131: {  	v0 =	vor.u32 v0, v1  }
0x132: {  	v1 =	vperm.xlane v0, v2;
	_ =	sdelay $0x1  }
0x133: {  	v1 =	vadd.s32 v3, v1  }
0x134: {  	v4 =	vld [tilespmem:$0x1FFF0];
	_ =	sdelay $0x3  }
0x135: {  	[tilespmem:s16], [sflag:$0x1] =	stream.indirect_vreg.gather [hbm4b:s3+s30], $0x80, v1, vm0, $0xb8;
	[tilespmem:$0x14100] =	vst v63  }
0x136: {  	s0 =	simm.s32 $0x4900;
	v0 =	vperm.xlane v0, v4  }
0x137: {  	[tilespmem:s0], [sflag:$0x1] =	stream.indirect_vreg.gather [hbm4b:s8+s30], $0x80, v1, vm0, $0xb8;
	[tilespmem:$0x14100] =	vst v63  }
0x138: {  	s17 =	simm.s32 $0x5100;
	v0 =	vadd.s32 v3, v0  }
0x139: {  	[tilespmem:s17], [sflag:$0x1] =	stream.indirect_vreg.gather [hbm4b:s9+s30], $0x80, v1, vm0, $0xb8;
	[tilespmem:$0x14100] =	vst v63  }
0x13a: {  	s18 =	simm.s32 $0x5900  }
0x13b: {  	[tilespmem:s18], [sflag:$0x1] =	stream.indirect_vreg.gather [hbm4b:s11+s30], $0x80, v1, vm0, $0xb8;
	[tilespmem:$0x14100] =	vst v63  }
0x13c: {  	s19 =	simm.s32 $0x6100  }
0x13d: {  	[tilespmem:s19], [sflag:$0x1] =	stream.indirect_vreg.gather [hbm4b:s3+s30], $0x80, v0, vm0, $0xb8;
	[tilespmem:$0x14100] =	vst v63  }
0x13e: {  	s13 =	simm.s32 $0x6900  }
0x13f: {  	[tilespmem:s13], [sflag:$0x1] =	stream.indirect_vreg.gather [hbm4b:s8+s30], $0x80, v0, vm0, $0xb8;
	[tilespmem:$0x14100] =	vst v63  }
0x140: {  	s15 =	simm.s32 $0x7100  }
0x141: {  	[tilespmem:s15], [sflag:$0x1] =	stream.indirect_vreg.gather [hbm4b:s9+s30], $0x80, v0, vm0, $0xb8;
	[tilespmem:$0x14100] =	vst v63  }
0x142: {  	s17 =	simm.s32 $0x7900  }
0x143: {  	[tilespmem:s17], [sflag:$0x1] =	stream.indirect_vreg.gather [hbm4b:s11+s30], $0x80, v0, vm0, $0xb8;
	[tilespmem:$0x14100] =	vst v63  }
0x144: {  	v0 =	vld [tilespmem:$0x30];
	_ =	sdelay $0x4  }
0x145: {  	v60 =	vshll.u32 v0, $0x3  }
0x146: {  	v0 =	vand.u32 $0x7, v0;
	v1 =	vand.u32 $0xFFFFFFC0, v60  }
0x147: {  	v0 =	vor.u32 v0, v1  }
0x148: {  	v1 =	vperm.xlane v0, v2;
	_ =	sdelay $0x1  }
0x149: {  	v1 =	vadd.s32 v3, v1;
	_ =	sdelay $0x3  }
0x14a: {  	s18 =	simm.s32 $0x8100  }
0x14b: {  	[tilespmem:s18], [sflag:$0x1] =	stream.indirect_vreg.gather [hbm4b:s3+s30], $0x80, v1, vm0, $0xb8;
	[tilespmem:$0x14100] =	vst v63  }
0x14c: {  	s19 =	simm.s32 $0x8900;
	v0 =	vperm.xlane v0, v4  }
0x14d: {  	[tilespmem:s19], [sflag:$0x1] =	stream.indirect_vreg.gather [hbm4b:s8+s30], $0x80, v1, vm0, $0xb8;
	[tilespmem:$0x14100] =	vst v63  }
0x14e: {  	s13 =	simm.s32 $0x9100;
	v0 =	vadd.s32 v3, v0  }
0x14f: {  	[tilespmem:s13], [sflag:$0x1] =	stream.indirect_vreg.gather [hbm4b:s9+s30], $0x80, v1, vm0, $0xb8;
	[tilespmem:$0x14100] =	vst v63  }
0x150: {  	s15 =	simm.s32 $0x9900  }
0x151: {  	[tilespmem:s15], [sflag:$0x1] =	stream.indirect_vreg.gather [hbm4b:s11+s30], $0x80, v1, vm0, $0xb8;
	[tilespmem:$0x14100] =	vst v63  }
0x152: {  	s17 =	simm.s32 $0xA100  }
0x153: {  	[tilespmem:s17], [sflag:$0x1] =	stream.indirect_vreg.gather [hbm4b:s3+s30], $0x80, v0, vm0, $0xb8;
	[tilespmem:$0x14100] =	vst v63  }
0x154: {  	s18 =	simm.s32 $0xA900  }
0x155: {  	[tilespmem:s18], [sflag:$0x1] =	stream.indirect_vreg.gather [hbm4b:s8+s30], $0x80, v0, vm0, $0xb8;
	[tilespmem:$0x14100] =	vst v63  }
0x156: {  	s19 =	simm.s32 $0xB100  }
0x157: {  	[tilespmem:s19], [sflag:$0x1] =	stream.indirect_vreg.gather [hbm4b:s9+s30], $0x80, v0, vm0, $0xb8;
	[tilespmem:$0x14100] =	vst v63  }
0x158: {  	s13 =	simm.s32 $0xB900  }
0x159: {  	[tilespmem:s13], [sflag:$0x1] =	stream.indirect_vreg.gather [hbm4b:s11+s30], $0x80, v0, vm0, $0xb8;
	[tilespmem:$0x14100] =	vst v63  }
0x15a: {  	_ =	swait.ge [sflag:s1], $0x8000  }
0x15b: {  	[sflag:s1] =	ssyncset.done $0x0  }
0x15c: {  	[sflag:s1] =	ssyncadd.s32 $0xFFFF8000  }
0x15d: {  	v61 =	vld [tilespmem:$0xA0];
	_ =	sdelay $0x4  }
0x15e: {  	v62 =	vshll.u32 v61, $0x3  }
0x15f: {  	v0 =	vand.u32 $0x7, v61;
	v1 =	vand.u32 $0xFFFFFFC0, v62  }
0x160: {  	v0 =	vor.u32 v0, v1  }
0x161: {  	v1 =	vperm.xlane v0, v2;
	_ =	sdelay $0x1  }
0x162: {  	v1 =	vadd.s32 v3, v1;
	_ =	sdelay $0x3  }
0x163: {  	s15 =	simm.s32 $0xC100  }
0x164: {  	[tilespmem:s15], [sflag:$0x1] =	stream.indirect_vreg.gather [hbm4b:s3+s30], $0x80, v1, vm0, $0xb8;
	[tilespmem:$0x14100] =	vst v63  }
0x165: {  	s17 =	simm.s32 $0xC900;
	v0 =	vperm.xlane v0, v4  }
0x166: {  	[tilespmem:s17], [sflag:$0x1] =	stream.indirect_vreg.gather [hbm4b:s8+s30], $0x80, v1, vm0, $0xb8;
	[tilespmem:$0x14100] =	vst v63  }
0x167: {  	s18 =	simm.s32 $0xD100;
	v0 =	vadd.s32 v3, v0  }
0x168: {  	[tilespmem:s18], [sflag:$0x1] =	stream.indirect_vreg.gather [hbm4b:s9+s30], $0x80, v1, vm0, $0xb8;
	[tilespmem:$0x14100] =	vst v63  }
0x169: {  	s19 =	simm.s32 $0xD900  }
0x16a: {  	[tilespmem:s19], [sflag:$0x1] =	stream.indirect_vreg.gather [hbm4b:s11+s30], $0x80, v1, vm0, $0xb8;
	[tilespmem:$0x14100] =	vst v63  }
0x16b: {  	_ = 	snop  }
0x16c: {  	[tilespmem:s20], [sflag:$0x1] =	stream.indirect_vreg.gather [hbm4b:s3+s30], $0x80, v0, vm0, $0xb8;
	[tilespmem:$0x14100] =	vst v63  }
0x16d: {  	_ = 	snop  }
0x16e: {  	[tilespmem:s5], [sflag:$0x1] =	stream.indirect_vreg.gather [hbm4b:s8+s30], $0x80, v0, vm0, $0xb8;
	[tilespmem:$0x14100] =	vst v63  }
0x16f: {  	_ = 	snop  }
0x170: {  	[tilespmem:s21], [sflag:$0x1] =	stream.indirect_vreg.gather [hbm4b:s9+s30], $0x80, v0, vm0, $0xb8;
	[tilespmem:$0x14100] =	vst v63  }
0x171: {  	_ = 	snop  }
0x172: {  	[tilespmem:s6], [sflag:$0x1] =	stream.indirect_vreg.gather [hbm4b:s11+s30], $0x80, v0, vm0, $0xb8;
	[tilespmem:$0x14100] =	vst v63  }
0x173: {  	v0 =	vld [tilespmem:$0xB0];
	_ =	sdelay $0x4  }
0x174: {  	v63 =	vshll.u32 v0, $0x3  }
0x175: {  	v0 =	vand.u32 $0x7, v0;
	v1 =	vand.u32 $0xFFFFFFC0, v63  }
0x176: {  	v0 =	vor.u32 v0, v1  }
0x177: {  	v1 =	vperm.xlane v0, v2;
	_ =	sdelay $0x1  }
0x178: {  	v1 =	vadd.s32 v3, v1;
	_ =	sdelay $0x4  }
0x179: {  	[tilespmem:s22], [sflag:$0x1] =	stream.indirect_vreg.gather [hbm4b:s3+s30], $0x80, v1, vm0, $0xb8;
	[tilespmem:$0x14100] =	vst v63  }
0x17a: {  	v0 =	vperm.xlane v0, v4  }
0x17b: {  	[tilespmem:s7], [sflag:$0x1] =	stream.indirect_vreg.gather [hbm4b:s8+s30], $0x80, v1, vm0, $0xb8;
	[tilespmem:$0x14100] =	vst v63  }
0x17c: {  	v0 =	vadd.s32 v3, v0  }
0x17d: {  	[tilespmem:s23], [sflag:$0x1] =	stream.indirect_vreg.gather [hbm4b:s9+s30], $0x80, v1, vm0, $0xb8;
	[tilespmem:$0x14100] =	vst v63  }
0x17e: {  	_ = 	snop  }
0x17f: {  	[tilespmem:s24], [sflag:$0x1] =	stream.indirect_vreg.gather [hbm4b:s11+s30], $0x80, v1, vm0, $0xb8;
	[tilespmem:$0x14100] =	vst v63  }
0x180: {  	_ = 	snop  }
0x181: {  	[tilespmem:s25], [sflag:$0x1] =	stream.indirect_vreg.gather [hbm4b:s3+s30], $0x80, v0, vm0, $0xb8;
	[tilespmem:$0x14100] =	vst v63  }
0x182: {  	_ = 	snop  }
0x183: {  	[tilespmem:s26], [sflag:$0x1] =	stream.indirect_vreg.gather [hbm4b:s8+s30], $0x80, v0, vm0, $0xb8;
	[tilespmem:$0x14100] =	vst v63  }
0x184: {  	_ = 	snop  }
0x185: {  	[tilespmem:s28], [sflag:$0x1] =	stream.indirect_vreg.gather [hbm4b:s9+s30], $0x80, v0, vm0, $0xb8;
	[tilespmem:$0x14100] =	vst v63  }
0x186: {  	_ = 	snop  }
0x187: {  	[tilespmem:s29], [sflag:$0x1] =	stream.indirect_vreg.gather [hbm4b:s11+s30], $0x80, v0, vm0, $0xb8;
	[tilespmem:$0x14100] =	vst v63  }
0x188: {  	_ =	swait.ge [sflag:s1], $0x8000  }
0x189: {  	s31 =	simm.s32 $0x3100;
	s0 =	simm.s32 $0x0;
	[sflag:s1] =	ssyncset.done $0x0  }
0x18a: {  	s13 =	simm.s32 $0x1100;
	s15 =	simm.s32 $0x0;
	[sflag:s1] =	ssyncadd.s32 $0xFFFF8000  }
.LBB2_4:
0x18b: {  	v3 =	vld [tilespmem:s13+$0x0];
	s17 =	sand.u32 $0x6000, s0;
	s18 =	sand.u32 $0x380, s15  }
0x18c: {  	v4 =	vld [tilespmem:s31+$0x0];
	s17 =	sor.u32 s18, s17  }
0x18d: {  	v0 =	vld [tilespmem:s17+$0x4100]  }
0x18e: {  	v1 =	vld [tilespmem:s17+$0xC100]  }
0x18f: {  	v2 =	vld [tilespmem:s17+$0x4110]  }
0x190: {  	v6 =	vld [tilespmem:s17+$0xC110]  }
0x191: {  	v10 =	vld [tilespmem:s17+$0x4120]  }
0x192: {  	v11 =	vld [tilespmem:s17+$0xC120]  }
0x193: {  	v14 =	vld [tilespmem:s17+$0x4130]  }
0x194: {  	v17 =	vld [tilespmem:s17+$0xC130]  }
0x195: {  	v20 =	vld [tilespmem:s17+$0x4140]  }
0x196: {  	v21 =	vld [tilespmem:s17+$0xC140]  }
0x197: {  	v26 =	vld [tilespmem:s17+$0x4150]  }
0x198: {  	v27 =	vld [tilespmem:s17+$0xC150]  }
0x199: {  	v28 =	vld [tilespmem:s17+$0x4160]  }
0x19a: {  	v29 =	vld [tilespmem:s17+$0xC160]  }
0x19b: {  	v30 =	vld [tilespmem:s17+$0x4170]  }
0x19c: {  	v31 =	vld [tilespmem:s17+$0xC170]  }
0x19d: {  	v32 =	vld [tilespmem:s17+$0x4500]  }
0x19e: {  	v33 =	vld [tilespmem:s17+$0xC500]  }
0x19f: {  	v34 =	vld [tilespmem:s17+$0x4510]  }
0x1a0: {  	v35 =	vld [tilespmem:s17+$0xC510]  }
0x1a1: {  	v36 =	vld [tilespmem:s17+$0x4520]  }
0x1a2: {  	v37 =	vld [tilespmem:s17+$0xC520]  }
0x1a3: {  	v38 =	vld [tilespmem:s17+$0x4530]  }
0x1a4: {  	v39 =	vld [tilespmem:s17+$0xC530]  }
0x1a5: {  	v40 =	vld [tilespmem:s17+$0x4540]  }
0x1a6: {  	v41 =	vld [tilespmem:s17+$0xC540]  }
0x1a7: {  	v42 =	vld [tilespmem:s17+$0x4550]  }
0x1a8: {  	v43 =	vld [tilespmem:s17+$0xC550]  }
0x1a9: {  	v44 =	vld [tilespmem:s17+$0x4560]  }
0x1aa: {  	v45 =	vld [tilespmem:s17+$0xC560]  }
0x1ab: {  	v46 =	vld [tilespmem:s17+$0x4570]  }
0x1ac: {  	v47 =	vld [tilespmem:s17+$0xC570]  }
0x1ad: {  	v48 =	vld [tilespmem:s17+$0x4900]  }
0x1ae: {  	v49 =	vld [tilespmem:s17+$0xC900]  }
0x1af: {  	v50 =	vld [tilespmem:s17+$0x4910]  }
0x1b0: {  	v51 =	vld [tilespmem:s17+$0xC910]  }
0x1b1: {  	v52 =	vld [tilespmem:s17+$0x4920]  }
0x1b2: {  	v53 =	vld [tilespmem:s17+$0xC920]  }
0x1b3: {  	v54 =	vld [tilespmem:s17+$0x4930]  }
0x1b4: {  	v55 =	vld [tilespmem:s17+$0xC930]  }
0x1b5: {  	v56 =	vld [tilespmem:s17+$0x4940]  }
0x1b6: {  	v57 =	vld [tilespmem:s17+$0xC940]  }
0x1b7: {  	v58 =	vld [tilespmem:s17+$0x4950]  }
0x1b8: {  	v59 =	vld [tilespmem:s17+$0xC950]  }
0x1b9: {  	v60 =	vld [tilespmem:s17+$0x4960]  }
0x1ba: {  	v61 =	vld [tilespmem:s17+$0xC960]  }
0x1bb: {  	v62 =	vld [tilespmem:s17+$0x4970]  }
0x1bc: {  	v63 =	vld [tilespmem:s17+$0xC970]  }
0x1bd: {  	v24 =	vld [tilespmem:s17+$0x4D00]  }
0x1be: {  	v25 =	vld [tilespmem:s17+$0xCD00]  }
0x1bf: {  	v22 =	vld [tilespmem:s17+$0x4D10]  }
0x1c0: {  	v23 =	vld [tilespmem:s17+$0xCD10]  }
0x1c1: {  	v18 =	vld [tilespmem:s17+$0x4D20]  }
0x1c2: {  	v19 =	vld [tilespmem:s17+$0xCD20]  }
0x1c3: {  	v15 =	vld [tilespmem:s17+$0x4D30]  }
0x1c4: {  	v16 =	vld [tilespmem:s17+$0xCD30]  }
0x1c5: {  	v5 =	vld [tilespmem:s17+$0x4D60]  }
0x1c6: {  	v12 =	vld [tilespmem:s17+$0x4D40]  }
0x1c7: {  	v13 =	vld [tilespmem:s17+$0xCD40]  }
0x1c8: {  	v8 =	vld [tilespmem:s17+$0x4D50]  }
0x1c9: {  	v9 =	vld [tilespmem:s17+$0xCD50];
	v0 =	vmul.f32 v0, v3;
	v1 =	vmul.f32 v1, v4  }
0x1ca: {  	v7 =	vld [tilespmem:s17+$0xCD60];
	[tilespmem:$0x1FFA0] =	vst v5;
	v5 =	vmul.f32 v2, v3;
	v2 =	vmul.f32 v6, v4  }
0x1cb: {  	v6 =	vld [tilespmem:s17+$0x4D70];
	v17 =	vmul.f32 v17, v4;
	v0 =	vadd.f32 v1, v0  }
0x1cc: {  	v1 =	vmul.f32 v10, v3;
	v10 =	vld [tilespmem:s17+$0xCD70];
	v5 =	vadd.f32 v2, v5;
	v2 =	vmul.f32 v14, v3  }
0x1cd: {  	v11 =	vmul.f32 v11, v4;
	v14 =	vld [tilespmem:s17+$0xD100]  }
0x1ce: {  	v26 =	vmul.f32 v26, v3;
	v2 =	vadd.f32 v17, v2;
	v17 =	vld [tilespmem:s17+$0x5110]  }
0x1cf: {  	[tilespmem:s17+$0x4100] =	vst v0;
	v0 =	vadd.f32 v11, v1;
	v1 =	vmul.f32 v20, v3;
	v11 =	vmul.f32 v21, v4;
	v20 =	vld [tilespmem:s17+$0xD110]  }
0x1d0: {  	v27 =	vmul.f32 v27, v4;
	v30 =	vmul.f32 v30, v3;
	v21 =	vld [tilespmem:s17+$0x5120];
	[tilespmem:$0x1FFB0] =	vst v6  }
0x1d1: {  	v31 =	vmul.f32 v31, v4;
	v33 =	vmul.f32 v33, v4;
	v6 =	vld [tilespmem:s17+$0x5100];
	[tilespmem:s17+$0x4120] =	vst v0;
	v0 =	vadd.f32 v11, v1  }
0x1d2: {  	v1 =	vmul.f32 v28, v3;
	v11 =	vmul.f32 v29, v4;
	[tilespmem:s17+$0x4130] =	vst v2;
	v2 =	vadd.f32 v27, v26;
	v26 =	vld [tilespmem:s17+$0xD120]  }
0x1d3: {  	v42 =	vmul.f32 v42, v3;
	[tilespmem:s17+$0x4110] =	vst v5;
	v5 =	vmul.f32 v34, v3;
	v28 =	vld [tilespmem:s17+$0x5130]  }
0x1d4: {  	v34 =	vmul.f32 v37, v4;
	v29 =	vld [tilespmem:s17+$0xD130];
	[tilespmem:s17+$0x4140] =	vst v0;
	v0 =	vadd.f32 v11, v1;
	v1 =	vmul.f32 v32, v3  }
0x1d5: {  	v37 =	vmul.f32 v39, v4;
	[tilespmem:s17+$0x4150] =	vst v2;
	v2 =	vadd.f32 v31, v30;
	v32 =	vmul.f32 v35, v4;
	v30 =	vld [tilespmem:s17+$0x5140]  }
0x1d6: {  	v31 =	vld [tilespmem:s17+$0xD140];
	[tilespmem:s17+$0x4160] =	vst v0;
	v0 =	vadd.f32 v33, v1;
	v33 =	vmul.f32 v36, v3;
	v36 =	vmul.f32 v38, v3  }
0x1d7: {  	v39 =	vmul.f32 v40, v3;
	v40 =	vmul.f32 v41, v4;
	v11 =	vld [tilespmem:s17+$0xD550];
	[tilespmem:s17+$0x4170] =	vst v2;
	v35 =	vadd.f32 v32, v5  }
0x1d8: {  	v56 =	vmul.f32 v56, v3;
	v32 =	vld [tilespmem:s17+$0x5150];
	[tilespmem:s17+$0x4500] =	vst v0;
	v38 =	vadd.f32 v34, v33;
	v41 =	vadd.f32 v37, v36  }
0x1d9: {  	[tilespmem:s17+$0x4510] =	vst v35;
	v36 =	vmul.f32 v43, v4;
	v37 =	vadd.f32 v40, v39;
	v39 =	vmul.f32 v45, v4;
	v33 =	vld [tilespmem:s17+$0xD150]  }
0x1da: {  	v34 =	vld [tilespmem:s17+$0x5160];
	v45 =	vmul.f32 v49, v4;
	[tilespmem:s17+$0x4520] =	vst v38;
	v38 =	vmul.f32 v44, v3  }
0x1db: {  	v35 =	vld [tilespmem:s17+$0xD160];
	[tilespmem:s17+$0x4530] =	vst v41;
	v40 =	vadd.f32 v36, v42;
	v41 =	vmul.f32 v46, v3;
	v42 =	vmul.f32 v47, v4  }
0x1dc: {  	[tilespmem:s17+$0x4540] =	vst v37;
	v44 =	vmul.f32 v48, v3;
	v47 =	vmul.f32 v50, v3;
	v36 =	vld [tilespmem:s17+$0x5170];
	v43 =	vadd.f32 v39, v38  }
0x1dd: {  	v48 =	vmul.f32 v51, v4;
	v50 =	vmul.f32 v52, v3;
	v37 =	vld [tilespmem:s17+$0xD170];
	[tilespmem:s17+$0x4550] =	vst v40;
	v46 =	vadd.f32 v42, v41  }
0x1de: {  	v51 =	vmul.f32 v53, v4;
	v53 =	vmul.f32 v54, v3;
	v49 =	vadd.f32 v45, v44;
	v38 =	vld [tilespmem:s17+$0x5500];
	[tilespmem:s17+$0x4560] =	vst v43  }
0x1df: {  	v54 =	vmul.f32 v55, v4;
	v52 =	vadd.f32 v48, v47;
	v44 =	vmul.f32 v57, v4;
	v39 =	vld [tilespmem:s17+$0xD500];
	[tilespmem:s17+$0x4570] =	vst v46  }
0x1e0: {  	v55 =	vadd.f32 v51, v50;
	v47 =	vmul.f32 v59, v4;
	v40 =	vld [tilespmem:s17+$0x5510];
	v50 =	vmul.f32 v61, v4;
	[tilespmem:s17+$0x4900] =	vst v49  }
0x1e1: {  	v45 =	vadd.f32 v54, v53;
	v41 =	vld [tilespmem:s17+$0xD510];
	v53 =	vmul.f32 v63, v4;
	[tilespmem:s17+$0x4910] =	vst v52;
	v46 =	vmul.f32 v58, v3  }
0x1e2: {  	v42 =	vld [tilespmem:s17+$0x5520];
	v59 =	vmul.f32 v23, v4;
	[tilespmem:s17+$0x4920] =	vst v55;
	v48 =	vadd.f32 v44, v56;
	v49 =	vmul.f32 v60, v3  }
0x1e3: {  	v23 =	vld [tilespmem:s17+$0x5530];
	v61 =	vmul.f32 v18, v3;
	[tilespmem:s17+$0x4930] =	vst v45;
	v52 =	vmul.f32 v62, v3;
	v51 =	vadd.f32 v47, v46  }
0x1e4: {  	v18 =	vld [tilespmem:s17+$0xD530];
	v55 =	vmul.f32 v24, v3;
	v56 =	vmul.f32 v25, v4;
	[tilespmem:s17+$0x4940] =	vst v48;
	v54 =	vadd.f32 v50, v49  }
0x1e5: {  	v24 =	vld [tilespmem:s17+$0xD520];
	v58 =	vmul.f32 v22, v3;
	v62 =	vmul.f32 v19, v4;
	v57 =	vadd.f32 v53, v52;
	[tilespmem:s17+$0x4950] =	vst v51  }
0x1e6: {  	v22 =	vmul.f32 v15, v3;
	v25 =	vmul.f32 v16, v4;
	v16 =	vld [tilespmem:s17+$0x5540];
	v60 =	vadd.f32 v56, v55;
	[tilespmem:s17+$0x4960] =	vst v54  }
0x1e7: {  	v43 =	vmul.f32 v12, v3;
	v44 =	vmul.f32 v13, v4;
	v12 =	vld [tilespmem:s17+$0xD540];
	v63 =	vadd.f32 v59, v58;
	[tilespmem:s17+$0x4970] =	vst v57  }
0x1e8: {  	v13 =	vld [tilespmem:s17+$0x5570];
	v27 =	vadd.f32 v62, v61;
	v46 =	vmul.f32 v8, v3;
	v47 =	vmul.f32 v9, v4;
	[tilespmem:s17+$0x4D00] =	vst v60  }
0x1e9: {  	v15 =	vld [tilespmem:s17+$0x5900];
	v45 =	vadd.f32 v25, v22;
	v55 =	vmul.f32 v14, v4;
	v58 =	vmul.f32 v20, v4;
	[tilespmem:s17+$0x4D10] =	vst v63  }
0x1ea: {  	v19 =	vld [tilespmem:s17+$0x5910];
	v48 =	vadd.f32 v44, v43;
	v22 =	vmul.f32 v30, v3;
	v25 =	vmul.f32 v31, v4;
	[tilespmem:s17+$0x4D20] =	vst v27  }
0x1eb: {  	v9 =	vld [tilespmem:s17+$0x5550];
	v30 =	vmul.f32 v34, v3;
	v31 =	vmul.f32 v35, v4;
	[tilespmem:s17+$0x4D30] =	vst v45;
	v50 =	vadd.f32 v47, v46  }
0x1ec: {  	v49 =	vld [tilespmem:$0x1FFA0];
	v20 =	vmul.f32 v29, v4;
	[tilespmem:s17+$0x4D40] =	vst v48;
	v54 =	vmul.f32 v6, v3;
	v29 =	vadd.f32 v25, v22  }
0x1ed: {  	v52 =	vmul.f32 v10, v4;
	v10 =	vld [tilespmem:s17+$0x5560];
	v57 =	vmul.f32 v17, v3;
	v35 =	vadd.f32 v31, v30;
	[tilespmem:s17+$0x4D50] =	vst v50  }
0x1ee: {  	v61 =	vmul.f32 v26, v4;
	v14 =	vld [tilespmem:s17+$0xD570];
	v60 =	vmul.f32 v21, v3;
	v59 =	vadd.f32 v55, v54;
	[tilespmem:s17+$0x5140] =	vst v29  }
0x1ef: {  	v7 =	vmul.f32 v7, v4;
	v44 =	vld [tilespmem:s17+$0x5930];
	v63 =	vmul.f32 v28, v3;
	v62 =	vadd.f32 v58, v57;
	[tilespmem:s17+$0x5160] =	vst v35  }
0x1f0: {  	v51 =	vld [tilespmem:$0x1FFB0];
	v27 =	vmul.f32 v32, v3;
	v28 =	vmul.f32 v33, v4;
	v21 =	vadd.f32 v61, v60;
	[tilespmem:s17+$0x5100] =	vst v59  }
0x1f1: {  	v34 =	vmul.f32 v37, v4;
	v17 =	vld [tilespmem:s17+$0xD900];
	v33 =	vmul.f32 v36, v3;
	v26 =	vadd.f32 v20, v63;
	[tilespmem:s17+$0x5110] =	vst v62  }
0x1f2: {  	v37 =	vmul.f32 v39, v4;
	v36 =	vmul.f32 v38, v3;
	v38 =	vld [tilespmem:s17+$0xD920];
	v32 =	vadd.f32 v28, v27;
	[tilespmem:s17+$0x5120] =	vst v21  }
0x1f3: {  	v40 =	vmul.f32 v40, v3;
	v43 =	vmul.f32 v41, v4;
	v48 =	vld [tilespmem:s17+$0xD930];
	v39 =	vadd.f32 v34, v33;
	[tilespmem:s17+$0x5130] =	vst v26  }
0x1f4: {  	v31 =	vld [tilespmem:s17+$0x5970];
	v45 =	vadd.f32 v37, v36;
	v50 =	vmul.f32 v23, v3;
	v1 =	vmul.f32 v49, v3;
	[tilespmem:s17+$0x5150] =	vst v32  }
0x1f5: {  	v20 =	vld [tilespmem:s17+$0xD910];
	v23 =	vmul.f32 v13, v3;
	v49 =	vadd.f32 v43, v40;
	[tilespmem:s17+$0x5170] =	vst v39;
	v26 =	vmul.f32 v14, v4  }
0x1f6: {  	v46 =	vmul.f32 v42, v3;
	v55 =	vld [tilespmem:s17+$0x5950];
	[tilespmem:s17+$0x5500] =	vst v45;
	v5 =	vmul.f32 v51, v3;
	v53 =	vadd.f32 v7, v1  }
0x1f7: {  	v47 =	vmul.f32 v24, v4;
	v58 =	vmul.f32 v11, v4;
	v63 =	vld [tilespmem:s17+$0x5960];
	[tilespmem:s17+$0x5510] =	vst v49;
	v32 =	vadd.f32 v26, v23  }
0x1f8: {  	v27 =	vld [tilespmem:s17+$0xD960];
	v29 =	vmul.f32 v15, v3;
	v57 =	vmul.f32 v9, v3;
	v56 =	vadd.f32 v52, v5;
	[tilespmem:s17+$0x4D60] =	vst v53  }
0x1f9: {  	v35 =	vld [tilespmem:s17+$0xD970];
	v41 =	vmul.f32 v44, v3;
	v30 =	vmul.f32 v17, v4;
	v52 =	vadd.f32 v47, v46;
	[tilespmem:s17+$0x5570] =	vst v32  }
0x1fa: {  	v21 =	vld [tilespmem:s17+$0x5920];
	v42 =	vmul.f32 v48, v4;
	v53 =	vmul.f32 v16, v3;
	v16 =	vadd.f32 v58, v57;
	[tilespmem:s17+$0x4D70] =	vst v56  }
0x1fb: {  	v59 =	vld [tilespmem:s17+$0xD950];
	v51 =	vmul.f32 v18, v4;
	v36 =	vadd.f32 v30, v29;
	[tilespmem:s17+$0x5520] =	vst v52  }
0x1fc: {  	v54 =	vmul.f32 v12, v4;
	v39 =	vld [tilespmem:s17+$0xD940];
	v46 =	vadd.f32 v42, v41;
	[tilespmem:s17+$0x5550] =	vst v16  }
0x1fd: {  	v33 =	vmul.f32 v19, v3;
	v7 =	vld [tilespmem:s17+$0xD560];
	v34 =	vmul.f32 v20, v4;
	v56 =	vadd.f32 v51, v50;
	[tilespmem:s17+$0x5900] =	vst v36  }
0x1fe: {  	v18 =	vld [tilespmem:s17+$0x5940];
	v47 =	vmul.f32 v63, v3;
	v48 =	vmul.f32 v27, v4;
	v60 =	vadd.f32 v54, v53;
	[tilespmem:s17+$0x5930] =	vst v46  }
0x1ff: {  	v38 =	vmul.f32 v38, v4;
	v37 =	vmul.f32 v21, v3;
	v40 =	vadd.f32 v34, v33;
	[tilespmem:s17+$0x5530] =	vst v56  }
0x200: {  	v44 =	vmul.f32 v55, v3;
	v45 =	vmul.f32 v59, v4;
	v52 =	vadd.f32 v48, v47;
	[tilespmem:s17+$0x5540] =	vst v60  }
0x201: {  	v50 =	vmul.f32 v31, v3;
	v51 =	vmul.f32 v35, v4;
	v43 =	vadd.f32 v38, v37;
	[tilespmem:s17+$0x5910] =	vst v40  }
0x202: {  	v61 =	vmul.f32 v10, v3;
	v62 =	vmul.f32 v7, v4;
	v49 =	vadd.f32 v45, v44;
	[tilespmem:s17+$0x5960] =	vst v52  }
0x203: {  	s19 =	sand.u32 $0x7, s30;
	v54 =	vmul.f32 v39, v4;
	v53 =	vmul.f32 v18, v3;
	v55 =	vadd.f32 v51, v50;
	[tilespmem:s17+$0x5920] =	vst v43  }
0x204: {  	s18 =	sshll.u32 s19, $0x7;
	v28 =	vadd.f32 v62, v61;
	[tilespmem:s17+$0x5950] =	vst v49  }
0x205: {  	s18 =	sadd.s32 s18, s0;
	v56 =	vadd.f32 v54, v53;
	[tilespmem:s17+$0x5970] =	vst v55  }
0x206: {  	s19 =	sor.u32 $0x1C00, s18;
	[tilespmem:s17+$0x5560] =	vst v28  }
0x207: {  	[tilespmem:s17+$0x5940] =	vst v56;
	v0 =	vld [tilespmem:s19+$0x4100]  }
0x208: {  	v1 =	vld [tilespmem:s19+$0xC100];
	_ =	sdelay $0x4  }
0x209: {  	v0 =	vmul.f32 v0, v3;
	v1 =	vmul.f32 v1, v4;
	_ =	sdelay $0x1  }
0x20a: {  	v0 =	vadd.f32 v1, v0;
	_ =	sdelay $0x1  }
0x20b: {  	[tilespmem:s19+$0x4100] =	vst v0;
	s19 =	sor.u32 $0x1C10, s18  }
0x20c: {  	v0 =	vld [tilespmem:s19+$0x4100]  }
0x20d: {  	v57 =	vld [tilespmem:s19+$0xC100];
	_ =	sdelay $0x4  }
0x20e: {  	v0 =	vmul.f32 v0, v3;
	v1 =	vmul.f32 v57, v4;
	_ =	sdelay $0x1  }
0x20f: {  	v0 =	vadd.f32 v1, v0;
	_ =	sdelay $0x1  }
0x210: {  	[tilespmem:s19+$0x4100] =	vst v0;
	s19 =	sor.u32 $0x1C20, s18  }
0x211: {  	v0 =	vld [tilespmem:s19+$0x4100]  }
0x212: {  	v58 =	vld [tilespmem:s19+$0xC100];
	_ =	sdelay $0x4  }
0x213: {  	v0 =	vmul.f32 v0, v3;
	v1 =	vmul.f32 v58, v4;
	_ =	sdelay $0x1  }
0x214: {  	v0 =	vadd.f32 v1, v0;
	_ =	sdelay $0x1  }
0x215: {  	[tilespmem:s19+$0x4100] =	vst v0;
	s19 =	sor.u32 $0x1C30, s18  }
0x216: {  	v0 =	vld [tilespmem:s19+$0x4100]  }
0x217: {  	v59 =	vld [tilespmem:s19+$0xC100];
	_ =	sdelay $0x4  }
0x218: {  	v0 =	vmul.f32 v0, v3;
	v1 =	vmul.f32 v59, v4;
	_ =	sdelay $0x1  }
0x219: {  	v0 =	vadd.f32 v1, v0;
	_ =	sdelay $0x1  }
0x21a: {  	[tilespmem:s19+$0x4100] =	vst v0;
	s19 =	sor.u32 $0x1C40, s18  }
0x21b: {  	v0 =	vld [tilespmem:s19+$0x4100]  }
0x21c: {  	v60 =	vld [tilespmem:s19+$0xC100];
	_ =	sdelay $0x4  }
0x21d: {  	v0 =	vmul.f32 v0, v3;
	v1 =	vmul.f32 v60, v4;
	_ =	sdelay $0x1  }
0x21e: {  	v0 =	vadd.f32 v1, v0;
	_ =	sdelay $0x1  }
0x21f: {  	[tilespmem:s19+$0x4100] =	vst v0;
	s19 =	sor.u32 $0x1C50, s18  }
0x220: {  	v0 =	vld [tilespmem:s19+$0x4100]  }
0x221: {  	v61 =	vld [tilespmem:s19+$0xC100];
	_ =	sdelay $0x4  }
0x222: {  	v0 =	vmul.f32 v0, v3;
	v1 =	vmul.f32 v61, v4;
	_ =	sdelay $0x1  }
0x223: {  	v0 =	vadd.f32 v1, v0;
	_ =	sdelay $0x1  }
0x224: {  	[tilespmem:s19+$0x4100] =	vst v0;
	s19 =	sor.u32 $0x1C60, s18  }
0x225: {  	v0 =	vld [tilespmem:s19+$0x4100]  }
0x226: {  	v62 =	vld [tilespmem:s19+$0xC100];
	_ =	sdelay $0x4  }
0x227: {  	v0 =	vmul.f32 v0, v3;
	v1 =	vmul.f32 v62, v4;
	_ =	sdelay $0x1  }
0x228: {  	v0 =	vadd.f32 v1, v0;
	_ =	sdelay $0x1  }
0x229: {  	[tilespmem:s19+$0x4100] =	vst v0;
	s19 =	sor.u32 $0x1C70, s18  }
0x22a: {  	v0 =	vld [tilespmem:s19+$0x4100]  }
0x22b: {  	v63 =	vld [tilespmem:s19+$0xC100];
	_ =	sdelay $0x3  }
0x22c: {  	p0 =	sne.s32 s15, $0xF80  }
.Ltmp1:
0x22d: {  	v0 =	vmul.f32 v0, v3;
	v1 =	vmul.f32 v63, v4;
	(pc) =	sbr.rel @p0 .LBB2_4-.Ltmp1, $4  }
0x22e: {  	_ = 	snop  }
0x22f: {  	v0 =	vadd.f32 v1, v0  }
0x230: {  	s30 =	sadd.s32 $0x1, s30;
	s13 =	sadd.s32 $0x80, s13  }
0x231: {  	s31 =	sadd.s32 $0x80, s31;
	s15 =	sadd.s32 $0x80, s15;
	s0 =	sadd.s32 $0x400, s0;
	[tilespmem:s19+$0x4100] =	vst v0  }
0x232: {  	s0 =	rddreg [dreg:$0x6]  }
0x233: {  	[hbm4b:s0+s2] =	stream.linear.scatter [tilespmem:s16], [sflag:$0x2], $0x8000, $0x38;
	[tilespmem:$0x14100] =	vst v63  }
0x234: {  	_ =	swait.ge [sflag:s14], $0x8000  }
0x235: {  	s12 =	sadd.s32 $0x1, s12;
	s31 =	rddreg [dreg:$0x7]  }
0x236: {  	p0 =	sne.s32 s12, s31  }
.Ltmp2:
0x237: {  	_ = 	snop;
	(pc) =	sbr.rel @p0 .LBB2_1-.Ltmp2, $3  }
0x238: {  	_ =	sdelay $0x1  }
0x239: {  	[sflag:s14] =	ssyncset.done $0x0  }
0x23a: {  	[sflag:s14] =	ssyncadd.s32 $0xFFFF8000  }
0x23b: {  	_ =	sfence.sel $0x180000  }
0x23c: {  	[bflag:$0x0] =	sbarrier.arrive $0xFFFF  }
0x23d: {  	_ =	strace $0x9000004A  }
0x23e: {  	s0 =	stileid.u32;
	[bflag:$0x2] =	sbarrier.arrive $0xFFFF  }
0x23f: {  	p0 =	sne.s32 s0, $0x0;
	s0 =	rddreg [dreg:$0x2]  }
0x240: {  	s0 =	sadd.s32 @!p0 $0x100000, s0  }
0x241: {  	[sflag:s0] =	ssyncadd.tile.s32 @!p0 $0x1;
	_ =	shalt  }
.Lfunc_end2:
_tile_overlayer_lowered:
.L_overlay_start_2:
0x242: {  	(tag) =	ssettag $0x2  }
0x243: {  	s0 =	rddreg [dreg:$0x0];
	s2 =	stileid.u32  }
0x244: {  	s1 =	rddreg [dreg:$0x1];
	p0 =	sne.s32 s2, $0x0  }
0x245: {  	s3 =	rddreg [dreg:$0x2];
	[bflag:$0x3] =	sbarrier.arrive $0xFFFF;
	s2 =	simm.s32 @!p0 $0x1C02  }
0x246: {  	[timem:s3], [sflag:s2] =	dma.local @!p0 [hbm:s0], s1  }
0x247: {  	s0 =	simm.s32 @!p0 $0x2  }
0x248: {  	_ =	swait.ge @!p0 [sflag:s0], s1  }
0x249: {  	s1 =	ssub.s32 @!p0 $0x0, s1;
	[sflag:s0] =	ssyncset.done @!p0 $0x0  }
0x24a: {  	[sflag:s0] =	ssyncadd.s32 @!p0 s1  }
0x24b: {  	[bflag:$0x3] =	sbarrier.arrive $0xFFFF  }
0x24c: {  	_ =	shalt  }

</sc_bundles>
